<compile_context>
chip_gen: v7x
topology: tpu7x:2x2x1
jax: 0.10.2.dev20260603
libtpu: 0.0.44.dev20260713+nightly
codegen_flags: <defaults>
</compile_context>

<pallas_src>
import functools

import jax
import jax.numpy as jnp
from jax import lax
from jax.experimental import pallas as pl
from jax.experimental.pallas import tpu as pltpu
from jax.experimental.pallas import tpu_sc as plsc

N = 10000
NP = 10240
E = 320000
IN = 128
H = 256
OUT = 128
HALF = 128

NSUB = 16
NCORE = 2
W = 128
NWIN = 160
EP = NSUB * NWIN * W
RPS = NP // NSUB
CH = 1
NG = 2 * CH
NCHUNK = NWIN // CH

_mesh = plsc.VectorSubcoreMesh(core_axis_name="c", subcore_axis_name="s")


WD = 128
ND = EP // (NSUB * NCORE * WD)


@functools.partial(
    pl.kernel,
    mesh=_mesh,
    out_type=jax.ShapeDtypeStruct((NCORE, NP), jnp.float32),
    scratch_types=[
        pltpu.VMEM((2, WD), jnp.int32),
        pltpu.VMEM((WD,), jnp.float32),
        pltpu.VMEM((RPS,), jnp.float32),
        pltpu.VMEM_SHARED((NP,), jnp.float32),
        pltpu.SemaphoreType.DMA,
        pltpu.SemaphoreType.DMA,
        pltpu.SemaphoreType.DMA,
        pltpu.SemaphoreType.DMA,
    ],
)
def _deg_kernel(dstd_hbm, deg_hbm, idx_v, ones_v, init_v, acc_sh,
                isemA, isemB, ssemA, ssemB):
    c = lax.axis_index("c")
    s = lax.axis_index("s")
    w = s * NCORE + c
    for k in range(WD // 16):
        ones_v[pl.ds(k * 16, 16)] = jnp.full((16,), 1.0, jnp.float32)
    for k in range(RPS // 16):
        init_v[pl.ds(k * 16, 16)] = jnp.full((16,), 0.5, jnp.float32)
    isems = [isemA, isemB]
    ssems = [ssemA, ssemB]

    def i_start(j, p):
        pltpu.async_copy(dstd_hbm.at[w, j], idx_v.at[p], isems[p])

    def i_wait(j, p):
        pltpu.make_async_copy(dstd_hbm.at[w, j], idx_v.at[p],
                              isems[p]).wait()

    def s_start(p):
        pltpu.async_copy(ones_v, acc_sh.at[idx_v.at[p]], ssems[p], add=True)

    def s_wait(p):
        pltpu.make_async_copy(ones_v, acc_sh.at[idx_v.at[0]],
                              ssems[p]).wait()

    i_start(0, 0)
    i_start(1, 1)
    pltpu.sync_copy(init_v, acc_sh.at[pl.ds(s * RPS, RPS)])
    plsc.subcore_barrier()

    def body(t, carry):
        j0 = 2 * t
        for p in range(2):
            i_wait(j0 + p, p)
            s_start(p)

        @pl.when(t + 1 < ND // 2)
        def _():
            for p in range(2):
                s_wait(p)
                i_start(j0 + 2 + p, p)
        return carry

    lax.fori_loop(0, ND // 2, body, 0)
    for p in range(2):
        s_wait(p)
    plsc.subcore_barrier()
    pltpu.sync_copy(acc_sh.at[pl.ds(s * RPS, RPS)],
                    deg_hbm.at[c, pl.ds(s * RPS, RPS)])


@functools.partial(
    pl.kernel,
    mesh=_mesh,
    out_type=jax.ShapeDtypeStruct((NCORE, NP, HALF), jnp.float32),
    scratch_types=[
        pltpu.VMEM((CH, 2, W), jnp.int32),
        pltpu.VMEM((CH, 2, W), jnp.int32),
        pltpu.VMEM((CH, W), jnp.int32),
        pltpu.VMEM((CH, W), jnp.int32),
        pltpu.VMEM((NG, W, HALF), jnp.float32),
        pltpu.VMEM_SHARED((NP, HALF), jnp.float32),
        pltpu.SemaphoreType.DMA,
        pltpu.SemaphoreType.DMA,
        pltpu.SemaphoreType.DMA,
        pltpu.SemaphoreType.DMA,
        pltpu.SemaphoreType.DMA,
        pltpu.SemaphoreType.DMA,
    ],
)
def _msg_kernel(g_hbm, idx_hbm, m_hbm,
                ibuf0, ibuf1, sbuf0, sbuf1, rows_v, acc_sh,
                gsem0, gsem1, ssem0, ssem1, isem0, isem1):
    c = lax.axis_index("c")
    s = lax.axis_index("s")
    r0 = s * RPS

    def i_start(j0, ibuf, isem):
        pltpu.async_copy(idx_hbm.at[c, s, pl.ds(j0, CH)], ibuf, isem)

    def i_wait(j0, ibuf, isem):
        pltpu.make_async_copy(idx_hbm.at[c, s, pl.ds(j0, CH)], ibuf,
                              isem).wait()

    HW = W // 2

    def g_start(i, buf, ibuf, sem):
        pltpu.async_copy(g_hbm.at[ibuf.at[i, 0, pl.ds(0, HW)]],
                         rows_v.at[buf, pl.ds(0, HW)], sem)
        pltpu.async_copy(g_hbm.at[ibuf.at[i, 0, pl.ds(HW, HW)]],
                         rows_v.at[buf, pl.ds(HW, HW)], sem)

    def g_wait(i, buf, ibuf, sem):
        pltpu.make_async_copy(g_hbm.at[ibuf.at[i, 0, pl.ds(0, HW)]],
                              rows_v.at[buf, pl.ds(0, HW)], sem).wait()
        pltpu.make_async_copy(g_hbm.at[ibuf.at[i, 0, pl.ds(HW, HW)]],
                              rows_v.at[buf, pl.ds(HW, HW)], sem).wait()

    def dst_copy(ibuf, sbuf):
        for i in range(CH):
            for k in range(W // 16):
                sl = pl.ds(k * 16, 16)
                sbuf[i, sl] = ibuf[i, 1, sl]

    def s_start(i, buf, sbuf, sem):
        pltpu.async_copy(rows_v.at[buf], acc_sh.at[sbuf.at[i]], sem,
                         add=True)

    def s_wait(i, buf, sbuf, sem):
        pltpu.make_async_copy(rows_v.at[buf], acc_sh.at[sbuf.at[i]],
                              sem).wait()

    i_start(0, ibuf0, isem0)
    pltpu.sync_copy(g_hbm.at[pl.ds(c * NP + r0, RPS)],
                    acc_sh.at[pl.ds(r0, RPS)])
    i_wait(0, ibuf0, isem0)
    for i in range(CH):
        g_start(i, i, ibuf0, gsem0)
    i_start(CH, ibuf1, isem1)
    plsc.subcore_barrier()

    def pair(t, carry):
        a0 = (2 * t) * CH
        b0 = (2 * t + 1) * CH

        @pl.when(t > 0)
        def _():
            for i in range(CH):
                s_wait(i, CH + i, sbuf1, ssem1)
        i_wait(b0, ibuf1, isem1)
        for i in range(CH):
            g_start(i, CH + i, ibuf1, gsem1)
        for i in range(CH):
            g_wait(i, i, ibuf0, gsem0)
        dst_copy(ibuf0, sbuf0)
        for i in range(CH):
            s_start(i, i, sbuf0, ssem0)

        @pl.when(t + 1 < NCHUNK // 2)
        def _():
            i_start(a0 + 2 * CH, ibuf0, isem0)
        for i in range(CH):
            g_wait(i, CH + i, ibuf1, gsem1)
        dst_copy(ibuf1, sbuf1)
        for i in range(CH):
            s_wait(i, i, sbuf0, ssem0)

        @pl.when(t + 1 < NCHUNK // 2)
        def _():
            i_wait((2 * t + 2) * CH, ibuf0, isem0)
            for i in range(CH):
                g_start(i, i, ibuf0, gsem0)
            i_start((2 * t + 3) * CH, ibuf1, isem1)
        for i in range(CH):
            s_start(i, CH + i, sbuf1, ssem1)
        return carry

    lax.fori_loop(0, NCHUNK // 2, pair, 0)
    for i in range(CH):
        s_wait(i, CH + i, sbuf1, ssem1)
    plsc.subcore_barrier()
    pltpu.sync_copy(acc_sh.at[pl.ds(r0, RPS)],
                    m_hbm.at[c, pl.ds(r0, RPS)])


BM = 1000
GRID = N // BM


def _tc_first_body(x_ref, mean_ref, std_ref, w_ref, deg_ref, g_ref):
    h0 = (x_ref[...] - mean_ref[...]) / std_ref[...]
    p = jnp.dot(h0, w_ref[...], preferred_element_type=jnp.float32)
    dinv = lax.rsqrt(deg_ref[0] + deg_ref[1])
    g = p * dinv
    g_ref[0] = g[:, :HALF]
    g_ref[1] = g[:, HALF:]


def _tc_mid_body(m_ref, deg_ref, b_ref, w_ref, g_ref):
    dinv = lax.rsqrt(deg_ref[0] + deg_ref[1])
    mb = jnp.concatenate([m_ref[0], m_ref[1]], axis=1)
    h = jnp.maximum(mb * dinv + b_ref[...], 0.0)
    p = jnp.dot(h, w_ref[...], preferred_element_type=jnp.float32)
    g = p * dinv
    g_ref[0] = g[:, :HALF]
    g_ref[1] = g[:, HALF:]


def _tc_final_body(m_ref, deg_ref, b_ref, wl_ref, bl_ref, ostd_ref,
                   omean_ref, mask_ref, pq_ref, o_ref):
    dinv = lax.rsqrt(deg_ref[0] + deg_ref[1])
    mb = jnp.concatenate([m_ref[0], m_ref[1]], axis=1)
    h = mb * dinv + b_ref[...]
    o = jnp.dot(h, wl_ref[...], preferred_element_type=jnp.float32) + bl_ref[...]
    o = o * ostd_ref[...] + omean_ref[...]
    o_ref[...] = jnp.where(mask_ref[...], pq_ref[...], o)


def _row_spec(width):
    return pl.BlockSpec((BM, width), lambda i: (i, 0))


def _full_spec(shape):
    nd = len(shape)
    return pl.BlockSpec(shape, lambda i, _n=nd: (0,) * _n)


_deg_spec = pl.BlockSpec((NCORE, BM, 1), lambda i: (0, i, 0))
_gm_spec = pl.BlockSpec((NCORE, BM, HALF), lambda i: (0, i, 0))


def _tc_first(x_pad, in_mean, in_std, w1, deg3):
    return pl.pallas_call(
        _tc_first_body,
        grid=(GRID,),
        in_specs=[_row_spec(IN), _full_spec((1, IN)), _full_spec((1, IN)),
                  _full_spec((IN, H)), _deg_spec],
        out_specs=_gm_spec,
        out_shape=jax.ShapeDtypeStruct((NCORE, NP, HALF), jnp.float32),
    )(x_pad, in_mean.reshape(1, IN), in_std.reshape(1, IN), w1, deg3)


def _tc_mid(m, deg3, b, w):
    return pl.pallas_call(
        _tc_mid_body,
        grid=(GRID,),
        in_specs=[_gm_spec, _deg_spec, _full_spec((1, H)), _full_spec((H, H))],
        out_specs=_gm_spec,
        out_shape=jax.ShapeDtypeStruct((NCORE, NP, HALF), jnp.float32),
    )(m, deg3, b.reshape(1, H), w)


def _tc_final(m, deg3, b3, wlin, blin, out_std, out_mean, mask_pad, pq_pad):
    return pl.pallas_call(
        _tc_final_body,
        grid=(GRID,),
        in_specs=[_gm_spec, _deg_spec, _full_spec((1, H)), _full_spec((H, OUT)),
                  _full_spec((1, OUT)), _full_spec((1, OUT)), _full_spec((1, OUT)),
                  _row_spec(OUT), _row_spec(OUT)],
        out_specs=_row_spec(OUT),
        out_shape=jax.ShapeDtypeStruct((N, OUT), jnp.float32),
    )(m, deg3, b3.reshape(1, H), wlin, blin.reshape(1, OUT),
      out_std.reshape(1, OUT), out_mean.reshape(1, OUT), mask_pad, pq_pad)


def kernel(x, edge_index, PQVA_mask, PQVA_matrix, in_mean, in_std,
           out_mean, out_std, W1, b1, W2, b2, W3, b3, Wlin, blin):
    pad = EP - E
    pad_idx = N + (jnp.arange(pad, dtype=jnp.int32) % (NP - N))
    srcp = jnp.concatenate([edge_index[0], pad_idx])
    dstp = jnp.concatenate([edge_index[1], pad_idx])
    src3 = srcp.reshape(NSUB, NWIN, W)
    dst3 = dstp.reshape(NSUB, NWIN, W)
    idx_hbm = jnp.stack([
        jnp.stack([src3, dst3], axis=2),
        jnp.stack([src3 + NP, dst3], axis=2),
    ])
    dstd = dstp.reshape(NSUB * NCORE, ND, WD)

    deg3 = _deg_kernel(dstd).reshape(NCORE, NP, 1)

    g1 = _tc_first(x, in_mean, in_std, W1, deg3)
    m1 = _msg_kernel(g1.reshape(NCORE * NP, HALF), idx_hbm)
    g2 = _tc_mid(m1, deg3, b1, W2)
    m2 = _msg_kernel(g2.reshape(NCORE * NP, HALF), idx_hbm)
    g3 = _tc_mid(m2, deg3, b2, W3)
    m3 = _msg_kernel(g3.reshape(NCORE * NP, HALF), idx_hbm)
    return _tc_final(m3, deg3, b3, Wlin, blin, out_std, out_mean,
                     PQVA_mask, PQVA_matrix)

# --- scband reference (transcript-rebuilt; emitter-appended) ---
"""Pipeline reference for scband-gcn-4595615007040 (READ-ONLY COPY).

The authoritative reference and input builder live on the scoring server;
editing this copy changes nothing except your own understanding.
"""

import jax, jax.numpy as jnp
import numpy as np

N = 10000
E = 320000
IN = 128
H = 256
OUT = 128


def setup_inputs(seed: int = 0) -> dict:
    key = jax.random.key(seed)
    ks = jax.random.split(key, 20)
    x = jax.random.normal(ks[0], (N, IN), dtype=jnp.float32)
    edge_index = jax.random.randint(ks[1], (2, E), 0, N, dtype=jnp.int32)
    PQVA_mask = jax.random.randint(ks[2], (N, OUT), 0, 2, dtype=jnp.int32).astype(jnp.bool_)
    PQVA_matrix = jax.random.normal(ks[3], (N, OUT), dtype=jnp.float32)
    # StandardScaler parameters (affine scalers)
    in_mean = jax.random.normal(ks[4], (IN,), dtype=jnp.float32) * 0.1
    in_std = jax.random.uniform(ks[5], (IN,), minval=0.5, maxval=1.5, dtype=jnp.float32)
    out_mean = jax.random.normal(ks[6], (OUT,), dtype=jnp.float32) * 0.1
    out_std = jax.random.uniform(ks[7], (OUT,), minval=0.5, maxval=1.5, dtype=jnp.float32)
    # GCN layer weights (3 layers: IN->H, H->H, H->H) + final linear H->OUT
    def glorot(k, shape):
        lim = np.sqrt(6.0 / (shape[0] + shape[1]))
        return jax.random.uniform(k, shape, minval=-lim, maxval=lim, dtype=jnp.float32)
    W1 = glorot(ks[8], (IN, H)); b1 = jnp.zeros((H,), jnp.float32)
    W2 = glorot(ks[9], (H, H)); b2 = jnp.zeros((H,), jnp.float32)
    W3 = glorot(ks[10], (H, H)); b3 = jnp.zeros((H,), jnp.float32)
    Wlin = glorot(ks[11], (H, OUT)); blin = jnp.zeros((OUT,), jnp.float32)
    return {"x": x, "edge_index": edge_index, "PQVA_mask": PQVA_mask,
            "PQVA_matrix": PQVA_matrix, "in_mean": in_mean, "in_std": in_std,
            "out_mean": out_mean, "out_std": out_std,
            "W1": W1, "b1": b1, "W2": W2, "b2": b2, "W3": W3, "b3": b3,
            "Wlin": Wlin, "blin": blin}


def gcn_conv(x, edge_index, W, b):
    n = x.shape[0]
    loop = jnp.arange(n, dtype=edge_index.dtype)
    src = jnp.concatenate([edge_index[0], loop])
    dst = jnp.concatenate([edge_index[1], loop])
    h = x @ W
    deg = jnp.zeros((n,), jnp.float32).at[dst].add(1.0)
    dinv = jnp.where(deg > 0, 1.0 / jnp.sqrt(deg), 0.0)
    norm = dinv[src] * dinv[dst]
    msg = h[src] * norm[:, None]
    out = jnp.zeros((n, h.shape[1]), jnp.float32).at[dst].add(msg)
    return out + b


def reference(x, edge_index, PQVA_mask, PQVA_matrix, in_mean, in_std,
              out_mean, out_std, W1, b1, W2, b2, W3, b3, Wlin, blin):
    h = (x - in_mean) / in_std
    h = jax.nn.relu(gcn_conv(h, edge_index, W1, b1))
    h = jax.nn.relu(gcn_conv(h, edge_index, W2, b2))
    h = gcn_conv(h, edge_index, W3, b3)
    h = h @ Wlin + blin
    h = h * out_std + out_mean
    out = jnp.where(PQVA_mask, PQVA_matrix, h)
    return out

if __name__ == "__main__":
    import jax
    _d = setup_inputs()
    print(jax.jit(kernel)(*tuple(_d.values())))

</pallas_src>

<mosaic_0001>
#map = affine_map<(d0, d1) -> (0, 0, 0)>
#map1 = affine_map<(d0, d1) -> (0, 0)>
module attributes {stable_mosaic.version = 14 : i64} {
  func.func @_deg_kernel(%arg0: i32, %arg1: i32, %arg2: memref<32x80x128xi32, #tpu.memory_space<hbm>>, %arg3: memref<2x10240xf32, #tpu.memory_space<hbm>>, %arg4: memref<2x128xi32, #tpu.memory_space<vmem>>, %arg5: memref<128xf32, #tpu.memory_space<vmem>>, %arg6: memref<640xf32, #tpu.memory_space<vmem>>, %arg7: memref<10240xf32, #tpu.memory_space<vmem_shared>>, %arg8: memref<!tpu.dma_semaphore, #tpu.memory_space<semaphore_mem>>, %arg9: memref<!tpu.dma_semaphore, #tpu.memory_space<semaphore_mem>>, %arg10: memref<!tpu.dma_semaphore, #tpu.memory_space<semaphore_mem>>, %arg11: memref<!tpu.dma_semaphore, #tpu.memory_space<semaphore_mem>>) attributes {dimension_semantics = [#tpu.dimension_semantics<core_parallel>, #tpu.dimension_semantics<subcore_parallel>], iteration_bounds = array<i64: 2, 16>, scalar_prefetch = 0 : i64, scratch_operands = 8 : i64, tpu.core_type = #tpu.core_type<sc_vector_subcore>, window_params = [{transform_indices = #map}, {transform_indices = #map1}]} {
    %mul3A = arith.constant 2 : i32
    %mul3A_0 = arith.muli %arg1, %mul3A : i32
    %add3A = arith.addi %mul3A_0, %arg0 : i32
    %broadcast_in_dim3A = arith.constant 1.000000e+00 : f32
    %broadcast_in_dim3A_1 = vector.broadcast %broadcast_in_dim3A : f32 to vector<16xf32>
    %swap3A = arith.constant 0 : index
    %swap3A_2 = tpu.vector_load %arg5[%swap3A] {strides = array<i32>} : memref<128xf32, #tpu.memory_space<vmem>>, vector<16xf32>,
    %swap3A_3 = vector.shape_cast %swap3A_2 : vector<16xf32> to vector<16xf32>
    %swap3A_4 = vector.shape_cast %broadcast_in_dim3A_1 : vector<16xf32> to vector<16xf32>
    tpu.vector_store %arg5[%swap3A], %swap3A_4 {strides = array<i32>} : memref<128xf32, #tpu.memory_space<vmem>>, vector<16xf32>,
    %broadcast_in_dim3A_5 = arith.constant 1.000000e+00 : f32
    %broadcast_in_dim3A_6 = vector.broadcast %broadcast_in_dim3A_5 : f32 to vector<16xf32>
    %swap3A_7 = arith.constant 16 : index
    %swap3A_8 = tpu.vector_load %arg5[%swap3A_7] {strides = array<i32>} : memref<128xf32, #tpu.memory_space<vmem>>, vector<16xf32>,
    %swap3A_9 = vector.shape_cast %swap3A_8 : vector<16xf32> to vector<16xf32>
    %swap3A_10 = vector.shape_cast %broadcast_in_dim3A_6 : vector<16xf32> to vector<16xf32>
    tpu.vector_store %arg5[%swap3A_7], %swap3A_10 {strides = array<i32>} : memref<128xf32, #tpu.memory_space<vmem>>, vector<16xf32>,
    %broadcast_in_dim3A_11 = arith.constant 1.000000e+00 : f32
    %broadcast_in_dim3A_12 = vector.broadcast %broadcast_in_dim3A_11 : f32 to vector<16xf32>
    %swap3A_13 = arith.constant 32 : index
    %swap3A_14 = tpu.vector_load %arg5[%swap3A_13] {strides = array<i32>} : memref<128xf32, #tpu.memory_space<vmem>>, vector<16xf32>,
    %swap3A_15 = vector.shape_cast %swap3A_14 : vector<16xf32> to vector<16xf32>
    %swap3A_16 = vector.shape_cast %broadcast_in_dim3A_12 : vector<16xf32> to vector<16xf32>
    tpu.vector_store %arg5[%swap3A_13], %swap3A_16 {strides = array<i32>} : memref<128xf32, #tpu.memory_space<vmem>>, vector<16xf32>,
    %broadcast_in_dim3A_17 = arith.constant 1.000000e+00 : f32
    %broadcast_in_dim3A_18 = vector.broadcast %broadcast_in_dim3A_17 : f32 to vector<16xf32>
    %swap3A_19 = arith.constant 48 : index
    %swap3A_20 = tpu.vector_load %arg5[%swap3A_19] {strides = array<i32>} : memref<128xf32, #tpu.memory_space<vmem>>, vector<16xf32>,
    %swap3A_21 = vector.shape_cast %swap3A_20 : vector<16xf32> to vector<16xf32>
    %swap3A_22 = vector.shape_cast %broadcast_in_dim3A_18 : vector<16xf32> to vector<16xf32>
    tpu.vector_store %arg5[%swap3A_19], %swap3A_22 {strides = array<i32>} : memref<128xf32, #tpu.memory_space<vmem>>, vector<16xf32>,
    %broadcast_in_dim3A_23 = arith.constant 1.000000e+00 : f32
    %broadcast_in_dim3A_24 = vector.broadcast %broadcast_in_dim3A_23 : f32 to vector<16xf32>
    %swap3A_25 = arith.constant 64 : index
    %swap3A_26 = tpu.vector_load %arg5[%swap3A_25] {strides = array<i32>} : memref<128xf32, #tpu.memory_space<vmem>>, vector<16xf32>,
    %swap3A_27 = vector.shape_cast %swap3A_26 : vector<16xf32> to vector<16xf32>
    %swap3A_28 = vector.shape_cast %broadcast_in_dim3A_24 : vector<16xf32> to vector<16xf32>
    tpu.vector_store %arg5[%swap3A_25], %swap3A_28 {strides = array<i32>} : memref<128xf32, #tpu.memory_space<vmem>>, vector<16xf32>,
    %broadcast_in_dim3A_29 = arith.constant 1.000000e+00 : f32
    %broadcast_in_dim3A_30 = vector.broadcast %broadcast_in_dim3A_29 : f32 to vector<16xf32>
    %swap3A_31 = arith.constant 80 : index
    %swap3A_32 = tpu.vector_load %arg5[%swap3A_31] {strides = array<i32>} : memref<128xf32, #tpu.memory_space<vmem>>, vector<16xf32>,
    %swap3A_33 = vector.shape_cast %swap3A_32 : vector<16xf32> to vector<16xf32>
    %swap3A_34 = vector.shape_cast %broadcast_in_dim3A_30 : vector<16xf32> to vector<16xf32>
    tpu.vector_store %arg5[%swap3A_31], %swap3A_34 {strides = array<i32>} : memref<128xf32, #tpu.memory_space<vmem>>, vector<16xf32>,
    %broadcast_in_dim3A_35 = arith.constant 1.000000e+00 : f32
    %broadcast_in_dim3A_36 = vector.broadcast %broadcast_in_dim3A_35 : f32 to vector<16xf32>
    %swap3A_37 = arith.constant 96 : index
    %swap3A_38 = tpu.vector_load %arg5[%swap3A_37] {strides = array<i32>} : memref<128xf32, #tpu.memory_space<vmem>>, vector<16xf32>,
    %swap3A_39 = vector.shape_cast %swap3A_38 : vector<16xf32> to vector<16xf32>
    %swap3A_40 = vector.shape_cast %broadcast_in_dim3A_36 : vector<16xf32> to vector<16xf32>
    tpu.vector_store %arg5[%swap3A_37], %swap3A_40 {strides = array<i32>} : memref<128xf32, #tpu.memory_space<vmem>>, vector<16xf32>,
    %broadcast_in_dim3A_41 = arith.constant 1.000000e+00 : f32
    %broadcast_in_dim3A_42 = vector.broadcast %broadcast_in_dim3A_41 : f32 to vector<16xf32>
    %swap3A_43 = arith.constant 112 : index
    %swap3A_44 = tpu.vector_load %arg5[%swap3A_43] {strides = array<i32>} : memref<128xf32, #tpu.memory_space<vmem>>, vector<16xf32>,
    %swap3A_45 = vector.shape_cast %swap3A_44 : vector<16xf32> to vector<16xf32>
    %swap3A_46 = vector.shape_cast %broadcast_in_dim3A_42 : vector<16xf32> to vector<16xf32>
    tpu.vector_store %arg5[%swap3A_43], %swap3A_46 {strides = array<i32>} : memref<128xf32, #tpu.memory_space<vmem>>, vector<16xf32>,
    %broadcast_in_dim3A_47 = arith.constant 5.000000e-01 : f32
    %broadcast_in_dim3A_48 = vector.broadcast %broadcast_in_dim3A_47 : f32 to vector<16xf32>
    %swap3A_49 = arith.constant 0 : index
    %swap3A_50 = tpu.vector_load %arg6[%swap3A_49] {strides = array<i32>} : memref<640xf32, #tpu.memory_space<vmem>>, vector<16xf32>,
    %swap3A_51 = vector.shape_cast %swap3A_50 : vector<16xf32> to vector<16xf32>
    %swap3A_52 = vector.shape_cast %broadcast_in_dim3A_48 : vector<16xf32> to vector<16xf32>
    tpu.vector_store %arg6[%swap3A_49], %swap3A_52 {strides = array<i32>} : memref<640xf32, #tpu.memory_space<vmem>>, vector<16xf32>,
    %broadcast_in_dim3A_53 = arith.constant 5.000000e-01 : f32
    %broadcast_in_dim3A_54 = vector.broadcast %broadcast_in_dim3A_53 : f32 to vector<16xf32>
    %swap3A_55 = arith.constant 16 : index
    %swap3A_56 = tpu.vector_load %arg6[%swap3A_55] {strides = array<i32>} : memref<640xf32, #tpu.memory_space<vmem>>, vector<16xf32>,
    %swap3A_57 = vector.shape_cast %swap3A_56 : vector<16xf32> to vector<16xf32>
    %swap3A_58 = vector.shape_cast %broadcast_in_dim3A_54 : vector<16xf32> to vector<16xf32>
    tpu.vector_store %arg6[%swap3A_55], %swap3A_58 {strides = array<i32>} : memref<640xf32, #tpu.memory_space<vmem>>, vector<16xf32>,
    %broadcast_in_dim3A_59 = arith.constant 5.000000e-01 : f32
    %broadcast_in_dim3A_60 = vector.broadcast %broadcast_in_dim3A_59 : f32 to vector<16xf32>
    %swap3A_61 = arith.constant 32 : index
    %swap3A_62 = tpu.vector_load %arg6[%swap3A_61] {strides = array<i32>} : memref<640xf32, #tpu.memory_space<vmem>>, vector<16xf32>,
    %swap3A_63 = vector.shape_cast %swap3A_62 : vector<16xf32> to vector<16xf32>
    %swap3A_64 = vector.shape_cast %broadcast_in_dim3A_60 : vector<16xf32> to vector<16xf32>
    tpu.vector_store %arg6[%swap3A_61], %swap3A_64 {strides = array<i32>} : memref<640xf32, #tpu.memory_space<vmem>>, vector<16xf32>,
    %broadcast_in_dim3A_65 = arith.constant 5.000000e-01 : f32
    %broadcast_in_dim3A_66 = vector.broadcast %broadcast_in_dim3A_65 : f32 to vector<16xf32>
    %swap3A_67 = arith.constant 48 : index
    %swap3A_68 = tpu.vector_load %arg6[%swap3A_67] {strides = array<i32>} : memref<640xf32, #tpu.memory_space<vmem>>, vector<16xf32>,
    %swap3A_69 = vector.shape_cast %swap3A_68 : vector<16xf32> to vector<16xf32>
    %swap3A_70 = vector.shape_cast %broadcast_in_dim3A_66 : vector<16xf32> to vector<16xf32>
    tpu.vector_store %arg6[%swap3A_67], %swap3A_70 {strides = array<i32>} : memref<640xf32, #tpu.memory_space<vmem>>, vector<16xf32>,
    %broadcast_in_dim3A_71 = arith.constant 5.000000e-01 : f32
    %broadcast_in_dim3A_72 = vector.broadcast %broadcast_in_dim3A_71 : f32 to vector<16xf32>
    %swap3A_73 = arith.constant 64 : index
    %swap3A_74 = tpu.vector_load %arg6[%swap3A_73] {strides = array<i32>} : memref<640xf32, #tpu.memory_space<vmem>>, vector<16xf32>,
    %swap3A_75 = vector.shape_cast %swap3A_74 : vector<16xf32> to vector<16xf32>
    %swap3A_76 = vector.shape_cast %broadcast_in_dim3A_72 : vector<16xf32> to vector<16xf32>
    tpu.vector_store %arg6[%swap3A_73], %swap3A_76 {strides = array<i32>} : memref<640xf32, #tpu.memory_space<vmem>>, vector<16xf32>,
    %broadcast_in_dim3A_77 = arith.constant 5.000000e-01 : f32
    %broadcast_in_dim3A_78 = vector.broadcast %broadcast_in_dim3A_77 : f32 to vector<16xf32>
    %swap3A_79 = arith.constant 80 : index
    %swap3A_80 = tpu.vector_load %arg6[%swap3A_79] {strides = array<i32>} : memref<640xf32, #tpu.memory_space<vmem>>, vector<16xf32>,
    %swap3A_81 = vector.shape_cast %swap3A_80 : vector<16xf32> to vector<16xf32>
    %swap3A_82 = vector.shape_cast %broadcast_in_dim3A_78 : vector<16xf32> to vector<16xf32>
    tpu.vector_store %arg6[%swap3A_79], %swap3A_82 {strides = array<i32>} : memref<640xf32, #tpu.memory_space<vmem>>, vector<16xf32>,
    %broadcast_in_dim3A_83 = arith.constant 5.000000e-01 : f32
    %broadcast_in_dim3A_84 = vector.broadcast %broadcast_in_dim3A_83 : f32 to vector<16xf32>
    %swap3A_85 = arith.constant 96 : index
    %swap3A_86 = tpu.vector_load %arg6[%swap3A_85] {strides = array<i32>} : memref<640xf32, #tpu.memory_space<vmem>>, vector<16xf32>,
    %swap3A_87 = vector.shape_cast %swap3A_86 : vector<16xf32> to vector<16xf32>
    %swap3A_88 = vector.shape_cast %broadcast_in_dim3A_84 : vector<16xf32> to vector<16xf32>
    tpu.vector_store %arg6[%swap3A_85], %swap3A_88 {strides = array<i32>} : memref<640xf32, #tpu.memory_space<vmem>>, vector<16xf32>,
    %broadcast_in_dim3A_89 = arith.constant 5.000000e-01 : f32
    %broadcast_in_dim3A_90 = vector.broadcast %broadcast_in_dim3A_89 : f32 to vector<16xf32>
    %swap3A_91 = arith.constant 112 : index
    %swap3A_92 = tpu.vector_load %arg6[%swap3A_91] {strides = array<i32>} : memref<640xf32, #tpu.memory_space<vmem>>, vector<16xf32>,
    %swap3A_93 = vector.shape_cast %swap3A_92 : vector<16xf32> to vector<16xf32>
    %swap3A_94 = vector.shape_cast %broadcast_in_dim3A_90 : vector<16xf32> to vector<16xf32>
    tpu.vector_store %arg6[%swap3A_91], %swap3A_94 {strides = array<i32>} : memref<640xf32, #tpu.memory_space<vmem>>, vector<16xf32>,
    %broadcast_in_dim3A_95 = arith.constant 5.000000e-01 : f32
    %broadcast_in_dim3A_96 = vector.broadcast %broadcast_in_dim3A_95 : f32 to vector<16xf32>
    %swap3A_97 = arith.constant 128 : index
    %swap3A_98 = tpu.vector_load %arg6[%swap3A_97] {strides = array<i32>} : memref<640xf32, #tpu.memory_space<vmem>>, vector<16xf32>,
    %swap3A_99 = vector.shape_cast %swap3A_98 : vector<16xf32> to vector<16xf32>
    %swap3A_100 = vector.shape_cast %broadcast_in_dim3A_96 : vector<16xf32> to vector<16xf32>
    tpu.vector_store %arg6[%swap3A_97], %swap3A_100 {strides = array<i32>} : memref<640xf32, #tpu.memory_space<vmem>>, vector<16xf32>,
    %broadcast_in_dim3A_101 = arith.constant 5.000000e-01 : f32
    %broadcast_in_dim3A_102 = vector.broadcast %broadcast_in_dim3A_101 : f32 to vector<16xf32>
    %swap3A_103 = arith.constant 144 : index
    %swap3A_104 = tpu.vector_load %arg6[%swap3A_103] {strides = array<i32>} : memref<640xf32, #tpu.memory_space<vmem>>, vector<16xf32>,
    %swap3A_105 = vector.shape_cast %swap3A_104 : vector<16xf32> to vector<16xf32>
    %swap3A_106 = vector.shape_cast %broadcast_in_dim3A_102 : vector<16xf32> to vector<16xf32>
    tpu.vector_store %arg6[%swap3A_103], %swap3A_106 {strides = array<i32>} : memref<640xf32, #tpu.memory_space<vmem>>, vector<16xf32>,
    %broadcast_in_dim3A_107 = arith.constant 5.000000e-01 : f32
    %broadcast_in_dim3A_108 = vector.broadcast %broadcast_in_dim3A_107 : f32 to vector<16xf32>
    %swap3A_109 = arith.constant 160 : index
    %swap3A_110 = tpu.vector_load %arg6[%swap3A_109] {strides = array<i32>} : memref<640xf32, #tpu.memory_space<vmem>>, vector<16xf32>,
    %swap3A_111 = vector.shape_cast %swap3A_110 : vector<16xf32> to vector<16xf32>
    %swap3A_112 = vector.shape_cast %broadcast_in_dim3A_108 : vector<16xf32> to vector<16xf32>
    tpu.vector_store %arg6[%swap3A_109], %swap3A_112 {strides = array<i32>} : memref<640xf32, #tpu.memory_space<vmem>>, vector<16xf32>,
    %broadcast_in_dim3A_113 = arith.constant 5.000000e-01 : f32
    %broadcast_in_dim3A_114 = vector.broadcast %broadcast_in_dim3A_113 : f32 to vector<16xf32>
    %swap3A_115 = arith.constant 176 : index
    %swap3A_116 = tpu.vector_load %arg6[%swap3A_115] {strides = array<i32>} : memref<640xf32, #tpu.memory_space<vmem>>, vector<16xf32>,
    %swap3A_117 = vector.shape_cast %swap3A_116 : vector<16xf32> to vector<16xf32>
    %swap3A_118 = vector.shape_cast %broadcast_in_dim3A_114 : vector<16xf32> to vector<16xf32>
    tpu.vector_store %arg6[%swap3A_115], %swap3A_118 {strides = array<i32>} : memref<640xf32, #tpu.memory_space<vmem>>, vector<16xf32>,
    %broadcast_in_dim3A_119 = arith.constant 5.000000e-01 : f32
    %broadcast_in_dim3A_120 = vector.broadcast %broadcast_in_dim3A_119 : f32 to vector<16xf32>
    %swap3A_121 = arith.constant 192 : index
    %swap3A_122 = tpu.vector_load %arg6[%swap3A_121] {strides = array<i32>} : memref<640xf32, #tpu.memory_space<vmem>>, vector<16xf32>,
    %swap3A_123 = vector.shape_cast %swap3A_122 : vector<16xf32> to vector<16xf32>
    %swap3A_124 = vector.shape_cast %broadcast_in_dim3A_120 : vector<16xf32> to vector<16xf32>
    tpu.vector_store %arg6[%swap3A_121], %swap3A_124 {strides = array<i32>} : memref<640xf32, #tpu.memory_space<vmem>>, vector<16xf32>,
    %broadcast_in_dim3A_125 = arith.constant 5.000000e-01 : f32
    %broadcast_in_dim3A_126 = vector.broadcast %broadcast_in_dim3A_125 : f32 to vector<16xf32>
    %swap3A_127 = arith.constant 208 : index
    %swap3A_128 = tpu.vector_load %arg6[%swap3A_127] {strides = array<i32>} : memref<640xf32, #tpu.memory_space<vmem>>, vector<16xf32>,
    %swap3A_129 = vector.shape_cast %swap3A_128 : vector<16xf32> to vector<16xf32>
    %swap3A_130 = vector.shape_cast %broadcast_in_dim3A_126 : vector<16xf32> to vector<16xf32>
    tpu.vector_store %arg6[%swap3A_127], %swap3A_130 {strides = array<i32>} : memref<640xf32, #tpu.memory_space<vmem>>, vector<16xf32>,
    %broadcast_in_dim3A_131 = arith.constant 5.000000e-01 : f32
    %broadcast_in_dim3A_132 = vector.broadcast %broadcast_in_dim3A_131 : f32 to vector<16xf32>
    %swap3A_133 = arith.constant 224 : index
    %swap3A_134 = tpu.vector_load %arg6[%swap3A_133] {strides = array<i32>} : memref<640xf32, #tpu.memory_space<vmem>>, vector<16xf32>,
    %swap3A_135 = vector.shape_cast %swap3A_134 : vector<16xf32> to vector<16xf32>
    %swap3A_136 = vector.shape_cast %broadcast_in_dim3A_132 : vector<16xf32> to vector<16xf32>
    tpu.vector_store %arg6[%swap3A_133], %swap3A_136 {strides = array<i32>} : memref<640xf32, #tpu.memory_space<vmem>>, vector<16xf32>,
    %broadcast_in_dim3A_137 = arith.constant 5.000000e-01 : f32
    %broadcast_in_dim3A_138 = vector.broadcast %broadcast_in_dim3A_137 : f32 to vector<16xf32>
    %swap3A_139 = arith.constant 240 : index
    %swap3A_140 = tpu.vector_load %arg6[%swap3A_139] {strides = array<i32>} : memref<640xf32, #tpu.memory_space<vmem>>, vector<16xf32>,
    %swap3A_141 = vector.shape_cast %swap3A_140 : vector<16xf32> to vector<16xf32>
    %swap3A_142 = vector.shape_cast %broadcast_in_dim3A_138 : vector<16xf32> to vector<16xf32>
    tpu.vector_store %arg6[%swap3A_139], %swap3A_142 {strides = array<i32>} : memref<640xf32, #tpu.memory_space<vmem>>, vector<16xf32>,
    %broadcast_in_dim3A_143 = arith.constant 5.000000e-01 : f32
    %broadcast_in_dim3A_144 = vector.broadcast %broadcast_in_dim3A_143 : f32 to vector<16xf32>
    %swap3A_145 = arith.constant 256 : index
    %swap3A_146 = tpu.vector_load %arg6[%swap3A_145] {strides = array<i32>} : memref<640xf32, #tpu.memory_space<vmem>>, vector<16xf32>,
    %swap3A_147 = vector.shape_cast %swap3A_146 : vector<16xf32> to vector<16xf32>
    %swap3A_148 = vector.shape_cast %broadcast_in_dim3A_144 : vector<16xf32> to vector<16xf32>
    tpu.vector_store %arg6[%swap3A_145], %swap3A_148 {strides = array<i32>} : memref<640xf32, #tpu.memory_space<vmem>>, vector<16xf32>,
    %broadcast_in_dim3A_149 = arith.constant 5.000000e-01 : f32
    %broadcast_in_dim3A_150 = vector.broadcast %broadcast_in_dim3A_149 : f32 to vector<16xf32>
    %swap3A_151 = arith.constant 272 : index
    %swap3A_152 = tpu.vector_load %arg6[%swap3A_151] {strides = array<i32>} : memref<640xf32, #tpu.memory_space<vmem>>, vector<16xf32>,
    %swap3A_153 = vector.shape_cast %swap3A_152 : vector<16xf32> to vector<16xf32>
    %swap3A_154 = vector.shape_cast %broadcast_in_dim3A_150 : vector<16xf32> to vector<16xf32>
    tpu.vector_store %arg6[%swap3A_151], %swap3A_154 {strides = array<i32>} : memref<640xf32, #tpu.memory_space<vmem>>, vector<16xf32>,
    %broadcast_in_dim3A_155 = arith.constant 5.000000e-01 : f32
    %broadcast_in_dim3A_156 = vector.broadcast %broadcast_in_dim3A_155 : f32 to vector<16xf32>
    %swap3A_157 = arith.constant 288 : index
    %swap3A_158 = tpu.vector_load %arg6[%swap3A_157] {strides = array<i32>} : memref<640xf32, #tpu.memory_space<vmem>>, vector<16xf32>,
    %swap3A_159 = vector.shape_cast %swap3A_158 : vector<16xf32> to vector<16xf32>
    %swap3A_160 = vector.shape_cast %broadcast_in_dim3A_156 : vector<16xf32> to vector<16xf32>
    tpu.vector_store %arg6[%swap3A_157], %swap3A_160 {strides = array<i32>} : memref<640xf32, #tpu.memory_space<vmem>>, vector<16xf32>,
    %broadcast_in_dim3A_161 = arith.constant 5.000000e-01 : f32
    %broadcast_in_dim3A_162 = vector.broadcast %broadcast_in_dim3A_161 : f32 to vector<16xf32>
    %swap3A_163 = arith.constant 304 : index
    %swap3A_164 = tpu.vector_load %arg6[%swap3A_163] {strides = array<i32>} : memref<640xf32, #tpu.memory_space<vmem>>, vector<16xf32>,
    %swap3A_165 = vector.shape_cast %swap3A_164 : vector<16xf32> to vector<16xf32>
    %swap3A_166 = vector.shape_cast %broadcast_in_dim3A_162 : vector<16xf32> to vector<16xf32>
    tpu.vector_store %arg6[%swap3A_163], %swap3A_166 {strides = array<i32>} : memref<640xf32, #tpu.memory_space<vmem>>, vector<16xf32>,
    %broadcast_in_dim3A_167 = arith.constant 5.000000e-01 : f32
    %broadcast_in_dim3A_168 = vector.broadcast %broadcast_in_dim3A_167 : f32 to vector<16xf32>
    %swap3A_169 = arith.constant 320 : index
    %swap3A_170 = tpu.vector_load %arg6[%swap3A_169] {strides = array<i32>} : memref<640xf32, #tpu.memory_space<vmem>>, vector<16xf32>,
    %swap3A_171 = vector.shape_cast %swap3A_170 : vector<16xf32> to vector<16xf32>
    %swap3A_172 = vector.shape_cast %broadcast_in_dim3A_168 : vector<16xf32> to vector<16xf32>
    tpu.vector_store %arg6[%swap3A_169], %swap3A_172 {strides = array<i32>} : memref<640xf32, #tpu.memory_space<vmem>>, vector<16xf32>,
    %broadcast_in_dim3A_173 = arith.constant 5.000000e-01 : f32
    %broadcast_in_dim3A_174 = vector.broadcast %broadcast_in_dim3A_173 : f32 to vector<16xf32>
    %swap3A_175 = arith.constant 336 : index
    %swap3A_176 = tpu.vector_load %arg6[%swap3A_175] {strides = array<i32>} : memref<640xf32, #tpu.memory_space<vmem>>, vector<16xf32>,
    %swap3A_177 = vector.shape_cast %swap3A_176 : vector<16xf32> to vector<16xf32>
    %swap3A_178 = vector.shape_cast %broadcast_in_dim3A_174 : vector<16xf32> to vector<16xf32>
    tpu.vector_store %arg6[%swap3A_175], %swap3A_178 {strides = array<i32>} : memref<640xf32, #tpu.memory_space<vmem>>, vector<16xf32>,
    %broadcast_in_dim3A_179 = arith.constant 5.000000e-01 : f32
    %broadcast_in_dim3A_180 = vector.broadcast %broadcast_in_dim3A_179 : f32 to vector<16xf32>
    %swap3A_181 = arith.constant 352 : index
    %swap3A_182 = tpu.vector_load %arg6[%swap3A_181] {strides = array<i32>} : memref<640xf32, #tpu.memory_space<vmem>>, vector<16xf32>,
    %swap3A_183 = vector.shape_cast %swap3A_182 : vector<16xf32> to vector<16xf32>
    %swap3A_184 = vector.shape_cast %broadcast_in_dim3A_180 : vector<16xf32> to vector<16xf32>
    tpu.vector_store %arg6[%swap3A_181], %swap3A_184 {strides = array<i32>} : memref<640xf32, #tpu.memory_space<vmem>>, vector<16xf32>,
    %broadcast_in_dim3A_185 = arith.constant 5.000000e-01 : f32
    %broadcast_in_dim3A_186 = vector.broadcast %broadcast_in_dim3A_185 : f32 to vector<16xf32>
    %swap3A_187 = arith.constant 368 : index
    %swap3A_188 = tpu.vector_load %arg6[%swap3A_187] {strides = array<i32>} : memref<640xf32, #tpu.memory_space<vmem>>, vector<16xf32>,
    %swap3A_189 = vector.shape_cast %swap3A_188 : vector<16xf32> to vector<16xf32>
    %swap3A_190 = vector.shape_cast %broadcast_in_dim3A_186 : vector<16xf32> to vector<16xf32>
    tpu.vector_store %arg6[%swap3A_187], %swap3A_190 {strides = array<i32>} : memref<640xf32, #tpu.memory_space<vmem>>, vector<16xf32>,
    %broadcast_in_dim3A_191 = arith.constant 5.000000e-01 : f32
    %broadcast_in_dim3A_192 = vector.broadcast %broadcast_in_dim3A_191 : f32 to vector<16xf32>
    %swap3A_193 = arith.constant 384 : index
    %swap3A_194 = tpu.vector_load %arg6[%swap3A_193] {strides = array<i32>} : memref<640xf32, #tpu.memory_space<vmem>>, vector<16xf32>,
    %swap3A_195 = vector.shape_cast %swap3A_194 : vector<16xf32> to vector<16xf32>
    %swap3A_196 = vector.shape_cast %broadcast_in_dim3A_192 : vector<16xf32> to vector<16xf32>
    tpu.vector_store %arg6[%swap3A_193], %swap3A_196 {strides = array<i32>} : memref<640xf32, #tpu.memory_space<vmem>>, vector<16xf32>,
    %broadcast_in_dim3A_197 = arith.constant 5.000000e-01 : f32
    %broadcast_in_dim3A_198 = vector.broadcast %broadcast_in_dim3A_197 : f32 to vector<16xf32>
    %swap3A_199 = arith.constant 400 : index
    %swap3A_200 = tpu.vector_load %arg6[%swap3A_199] {strides = array<i32>} : memref<640xf32, #tpu.memory_space<vmem>>, vector<16xf32>,
    %swap3A_201 = vector.shape_cast %swap3A_200 : vector<16xf32> to vector<16xf32>
    %swap3A_202 = vector.shape_cast %broadcast_in_dim3A_198 : vector<16xf32> to vector<16xf32>
    tpu.vector_store %arg6[%swap3A_199], %swap3A_202 {strides = array<i32>} : memref<640xf32, #tpu.memory_space<vmem>>, vector<16xf32>,
    %broadcast_in_dim3A_203 = arith.constant 5.000000e-01 : f32
    %broadcast_in_dim3A_204 = vector.broadcast %broadcast_in_dim3A_203 : f32 to vector<16xf32>
    %swap3A_205 = arith.constant 416 : index
    %swap3A_206 = tpu.vector_load %arg6[%swap3A_205] {strides = array<i32>} : memref<640xf32, #tpu.memory_space<vmem>>, vector<16xf32>,
    %swap3A_207 = vector.shape_cast %swap3A_206 : vector<16xf32> to vector<16xf32>
    %swap3A_208 = vector.shape_cast %broadcast_in_dim3A_204 : vector<16xf32> to vector<16xf32>
    tpu.vector_store %arg6[%swap3A_205], %swap3A_208 {strides = array<i32>} : memref<640xf32, #tpu.memory_space<vmem>>, vector<16xf32>,
    %broadcast_in_dim3A_209 = arith.constant 5.000000e-01 : f32
    %broadcast_in_dim3A_210 = vector.broadcast %broadcast_in_dim3A_209 : f32 to vector<16xf32>
    %swap3A_211 = arith.constant 432 : index
    %swap3A_212 = tpu.vector_load %arg6[%swap3A_211] {strides = array<i32>} : memref<640xf32, #tpu.memory_space<vmem>>, vector<16xf32>,
    %swap3A_213 = vector.shape_cast %swap3A_212 : vector<16xf32> to vector<16xf32>
    %swap3A_214 = vector.shape_cast %broadcast_in_dim3A_210 : vector<16xf32> to vector<16xf32>
    tpu.vector_store %arg6[%swap3A_211], %swap3A_214 {strides = array<i32>} : memref<640xf32, #tpu.memory_space<vmem>>, vector<16xf32>,
    %broadcast_in_dim3A_215 = arith.constant 5.000000e-01 : f32
    %broadcast_in_dim3A_216 = vector.broadcast %broadcast_in_dim3A_215 : f32 to vector<16xf32>
    %swap3A_217 = arith.constant 448 : index
    %swap3A_218 = tpu.vector_load %arg6[%swap3A_217] {strides = array<i32>} : memref<640xf32, #tpu.memory_space<vmem>>, vector<16xf32>,
    %swap3A_219 = vector.shape_cast %swap3A_218 : vector<16xf32> to vector<16xf32>
    %swap3A_220 = vector.shape_cast %broadcast_in_dim3A_216 : vector<16xf32> to vector<16xf32>
    tpu.vector_store %arg6[%swap3A_217], %swap3A_220 {strides = array<i32>} : memref<640xf32, #tpu.memory_space<vmem>>, vector<16xf32>,
    %broadcast_in_dim3A_221 = arith.constant 5.000000e-01 : f32
    %broadcast_in_dim3A_222 = vector.broadcast %broadcast_in_dim3A_221 : f32 to vector<16xf32>
    %swap3A_223 = arith.constant 464 : index
    %swap3A_224 = tpu.vector_load %arg6[%swap3A_223] {strides = array<i32>} : memref<640xf32, #tpu.memory_space<vmem>>, vector<16xf32>,
    %swap3A_225 = vector.shape_cast %swap3A_224 : vector<16xf32> to vector<16xf32>
    %swap3A_226 = vector.shape_cast %broadcast_in_dim3A_222 : vector<16xf32> to vector<16xf32>
    tpu.vector_store %arg6[%swap3A_223], %swap3A_226 {strides = array<i32>} : memref<640xf32, #tpu.memory_space<vmem>>, vector<16xf32>,
    %broadcast_in_dim3A_227 = arith.constant 5.000000e-01 : f32
    %broadcast_in_dim3A_228 = vector.broadcast %broadcast_in_dim3A_227 : f32 to vector<16xf32>
    %swap3A_229 = arith.constant 480 : index
    %swap3A_230 = tpu.vector_load %arg6[%swap3A_229] {strides = array<i32>} : memref<640xf32, #tpu.memory_space<vmem>>, vector<16xf32>,
    %swap3A_231 = vector.shape_cast %swap3A_230 : vector<16xf32> to vector<16xf32>
    %swap3A_232 = vector.shape_cast %broadcast_in_dim3A_228 : vector<16xf32> to vector<16xf32>
    tpu.vector_store %arg6[%swap3A_229], %swap3A_232 {strides = array<i32>} : memref<640xf32, #tpu.memory_space<vmem>>, vector<16xf32>,
    %broadcast_in_dim3A_233 = arith.constant 5.000000e-01 : f32
    %broadcast_in_dim3A_234 = vector.broadcast %broadcast_in_dim3A_233 : f32 to vector<16xf32>
    %swap3A_235 = arith.constant 496 : index
    %swap3A_236 = tpu.vector_load %arg6[%swap3A_235] {strides = array<i32>} : memref<640xf32, #tpu.memory_space<vmem>>, vector<16xf32>,
    %swap3A_237 = vector.shape_cast %swap3A_236 : vector<16xf32> to vector<16xf32>
    %swap3A_238 = vector.shape_cast %broadcast_in_dim3A_234 : vector<16xf32> to vector<16xf32>
    tpu.vector_store %arg6[%swap3A_235], %swap3A_238 {strides = array<i32>} : memref<640xf32, #tpu.memory_space<vmem>>, vector<16xf32>,
    %broadcast_in_dim3A_239 = arith.constant 5.000000e-01 : f32
    %broadcast_in_dim3A_240 = vector.broadcast %broadcast_in_dim3A_239 : f32 to vector<16xf32>
    %swap3A_241 = arith.constant 512 : index
    %swap3A_242 = tpu.vector_load %arg6[%swap3A_241] {strides = array<i32>} : memref<640xf32, #tpu.memory_space<vmem>>, vector<16xf32>,
    %swap3A_243 = vector.shape_cast %swap3A_242 : vector<16xf32> to vector<16xf32>
    %swap3A_244 = vector.shape_cast %broadcast_in_dim3A_240 : vector<16xf32> to vector<16xf32>
    tpu.vector_store %arg6[%swap3A_241], %swap3A_244 {strides = array<i32>} : memref<640xf32, #tpu.memory_space<vmem>>, vector<16xf32>,
    %broadcast_in_dim3A_245 = arith.constant 5.000000e-01 : f32
    %broadcast_in_dim3A_246 = vector.broadcast %broadcast_in_dim3A_245 : f32 to vector<16xf32>
    %swap3A_247 = arith.constant 528 : index
    %swap3A_248 = tpu.vector_load %arg6[%swap3A_247] {strides = array<i32>} : memref<640xf32, #tpu.memory_space<vmem>>, vector<16xf32>,
    %swap3A_249 = vector.shape_cast %swap3A_248 : vector<16xf32> to vector<16xf32>
    %swap3A_250 = vector.shape_cast %broadcast_in_dim3A_246 : vector<16xf32> to vector<16xf32>
    tpu.vector_store %arg6[%swap3A_247], %swap3A_250 {strides = array<i32>} : memref<640xf32, #tpu.memory_space<vmem>>, vector<16xf32>,
    %broadcast_in_dim3A_251 = arith.constant 5.000000e-01 : f32
    %broadcast_in_dim3A_252 = vector.broadcast %broadcast_in_dim3A_251 : f32 to vector<16xf32>
    %swap3A_253 = arith.constant 544 : index
    %swap3A_254 = tpu.vector_load %arg6[%swap3A_253] {strides = array<i32>} : memref<640xf32, #tpu.memory_space<vmem>>, vector<16xf32>,
    %swap3A_255 = vector.shape_cast %swap3A_254 : vector<16xf32> to vector<16xf32>
    %swap3A_256 = vector.shape_cast %broadcast_in_dim3A_252 : vector<16xf32> to vector<16xf32>
    tpu.vector_store %arg6[%swap3A_253], %swap3A_256 {strides = array<i32>} : memref<640xf32, #tpu.memory_space<vmem>>, vector<16xf32>,
    %broadcast_in_dim3A_257 = arith.constant 5.000000e-01 : f32
    %broadcast_in_dim3A_258 = vector.broadcast %broadcast_in_dim3A_257 : f32 to vector<16xf32>
    %swap3A_259 = arith.constant 560 : index
    %swap3A_260 = tpu.vector_load %arg6[%swap3A_259] {strides = array<i32>} : memref<640xf32, #tpu.memory_space<vmem>>, vector<16xf32>,
    %swap3A_261 = vector.shape_cast %swap3A_260 : vector<16xf32> to vector<16xf32>
    %swap3A_262 = vector.shape_cast %broadcast_in_dim3A_258 : vector<16xf32> to vector<16xf32>
    tpu.vector_store %arg6[%swap3A_259], %swap3A_262 {strides = array<i32>} : memref<640xf32, #tpu.memory_space<vmem>>, vector<16xf32>,
    %broadcast_in_dim3A_263 = arith.constant 5.000000e-01 : f32
    %broadcast_in_dim3A_264 = vector.broadcast %broadcast_in_dim3A_263 : f32 to vector<16xf32>
    %swap3A_265 = arith.constant 576 : index
    %swap3A_266 = tpu.vector_load %arg6[%swap3A_265] {strides = array<i32>} : memref<640xf32, #tpu.memory_space<vmem>>, vector<16xf32>,
    %swap3A_267 = vector.shape_cast %swap3A_266 : vector<16xf32> to vector<16xf32>
    %swap3A_268 = vector.shape_cast %broadcast_in_dim3A_264 : vector<16xf32> to vector<16xf32>
    tpu.vector_store %arg6[%swap3A_265], %swap3A_268 {strides = array<i32>} : memref<640xf32, #tpu.memory_space<vmem>>, vector<16xf32>,
    %broadcast_in_dim3A_269 = arith.constant 5.000000e-01 : f32
    %broadcast_in_dim3A_270 = vector.broadcast %broadcast_in_dim3A_269 : f32 to vector<16xf32>
    %swap3A_271 = arith.constant 592 : index
    %swap3A_272 = tpu.vector_load %arg6[%swap3A_271] {strides = array<i32>} : memref<640xf32, #tpu.memory_space<vmem>>, vector<16xf32>,
    %swap3A_273 = vector.shape_cast %swap3A_272 : vector<16xf32> to vector<16xf32>
    %swap3A_274 = vector.shape_cast %broadcast_in_dim3A_270 : vector<16xf32> to vector<16xf32>
    tpu.vector_store %arg6[%swap3A_271], %swap3A_274 {strides = array<i32>} : memref<640xf32, #tpu.memory_space<vmem>>, vector<16xf32>,
    %broadcast_in_dim3A_275 = arith.constant 5.000000e-01 : f32
    %broadcast_in_dim3A_276 = vector.broadcast %broadcast_in_dim3A_275 : f32 to vector<16xf32>
    %swap3A_277 = arith.constant 608 : index
    %swap3A_278 = tpu.vector_load %arg6[%swap3A_277] {strides = array<i32>} : memref<640xf32, #tpu.memory_space<vmem>>, vector<16xf32>,
    %swap3A_279 = vector.shape_cast %swap3A_278 : vector<16xf32> to vector<16xf32>
    %swap3A_280 = vector.shape_cast %broadcast_in_dim3A_276 : vector<16xf32> to vector<16xf32>
    tpu.vector_store %arg6[%swap3A_277], %swap3A_280 {strides = array<i32>} : memref<640xf32, #tpu.memory_space<vmem>>, vector<16xf32>,
    %broadcast_in_dim3A_281 = arith.constant 5.000000e-01 : f32
    %broadcast_in_dim3A_282 = vector.broadcast %broadcast_in_dim3A_281 : f32 to vector<16xf32>
    %swap3A_283 = arith.constant 624 : index
    %swap3A_284 = tpu.vector_load %arg6[%swap3A_283] {strides = array<i32>} : memref<640xf32, #tpu.memory_space<vmem>>, vector<16xf32>,
    %swap3A_285 = vector.shape_cast %swap3A_284 : vector<16xf32> to vector<16xf32>
    %swap3A_286 = vector.shape_cast %broadcast_in_dim3A_282 : vector<16xf32> to vector<16xf32>
    tpu.vector_store %arg6[%swap3A_283], %swap3A_286 {strides = array<i32>} : memref<640xf32, #tpu.memory_space<vmem>>, vector<16xf32>,
    %dma_start3A = arith.constant 0 : i32
    %dma_start3A_287 = arith.constant 0 : i32
    %dma_start3A_288 = arith.constant 0 : i32
    %dma_start3A_289 = tpu.memref_slice %arg4[%dma_start3A_287, %dma_start3A_288] : memref<2x128xi32, #tpu.memory_space<vmem>> -> memref<1x128xi32, #tpu.memory_space<vmem>>
    %dma_start3A_290 = tpu.memref_squeeze %dma_start3A_289 : memref<1x128xi32, #tpu.memory_space<vmem>> -> memref<128xi32, #tpu.memory_space<vmem>>
    %dma_start3A_291 = arith.constant 0 : i32
    %dma_start3A_292 = tpu.memref_slice %arg2[%add3A, %dma_start3A, %dma_start3A_291] : memref<32x80x128xi32, #tpu.memory_space<hbm>> -> memref<1x1x128xi32, #tpu.memory_space<hbm>>
    %dma_start3A_293 = tpu.memref_squeeze %dma_start3A_292 : memref<1x1x128xi32, #tpu.memory_space<hbm>> -> memref<128xi32, #tpu.memory_space<hbm>>
    %dma_start3A_294 = arith.constant 0 : i32
    %dma_start3A_295 = tpu.memref_slice %arg4[%dma_start3A_287, %dma_start3A_294] : memref<2x128xi32, #tpu.memory_space<vmem>> -> memref<1x128xi32, #tpu.memory_space<vmem>>
    %dma_start3A_296 = tpu.memref_squeeze %dma_start3A_295 : memref<1x128xi32, #tpu.memory_space<vmem>> -> memref<128xi32, #tpu.memory_space<vmem>>
    %dma_start3A_297 = arith.constant 0 : i32
    %dma_start3A_298 = tpu.memref_slice %arg2[%add3A, %dma_start3A, %dma_start3A_297] : memref<32x80x128xi32, #tpu.memory_space<hbm>> -> memref<1x1x128xi32, #tpu.memory_space<hbm>>
    %dma_start3A_299 = tpu.memref_squeeze %dma_start3A_298 : memref<1x1x128xi32, #tpu.memory_space<hbm>> -> memref<128xi32, #tpu.memory_space<hbm>>
    tpu.enqueue_dma source(%dma_start3A_299 : memref<128xi32, #tpu.memory_space<hbm>>) target(%dma_start3A_296 : memref<128xi32, #tpu.memory_space<vmem>>) target_semaphore(%arg8 : memref<!tpu.dma_semaphore, #tpu.memory_space<semaphore_mem>>)
    %dma_start3A_300 = arith.constant 1 : i32
    %dma_start3A_301 = arith.constant 1 : i32
    %dma_start3A_302 = arith.constant 0 : i32
    %dma_start3A_303 = tpu.memref_slice %arg4[%dma_start3A_301, %dma_start3A_302] : memref<2x128xi32, #tpu.memory_space<vmem>> -> memref<1x128xi32, #tpu.memory_space<vmem>>
    %dma_start3A_304 = tpu.memref_squeeze %dma_start3A_303 : memref<1x128xi32, #tpu.memory_space<vmem>> -> memref<128xi32, #tpu.memory_space<vmem>>
    %dma_start3A_305 = arith.constant 0 : i32
    %dma_start3A_306 = tpu.memref_slice %arg2[%add3A, %dma_start3A_300, %dma_start3A_305] : memref<32x80x128xi32, #tpu.memory_space<hbm>> -> memref<1x1x128xi32, #tpu.memory_space<hbm>>
    %dma_start3A_307 = tpu.memref_squeeze %dma_start3A_306 : memref<1x1x128xi32, #tpu.memory_space<hbm>> -> memref<128xi32, #tpu.memory_space<hbm>>
    %dma_start3A_308 = arith.constant 0 : i32
    %dma_start3A_309 = tpu.memref_slice %arg4[%dma_start3A_301, %dma_start3A_308] : memref<2x128xi32, #tpu.memory_space<vmem>> -> memref<1x128xi32, #tpu.memory_space<vmem>>
    %dma_start3A_310 = tpu.memref_squeeze %dma_start3A_309 : memref<1x128xi32, #tpu.memory_space<vmem>> -> memref<128xi32, #tpu.memory_space<vmem>>
    %dma_start3A_311 = arith.constant 0 : i32
    %dma_start3A_312 = tpu.memref_slice %arg2[%add3A, %dma_start3A_300, %dma_start3A_311] : memref<32x80x128xi32, #tpu.memory_space<hbm>> -> memref<1x1x128xi32, #tpu.memory_space<hbm>>
    %dma_start3A_313 = tpu.memref_squeeze %dma_start3A_312 : memref<1x1x128xi32, #tpu.memory_space<hbm>> -> memref<128xi32, #tpu.memory_space<hbm>>
    tpu.enqueue_dma source(%dma_start3A_313 : memref<128xi32, #tpu.memory_space<hbm>>) target(%dma_start3A_310 : memref<128xi32, #tpu.memory_space<vmem>>) target_semaphore(%arg9 : memref<!tpu.dma_semaphore, #tpu.memory_space<semaphore_mem>>)
    %mul3A_314 = arith.constant 640 : i32
    %mul3A_315 = arith.muli %arg1, %mul3A_314 : i32
    "tpu.region"() ({
      %run_scoped3A = tpu.sem_alloc : memref<!tpu.dma_semaphore, #tpu.memory_space<semaphore_mem>>
      %dma_start3A_337 = tpu.memref_slice %arg7[%mul3A_315] : memref<10240xf32, #tpu.memory_space<vmem_shared>> -> memref<640xf32, #tpu.memory_space<vmem_shared>>
      %dma_start3A_338 = tpu.memref_slice %arg7[%mul3A_315] : memref<10240xf32, #tpu.memory_space<vmem_shared>> -> memref<640xf32, #tpu.memory_space<vmem_shared>>
      tpu.enqueue_dma source(%arg6 : memref<640xf32, #tpu.memory_space<vmem>>) target(%dma_start3A_338 : memref<640xf32, #tpu.memory_space<vmem_shared>>) target_semaphore(%run_scoped3A : memref<!tpu.dma_semaphore, #tpu.memory_space<semaphore_mem>>)
      %dma_wait3A_339 = tpu.memref_slice %arg7[%mul3A_315] : memref<10240xf32, #tpu.memory_space<vmem_shared>> -> memref<640xf32, #tpu.memory_space<vmem_shared>>
      %dma_wait3A_340 = tpu.memref_slice %arg7[%mul3A_315] : memref<10240xf32, #tpu.memory_space<vmem_shared>> -> memref<640xf32, #tpu.memory_space<vmem_shared>>
      tpu.wait_dma2 semaphore(%run_scoped3A : memref<!tpu.dma_semaphore, #tpu.memory_space<semaphore_mem>>) src(%arg6 : memref<640xf32, #tpu.memory_space<vmem>>) dst(%dma_wait3A_340 : memref<640xf32, #tpu.memory_space<vmem_shared>>)
      tpu.yield
    }) : () -> ()
    %barrier3A = arith.constant 0 : index
    tpu.barrier barrier_id(%barrier3A)
    %scan3A = arith.constant 0 : i32
    %scan3A_316 = arith.constant 0 : i32
    %scan3A_317 = arith.constant 40 : i32
    %scan3A_318 = arith.addi %scan3A_316, %scan3A_317 : i32
    %scan3A_319 = arith.constant 1 : i32
    scf.for %scan3A_337 = %scan3A_316 to %scan3A_318 step %scan3A_319  : i32 {
      %mul3A_338 = arith.constant 2 : i32
      %mul3A_339 = arith.muli %mul3A_338, %scan3A_337 : i32
      %add3A_340 = arith.constant 0 : i32
      %add3A_341 = arith.addi %mul3A_339, %add3A_340 : i32
      %dma_wait3A_342 = arith.constant 0 : i32
      %dma_wait3A_343 = arith.constant 0 : i32
      %dma_wait3A_344 = tpu.memref_slice %arg4[%dma_wait3A_342, %dma_wait3A_343] : memref<2x128xi32, #tpu.memory_space<vmem>> -> memref<1x128xi32, #tpu.memory_space<vmem>>
      %dma_wait3A_345 = tpu.memref_squeeze %dma_wait3A_344 : memref<1x128xi32, #tpu.memory_space<vmem>> -> memref<128xi32, #tpu.memory_space<vmem>>
      %dma_wait3A_346 = arith.constant 0 : i32
      %dma_wait3A_347 = tpu.memref_slice %arg2[%add3A, %add3A_341, %dma_wait3A_346] : memref<32x80x128xi32, #tpu.memory_space<hbm>> -> memref<1x1x128xi32, #tpu.memory_space<hbm>>
      %dma_wait3A_348 = tpu.memref_squeeze %dma_wait3A_347 : memref<1x1x128xi32, #tpu.memory_space<hbm>> -> memref<128xi32, #tpu.memory_space<hbm>>
      %dma_wait3A_349 = arith.constant 0 : i32
      %dma_wait3A_350 = tpu.memref_slice %arg4[%dma_wait3A_342, %dma_wait3A_349] : memref<2x128xi32, #tpu.memory_space<vmem>> -> memref<1x128xi32, #tpu.memory_space<vmem>>
      %dma_wait3A_351 = tpu.memref_squeeze %dma_wait3A_350 : memref<1x128xi32, #tpu.memory_space<vmem>> -> memref<128xi32, #tpu.memory_space<vmem>>
      %dma_wait3A_352 = arith.constant 0 : i32
      %dma_wait3A_353 = tpu.memref_slice %arg2[%add3A, %add3A_341, %dma_wait3A_352] : memref<32x80x128xi32, #tpu.memory_space<hbm>> -> memref<1x1x128xi32, #tpu.memory_space<hbm>>
      %dma_wait3A_354 = tpu.memref_squeeze %dma_wait3A_353 : memref<1x1x128xi32, #tpu.memory_space<hbm>> -> memref<128xi32, #tpu.memory_space<hbm>>
      tpu.wait_dma2 semaphore(%arg8 : memref<!tpu.dma_semaphore, #tpu.memory_space<semaphore_mem>>) src(%dma_wait3A_354 : memref<128xi32, #tpu.memory_space<hbm>>) dst(%dma_wait3A_351 : memref<128xi32, #tpu.memory_space<vmem>>)
      %dma_start3A_355 = arith.constant 0 : i32
      %dma_start3A_356 = arith.constant 0 : i32
      %dma_start3A_357 = tpu.memref_slice %arg4[%dma_start3A_355, %dma_start3A_356] : memref<2x128xi32, #tpu.memory_space<vmem>> -> memref<1x128xi32, #tpu.memory_space<vmem>>
      %dma_start3A_358 = tpu.memref_squeeze %dma_start3A_357 : memref<1x128xi32, #tpu.memory_space<vmem>> -> memref<128xi32, #tpu.memory_space<vmem>>
      %dma_start3A_359 = arith.constant 0 : i32
      %dma_start3A_360 = tpu.memref_slice %arg7[%dma_start3A_359] : memref<10240xf32, #tpu.memory_space<vmem_shared>> -> memref<10240xf32, #tpu.memory_space<vmem_shared>>
      tpu.enqueue_indirect_dma source(%arg5 : memref<128xf32, #tpu.memory_space<vmem>>) target(%dma_start3A_360 : memref<10240xf32, #tpu.memory_space<vmem_shared>>) offsets(%dma_start3A_358 : memref<128xi32, #tpu.memory_space<vmem>>) semaphore(%arg10 : memref<!tpu.dma_semaphore, #tpu.memory_space<semaphore_mem>>) {add = true}
      %add3A_361 = arith.constant 1 : i32
      %add3A_362 = arith.addi %mul3A_339, %add3A_361 : i32
      %dma_wait3A_363 = arith.constant 1 : i32
      %dma_wait3A_364 = arith.constant 0 : i32
      %dma_wait3A_365 = tpu.memref_slice %arg4[%dma_wait3A_363, %dma_wait3A_364] : memref<2x128xi32, #tpu.memory_space<vmem>> -> memref<1x128xi32, #tpu.memory_space<vmem>>
      %dma_wait3A_366 = tpu.memref_squeeze %dma_wait3A_365 : memref<1x128xi32, #tpu.memory_space<vmem>> -> memref<128xi32, #tpu.memory_space<vmem>>
      %dma_wait3A_367 = arith.constant 0 : i32
      %dma_wait3A_368 = tpu.memref_slice %arg2[%add3A, %add3A_362, %dma_wait3A_367] : memref<32x80x128xi32, #tpu.memory_space<hbm>> -> memref<1x1x128xi32, #tpu.memory_space<hbm>>
      %dma_wait3A_369 = tpu.memref_squeeze %dma_wait3A_368 : memref<1x1x128xi32, #tpu.memory_space<hbm>> -> memref<128xi32, #tpu.memory_space<hbm>>
      %dma_wait3A_370 = arith.constant 0 : i32
      %dma_wait3A_371 = tpu.memref_slice %arg4[%dma_wait3A_363, %dma_wait3A_370] : memref<2x128xi32, #tpu.memory_space<vmem>> -> memref<1x128xi32, #tpu.memory_space<vmem>>
      %dma_wait3A_372 = tpu.memref_squeeze %dma_wait3A_371 : memref<1x128xi32, #tpu.memory_space<vmem>> -> memref<128xi32, #tpu.memory_space<vmem>>
      %dma_wait3A_373 = arith.constant 0 : i32
      %dma_wait3A_374 = tpu.memref_slice %arg2[%add3A, %add3A_362, %dma_wait3A_373] : memref<32x80x128xi32, #tpu.memory_space<hbm>> -> memref<1x1x128xi32, #tpu.memory_space<hbm>>
      %dma_wait3A_375 = tpu.memref_squeeze %dma_wait3A_374 : memref<1x1x128xi32, #tpu.memory_space<hbm>> -> memref<128xi32, #tpu.memory_space<hbm>>
      tpu.wait_dma2 semaphore(%arg9 : memref<!tpu.dma_semaphore, #tpu.memory_space<semaphore_mem>>) src(%dma_wait3A_375 : memref<128xi32, #tpu.memory_space<hbm>>) dst(%dma_wait3A_372 : memref<128xi32, #tpu.memory_space<vmem>>)
      %dma_start3A_376 = arith.constant 1 : i32
      %dma_start3A_377 = arith.constant 0 : i32
      %dma_start3A_378 = tpu.memref_slice %arg4[%dma_start3A_376, %dma_start3A_377] : memref<2x128xi32, #tpu.memory_space<vmem>> -> memref<1x128xi32, #tpu.memory_space<vmem>>
      %dma_start3A_379 = tpu.memref_squeeze %dma_start3A_378 : memref<1x128xi32, #tpu.memory_space<vmem>> -> memref<128xi32, #tpu.memory_space<vmem>>
      %dma_start3A_380 = arith.constant 0 : i32
      %dma_start3A_381 = tpu.memref_slice %arg7[%dma_start3A_380] : memref<10240xf32, #tpu.memory_space<vmem_shared>> -> memref<10240xf32, #tpu.memory_space<vmem_shared>>
      tpu.enqueue_indirect_dma source(%arg5 : memref<128xf32, #tpu.memory_space<vmem>>) target(%dma_start3A_381 : memref<10240xf32, #tpu.memory_space<vmem_shared>>) offsets(%dma_start3A_379 : memref<128xi32, #tpu.memory_space<vmem>>) semaphore(%arg11 : memref<!tpu.dma_semaphore, #tpu.memory_space<semaphore_mem>>) {add = true}
      %add3A_382 = arith.constant 1 : i32
      %add3A_383 = arith.addi %scan3A_337, %add3A_382 : i32
      %lt3A = arith.constant 40 : i32
      %lt3A_384 = arith.cmpi slt, %add3A_383, %lt3A : i32
      %convert_element_type3A = arith.extui %lt3A_384 : i1 to i32
      %cond3A = arith.constant 0 : i32
      %cond3A_385 = arith.cmpi ne, %convert_element_type3A, %cond3A : i32
      scf.if %cond3A_385 {
        %dma_wait3A_386 = arith.constant 0 : i32
        %dma_wait3A_387 = arith.constant 0 : i32
        %dma_wait3A_388 = tpu.memref_slice %arg4[%dma_wait3A_386, %dma_wait3A_387] : memref<2x128xi32, #tpu.memory_space<vmem>> -> memref<1x128xi32, #tpu.memory_space<vmem>>
        %dma_wait3A_389 = tpu.memref_squeeze %dma_wait3A_388 : memref<1x128xi32, #tpu.memory_space<vmem>> -> memref<128xi32, #tpu.memory_space<vmem>>
        %dma_wait3A_390 = arith.constant 0 : i32
        %dma_wait3A_391 = tpu.memref_slice %arg7[%dma_wait3A_390] : memref<10240xf32, #tpu.memory_space<vmem_shared>> -> memref<10240xf32, #tpu.memory_space<vmem_shared>>
        tpu.wait_indirect_dma semaphore(%arg10 : memref<!tpu.dma_semaphore, #tpu.memory_space<semaphore_mem>>) src(%arg5 : memref<128xf32, #tpu.memory_space<vmem>>) dst(%dma_wait3A_391 : memref<10240xf32, #tpu.memory_space<vmem_shared>>)
        %add3A_392 = arith.constant 2 : i32
        %add3A_393 = arith.addi %mul3A_339, %add3A_392 : i32
        %add3A_394 = arith.constant 0 : i32
        %add3A_395 = arith.addi %add3A_393, %add3A_394 : i32
        %dma_start3A_396 = arith.constant 0 : i32
        %dma_start3A_397 = arith.constant 0 : i32
        %dma_start3A_398 = tpu.memref_slice %arg4[%dma_start3A_396, %dma_start3A_397] : memref<2x128xi32, #tpu.memory_space<vmem>> -> memref<1x128xi32, #tpu.memory_space<vmem>>
        %dma_start3A_399 = tpu.memref_squeeze %dma_start3A_398 : memref<1x128xi32, #tpu.memory_space<vmem>> -> memref<128xi32, #tpu.memory_space<vmem>>
        %dma_start3A_400 = arith.constant 0 : i32
        %dma_start3A_401 = tpu.memref_slice %arg2[%add3A, %add3A_395, %dma_start3A_400] : memref<32x80x128xi32, #tpu.memory_space<hbm>> -> memref<1x1x128xi32, #tpu.memory_space<hbm>>
        %dma_start3A_402 = tpu.memref_squeeze %dma_start3A_401 : memref<1x1x128xi32, #tpu.memory_space<hbm>> -> memref<128xi32, #tpu.memory_space<hbm>>
        %dma_start3A_403 = arith.constant 0 : i32
        %dma_start3A_404 = tpu.memref_slice %arg4[%dma_start3A_396, %dma_start3A_403] : memref<2x128xi32, #tpu.memory_space<vmem>> -> memref<1x128xi32, #tpu.memory_space<vmem>>
        %dma_start3A_405 = tpu.memref_squeeze %dma_start3A_404 : memref<1x128xi32, #tpu.memory_space<vmem>> -> memref<128xi32, #tpu.memory_space<vmem>>
        %dma_start3A_406 = arith.constant 0 : i32
        %dma_start3A_407 = tpu.memref_slice %arg2[%add3A, %add3A_395, %dma_start3A_406] : memref<32x80x128xi32, #tpu.memory_space<hbm>> -> memref<1x1x128xi32, #tpu.memory_space<hbm>>
        %dma_start3A_408 = tpu.memref_squeeze %dma_start3A_407 : memref<1x1x128xi32, #tpu.memory_space<hbm>> -> memref<128xi32, #tpu.memory_space<hbm>>
        tpu.enqueue_dma source(%dma_start3A_408 : memref<128xi32, #tpu.memory_space<hbm>>) target(%dma_start3A_405 : memref<128xi32, #tpu.memory_space<vmem>>) target_semaphore(%arg8 : memref<!tpu.dma_semaphore, #tpu.memory_space<semaphore_mem>>)
        %dma_wait3A_409 = arith.constant 0 : i32
        %dma_wait3A_410 = arith.constant 0 : i32
        %dma_wait3A_411 = tpu.memref_slice %arg4[%dma_wait3A_409, %dma_wait3A_410] : memref<2x128xi32, #tpu.memory_space<vmem>> -> memref<1x128xi32, #tpu.memory_space<vmem>>
        %dma_wait3A_412 = tpu.memref_squeeze %dma_wait3A_411 : memref<1x128xi32, #tpu.memory_space<vmem>> -> memref<128xi32, #tpu.memory_space<vmem>>
        %dma_wait3A_413 = arith.constant 0 : i32
        %dma_wait3A_414 = tpu.memref_slice %arg7[%dma_wait3A_413] : memref<10240xf32, #tpu.memory_space<vmem_shared>> -> memref<10240xf32, #tpu.memory_space<vmem_shared>>
        tpu.wait_indirect_dma semaphore(%arg11 : memref<!tpu.dma_semaphore, #tpu.memory_space<semaphore_mem>>) src(%arg5 : memref<128xf32, #tpu.memory_space<vmem>>) dst(%dma_wait3A_414 : memref<10240xf32, #tpu.memory_space<vmem_shared>>)
        %add3A_415 = arith.constant 2 : i32
        %add3A_416 = arith.addi %mul3A_339, %add3A_415 : i32
        %add3A_417 = arith.constant 1 : i32
        %add3A_418 = arith.addi %add3A_416, %add3A_417 : i32
        %dma_start3A_419 = arith.constant 1 : i32
        %dma_start3A_420 = arith.constant 0 : i32
        %dma_start3A_421 = tpu.memref_slice %arg4[%dma_start3A_419, %dma_start3A_420] : memref<2x128xi32, #tpu.memory_space<vmem>> -> memref<1x128xi32, #tpu.memory_space<vmem>>
        %dma_start3A_422 = tpu.memref_squeeze %dma_start3A_421 : memref<1x128xi32, #tpu.memory_space<vmem>> -> memref<128xi32, #tpu.memory_space<vmem>>
        %dma_start3A_423 = arith.constant 0 : i32
        %dma_start3A_424 = tpu.memref_slice %arg2[%add3A, %add3A_418, %dma_start3A_423] : memref<32x80x128xi32, #tpu.memory_space<hbm>> -> memref<1x1x128xi32, #tpu.memory_space<hbm>>
        %dma_start3A_425 = tpu.memref_squeeze %dma_start3A_424 : memref<1x1x128xi32, #tpu.memory_space<hbm>> -> memref<128xi32, #tpu.memory_space<hbm>>
        %dma_start3A_426 = arith.constant 0 : i32
        %dma_start3A_427 = tpu.memref_slice %arg4[%dma_start3A_419, %dma_start3A_426] : memref<2x128xi32, #tpu.memory_space<vmem>> -> memref<1x128xi32, #tpu.memory_space<vmem>>
        %dma_start3A_428 = tpu.memref_squeeze %dma_start3A_427 : memref<1x128xi32, #tpu.memory_space<vmem>> -> memref<128xi32, #tpu.memory_space<vmem>>
        %dma_start3A_429 = arith.constant 0 : i32
        %dma_start3A_430 = tpu.memref_slice %arg2[%add3A, %add3A_418, %dma_start3A_429] : memref<32x80x128xi32, #tpu.memory_space<hbm>> -> memref<1x1x128xi32, #tpu.memory_space<hbm>>
        %dma_start3A_431 = tpu.memref_squeeze %dma_start3A_430 : memref<1x1x128xi32, #tpu.memory_space<hbm>> -> memref<128xi32, #tpu.memory_space<hbm>>
        tpu.enqueue_dma source(%dma_start3A_431 : memref<128xi32, #tpu.memory_space<hbm>>) target(%dma_start3A_428 : memref<128xi32, #tpu.memory_space<vmem>>) target_semaphore(%arg9 : memref<!tpu.dma_semaphore, #tpu.memory_space<semaphore_mem>>)
      } else {
      }
    }
    %scan3A_320 = arith.constant 40 : i32
    %dma_wait3A = arith.constant 0 : i32
    %dma_wait3A_321 = arith.constant 0 : i32
    %dma_wait3A_322 = tpu.memref_slice %arg4[%dma_wait3A, %dma_wait3A_321] : memref<2x128xi32, #tpu.memory_space<vmem>> -> memref<1x128xi32, #tpu.memory_space<vmem>>
    %dma_wait3A_323 = tpu.memref_squeeze %dma_wait3A_322 : memref<1x128xi32, #tpu.memory_space<vmem>> -> memref<128xi32, #tpu.memory_space<vmem>>
    %dma_wait3A_324 = arith.constant 0 : i32
    %dma_wait3A_325 = tpu.memref_slice %arg7[%dma_wait3A_324] : memref<10240xf32, #tpu.memory_space<vmem_shared>> -> memref<10240xf32, #tpu.memory_space<vmem_shared>>
    tpu.wait_indirect_dma semaphore(%arg10 : memref<!tpu.dma_semaphore, #tpu.memory_space<semaphore_mem>>) src(%arg5 : memref<128xf32, #tpu.memory_space<vmem>>) dst(%dma_wait3A_325 : memref<10240xf32, #tpu.memory_space<vmem_shared>>)
    %dma_wait3A_326 = arith.constant 0 : i32
    %dma_wait3A_327 = arith.constant 0 : i32
    %dma_wait3A_328 = tpu.memref_slice %arg4[%dma_wait3A_326, %dma_wait3A_327] : memref<2x128xi32, #tpu.memory_space<vmem>> -> memref<1x128xi32, #tpu.memory_space<vmem>>
    %dma_wait3A_329 = tpu.memref_squeeze %dma_wait3A_328 : memref<1x128xi32, #tpu.memory_space<vmem>> -> memref<128xi32, #tpu.memory_space<vmem>>
    %dma_wait3A_330 = arith.constant 0 : i32
    %dma_wait3A_331 = tpu.memref_slice %arg7[%dma_wait3A_330] : memref<10240xf32, #tpu.memory_space<vmem_shared>> -> memref<10240xf32, #tpu.memory_space<vmem_shared>>
    tpu.wait_indirect_dma semaphore(%arg11 : memref<!tpu.dma_semaphore, #tpu.memory_space<semaphore_mem>>) src(%arg5 : memref<128xf32, #tpu.memory_space<vmem>>) dst(%dma_wait3A_331 : memref<10240xf32, #tpu.memory_space<vmem_shared>>)
    %barrier3A_332 = arith.constant 0 : index
    tpu.barrier barrier_id(%barrier3A_332)
    %mul3A_333 = arith.constant 640 : i32
    %mul3A_334 = arith.muli %arg1, %mul3A_333 : i32
    %mul3A_335 = arith.constant 640 : i32
    %mul3A_336 = arith.muli %arg1, %mul3A_335 : i32
    "tpu.region"() ({
      %run_scoped3A = tpu.sem_alloc : memref<!tpu.dma_semaphore, #tpu.memory_space<semaphore_mem>>
      %dma_start3A_337 = tpu.memref_slice %arg3[%arg0, %mul3A_336] : memref<2x10240xf32, #tpu.memory_space<hbm>> -> memref<1x640xf32, #tpu.memory_space<hbm>>
      %dma_start3A_338 = tpu.memref_squeeze %dma_start3A_337 : memref<1x640xf32, #tpu.memory_space<hbm>> -> memref<640xf32, #tpu.memory_space<hbm>>
      %dma_start3A_339 = tpu.memref_slice %arg7[%mul3A_334] : memref<10240xf32, #tpu.memory_space<vmem_shared>> -> memref<640xf32, #tpu.memory_space<vmem_shared>>
      tpu.enqueue_dma source(%dma_start3A_339 : memref<640xf32, #tpu.memory_space<vmem_shared>>) target(%dma_start3A_338 : memref<640xf32, #tpu.memory_space<hbm>>) target_semaphore(%run_scoped3A : memref<!tpu.dma_semaphore, #tpu.memory_space<semaphore_mem>>)
      %dma_wait3A_340 = tpu.memref_slice %arg3[%arg0, %mul3A_336] : memref<2x10240xf32, #tpu.memory_space<hbm>> -> memref<1x640xf32, #tpu.memory_space<hbm>>
      %dma_wait3A_341 = tpu.memref_squeeze %dma_wait3A_340 : memref<1x640xf32, #tpu.memory_space<hbm>> -> memref<640xf32, #tpu.memory_space<hbm>>
      %dma_wait3A_342 = tpu.memref_slice %arg7[%mul3A_334] : memref<10240xf32, #tpu.memory_space<vmem_shared>> -> memref<640xf32, #tpu.memory_space<vmem_shared>>
      tpu.wait_dma2 semaphore(%run_scoped3A : memref<!tpu.dma_semaphore, #tpu.memory_space<semaphore_mem>>) src(%dma_wait3A_342 : memref<640xf32, #tpu.memory_space<vmem_shared>>) dst(%dma_wait3A_341 : memref<640xf32, #tpu.memory_space<hbm>>)
      tpu.yield
    }) : () -> ()
    return
  }
}

#map = affine_map<(d0, d1) -> (0, 0)>
#map1 = affine_map<(d0, d1) -> (0, 0, 0, 0, 0)>
#map2 = affine_map<(d0, d1) -> (0, 0, 0)>
module attributes {stable_mosaic.version = 14 : i64} {
  func.func @_msg_kernel(%arg0: i32, %arg1: i32, %arg2: memref<20480x128xf32, #tpu.memory_space<hbm>>, %arg3: memref<2x16x160x2x128xi32, #tpu.memory_space<hbm>>, %arg4: memref<2x10240x128xf32, #tpu.memory_space<hbm>>, %arg5: memref<1x2x128xi32, #tpu.memory_space<vmem>>, %arg6: memref<1x2x128xi32, #tpu.memory_space<vmem>>, %arg7: memref<1x128xi32, #tpu.memory_space<vmem>>, %arg8: memref<1x128xi32, #tpu.memory_space<vmem>>, %arg9: memref<2x128x128xf32, #tpu.memory_space<vmem>>, %arg10: memref<10240x128xf32, #tpu.memory_space<vmem_shared>>, %arg11: memref<!tpu.dma_semaphore, #tpu.memory_space<semaphore_mem>>, %arg12: memref<!tpu.dma_semaphore, #tpu.memory_space<semaphore_mem>>, %arg13: memref<!tpu.dma_semaphore, #tpu.memory_space<semaphore_mem>>, %arg14: memref<!tpu.dma_semaphore, #tpu.memory_space<semaphore_mem>>, %arg15: memref<!tpu.dma_semaphore, #tpu.memory_space<semaphore_mem>>, %arg16: memref<!tpu.dma_semaphore, #tpu.memory_space<semaphore_mem>>) attributes {dimension_semantics = [#tpu.dimension_semantics<core_parallel>, #tpu.dimension_semantics<subcore_parallel>], iteration_bounds = array<i64: 2, 16>, scalar_prefetch = 0 : i64, scratch_operands = 12 : i64, tpu.core_type = #tpu.core_type<sc_vector_subcore>, window_params = [{transform_indices = #map}, {transform_indices = #map1}, {transform_indices = #map2}]} {
    %mul3A = arith.constant 640 : i32
    %mul3A_0 = arith.muli %arg1, %mul3A : i32
    %dma_start3A = arith.constant 0 : i32
    %dma_start3A_1 = arith.constant 0 : i32
    %dma_start3A_2 = arith.constant 0 : i32
    %dma_start3A_3 = tpu.memref_slice %arg3[%arg0, %arg1, %dma_start3A, %dma_start3A_1, %dma_start3A_2] : memref<2x16x160x2x128xi32, #tpu.memory_space<hbm>> -> memref<1x1x1x2x128xi32, #tpu.memory_space<hbm>>
    %dma_start3A_4 = tpu.memref_squeeze %dma_start3A_3 : memref<1x1x1x2x128xi32, #tpu.memory_space<hbm>> -> memref<1x2x128xi32, #tpu.memory_space<hbm>>
    %dma_start3A_5 = arith.constant 0 : i32
    %dma_start3A_6 = arith.constant 0 : i32
    %dma_start3A_7 = arith.constant 0 : i32
    %dma_start3A_8 = tpu.memref_slice %arg3[%arg0, %arg1, %dma_start3A_5, %dma_start3A_6, %dma_start3A_7] : memref<2x16x160x2x128xi32, #tpu.memory_space<hbm>> -> memref<1x1x1x2x128xi32, #tpu.memory_space<hbm>>
    %dma_start3A_9 = tpu.memref_squeeze %dma_start3A_8 : memref<1x1x1x2x128xi32, #tpu.memory_space<hbm>> -> memref<1x2x128xi32, #tpu.memory_space<hbm>>
    tpu.enqueue_dma source(%dma_start3A_9 : memref<1x2x128xi32, #tpu.memory_space<hbm>>) target(%arg5 : memref<1x2x128xi32, #tpu.memory_space<vmem>>) target_semaphore(%arg15 : memref<!tpu.dma_semaphore, #tpu.memory_space<semaphore_mem>>)
    %mul3A_10 = arith.constant 10240 : i32
    %mul3A_11 = arith.muli %arg0, %mul3A_10 : i32
    %add3A = arith.addi %mul3A_11, %mul3A_0 : i32
    "tpu.region"() ({
      %run_scoped3A = tpu.sem_alloc : memref<!tpu.dma_semaphore, #tpu.memory_space<semaphore_mem>>
      %dma_start3A_75 = arith.constant 0 : i32
      %dma_start3A_76 = tpu.memref_slice %arg10[%mul3A_0, %dma_start3A_75] : memref<10240x128xf32, #tpu.memory_space<vmem_shared>> -> memref<640x128xf32, #tpu.memory_space<vmem_shared>>
      %dma_start3A_77 = arith.constant 0 : i32
      %dma_start3A_78 = tpu.memref_slice %arg2[%add3A, %dma_start3A_77] : memref<20480x128xf32, #tpu.memory_space<hbm>> -> memref<640x128xf32, #tpu.memory_space<hbm>>
      tpu.enqueue_dma source(%dma_start3A_78 : memref<640x128xf32, #tpu.memory_space<hbm>>) target(%dma_start3A_76 : memref<640x128xf32, #tpu.memory_space<vmem_shared>>) target_semaphore(%run_scoped3A : memref<!tpu.dma_semaphore, #tpu.memory_space<semaphore_mem>>)
      %dma_wait3A_79 = arith.constant 0 : i32
      %dma_wait3A_80 = tpu.memref_slice %arg10[%mul3A_0, %dma_wait3A_79] : memref<10240x128xf32, #tpu.memory_space<vmem_shared>> -> memref<640x128xf32, #tpu.memory_space<vmem_shared>>
      %dma_wait3A_81 = arith.constant 0 : i32
      %dma_wait3A_82 = tpu.memref_slice %arg2[%add3A, %dma_wait3A_81] : memref<20480x128xf32, #tpu.memory_space<hbm>> -> memref<640x128xf32, #tpu.memory_space<hbm>>
      tpu.wait_dma2 semaphore(%run_scoped3A : memref<!tpu.dma_semaphore, #tpu.memory_space<semaphore_mem>>) src(%dma_wait3A_82 : memref<640x128xf32, #tpu.memory_space<hbm>>) dst(%dma_wait3A_80 : memref<640x128xf32, #tpu.memory_space<vmem_shared>>)
      tpu.yield
    }) : () -> ()
    %dma_wait3A = arith.constant 0 : i32
    %dma_wait3A_12 = arith.constant 0 : i32
    %dma_wait3A_13 = arith.constant 0 : i32
    %dma_wait3A_14 = tpu.memref_slice %arg3[%arg0, %arg1, %dma_wait3A, %dma_wait3A_12, %dma_wait3A_13] : memref<2x16x160x2x128xi32, #tpu.memory_space<hbm>> -> memref<1x1x1x2x128xi32, #tpu.memory_space<hbm>>
    %dma_wait3A_15 = tpu.memref_squeeze %dma_wait3A_14 : memref<1x1x1x2x128xi32, #tpu.memory_space<hbm>> -> memref<1x2x128xi32, #tpu.memory_space<hbm>>
    %dma_wait3A_16 = arith.constant 0 : i32
    %dma_wait3A_17 = arith.constant 0 : i32
    %dma_wait3A_18 = arith.constant 0 : i32
    %dma_wait3A_19 = tpu.memref_slice %arg3[%arg0, %arg1, %dma_wait3A_16, %dma_wait3A_17, %dma_wait3A_18] : memref<2x16x160x2x128xi32, #tpu.memory_space<hbm>> -> memref<1x1x1x2x128xi32, #tpu.memory_space<hbm>>
    %dma_wait3A_20 = tpu.memref_squeeze %dma_wait3A_19 : memref<1x1x1x2x128xi32, #tpu.memory_space<hbm>> -> memref<1x2x128xi32, #tpu.memory_space<hbm>>
    tpu.wait_dma2 semaphore(%arg15 : memref<!tpu.dma_semaphore, #tpu.memory_space<semaphore_mem>>) src(%dma_wait3A_20 : memref<1x2x128xi32, #tpu.memory_space<hbm>>) dst(%arg5 : memref<1x2x128xi32, #tpu.memory_space<vmem>>)
    %dma_start3A_21 = arith.constant 0 : i32
    %dma_start3A_22 = arith.constant 0 : i32
    %dma_start3A_23 = arith.constant 0 : i32
    %dma_start3A_24 = arith.constant 0 : i32
    %dma_start3A_25 = arith.constant 0 : i32
    %dma_start3A_26 = tpu.memref_slice %arg9[%dma_start3A_23, %dma_start3A_24, %dma_start3A_25] : memref<2x128x128xf32, #tpu.memory_space<vmem>> -> memref<1x64x128xf32, #tpu.memory_space<vmem>>
    %dma_start3A_27 = tpu.memref_squeeze %dma_start3A_26 : memref<1x64x128xf32, #tpu.memory_space<vmem>> -> memref<64x128xf32, #tpu.memory_space<vmem>>
    %dma_start3A_28 = arith.constant 0 : i32
    %dma_start3A_29 = tpu.memref_slice %arg5[%dma_start3A_21, %dma_start3A_22, %dma_start3A_28] : memref<1x2x128xi32, #tpu.memory_space<vmem>> -> memref<1x1x64xi32, #tpu.memory_space<vmem>>
    %dma_start3A_30 = tpu.memref_squeeze %dma_start3A_29 : memref<1x1x64xi32, #tpu.memory_space<vmem>> -> memref<64xi32, #tpu.memory_space<vmem>>
    %dma_start3A_31 = arith.constant 0 : i32
    %dma_start3A_32 = arith.constant 0 : i32
    %dma_start3A_33 = tpu.memref_slice %arg2[%dma_start3A_31, %dma_start3A_32] : memref<20480x128xf32, #tpu.memory_space<hbm>> -> memref<20480x128xf32, #tpu.memory_space<hbm>>
    tpu.enqueue_indirect_dma source(%dma_start3A_33 : memref<20480x128xf32, #tpu.memory_space<hbm>>) target(%dma_start3A_27 : memref<64x128xf32, #tpu.memory_space<vmem>>) offsets(%dma_start3A_30 : memref<64xi32, #tpu.memory_space<vmem>>) semaphore(%arg11 : memref<!tpu.dma_semaphore, #tpu.memory_space<semaphore_mem>>)
    %dma_start3A_34 = arith.constant 0 : i32
    %dma_start3A_35 = arith.constant 0 : i32
    %dma_start3A_36 = arith.constant 0 : i32
    %dma_start3A_37 = arith.constant 64 : i32
    %dma_start3A_38 = arith.constant 0 : i32
    %dma_start3A_39 = tpu.memref_slice %arg9[%dma_start3A_36, %dma_start3A_37, %dma_start3A_38] : memref<2x128x128xf32, #tpu.memory_space<vmem>> -> memref<1x64x128xf32, #tpu.memory_space<vmem>>
    %dma_start3A_40 = tpu.memref_squeeze %dma_start3A_39 : memref<1x64x128xf32, #tpu.memory_space<vmem>> -> memref<64x128xf32, #tpu.memory_space<vmem>>
    %dma_start3A_41 = arith.constant 64 : i32
    %dma_start3A_42 = tpu.memref_slice %arg5[%dma_start3A_34, %dma_start3A_35, %dma_start3A_41] : memref<1x2x128xi32, #tpu.memory_space<vmem>> -> memref<1x1x64xi32, #tpu.memory_space<vmem>>
    %dma_start3A_43 = tpu.memref_squeeze %dma_start3A_42 : memref<1x1x64xi32, #tpu.memory_space<vmem>> -> memref<64xi32, #tpu.memory_space<vmem>>
    %dma_start3A_44 = arith.constant 0 : i32
    %dma_start3A_45 = arith.constant 0 : i32
    %dma_start3A_46 = tpu.memref_slice %arg2[%dma_start3A_44, %dma_start3A_45] : memref<20480x128xf32, #tpu.memory_space<hbm>> -> memref<20480x128xf32, #tpu.memory_space<hbm>>
    tpu.enqueue_indirect_dma source(%dma_start3A_46 : memref<20480x128xf32, #tpu.memory_space<hbm>>) target(%dma_start3A_40 : memref<64x128xf32, #tpu.memory_space<vmem>>) offsets(%dma_start3A_43 : memref<64xi32, #tpu.memory_space<vmem>>) semaphore(%arg11 : memref<!tpu.dma_semaphore, #tpu.memory_space<semaphore_mem>>)
    %dma_start3A_47 = arith.constant 1 : i32
    %dma_start3A_48 = arith.constant 0 : i32
    %dma_start3A_49 = arith.constant 0 : i32
    %dma_start3A_50 = tpu.memref_slice %arg3[%arg0, %arg1, %dma_start3A_47, %dma_start3A_48, %dma_start3A_49] : memref<2x16x160x2x128xi32, #tpu.memory_space<hbm>> -> memref<1x1x1x2x128xi32, #tpu.memory_space<hbm>>
    %dma_start3A_51 = tpu.memref_squeeze %dma_start3A_50 : memref<1x1x1x2x128xi32, #tpu.memory_space<hbm>> -> memref<1x2x128xi32, #tpu.memory_space<hbm>>
    %dma_start3A_52 = arith.constant 1 : i32
    %dma_start3A_53 = arith.constant 0 : i32
    %dma_start3A_54 = arith.constant 0 : i32
    %dma_start3A_55 = tpu.memref_slice %arg3[%arg0, %arg1, %dma_start3A_52, %dma_start3A_53, %dma_start3A_54] : memref<2x16x160x2x128xi32, #tpu.memory_space<hbm>> -> memref<1x1x1x2x128xi32, #tpu.memory_space<hbm>>
    %dma_start3A_56 = tpu.memref_squeeze %dma_start3A_55 : memref<1x1x1x2x128xi32, #tpu.memory_space<hbm>> -> memref<1x2x128xi32, #tpu.memory_space<hbm>>
    tpu.enqueue_dma source(%dma_start3A_56 : memref<1x2x128xi32, #tpu.memory_space<hbm>>) target(%arg6 : memref<1x2x128xi32, #tpu.memory_space<vmem>>) target_semaphore(%arg16 : memref<!tpu.dma_semaphore, #tpu.memory_space<semaphore_mem>>)
    %barrier3A = arith.constant 0 : index
    tpu.barrier barrier_id(%barrier3A)
    %scan3A = arith.constant 0 : i32
    %scan3A_57 = arith.constant 0 : i32
    %scan3A_58 = arith.constant 80 : i32
    %scan3A_59 = arith.addi %scan3A_57, %scan3A_58 : i32
    %scan3A_60 = arith.constant 1 : i32
    scf.for %scan3A_75 = %scan3A_57 to %scan3A_59 step %scan3A_60  : i32 {
      %mul3A_76 = arith.constant 2 : i32
      %mul3A_77 = arith.muli %mul3A_76, %scan3A_75 : i32
      %mul3A_78 = arith.constant 1 : i32
      %mul3A_79 = arith.muli %mul3A_77, %mul3A_78 : i32
      %mul3A_80 = arith.constant 2 : i32
      %mul3A_81 = arith.muli %mul3A_80, %scan3A_75 : i32
      %add3A_82 = arith.constant 1 : i32
      %add3A_83 = arith.addi %mul3A_81, %add3A_82 : i32
      %mul3A_84 = arith.constant 1 : i32
      %mul3A_85 = arith.muli %add3A_83, %mul3A_84 : i32
      %gt3A = arith.constant 0 : i32
      %gt3A_86 = arith.cmpi sgt, %scan3A_75, %gt3A : i32
      %convert_element_type3A = arith.extui %gt3A_86 : i1 to i32
      %cond3A = arith.constant 0 : i32
      %cond3A_87 = arith.cmpi ne, %convert_element_type3A, %cond3A : i32
      scf.if %cond3A_87 {
        %dma_wait3A_429 = arith.constant 1 : i32
        %dma_wait3A_430 = arith.constant 0 : i32
        %dma_wait3A_431 = arith.constant 0 : i32
        %dma_wait3A_432 = arith.constant 0 : i32
        %dma_wait3A_433 = tpu.memref_slice %arg9[%dma_wait3A_429, %dma_wait3A_431, %dma_wait3A_432] : memref<2x128x128xf32, #tpu.memory_space<vmem>> -> memref<1x128x128xf32, #tpu.memory_space<vmem>>
        %dma_wait3A_434 = tpu.memref_squeeze %dma_wait3A_433 : memref<1x128x128xf32, #tpu.memory_space<vmem>> -> memref<128x128xf32, #tpu.memory_space<vmem>>
        %dma_wait3A_435 = arith.constant 0 : i32
        %dma_wait3A_436 = tpu.memref_slice %arg8[%dma_wait3A_430, %dma_wait3A_435] : memref<1x128xi32, #tpu.memory_space<vmem>> -> memref<1x128xi32, #tpu.memory_space<vmem>>
        %dma_wait3A_437 = tpu.memref_squeeze %dma_wait3A_436 : memref<1x128xi32, #tpu.memory_space<vmem>> -> memref<128xi32, #tpu.memory_space<vmem>>
        %dma_wait3A_438 = arith.constant 0 : i32
        %dma_wait3A_439 = arith.constant 0 : i32
        %dma_wait3A_440 = tpu.memref_slice %arg10[%dma_wait3A_438, %dma_wait3A_439] : memref<10240x128xf32, #tpu.memory_space<vmem_shared>> -> memref<10240x128xf32, #tpu.memory_space<vmem_shared>>
        tpu.wait_indirect_dma semaphore(%arg14 : memref<!tpu.dma_semaphore, #tpu.memory_space<semaphore_mem>>) src(%dma_wait3A_434 : memref<128x128xf32, #tpu.memory_space<vmem>>) dst(%dma_wait3A_440 : memref<10240x128xf32, #tpu.memory_space<vmem_shared>>)
      } else {
      }
      %dma_wait3A_88 = arith.constant 0 : i32
      %dma_wait3A_89 = arith.constant 0 : i32
      %dma_wait3A_90 = tpu.memref_slice %arg3[%arg0, %arg1, %mul3A_85, %dma_wait3A_88, %dma_wait3A_89] : memref<2x16x160x2x128xi32, #tpu.memory_space<hbm>> -> memref<1x1x1x2x128xi32, #tpu.memory_space<hbm>>
      %dma_wait3A_91 = tpu.memref_squeeze %dma_wait3A_90 : memref<1x1x1x2x128xi32, #tpu.memory_space<hbm>> -> memref<1x2x128xi32, #tpu.memory_space<hbm>>
      %dma_wait3A_92 = arith.constant 0 : i32
      %dma_wait3A_93 = arith.constant 0 : i32
      %dma_wait3A_94 = tpu.memref_slice %arg3[%arg0, %arg1, %mul3A_85, %dma_wait3A_92, %dma_wait3A_93] : memref<2x16x160x2x128xi32, #tpu.memory_space<hbm>> -> memref<1x1x1x2x128xi32, #tpu.memory_space<hbm>>
      %dma_wait3A_95 = tpu.memref_squeeze %dma_wait3A_94 : memref<1x1x1x2x128xi32, #tpu.memory_space<hbm>> -> memref<1x2x128xi32, #tpu.memory_space<hbm>>
      tpu.wait_dma2 semaphore(%arg16 : memref<!tpu.dma_semaphore, #tpu.memory_space<semaphore_mem>>) src(%dma_wait3A_95 : memref<1x2x128xi32, #tpu.memory_space<hbm>>) dst(%arg6 : memref<1x2x128xi32, #tpu.memory_space<vmem>>)
      %dma_start3A_96 = arith.constant 0 : i32
      %dma_start3A_97 = arith.constant 0 : i32
      %dma_start3A_98 = arith.constant 1 : i32
      %dma_start3A_99 = arith.constant 0 : i32
      %dma_start3A_100 = arith.constant 0 : i32
      %dma_start3A_101 = tpu.memref_slice %arg9[%dma_start3A_98, %dma_start3A_99, %dma_start3A_100] : memref<2x128x128xf32, #tpu.memory_space<vmem>> -> memref<1x64x128xf32, #tpu.memory_space<vmem>>
      %dma_start3A_102 = tpu.memref_squeeze %dma_start3A_101 : memref<1x64x128xf32, #tpu.memory_space<vmem>> -> memref<64x128xf32, #tpu.memory_space<vmem>>
      %dma_start3A_103 = arith.constant 0 : i32
      %dma_start3A_104 = tpu.memref_slice %arg6[%dma_start3A_96, %dma_start3A_97, %dma_start3A_103] : memref<1x2x128xi32, #tpu.memory_space<vmem>> -> memref<1x1x64xi32, #tpu.memory_space<vmem>>
      %dma_start3A_105 = tpu.memref_squeeze %dma_start3A_104 : memref<1x1x64xi32, #tpu.memory_space<vmem>> -> memref<64xi32, #tpu.memory_space<vmem>>
      %dma_start3A_106 = arith.constant 0 : i32
      %dma_start3A_107 = arith.constant 0 : i32
      %dma_start3A_108 = tpu.memref_slice %arg2[%dma_start3A_106, %dma_start3A_107] : memref<20480x128xf32, #tpu.memory_space<hbm>> -> memref<20480x128xf32, #tpu.memory_space<hbm>>
      tpu.enqueue_indirect_dma source(%dma_start3A_108 : memref<20480x128xf32, #tpu.memory_space<hbm>>) target(%dma_start3A_102 : memref<64x128xf32, #tpu.memory_space<vmem>>) offsets(%dma_start3A_105 : memref<64xi32, #tpu.memory_space<vmem>>) semaphore(%arg12 : memref<!tpu.dma_semaphore, #tpu.memory_space<semaphore_mem>>)
      %dma_start3A_109 = arith.constant 0 : i32
      %dma_start3A_110 = arith.constant 0 : i32
      %dma_start3A_111 = arith.constant 1 : i32
      %dma_start3A_112 = arith.constant 64 : i32
      %dma_start3A_113 = arith.constant 0 : i32
      %dma_start3A_114 = tpu.memref_slice %arg9[%dma_start3A_111, %dma_start3A_112, %dma_start3A_113] : memref<2x128x128xf32, #tpu.memory_space<vmem>> -> memref<1x64x128xf32, #tpu.memory_space<vmem>>
      %dma_start3A_115 = tpu.memref_squeeze %dma_start3A_114 : memref<1x64x128xf32, #tpu.memory_space<vmem>> -> memref<64x128xf32, #tpu.memory_space<vmem>>
      %dma_start3A_116 = arith.constant 64 : i32
      %dma_start3A_117 = tpu.memref_slice %arg6[%dma_start3A_109, %dma_start3A_110, %dma_start3A_116] : memref<1x2x128xi32, #tpu.memory_space<vmem>> -> memref<1x1x64xi32, #tpu.memory_space<vmem>>
      %dma_start3A_118 = tpu.memref_squeeze %dma_start3A_117 : memref<1x1x64xi32, #tpu.memory_space<vmem>> -> memref<64xi32, #tpu.memory_space<vmem>>
      %dma_start3A_119 = arith.constant 0 : i32
      %dma_start3A_120 = arith.constant 0 : i32
      %dma_start3A_121 = tpu.memref_slice %arg2[%dma_start3A_119, %dma_start3A_120] : memref<20480x128xf32, #tpu.memory_space<hbm>> -> memref<20480x128xf32, #tpu.memory_space<hbm>>
      tpu.enqueue_indirect_dma source(%dma_start3A_121 : memref<20480x128xf32, #tpu.memory_space<hbm>>) target(%dma_start3A_115 : memref<64x128xf32, #tpu.memory_space<vmem>>) offsets(%dma_start3A_118 : memref<64xi32, #tpu.memory_space<vmem>>) semaphore(%arg12 : memref<!tpu.dma_semaphore, #tpu.memory_space<semaphore_mem>>)
      %dma_wait3A_122 = arith.constant 0 : i32
      %dma_wait3A_123 = arith.constant 0 : i32
      %dma_wait3A_124 = arith.constant 0 : i32
      %dma_wait3A_125 = arith.constant 0 : i32
      %dma_wait3A_126 = arith.constant 0 : i32
      %dma_wait3A_127 = tpu.memref_slice %arg9[%dma_wait3A_124, %dma_wait3A_125, %dma_wait3A_126] : memref<2x128x128xf32, #tpu.memory_space<vmem>> -> memref<1x64x128xf32, #tpu.memory_space<vmem>>
      %dma_wait3A_128 = tpu.memref_squeeze %dma_wait3A_127 : memref<1x64x128xf32, #tpu.memory_space<vmem>> -> memref<64x128xf32, #tpu.memory_space<vmem>>
      %dma_wait3A_129 = arith.constant 0 : i32
      %dma_wait3A_130 = tpu.memref_slice %arg5[%dma_wait3A_122, %dma_wait3A_123, %dma_wait3A_129] : memref<1x2x128xi32, #tpu.memory_space<vmem>> -> memref<1x1x64xi32, #tpu.memory_space<vmem>>
      %dma_wait3A_131 = tpu.memref_squeeze %dma_wait3A_130 : memref<1x1x64xi32, #tpu.memory_space<vmem>> -> memref<64xi32, #tpu.memory_space<vmem>>
      %dma_wait3A_132 = arith.constant 0 : i32
      %dma_wait3A_133 = arith.constant 0 : i32
      %dma_wait3A_134 = tpu.memref_slice %arg2[%dma_wait3A_132, %dma_wait3A_133] : memref<20480x128xf32, #tpu.memory_space<hbm>> -> memref<20480x128xf32, #tpu.memory_space<hbm>>
      tpu.wait_indirect_dma semaphore(%arg11 : memref<!tpu.dma_semaphore, #tpu.memory_space<semaphore_mem>>) src(%dma_wait3A_134 : memref<20480x128xf32, #tpu.memory_space<hbm>>) dst(%dma_wait3A_128 : memref<64x128xf32, #tpu.memory_space<vmem>>)
      %dma_wait3A_135 = arith.constant 0 : i32
      %dma_wait3A_136 = arith.constant 0 : i32
      %dma_wait3A_137 = arith.constant 0 : i32
      %dma_wait3A_138 = arith.constant 64 : i32
      %dma_wait3A_139 = arith.constant 0 : i32
      %dma_wait3A_140 = tpu.memref_slice %arg9[%dma_wait3A_137, %dma_wait3A_138, %dma_wait3A_139] : memref<2x128x128xf32, #tpu.memory_space<vmem>> -> memref<1x64x128xf32, #tpu.memory_space<vmem>>
      %dma_wait3A_141 = tpu.memref_squeeze %dma_wait3A_140 : memref<1x64x128xf32, #tpu.memory_space<vmem>> -> memref<64x128xf32, #tpu.memory_space<vmem>>
      %dma_wait3A_142 = arith.constant 64 : i32
      %dma_wait3A_143 = tpu.memref_slice %arg5[%dma_wait3A_135, %dma_wait3A_136, %dma_wait3A_142] : memref<1x2x128xi32, #tpu.memory_space<vmem>> -> memref<1x1x64xi32, #tpu.memory_space<vmem>>
      %dma_wait3A_144 = tpu.memref_squeeze %dma_wait3A_143 : memref<1x1x64xi32, #tpu.memory_space<vmem>> -> memref<64xi32, #tpu.memory_space<vmem>>
      %dma_wait3A_145 = arith.constant 0 : i32
      %dma_wait3A_146 = arith.constant 0 : i32
      %dma_wait3A_147 = tpu.memref_slice %arg2[%dma_wait3A_145, %dma_wait3A_146] : memref<20480x128xf32, #tpu.memory_space<hbm>> -> memref<20480x128xf32, #tpu.memory_space<hbm>>
      tpu.wait_indirect_dma semaphore(%arg11 : memref<!tpu.dma_semaphore, #tpu.memory_space<semaphore_mem>>) src(%dma_wait3A_147 : memref<20480x128xf32, #tpu.memory_space<hbm>>) dst(%dma_wait3A_141 : memref<64x128xf32, #tpu.memory_space<vmem>>)
      %get3A = arith.constant 0 : i32
      %get3A_148 = arith.constant 1 : i32
      %get3A_149 = arith.index_cast %get3A : i32 to index
      %get3A_150 = arith.index_cast %get3A_148 : i32 to index
      %get3A_151 = arith.constant 0 : index
      %get3A_152 = tpu.vector_load %arg5[%get3A_149, %get3A_150, %get3A_151] {strides = array<i32>} : memref<1x2x128xi32, #tpu.memory_space<vmem>>, vector<1x1x16xi32>,
      %get3A_153 = vector.shape_cast %get3A_152 : vector<1x1x16xi32> to vector<16xi32>
      %swap3A = arith.constant 0 : i32
      %swap3A_154 = arith.index_cast %swap3A : i32 to index
      %swap3A_155 = arith.constant 0 : index
      %swap3A_156 = tpu.vector_load %arg7[%swap3A_154, %swap3A_155] {strides = array<i32>} : memref<1x128xi32, #tpu.memory_space<vmem>>, vector<1x16xi32>,
      %swap3A_157 = vector.shape_cast %swap3A_156 : vector<1x16xi32> to vector<16xi32>
      %swap3A_158 = vector.shape_cast %get3A_153 : vector<16xi32> to vector<1x16xi32>
      tpu.vector_store %arg7[%swap3A_154, %swap3A_155], %swap3A_158 {strides = array<i32>} : memref<1x128xi32, #tpu.memory_space<vmem>>, vector<1x16xi32>,
      %get3A_159 = arith.constant 0 : i32
      %get3A_160 = arith.constant 1 : i32
      %get3A_161 = arith.index_cast %get3A_159 : i32 to index
      %get3A_162 = arith.index_cast %get3A_160 : i32 to index
      %get3A_163 = arith.constant 16 : index
      %get3A_164 = tpu.vector_load %arg5[%get3A_161, %get3A_162, %get3A_163] {strides = array<i32>} : memref<1x2x128xi32, #tpu.memory_space<vmem>>, vector<1x1x16xi32>,
      %get3A_165 = vector.shape_cast %get3A_164 : vector<1x1x16xi32> to vector<16xi32>
      %swap3A_166 = arith.constant 0 : i32
      %swap3A_167 = arith.index_cast %swap3A_166 : i32 to index
      %swap3A_168 = arith.constant 16 : index
      %swap3A_169 = tpu.vector_load %arg7[%swap3A_167, %swap3A_168] {strides = array<i32>} : memref<1x128xi32, #tpu.memory_space<vmem>>, vector<1x16xi32>,
      %swap3A_170 = vector.shape_cast %swap3A_169 : vector<1x16xi32> to vector<16xi32>
      %swap3A_171 = vector.shape_cast %get3A_165 : vector<16xi32> to vector<1x16xi32>
      tpu.vector_store %arg7[%swap3A_167, %swap3A_168], %swap3A_171 {strides = array<i32>} : memref<1x128xi32, #tpu.memory_space<vmem>>, vector<1x16xi32>,
      %get3A_172 = arith.constant 0 : i32
      %get3A_173 = arith.constant 1 : i32
      %get3A_174 = arith.index_cast %get3A_172 : i32 to index
      %get3A_175 = arith.index_cast %get3A_173 : i32 to index
      %get3A_176 = arith.constant 32 : index
      %get3A_177 = tpu.vector_load %arg5[%get3A_174, %get3A_175, %get3A_176] {strides = array<i32>} : memref<1x2x128xi32, #tpu.memory_space<vmem>>, vector<1x1x16xi32>,
      %get3A_178 = vector.shape_cast %get3A_177 : vector<1x1x16xi32> to vector<16xi32>
      %swap3A_179 = arith.constant 0 : i32
      %swap3A_180 = arith.index_cast %swap3A_179 : i32 to index
      %swap3A_181 = arith.constant 32 : index
      %swap3A_182 = tpu.vector_load %arg7[%swap3A_180, %swap3A_181] {strides = array<i32>} : memref<1x128xi32, #tpu.memory_space<vmem>>, vector<1x16xi32>,
      %swap3A_183 = vector.shape_cast %swap3A_182 : vector<1x16xi32> to vector<16xi32>
      %swap3A_184 = vector.shape_cast %get3A_178 : vector<16xi32> to vector<1x16xi32>
      tpu.vector_store %arg7[%swap3A_180, %swap3A_181], %swap3A_184 {strides = array<i32>} : memref<1x128xi32, #tpu.memory_space<vmem>>, vector<1x16xi32>,
      %get3A_185 = arith.constant 0 : i32
      %get3A_186 = arith.constant 1 : i32
      %get3A_187 = arith.index_cast %get3A_185 : i32 to index
      %get3A_188 = arith.index_cast %get3A_186 : i32 to index
      %get3A_189 = arith.constant 48 : index
      %get3A_190 = tpu.vector_load %arg5[%get3A_187, %get3A_188, %get3A_189] {strides = array<i32>} : memref<1x2x128xi32, #tpu.memory_space<vmem>>, vector<1x1x16xi32>,
      %get3A_191 = vector.shape_cast %get3A_190 : vector<1x1x16xi32> to vector<16xi32>
      %swap3A_192 = arith.constant 0 : i32
      %swap3A_193 = arith.index_cast %swap3A_192 : i32 to index
      %swap3A_194 = arith.constant 48 : index
      %swap3A_195 = tpu.vector_load %arg7[%swap3A_193, %swap3A_194] {strides = array<i32>} : memref<1x128xi32, #tpu.memory_space<vmem>>, vector<1x16xi32>,
      %swap3A_196 = vector.shape_cast %swap3A_195 : vector<1x16xi32> to vector<16xi32>
      %swap3A_197 = vector.shape_cast %get3A_191 : vector<16xi32> to vector<1x16xi32>
      tpu.vector_store %arg7[%swap3A_193, %swap3A_194], %swap3A_197 {strides = array<i32>} : memref<1x128xi32, #tpu.memory_space<vmem>>, vector<1x16xi32>,
      %get3A_198 = arith.constant 0 : i32
      %get3A_199 = arith.constant 1 : i32
      %get3A_200 = arith.index_cast %get3A_198 : i32 to index
      %get3A_201 = arith.index_cast %get3A_199 : i32 to index
      %get3A_202 = arith.constant 64 : index
      %get3A_203 = tpu.vector_load %arg5[%get3A_200, %get3A_201, %get3A_202] {strides = array<i32>} : memref<1x2x128xi32, #tpu.memory_space<vmem>>, vector<1x1x16xi32>,
      %get3A_204 = vector.shape_cast %get3A_203 : vector<1x1x16xi32> to vector<16xi32>
      %swap3A_205 = arith.constant 0 : i32
      %swap3A_206 = arith.index_cast %swap3A_205 : i32 to index
      %swap3A_207 = arith.constant 64 : index
      %swap3A_208 = tpu.vector_load %arg7[%swap3A_206, %swap3A_207] {strides = array<i32>} : memref<1x128xi32, #tpu.memory_space<vmem>>, vector<1x16xi32>,
      %swap3A_209 = vector.shape_cast %swap3A_208 : vector<1x16xi32> to vector<16xi32>
      %swap3A_210 = vector.shape_cast %get3A_204 : vector<16xi32> to vector<1x16xi32>
      tpu.vector_store %arg7[%swap3A_206, %swap3A_207], %swap3A_210 {strides = array<i32>} : memref<1x128xi32, #tpu.memory_space<vmem>>, vector<1x16xi32>,
      %get3A_211 = arith.constant 0 : i32
      %get3A_212 = arith.constant 1 : i32
      %get3A_213 = arith.index_cast %get3A_211 : i32 to index
      %get3A_214 = arith.index_cast %get3A_212 : i32 to index
      %get3A_215 = arith.constant 80 : index
      %get3A_216 = tpu.vector_load %arg5[%get3A_213, %get3A_214, %get3A_215] {strides = array<i32>} : memref<1x2x128xi32, #tpu.memory_space<vmem>>, vector<1x1x16xi32>,
      %get3A_217 = vector.shape_cast %get3A_216 : vector<1x1x16xi32> to vector<16xi32>
      %swap3A_218 = arith.constant 0 : i32
      %swap3A_219 = arith.index_cast %swap3A_218 : i32 to index
      %swap3A_220 = arith.constant 80 : index
      %swap3A_221 = tpu.vector_load %arg7[%swap3A_219, %swap3A_220] {strides = array<i32>} : memref<1x128xi32, #tpu.memory_space<vmem>>, vector<1x16xi32>,
      %swap3A_222 = vector.shape_cast %swap3A_221 : vector<1x16xi32> to vector<16xi32>
      %swap3A_223 = vector.shape_cast %get3A_217 : vector<16xi32> to vector<1x16xi32>
      tpu.vector_store %arg7[%swap3A_219, %swap3A_220], %swap3A_223 {strides = array<i32>} : memref<1x128xi32, #tpu.memory_space<vmem>>, vector<1x16xi32>,
      %get3A_224 = arith.constant 0 : i32
      %get3A_225 = arith.constant 1 : i32
      %get3A_226 = arith.index_cast %get3A_224 : i32 to index
      %get3A_227 = arith.index_cast %get3A_225 : i32 to index
      %get3A_228 = arith.constant 96 : index
      %get3A_229 = tpu.vector_load %arg5[%get3A_226, %get3A_227, %get3A_228] {strides = array<i32>} : memref<1x2x128xi32, #tpu.memory_space<vmem>>, vector<1x1x16xi32>,
      %get3A_230 = vector.shape_cast %get3A_229 : vector<1x1x16xi32> to vector<16xi32>
      %swap3A_231 = arith.constant 0 : i32
      %swap3A_232 = arith.index_cast %swap3A_231 : i32 to index
      %swap3A_233 = arith.constant 96 : index
      %swap3A_234 = tpu.vector_load %arg7[%swap3A_232, %swap3A_233] {strides = array<i32>} : memref<1x128xi32, #tpu.memory_space<vmem>>, vector<1x16xi32>,
      %swap3A_235 = vector.shape_cast %swap3A_234 : vector<1x16xi32> to vector<16xi32>
      %swap3A_236 = vector.shape_cast %get3A_230 : vector<16xi32> to vector<1x16xi32>
      tpu.vector_store %arg7[%swap3A_232, %swap3A_233], %swap3A_236 {strides = array<i32>} : memref<1x128xi32, #tpu.memory_space<vmem>>, vector<1x16xi32>,
      %get3A_237 = arith.constant 0 : i32
      %get3A_238 = arith.constant 1 : i32
      %get3A_239 = arith.index_cast %get3A_237 : i32 to index
      %get3A_240 = arith.index_cast %get3A_238 : i32 to index
      %get3A_241 = arith.constant 112 : index
      %get3A_242 = tpu.vector_load %arg5[%get3A_239, %get3A_240, %get3A_241] {strides = array<i32>} : memref<1x2x128xi32, #tpu.memory_space<vmem>>, vector<1x1x16xi32>,
      %get3A_243 = vector.shape_cast %get3A_242 : vector<1x1x16xi32> to vector<16xi32>
      %swap3A_244 = arith.constant 0 : i32
      %swap3A_245 = arith.index_cast %swap3A_244 : i32 to index
      %swap3A_246 = arith.constant 112 : index
      %swap3A_247 = tpu.vector_load %arg7[%swap3A_245, %swap3A_246] {strides = array<i32>} : memref<1x128xi32, #tpu.memory_space<vmem>>, vector<1x16xi32>,
      %swap3A_248 = vector.shape_cast %swap3A_247 : vector<1x16xi32> to vector<16xi32>
      %swap3A_249 = vector.shape_cast %get3A_243 : vector<16xi32> to vector<1x16xi32>
      tpu.vector_store %arg7[%swap3A_245, %swap3A_246], %swap3A_249 {strides = array<i32>} : memref<1x128xi32, #tpu.memory_space<vmem>>, vector<1x16xi32>,
      %dma_start3A_250 = arith.constant 0 : i32
      %dma_start3A_251 = arith.constant 0 : i32
      %dma_start3A_252 = arith.constant 0 : i32
      %dma_start3A_253 = arith.constant 0 : i32
      %dma_start3A_254 = tpu.memref_slice %arg9[%dma_start3A_250, %dma_start3A_252, %dma_start3A_253] : memref<2x128x128xf32, #tpu.memory_space<vmem>> -> memref<1x128x128xf32, #tpu.memory_space<vmem>>
      %dma_start3A_255 = tpu.memref_squeeze %dma_start3A_254 : memref<1x128x128xf32, #tpu.memory_space<vmem>> -> memref<128x128xf32, #tpu.memory_space<vmem>>
      %dma_start3A_256 = arith.constant 0 : i32
      %dma_start3A_257 = tpu.memref_slice %arg7[%dma_start3A_251, %dma_start3A_256] : memref<1x128xi32, #tpu.memory_space<vmem>> -> memref<1x128xi32, #tpu.memory_space<vmem>>
      %dma_start3A_258 = tpu.memref_squeeze %dma_start3A_257 : memref<1x128xi32, #tpu.memory_space<vmem>> -> memref<128xi32, #tpu.memory_space<vmem>>
      %dma_start3A_259 = arith.constant 0 : i32
      %dma_start3A_260 = arith.constant 0 : i32
      %dma_start3A_261 = tpu.memref_slice %arg10[%dma_start3A_259, %dma_start3A_260] : memref<10240x128xf32, #tpu.memory_space<vmem_shared>> -> memref<10240x128xf32, #tpu.memory_space<vmem_shared>>
      tpu.enqueue_indirect_dma source(%dma_start3A_255 : memref<128x128xf32, #tpu.memory_space<vmem>>) target(%dma_start3A_261 : memref<10240x128xf32, #tpu.memory_space<vmem_shared>>) offsets(%dma_start3A_258 : memref<128xi32, #tpu.memory_space<vmem>>) semaphore(%arg13 : memref<!tpu.dma_semaphore, #tpu.memory_space<semaphore_mem>>) {add = true}
      %add3A_262 = arith.constant 1 : i32
      %add3A_263 = arith.addi %scan3A_75, %add3A_262 : i32
      %lt3A = arith.constant 80 : i32
      %lt3A_264 = arith.cmpi slt, %add3A_263, %lt3A : i32
      %convert_element_type3A_265 = arith.extui %lt3A_264 : i1 to i32
      %cond3A_266 = arith.constant 0 : i32
      %cond3A_267 = arith.cmpi ne, %convert_element_type3A_265, %cond3A_266 : i32
      scf.if %cond3A_267 {
        %add3A_429 = arith.constant 2 : i32
        %add3A_430 = arith.addi %mul3A_79, %add3A_429 : i32
        %dma_start3A_431 = arith.constant 0 : i32
        %dma_start3A_432 = arith.constant 0 : i32
        %dma_start3A_433 = tpu.memref_slice %arg3[%arg0, %arg1, %add3A_430, %dma_start3A_431, %dma_start3A_432] : memref<2x16x160x2x128xi32, #tpu.memory_space<hbm>> -> memref<1x1x1x2x128xi32, #tpu.memory_space<hbm>>
        %dma_start3A_434 = tpu.memref_squeeze %dma_start3A_433 : memref<1x1x1x2x128xi32, #tpu.memory_space<hbm>> -> memref<1x2x128xi32, #tpu.memory_space<hbm>>
        %dma_start3A_435 = arith.constant 0 : i32
        %dma_start3A_436 = arith.constant 0 : i32
        %dma_start3A_437 = tpu.memref_slice %arg3[%arg0, %arg1, %add3A_430, %dma_start3A_435, %dma_start3A_436] : memref<2x16x160x2x128xi32, #tpu.memory_space<hbm>> -> memref<1x1x1x2x128xi32, #tpu.memory_space<hbm>>
        %dma_start3A_438 = tpu.memref_squeeze %dma_start3A_437 : memref<1x1x1x2x128xi32, #tpu.memory_space<hbm>> -> memref<1x2x128xi32, #tpu.memory_space<hbm>>
        tpu.enqueue_dma source(%dma_start3A_438 : memref<1x2x128xi32, #tpu.memory_space<hbm>>) target(%arg5 : memref<1x2x128xi32, #tpu.memory_space<vmem>>) target_semaphore(%arg15 : memref<!tpu.dma_semaphore, #tpu.memory_space<semaphore_mem>>)
      } else {
      }
      %dma_wait3A_268 = arith.constant 0 : i32
      %dma_wait3A_269 = arith.constant 0 : i32
      %dma_wait3A_270 = arith.constant 1 : i32
      %dma_wait3A_271 = arith.constant 0 : i32
      %dma_wait3A_272 = arith.constant 0 : i32
      %dma_wait3A_273 = tpu.memref_slice %arg9[%dma_wait3A_270, %dma_wait3A_271, %dma_wait3A_272] : memref<2x128x128xf32, #tpu.memory_space<vmem>> -> memref<1x64x128xf32, #tpu.memory_space<vmem>>
      %dma_wait3A_274 = tpu.memref_squeeze %dma_wait3A_273 : memref<1x64x128xf32, #tpu.memory_space<vmem>> -> memref<64x128xf32, #tpu.memory_space<vmem>>
      %dma_wait3A_275 = arith.constant 0 : i32
      %dma_wait3A_276 = tpu.memref_slice %arg6[%dma_wait3A_268, %dma_wait3A_269, %dma_wait3A_275] : memref<1x2x128xi32, #tpu.memory_space<vmem>> -> memref<1x1x64xi32, #tpu.memory_space<vmem>>
      %dma_wait3A_277 = tpu.memref_squeeze %dma_wait3A_276 : memref<1x1x64xi32, #tpu.memory_space<vmem>> -> memref<64xi32, #tpu.memory_space<vmem>>
      %dma_wait3A_278 = arith.constant 0 : i32
      %dma_wait3A_279 = arith.constant 0 : i32
      %dma_wait3A_280 = tpu.memref_slice %arg2[%dma_wait3A_278, %dma_wait3A_279] : memref<20480x128xf32, #tpu.memory_space<hbm>> -> memref<20480x128xf32, #tpu.memory_space<hbm>>
      tpu.wait_indirect_dma semaphore(%arg12 : memref<!tpu.dma_semaphore, #tpu.memory_space<semaphore_mem>>) src(%dma_wait3A_280 : memref<20480x128xf32, #tpu.memory_space<hbm>>) dst(%dma_wait3A_274 : memref<64x128xf32, #tpu.memory_space<vmem>>)
      %dma_wait3A_281 = arith.constant 0 : i32
      %dma_wait3A_282 = arith.constant 0 : i32
      %dma_wait3A_283 = arith.constant 1 : i32
      %dma_wait3A_284 = arith.constant 64 : i32
      %dma_wait3A_285 = arith.constant 0 : i32
      %dma_wait3A_286 = tpu.memref_slice %arg9[%dma_wait3A_283, %dma_wait3A_284, %dma_wait3A_285] : memref<2x128x128xf32, #tpu.memory_space<vmem>> -> memref<1x64x128xf32, #tpu.memory_space<vmem>>
      %dma_wait3A_287 = tpu.memref_squeeze %dma_wait3A_286 : memref<1x64x128xf32, #tpu.memory_space<vmem>> -> memref<64x128xf32, #tpu.memory_space<vmem>>
      %dma_wait3A_288 = arith.constant 64 : i32
      %dma_wait3A_289 = tpu.memref_slice %arg6[%dma_wait3A_281, %dma_wait3A_282, %dma_wait3A_288] : memref<1x2x128xi32, #tpu.memory_space<vmem>> -> memref<1x1x64xi32, #tpu.memory_space<vmem>>
      %dma_wait3A_290 = tpu.memref_squeeze %dma_wait3A_289 : memref<1x1x64xi32, #tpu.memory_space<vmem>> -> memref<64xi32, #tpu.memory_space<vmem>>
      %dma_wait3A_291 = arith.constant 0 : i32
      %dma_wait3A_292 = arith.constant 0 : i32
      %dma_wait3A_293 = tpu.memref_slice %arg2[%dma_wait3A_291, %dma_wait3A_292] : memref<20480x128xf32, #tpu.memory_space<hbm>> -> memref<20480x128xf32, #tpu.memory_space<hbm>>
      tpu.wait_indirect_dma semaphore(%arg12 : memref<!tpu.dma_semaphore, #tpu.memory_space<semaphore_mem>>) src(%dma_wait3A_293 : memref<20480x128xf32, #tpu.memory_space<hbm>>) dst(%dma_wait3A_287 : memref<64x128xf32, #tpu.memory_space<vmem>>)
      %get3A_294 = arith.constant 0 : i32
      %get3A_295 = arith.constant 1 : i32
      %get3A_296 = arith.index_cast %get3A_294 : i32 to index
      %get3A_297 = arith.index_cast %get3A_295 : i32 to index
      %get3A_298 = arith.constant 0 : index
      %get3A_299 = tpu.vector_load %arg6[%get3A_296, %get3A_297, %get3A_298] {strides = array<i32>} : memref<1x2x128xi32, #tpu.memory_space<vmem>>, vector<1x1x16xi32>,
      %get3A_300 = vector.shape_cast %get3A_299 : vector<1x1x16xi32> to vector<16xi32>
      %swap3A_301 = arith.constant 0 : i32
      %swap3A_302 = arith.index_cast %swap3A_301 : i32 to index
      %swap3A_303 = arith.constant 0 : index
      %swap3A_304 = tpu.vector_load %arg8[%swap3A_302, %swap3A_303] {strides = array<i32>} : memref<1x128xi32, #tpu.memory_space<vmem>>, vector<1x16xi32>,
      %swap3A_305 = vector.shape_cast %swap3A_304 : vector<1x16xi32> to vector<16xi32>
      %swap3A_306 = vector.shape_cast %get3A_300 : vector<16xi32> to vector<1x16xi32>
      tpu.vector_store %arg8[%swap3A_302, %swap3A_303], %swap3A_306 {strides = array<i32>} : memref<1x128xi32, #tpu.memory_space<vmem>>, vector<1x16xi32>,
      %get3A_307 = arith.constant 0 : i32
      %get3A_308 = arith.constant 1 : i32
      %get3A_309 = arith.index_cast %get3A_307 : i32 to index
      %get3A_310 = arith.index_cast %get3A_308 : i32 to index
      %get3A_311 = arith.constant 16 : index
      %get3A_312 = tpu.vector_load %arg6[%get3A_309, %get3A_310, %get3A_311] {strides = array<i32>} : memref<1x2x128xi32, #tpu.memory_space<vmem>>, vector<1x1x16xi32>,
      %get3A_313 = vector.shape_cast %get3A_312 : vector<1x1x16xi32> to vector<16xi32>
      %swap3A_314 = arith.constant 0 : i32
      %swap3A_315 = arith.index_cast %swap3A_314 : i32 to index
      %swap3A_316 = arith.constant 16 : index
      %swap3A_317 = tpu.vector_load %arg8[%swap3A_315, %swap3A_316] {strides = array<i32>} : memref<1x128xi32, #tpu.memory_space<vmem>>, vector<1x16xi32>,
      %swap3A_318 = vector.shape_cast %swap3A_317 : vector<1x16xi32> to vector<16xi32>
      %swap3A_319 = vector.shape_cast %get3A_313 : vector<16xi32> to vector<1x16xi32>
      tpu.vector_store %arg8[%swap3A_315, %swap3A_316], %swap3A_319 {strides = array<i32>} : memref<1x128xi32, #tpu.memory_space<vmem>>, vector<1x16xi32>,
      %get3A_320 = arith.constant 0 : i32
      %get3A_321 = arith.constant 1 : i32
      %get3A_322 = arith.index_cast %get3A_320 : i32 to index
      %get3A_323 = arith.index_cast %get3A_321 : i32 to index
      %get3A_324 = arith.constant 32 : index
      %get3A_325 = tpu.vector_load %arg6[%get3A_322, %get3A_323, %get3A_324] {strides = array<i32>} : memref<1x2x128xi32, #tpu.memory_space<vmem>>, vector<1x1x16xi32>,
      %get3A_326 = vector.shape_cast %get3A_325 : vector<1x1x16xi32> to vector<16xi32>
      %swap3A_327 = arith.constant 0 : i32
      %swap3A_328 = arith.index_cast %swap3A_327 : i32 to index
      %swap3A_329 = arith.constant 32 : index
      %swap3A_330 = tpu.vector_load %arg8[%swap3A_328, %swap3A_329] {strides = array<i32>} : memref<1x128xi32, #tpu.memory_space<vmem>>, vector<1x16xi32>,
      %swap3A_331 = vector.shape_cast %swap3A_330 : vector<1x16xi32> to vector<16xi32>
      %swap3A_332 = vector.shape_cast %get3A_326 : vector<16xi32> to vector<1x16xi32>
      tpu.vector_store %arg8[%swap3A_328, %swap3A_329], %swap3A_332 {strides = array<i32>} : memref<1x128xi32, #tpu.memory_space<vmem>>, vector<1x16xi32>,
      %get3A_333 = arith.constant 0 : i32
      %get3A_334 = arith.constant 1 : i32
      %get3A_335 = arith.index_cast %get3A_333 : i32 to index
      %get3A_336 = arith.index_cast %get3A_334 : i32 to index
      %get3A_337 = arith.constant 48 : index
      %get3A_338 = tpu.vector_load %arg6[%get3A_335, %get3A_336, %get3A_337] {strides = array<i32>} : memref<1x2x128xi32, #tpu.memory_space<vmem>>, vector<1x1x16xi32>,
      %get3A_339 = vector.shape_cast %get3A_338 : vector<1x1x16xi32> to vector<16xi32>
      %swap3A_340 = arith.constant 0 : i32
      %swap3A_341 = arith.index_cast %swap3A_340 : i32 to index
      %swap3A_342 = arith.constant 48 : index
      %swap3A_343 = tpu.vector_load %arg8[%swap3A_341, %swap3A_342] {strides = array<i32>} : memref<1x128xi32, #tpu.memory_space<vmem>>, vector<1x16xi32>,
      %swap3A_344 = vector.shape_cast %swap3A_343 : vector<1x16xi32> to vector<16xi32>
      %swap3A_345 = vector.shape_cast %get3A_339 : vector<16xi32> to vector<1x16xi32>
      tpu.vector_store %arg8[%swap3A_341, %swap3A_342], %swap3A_345 {strides = array<i32>} : memref<1x128xi32, #tpu.memory_space<vmem>>, vector<1x16xi32>,
      %get3A_346 = arith.constant 0 : i32
      %get3A_347 = arith.constant 1 : i32
      %get3A_348 = arith.index_cast %get3A_346 : i32 to index
      %get3A_349 = arith.index_cast %get3A_347 : i32 to index
      %get3A_350 = arith.constant 64 : index
      %get3A_351 = tpu.vector_load %arg6[%get3A_348, %get3A_349, %get3A_350] {strides = array<i32>} : memref<1x2x128xi32, #tpu.memory_space<vmem>>, vector<1x1x16xi32>,
      %get3A_352 = vector.shape_cast %get3A_351 : vector<1x1x16xi32> to vector<16xi32>
      %swap3A_353 = arith.constant 0 : i32
      %swap3A_354 = arith.index_cast %swap3A_353 : i32 to index
      %swap3A_355 = arith.constant 64 : index
      %swap3A_356 = tpu.vector_load %arg8[%swap3A_354, %swap3A_355] {strides = array<i32>} : memref<1x128xi32, #tpu.memory_space<vmem>>, vector<1x16xi32>,
      %swap3A_357 = vector.shape_cast %swap3A_356 : vector<1x16xi32> to vector<16xi32>
      %swap3A_358 = vector.shape_cast %get3A_352 : vector<16xi32> to vector<1x16xi32>
      tpu.vector_store %arg8[%swap3A_354, %swap3A_355], %swap3A_358 {strides = array<i32>} : memref<1x128xi32, #tpu.memory_space<vmem>>, vector<1x16xi32>,
      %get3A_359 = arith.constant 0 : i32
      %get3A_360 = arith.constant 1 : i32
      %get3A_361 = arith.index_cast %get3A_359 : i32 to index
      %get3A_362 = arith.index_cast %get3A_360 : i32 to index
      %get3A_363 = arith.constant 80 : index
      %get3A_364 = tpu.vector_load %arg6[%get3A_361, %get3A_362, %get3A_363] {strides = array<i32>} : memref<1x2x128xi32, #tpu.memory_space<vmem>>, vector<1x1x16xi32>,
      %get3A_365 = vector.shape_cast %get3A_364 : vector<1x1x16xi32> to vector<16xi32>
      %swap3A_366 = arith.constant 0 : i32
      %swap3A_367 = arith.index_cast %swap3A_366 : i32 to index
      %swap3A_368 = arith.constant 80 : index
      %swap3A_369 = tpu.vector_load %arg8[%swap3A_367, %swap3A_368] {strides = array<i32>} : memref<1x128xi32, #tpu.memory_space<vmem>>, vector<1x16xi32>,
      %swap3A_370 = vector.shape_cast %swap3A_369 : vector<1x16xi32> to vector<16xi32>
      %swap3A_371 = vector.shape_cast %get3A_365 : vector<16xi32> to vector<1x16xi32>
      tpu.vector_store %arg8[%swap3A_367, %swap3A_368], %swap3A_371 {strides = array<i32>} : memref<1x128xi32, #tpu.memory_space<vmem>>, vector<1x16xi32>,
      %get3A_372 = arith.constant 0 : i32
      %get3A_373 = arith.constant 1 : i32
      %get3A_374 = arith.index_cast %get3A_372 : i32 to index
      %get3A_375 = arith.index_cast %get3A_373 : i32 to index
      %get3A_376 = arith.constant 96 : index
      %get3A_377 = tpu.vector_load %arg6[%get3A_374, %get3A_375, %get3A_376] {strides = array<i32>} : memref<1x2x128xi32, #tpu.memory_space<vmem>>, vector<1x1x16xi32>,
      %get3A_378 = vector.shape_cast %get3A_377 : vector<1x1x16xi32> to vector<16xi32>
      %swap3A_379 = arith.constant 0 : i32
      %swap3A_380 = arith.index_cast %swap3A_379 : i32 to index
      %swap3A_381 = arith.constant 96 : index
      %swap3A_382 = tpu.vector_load %arg8[%swap3A_380, %swap3A_381] {strides = array<i32>} : memref<1x128xi32, #tpu.memory_space<vmem>>, vector<1x16xi32>,
      %swap3A_383 = vector.shape_cast %swap3A_382 : vector<1x16xi32> to vector<16xi32>
      %swap3A_384 = vector.shape_cast %get3A_378 : vector<16xi32> to vector<1x16xi32>
      tpu.vector_store %arg8[%swap3A_380, %swap3A_381], %swap3A_384 {strides = array<i32>} : memref<1x128xi32, #tpu.memory_space<vmem>>, vector<1x16xi32>,
      %get3A_385 = arith.constant 0 : i32
      %get3A_386 = arith.constant 1 : i32
      %get3A_387 = arith.index_cast %get3A_385 : i32 to index
      %get3A_388 = arith.index_cast %get3A_386 : i32 to index
      %get3A_389 = arith.constant 112 : index
      %get3A_390 = tpu.vector_load %arg6[%get3A_387, %get3A_388, %get3A_389] {strides = array<i32>} : memref<1x2x128xi32, #tpu.memory_space<vmem>>, vector<1x1x16xi32>,
      %get3A_391 = vector.shape_cast %get3A_390 : vector<1x1x16xi32> to vector<16xi32>
      %swap3A_392 = arith.constant 0 : i32
      %swap3A_393 = arith.index_cast %swap3A_392 : i32 to index
      %swap3A_394 = arith.constant 112 : index
      %swap3A_395 = tpu.vector_load %arg8[%swap3A_393, %swap3A_394] {strides = array<i32>} : memref<1x128xi32, #tpu.memory_space<vmem>>, vector<1x16xi32>,
      %swap3A_396 = vector.shape_cast %swap3A_395 : vector<1x16xi32> to vector<16xi32>
      %swap3A_397 = vector.shape_cast %get3A_391 : vector<16xi32> to vector<1x16xi32>
      tpu.vector_store %arg8[%swap3A_393, %swap3A_394], %swap3A_397 {strides = array<i32>} : memref<1x128xi32, #tpu.memory_space<vmem>>, vector<1x16xi32>,
      %dma_wait3A_398 = arith.constant 0 : i32
      %dma_wait3A_399 = arith.constant 0 : i32
      %dma_wait3A_400 = arith.constant 0 : i32
      %dma_wait3A_401 = arith.constant 0 : i32
      %dma_wait3A_402 = tpu.memref_slice %arg9[%dma_wait3A_398, %dma_wait3A_400, %dma_wait3A_401] : memref<2x128x128xf32, #tpu.memory_space<vmem>> -> memref<1x128x128xf32, #tpu.memory_space<vmem>>
      %dma_wait3A_403 = tpu.memref_squeeze %dma_wait3A_402 : memref<1x128x128xf32, #tpu.memory_space<vmem>> -> memref<128x128xf32, #tpu.memory_space<vmem>>
      %dma_wait3A_404 = arith.constant 0 : i32
      %dma_wait3A_405 = tpu.memref_slice %arg7[%dma_wait3A_399, %dma_wait3A_404] : memref<1x128xi32, #tpu.memory_space<vmem>> -> memref<1x128xi32, #tpu.memory_space<vmem>>
      %dma_wait3A_406 = tpu.memref_squeeze %dma_wait3A_405 : memref<1x128xi32, #tpu.memory_space<vmem>> -> memref<128xi32, #tpu.memory_space<vmem>>
      %dma_wait3A_407 = arith.constant 0 : i32
      %dma_wait3A_408 = arith.constant 0 : i32
      %dma_wait3A_409 = tpu.memref_slice %arg10[%dma_wait3A_407, %dma_wait3A_408] : memref<10240x128xf32, #tpu.memory_space<vmem_shared>> -> memref<10240x128xf32, #tpu.memory_space<vmem_shared>>
      tpu.wait_indirect_dma semaphore(%arg13 : memref<!tpu.dma_semaphore, #tpu.memory_space<semaphore_mem>>) src(%dma_wait3A_403 : memref<128x128xf32, #tpu.memory_space<vmem>>) dst(%dma_wait3A_409 : memref<10240x128xf32, #tpu.memory_space<vmem_shared>>)
      %add3A_410 = arith.constant 1 : i32
      %add3A_411 = arith.addi %scan3A_75, %add3A_410 : i32
      %lt3A_412 = arith.constant 80 : i32
      %lt3A_413 = arith.cmpi slt, %add3A_411, %lt3A_412 : i32
      %convert_element_type3A_414 = arith.extui %lt3A_413 : i1 to i32
      %cond3A_415 = arith.constant 0 : i32
      %cond3A_416 = arith.cmpi ne, %convert_element_type3A_414, %cond3A_415 : i32
      scf.if %cond3A_416 {
        %mul3A_429 = arith.constant 2 : i32
        %mul3A_430 = arith.muli %mul3A_429, %scan3A_75 : i32
        %add3A_431 = arith.constant 2 : i32
        %add3A_432 = arith.addi %mul3A_430, %add3A_431 : i32
        %mul3A_433 = arith.constant 1 : i32
        %mul3A_434 = arith.muli %add3A_432, %mul3A_433 : i32
        %dma_wait3A_435 = arith.constant 0 : i32
        %dma_wait3A_436 = arith.constant 0 : i32
        %dma_wait3A_437 = tpu.memref_slice %arg3[%arg0, %arg1, %mul3A_434, %dma_wait3A_435, %dma_wait3A_436] : memref<2x16x160x2x128xi32, #tpu.memory_space<hbm>> -> memref<1x1x1x2x128xi32, #tpu.memory_space<hbm>>
        %dma_wait3A_438 = tpu.memref_squeeze %dma_wait3A_437 : memref<1x1x1x2x128xi32, #tpu.memory_space<hbm>> -> memref<1x2x128xi32, #tpu.memory_space<hbm>>
        %dma_wait3A_439 = arith.constant 0 : i32
        %dma_wait3A_440 = arith.constant 0 : i32
        %dma_wait3A_441 = tpu.memref_slice %arg3[%arg0, %arg1, %mul3A_434, %dma_wait3A_439, %dma_wait3A_440] : memref<2x16x160x2x128xi32, #tpu.memory_space<hbm>> -> memref<1x1x1x2x128xi32, #tpu.memory_space<hbm>>
        %dma_wait3A_442 = tpu.memref_squeeze %dma_wait3A_441 : memref<1x1x1x2x128xi32, #tpu.memory_space<hbm>> -> memref<1x2x128xi32, #tpu.memory_space<hbm>>
        tpu.wait_dma2 semaphore(%arg15 : memref<!tpu.dma_semaphore, #tpu.memory_space<semaphore_mem>>) src(%dma_wait3A_442 : memref<1x2x128xi32, #tpu.memory_space<hbm>>) dst(%arg5 : memref<1x2x128xi32, #tpu.memory_space<vmem>>)
        %dma_start3A_443 = arith.constant 0 : i32
        %dma_start3A_444 = arith.constant 0 : i32
        %dma_start3A_445 = arith.constant 0 : i32
        %dma_start3A_446 = arith.constant 0 : i32
        %dma_start3A_447 = arith.constant 0 : i32
        %dma_start3A_448 = tpu.memref_slice %arg9[%dma_start3A_445, %dma_start3A_446, %dma_start3A_447] : memref<2x128x128xf32, #tpu.memory_space<vmem>> -> memref<1x64x128xf32, #tpu.memory_space<vmem>>
        %dma_start3A_449 = tpu.memref_squeeze %dma_start3A_448 : memref<1x64x128xf32, #tpu.memory_space<vmem>> -> memref<64x128xf32, #tpu.memory_space<vmem>>
        %dma_start3A_450 = arith.constant 0 : i32
        %dma_start3A_451 = tpu.memref_slice %arg5[%dma_start3A_443, %dma_start3A_444, %dma_start3A_450] : memref<1x2x128xi32, #tpu.memory_space<vmem>> -> memref<1x1x64xi32, #tpu.memory_space<vmem>>
        %dma_start3A_452 = tpu.memref_squeeze %dma_start3A_451 : memref<1x1x64xi32, #tpu.memory_space<vmem>> -> memref<64xi32, #tpu.memory_space<vmem>>
        %dma_start3A_453 = arith.constant 0 : i32
        %dma_start3A_454 = arith.constant 0 : i32
        %dma_start3A_455 = tpu.memref_slice %arg2[%dma_start3A_453, %dma_start3A_454] : memref<20480x128xf32, #tpu.memory_space<hbm>> -> memref<20480x128xf32, #tpu.memory_space<hbm>>
        tpu.enqueue_indirect_dma source(%dma_start3A_455 : memref<20480x128xf32, #tpu.memory_space<hbm>>) target(%dma_start3A_449 : memref<64x128xf32, #tpu.memory_space<vmem>>) offsets(%dma_start3A_452 : memref<64xi32, #tpu.memory_space<vmem>>) semaphore(%arg11 : memref<!tpu.dma_semaphore, #tpu.memory_space<semaphore_mem>>)
        %dma_start3A_456 = arith.constant 0 : i32
        %dma_start3A_457 = arith.constant 0 : i32
        %dma_start3A_458 = arith.constant 0 : i32
        %dma_start3A_459 = arith.constant 64 : i32
        %dma_start3A_460 = arith.constant 0 : i32
        %dma_start3A_461 = tpu.memref_slice %arg9[%dma_start3A_458, %dma_start3A_459, %dma_start3A_460] : memref<2x128x128xf32, #tpu.memory_space<vmem>> -> memref<1x64x128xf32, #tpu.memory_space<vmem>>
        %dma_start3A_462 = tpu.memref_squeeze %dma_start3A_461 : memref<1x64x128xf32, #tpu.memory_space<vmem>> -> memref<64x128xf32, #tpu.memory_space<vmem>>
        %dma_start3A_463 = arith.constant 64 : i32
        %dma_start3A_464 = tpu.memref_slice %arg5[%dma_start3A_456, %dma_start3A_457, %dma_start3A_463] : memref<1x2x128xi32, #tpu.memory_space<vmem>> -> memref<1x1x64xi32, #tpu.memory_space<vmem>>
        %dma_start3A_465 = tpu.memref_squeeze %dma_start3A_464 : memref<1x1x64xi32, #tpu.memory_space<vmem>> -> memref<64xi32, #tpu.memory_space<vmem>>
        %dma_start3A_466 = arith.constant 0 : i32
        %dma_start3A_467 = arith.constant 0 : i32
        %dma_start3A_468 = tpu.memref_slice %arg2[%dma_start3A_466, %dma_start3A_467] : memref<20480x128xf32, #tpu.memory_space<hbm>> -> memref<20480x128xf32, #tpu.memory_space<hbm>>
        tpu.enqueue_indirect_dma source(%dma_start3A_468 : memref<20480x128xf32, #tpu.memory_space<hbm>>) target(%dma_start3A_462 : memref<64x128xf32, #tpu.memory_space<vmem>>) offsets(%dma_start3A_465 : memref<64xi32, #tpu.memory_space<vmem>>) semaphore(%arg11 : memref<!tpu.dma_semaphore, #tpu.memory_space<semaphore_mem>>)
        %mul3A_469 = arith.constant 2 : i32
        %mul3A_470 = arith.muli %mul3A_469, %scan3A_75 : i32
        %add3A_471 = arith.constant 3 : i32
        %add3A_472 = arith.addi %mul3A_470, %add3A_471 : i32
        %mul3A_473 = arith.constant 1 : i32
        %mul3A_474 = arith.muli %add3A_472, %mul3A_473 : i32
        %dma_start3A_475 = arith.constant 0 : i32
        %dma_start3A_476 = arith.constant 0 : i32
        %dma_start3A_477 = tpu.memref_slice %arg3[%arg0, %arg1, %mul3A_474, %dma_start3A_475, %dma_start3A_476] : memref<2x16x160x2x128xi32, #tpu.memory_space<hbm>> -> memref<1x1x1x2x128xi32, #tpu.memory_space<hbm>>
        %dma_start3A_478 = tpu.memref_squeeze %dma_start3A_477 : memref<1x1x1x2x128xi32, #tpu.memory_space<hbm>> -> memref<1x2x128xi32, #tpu.memory_space<hbm>>
        %dma_start3A_479 = arith.constant 0 : i32
        %dma_start3A_480 = arith.constant 0 : i32
        %dma_start3A_481 = tpu.memref_slice %arg3[%arg0, %arg1, %mul3A_474, %dma_start3A_479, %dma_start3A_480] : memref<2x16x160x2x128xi32, #tpu.memory_space<hbm>> -> memref<1x1x1x2x128xi32, #tpu.memory_space<hbm>>
        %dma_start3A_482 = tpu.memref_squeeze %dma_start3A_481 : memref<1x1x1x2x128xi32, #tpu.memory_space<hbm>> -> memref<1x2x128xi32, #tpu.memory_space<hbm>>
        tpu.enqueue_dma source(%dma_start3A_482 : memref<1x2x128xi32, #tpu.memory_space<hbm>>) target(%arg6 : memref<1x2x128xi32, #tpu.memory_space<vmem>>) target_semaphore(%arg16 : memref<!tpu.dma_semaphore, #tpu.memory_space<semaphore_mem>>)
      } else {
      }
      %dma_start3A_417 = arith.constant 1 : i32
      %dma_start3A_418 = arith.constant 0 : i32
      %dma_start3A_419 = arith.constant 0 : i32
      %dma_start3A_420 = arith.constant 0 : i32
      %dma_start3A_421 = tpu.memref_slice %arg9[%dma_start3A_417, %dma_start3A_419, %dma_start3A_420] : memref<2x128x128xf32, #tpu.memory_space<vmem>> -> memref<1x128x128xf32, #tpu.memory_space<vmem>>
      %dma_start3A_422 = tpu.memref_squeeze %dma_start3A_421 : memref<1x128x128xf32, #tpu.memory_space<vmem>> -> memref<128x128xf32, #tpu.memory_space<vmem>>
      %dma_start3A_423 = arith.constant 0 : i32
      %dma_start3A_424 = tpu.memref_slice %arg8[%dma_start3A_418, %dma_start3A_423] : memref<1x128xi32, #tpu.memory_space<vmem>> -> memref<1x128xi32, #tpu.memory_space<vmem>>
      %dma_start3A_425 = tpu.memref_squeeze %dma_start3A_424 : memref<1x128xi32, #tpu.memory_space<vmem>> -> memref<128xi32, #tpu.memory_space<vmem>>
      %dma_start3A_426 = arith.constant 0 : i32
      %dma_start3A_427 = arith.constant 0 : i32
      %dma_start3A_428 = tpu.memref_slice %arg10[%dma_start3A_426, %dma_start3A_427] : memref<10240x128xf32, #tpu.memory_space<vmem_shared>> -> memref<10240x128xf32, #tpu.memory_space<vmem_shared>>
      tpu.enqueue_indirect_dma source(%dma_start3A_422 : memref<128x128xf32, #tpu.memory_space<vmem>>) target(%dma_start3A_428 : memref<10240x128xf32, #tpu.memory_space<vmem_shared>>) offsets(%dma_start3A_425 : memref<128xi32, #tpu.memory_space<vmem>>) semaphore(%arg14 : memref<!tpu.dma_semaphore, #tpu.memory_space<semaphore_mem>>) {add = true}
    }
    %scan3A_61 = arith.constant 80 : i32
    %dma_wait3A_62 = arith.constant 1 : i32
    %dma_wait3A_63 = arith.constant 0 : i32
    %dma_wait3A_64 = arith.constant 0 : i32
    %dma_wait3A_65 = arith.constant 0 : i32
    %dma_wait3A_66 = tpu.memref_slice %arg9[%dma_wait3A_62, %dma_wait3A_64, %dma_wait3A_65] : memref<2x128x128xf32, #tpu.memory_space<vmem>> -> memref<1x128x128xf32, #tpu.memory_space<vmem>>
    %dma_wait3A_67 = tpu.memref_squeeze %dma_wait3A_66 : memref<1x128x128xf32, #tpu.memory_space<vmem>> -> memref<128x128xf32, #tpu.memory_space<vmem>>
    %dma_wait3A_68 = arith.constant 0 : i32
    %dma_wait3A_69 = tpu.memref_slice %arg8[%dma_wait3A_63, %dma_wait3A_68] : memref<1x128xi32, #tpu.memory_space<vmem>> -> memref<1x128xi32, #tpu.memory_space<vmem>>
    %dma_wait3A_70 = tpu.memref_squeeze %dma_wait3A_69 : memref<1x128xi32, #tpu.memory_space<vmem>> -> memref<128xi32, #tpu.memory_space<vmem>>
    %dma_wait3A_71 = arith.constant 0 : i32
    %dma_wait3A_72 = arith.constant 0 : i32
    %dma_wait3A_73 = tpu.memref_slice %arg10[%dma_wait3A_71, %dma_wait3A_72] : memref<10240x128xf32, #tpu.memory_space<vmem_shared>> -> memref<10240x128xf32, #tpu.memory_space<vmem_shared>>
    tpu.wait_indirect_dma semaphore(%arg14 : memref<!tpu.dma_semaphore, #tpu.memory_space<semaphore_mem>>) src(%dma_wait3A_67 : memref<128x128xf32, #tpu.memory_space<vmem>>) dst(%dma_wait3A_73 : memref<10240x128xf32, #tpu.memory_space<vmem_shared>>)
    %barrier3A_74 = arith.constant 0 : index
    tpu.barrier barrier_id(%barrier3A_74)
    "tpu.region"() ({
      %run_scoped3A = tpu.sem_alloc : memref<!tpu.dma_semaphore, #tpu.memory_space<semaphore_mem>>
      %dma_start3A_75 = arith.constant 0 : i32
      %dma_start3A_76 = tpu.memref_slice %arg4[%arg0, %mul3A_0, %dma_start3A_75] : memref<2x10240x128xf32, #tpu.memory_space<hbm>> -> memref<1x640x128xf32, #tpu.memory_space<hbm>>
      %dma_start3A_77 = tpu.memref_squeeze %dma_start3A_76 : memref<1x640x128xf32, #tpu.memory_space<hbm>> -> memref<640x128xf32, #tpu.memory_space<hbm>>
      %dma_start3A_78 = arith.constant 0 : i32
      %dma_start3A_79 = tpu.memref_slice %arg10[%mul3A_0, %dma_start3A_78] : memref<10240x128xf32, #tpu.memory_space<vmem_shared>> -> memref<640x128xf32, #tpu.memory_space<vmem_shared>>
      tpu.enqueue_dma source(%dma_start3A_79 : memref<640x128xf32, #tpu.memory_space<vmem_shared>>) target(%dma_start3A_77 : memref<640x128xf32, #tpu.memory_space<hbm>>) target_semaphore(%run_scoped3A : memref<!tpu.dma_semaphore, #tpu.memory_space<semaphore_mem>>)
      %dma_wait3A_80 = arith.constant 0 : i32
      %dma_wait3A_81 = tpu.memref_slice %arg4[%arg0, %mul3A_0, %dma_wait3A_80] : memref<2x10240x128xf32, #tpu.memory_space<hbm>> -> memref<1x640x128xf32, #tpu.memory_space<hbm>>
      %dma_wait3A_82 = tpu.memref_squeeze %dma_wait3A_81 : memref<1x640x128xf32, #tpu.memory_space<hbm>> -> memref<640x128xf32, #tpu.memory_space<hbm>>
      %dma_wait3A_83 = arith.constant 0 : i32
      %dma_wait3A_84 = tpu.memref_slice %arg10[%mul3A_0, %dma_wait3A_83] : memref<10240x128xf32, #tpu.memory_space<vmem_shared>> -> memref<640x128xf32, #tpu.memory_space<vmem_shared>>
      tpu.wait_dma2 semaphore(%run_scoped3A : memref<!tpu.dma_semaphore, #tpu.memory_space<semaphore_mem>>) src(%dma_wait3A_84 : memref<640x128xf32, #tpu.memory_space<vmem_shared>>) dst(%dma_wait3A_82 : memref<640x128xf32, #tpu.memory_space<hbm>>)
      tpu.yield
    }) : () -> ()
    return
  }
}

#map = affine_map<(d0, d1) -> (0, 0)>
#map1 = affine_map<(d0, d1) -> (0, 0, 0, 0, 0)>
#map2 = affine_map<(d0, d1) -> (0, 0, 0)>
module attributes {stable_mosaic.version = 14 : i64} {
  func.func @_msg_kernel(%arg0: i32, %arg1: i32, %arg2: memref<20480x128xf32, #tpu.memory_space<hbm>>, %arg3: memref<2x16x160x2x128xi32, #tpu.memory_space<hbm>>, %arg4: memref<2x10240x128xf32, #tpu.memory_space<hbm>>, %arg5: memref<1x2x128xi32, #tpu.memory_space<vmem>>, %arg6: memref<1x2x128xi32, #tpu.memory_space<vmem>>, %arg7: memref<1x128xi32, #tpu.memory_space<vmem>>, %arg8: memref<1x128xi32, #tpu.memory_space<vmem>>, %arg9: memref<2x128x128xf32, #tpu.memory_space<vmem>>, %arg10: memref<10240x128xf32, #tpu.memory_space<vmem_shared>>, %arg11: memref<!tpu.dma_semaphore, #tpu.memory_space<semaphore_mem>>, %arg12: memref<!tpu.dma_semaphore, #tpu.memory_space<semaphore_mem>>, %arg13: memref<!tpu.dma_semaphore, #tpu.memory_space<semaphore_mem>>, %arg14: memref<!tpu.dma_semaphore, #tpu.memory_space<semaphore_mem>>, %arg15: memref<!tpu.dma_semaphore, #tpu.memory_space<semaphore_mem>>, %arg16: memref<!tpu.dma_semaphore, #tpu.memory_space<semaphore_mem>>) attributes {dimension_semantics = [#tpu.dimension_semantics<core_parallel>, #tpu.dimension_semantics<subcore_parallel>], iteration_bounds = array<i64: 2, 16>, scalar_prefetch = 0 : i64, scratch_operands = 12 : i64, tpu.core_type = #tpu.core_type<sc_vector_subcore>, window_params = [{transform_indices = #map}, {transform_indices = #map1}, {transform_indices = #map2}]} {
    %mul3A = arith.constant 640 : i32
    %mul3A_0 = arith.muli %arg1, %mul3A : i32
    %dma_start3A = arith.constant 0 : i32
    %dma_start3A_1 = arith.constant 0 : i32
    %dma_start3A_2 = arith.constant 0 : i32
    %dma_start3A_3 = tpu.memref_slice %arg3[%arg0, %arg1, %dma_start3A, %dma_start3A_1, %dma_start3A_2] : memref<2x16x160x2x128xi32, #tpu.memory_space<hbm>> -> memref<1x1x1x2x128xi32, #tpu.memory_space<hbm>>
    %dma_start3A_4 = tpu.memref_squeeze %dma_start3A_3 : memref<1x1x1x2x128xi32, #tpu.memory_space<hbm>> -> memref<1x2x128xi32, #tpu.memory_space<hbm>>
    %dma_start3A_5 = arith.constant 0 : i32
    %dma_start3A_6 = arith.constant 0 : i32
    %dma_start3A_7 = arith.constant 0 : i32
    %dma_start3A_8 = tpu.memref_slice %arg3[%arg0, %arg1, %dma_start3A_5, %dma_start3A_6, %dma_start3A_7] : memref<2x16x160x2x128xi32, #tpu.memory_space<hbm>> -> memref<1x1x1x2x128xi32, #tpu.memory_space<hbm>>
    %dma_start3A_9 = tpu.memref_squeeze %dma_start3A_8 : memref<1x1x1x2x128xi32, #tpu.memory_space<hbm>> -> memref<1x2x128xi32, #tpu.memory_space<hbm>>
    tpu.enqueue_dma source(%dma_start3A_9 : memref<1x2x128xi32, #tpu.memory_space<hbm>>) target(%arg5 : memref<1x2x128xi32, #tpu.memory_space<vmem>>) target_semaphore(%arg15 : memref<!tpu.dma_semaphore, #tpu.memory_space<semaphore_mem>>)
    %mul3A_10 = arith.constant 10240 : i32
    %mul3A_11 = arith.muli %arg0, %mul3A_10 : i32
    %add3A = arith.addi %mul3A_11, %mul3A_0 : i32
    "tpu.region"() ({
      %run_scoped3A = tpu.sem_alloc : memref<!tpu.dma_semaphore, #tpu.memory_space<semaphore_mem>>
      %dma_start3A_75 = arith.constant 0 : i32
      %dma_start3A_76 = tpu.memref_slice %arg10[%mul3A_0, %dma_start3A_75] : memref<10240x128xf32, #tpu.memory_space<vmem_shared>> -> memref<640x128xf32, #tpu.memory_space<vmem_shared>>
      %dma_start3A_77 = arith.constant 0 : i32
      %dma_start3A_78 = tpu.memref_slice %arg2[%add3A, %dma_start3A_77] : memref<20480x128xf32, #tpu.memory_space<hbm>> -> memref<640x128xf32, #tpu.memory_space<hbm>>
      tpu.enqueue_dma source(%dma_start3A_78 : memref<640x128xf32, #tpu.memory_space<hbm>>) target(%dma_start3A_76 : memref<640x128xf32, #tpu.memory_space<vmem_shared>>) target_semaphore(%run_scoped3A : memref<!tpu.dma_semaphore, #tpu.memory_space<semaphore_mem>>)
      %dma_wait3A_79 = arith.constant 0 : i32
      %dma_wait3A_80 = tpu.memref_slice %arg10[%mul3A_0, %dma_wait3A_79] : memref<10240x128xf32, #tpu.memory_space<vmem_shared>> -> memref<640x128xf32, #tpu.memory_space<vmem_shared>>
      %dma_wait3A_81 = arith.constant 0 : i32
      %dma_wait3A_82 = tpu.memref_slice %arg2[%add3A, %dma_wait3A_81] : memref<20480x128xf32, #tpu.memory_space<hbm>> -> memref<640x128xf32, #tpu.memory_space<hbm>>
      tpu.wait_dma2 semaphore(%run_scoped3A : memref<!tpu.dma_semaphore, #tpu.memory_space<semaphore_mem>>) src(%dma_wait3A_82 : memref<640x128xf32, #tpu.memory_space<hbm>>) dst(%dma_wait3A_80 : memref<640x128xf32, #tpu.memory_space<vmem_shared>>)
      tpu.yield
    }) : () -> ()
    %dma_wait3A = arith.constant 0 : i32
    %dma_wait3A_12 = arith.constant 0 : i32
    %dma_wait3A_13 = arith.constant 0 : i32
    %dma_wait3A_14 = tpu.memref_slice %arg3[%arg0, %arg1, %dma_wait3A, %dma_wait3A_12, %dma_wait3A_13] : memref<2x16x160x2x128xi32, #tpu.memory_space<hbm>> -> memref<1x1x1x2x128xi32, #tpu.memory_space<hbm>>
    %dma_wait3A_15 = tpu.memref_squeeze %dma_wait3A_14 : memref<1x1x1x2x128xi32, #tpu.memory_space<hbm>> -> memref<1x2x128xi32, #tpu.memory_space<hbm>>
    %dma_wait3A_16 = arith.constant 0 : i32
    %dma_wait3A_17 = arith.constant 0 : i32
    %dma_wait3A_18 = arith.constant 0 : i32
    %dma_wait3A_19 = tpu.memref_slice %arg3[%arg0, %arg1, %dma_wait3A_16, %dma_wait3A_17, %dma_wait3A_18] : memref<2x16x160x2x128xi32, #tpu.memory_space<hbm>> -> memref<1x1x1x2x128xi32, #tpu.memory_space<hbm>>
    %dma_wait3A_20 = tpu.memref_squeeze %dma_wait3A_19 : memref<1x1x1x2x128xi32, #tpu.memory_space<hbm>> -> memref<1x2x128xi32, #tpu.memory_space<hbm>>
    tpu.wait_dma2 semaphore(%arg15 : memref<!tpu.dma_semaphore, #tpu.memory_space<semaphore_mem>>) src(%dma_wait3A_20 : memref<1x2x128xi32, #tpu.memory_space<hbm>>) dst(%arg5 : memref<1x2x128xi32, #tpu.memory_space<vmem>>)
    %dma_start3A_21 = arith.constant 0 : i32
    %dma_start3A_22 = arith.constant 0 : i32
    %dma_start3A_23 = arith.constant 0 : i32
    %dma_start3A_24 = arith.constant 0 : i32
    %dma_start3A_25 = arith.constant 0 : i32
    %dma_start3A_26 = tpu.memref_slice %arg9[%dma_start3A_23, %dma_start3A_24, %dma_start3A_25] : memref<2x128x128xf32, #tpu.memory_space<vmem>> -> memref<1x64x128xf32, #tpu.memory_space<vmem>>
    %dma_start3A_27 = tpu.memref_squeeze %dma_start3A_26 : memref<1x64x128xf32, #tpu.memory_space<vmem>> -> memref<64x128xf32, #tpu.memory_space<vmem>>
    %dma_start3A_28 = arith.constant 0 : i32
    %dma_start3A_29 = tpu.memref_slice %arg5[%dma_start3A_21, %dma_start3A_22, %dma_start3A_28] : memref<1x2x128xi32, #tpu.memory_space<vmem>> -> memref<1x1x64xi32, #tpu.memory_space<vmem>>
    %dma_start3A_30 = tpu.memref_squeeze %dma_start3A_29 : memref<1x1x64xi32, #tpu.memory_space<vmem>> -> memref<64xi32, #tpu.memory_space<vmem>>
    %dma_start3A_31 = arith.constant 0 : i32
    %dma_start3A_32 = arith.constant 0 : i32
    %dma_start3A_33 = tpu.memref_slice %arg2[%dma_start3A_31, %dma_start3A_32] : memref<20480x128xf32, #tpu.memory_space<hbm>> -> memref<20480x128xf32, #tpu.memory_space<hbm>>
    tpu.enqueue_indirect_dma source(%dma_start3A_33 : memref<20480x128xf32, #tpu.memory_space<hbm>>) target(%dma_start3A_27 : memref<64x128xf32, #tpu.memory_space<vmem>>) offsets(%dma_start3A_30 : memref<64xi32, #tpu.memory_space<vmem>>) semaphore(%arg11 : memref<!tpu.dma_semaphore, #tpu.memory_space<semaphore_mem>>)
    %dma_start3A_34 = arith.constant 0 : i32
    %dma_start3A_35 = arith.constant 0 : i32
    %dma_start3A_36 = arith.constant 0 : i32
    %dma_start3A_37 = arith.constant 64 : i32
    %dma_start3A_38 = arith.constant 0 : i32
    %dma_start3A_39 = tpu.memref_slice %arg9[%dma_start3A_36, %dma_start3A_37, %dma_start3A_38] : memref<2x128x128xf32, #tpu.memory_space<vmem>> -> memref<1x64x128xf32, #tpu.memory_space<vmem>>
    %dma_start3A_40 = tpu.memref_squeeze %dma_start3A_39 : memref<1x64x128xf32, #tpu.memory_space<vmem>> -> memref<64x128xf32, #tpu.memory_space<vmem>>
    %dma_start3A_41 = arith.constant 64 : i32
    %dma_start3A_42 = tpu.memref_slice %arg5[%dma_start3A_34, %dma_start3A_35, %dma_start3A_41] : memref<1x2x128xi32, #tpu.memory_space<vmem>> -> memref<1x1x64xi32, #tpu.memory_space<vmem>>
    %dma_start3A_43 = tpu.memref_squeeze %dma_start3A_42 : memref<1x1x64xi32, #tpu.memory_space<vmem>> -> memref<64xi32, #tpu.memory_space<vmem>>
    %dma_start3A_44 = arith.constant 0 : i32
    %dma_start3A_45 = arith.constant 0 : i32
    %dma_start3A_46 = tpu.memref_slice %arg2[%dma_start3A_44, %dma_start3A_45] : memref<20480x128xf32, #tpu.memory_space<hbm>> -> memref<20480x128xf32, #tpu.memory_space<hbm>>
    tpu.enqueue_indirect_dma source(%dma_start3A_46 : memref<20480x128xf32, #tpu.memory_space<hbm>>) target(%dma_start3A_40 : memref<64x128xf32, #tpu.memory_space<vmem>>) offsets(%dma_start3A_43 : memref<64xi32, #tpu.memory_space<vmem>>) semaphore(%arg11 : memref<!tpu.dma_semaphore, #tpu.memory_space<semaphore_mem>>)
    %dma_start3A_47 = arith.constant 1 : i32
    %dma_start3A_48 = arith.constant 0 : i32
    %dma_start3A_49 = arith.constant 0 : i32
    %dma_start3A_50 = tpu.memref_slice %arg3[%arg0, %arg1, %dma_start3A_47, %dma_start3A_48, %dma_start3A_49] : memref<2x16x160x2x128xi32, #tpu.memory_space<hbm>> -> memref<1x1x1x2x128xi32, #tpu.memory_space<hbm>>
    %dma_start3A_51 = tpu.memref_squeeze %dma_start3A_50 : memref<1x1x1x2x128xi32, #tpu.memory_space<hbm>> -> memref<1x2x128xi32, #tpu.memory_space<hbm>>
    %dma_start3A_52 = arith.constant 1 : i32
    %dma_start3A_53 = arith.constant 0 : i32
    %dma_start3A_54 = arith.constant 0 : i32
    %dma_start3A_55 = tpu.memref_slice %arg3[%arg0, %arg1, %dma_start3A_52, %dma_start3A_53, %dma_start3A_54] : memref<2x16x160x2x128xi32, #tpu.memory_space<hbm>> -> memref<1x1x1x2x128xi32, #tpu.memory_space<hbm>>
    %dma_start3A_56 = tpu.memref_squeeze %dma_start3A_55 : memref<1x1x1x2x128xi32, #tpu.memory_space<hbm>> -> memref<1x2x128xi32, #tpu.memory_space<hbm>>
    tpu.enqueue_dma source(%dma_start3A_56 : memref<1x2x128xi32, #tpu.memory_space<hbm>>) target(%arg6 : memref<1x2x128xi32, #tpu.memory_space<vmem>>) target_semaphore(%arg16 : memref<!tpu.dma_semaphore, #tpu.memory_space<semaphore_mem>>)
    %barrier3A = arith.constant 0 : index
    tpu.barrier barrier_id(%barrier3A)
    %scan3A = arith.constant 0 : i32
    %scan3A_57 = arith.constant 0 : i32
    %scan3A_58 = arith.constant 80 : i32
    %scan3A_59 = arith.addi %scan3A_57, %scan3A_58 : i32
    %scan3A_60 = arith.constant 1 : i32
    scf.for %scan3A_75 = %scan3A_57 to %scan3A_59 step %scan3A_60  : i32 {
      %mul3A_76 = arith.constant 2 : i32
      %mul3A_77 = arith.muli %mul3A_76, %scan3A_75 : i32
      %mul3A_78 = arith.constant 1 : i32
      %mul3A_79 = arith.muli %mul3A_77, %mul3A_78 : i32
      %mul3A_80 = arith.constant 2 : i32
      %mul3A_81 = arith.muli %mul3A_80, %scan3A_75 : i32
      %add3A_82 = arith.constant 1 : i32
      %add3A_83 = arith.addi %mul3A_81, %add3A_82 : i32
      %mul3A_84 = arith.constant 1 : i32
      %mul3A_85 = arith.muli %add3A_83, %mul3A_84 : i32
      %gt3A = arith.constant 0 : i32
      %gt3A_86 = arith.cmpi sgt, %scan3A_75, %gt3A : i32
      %convert_element_type3A = arith.extui %gt3A_86 : i1 to i32
      %cond3A = arith.constant 0 : i32
      %cond3A_87 = arith.cmpi ne, %convert_element_type3A, %cond3A : i32
      scf.if %cond3A_87 {
        %dma_wait3A_429 = arith.constant 1 : i32
        %dma_wait3A_430 = arith.constant 0 : i32
        %dma_wait3A_431 = arith.constant 0 : i32
        %dma_wait3A_432 = arith.constant 0 : i32
        %dma_wait3A_433 = tpu.memref_slice %arg9[%dma_wait3A_429, %dma_wait3A_431, %dma_wait3A_432] : memref<2x128x128xf32, #tpu.memory_space<vmem>> -> memref<1x128x128xf32, #tpu.memory_space<vmem>>
        %dma_wait3A_434 = tpu.memref_squeeze %dma_wait3A_433 : memref<1x128x128xf32, #tpu.memory_space<vmem>> -> memref<128x128xf32, #tpu.memory_space<vmem>>
        %dma_wait3A_435 = arith.constant 0 : i32
        %dma_wait3A_436 = tpu.memref_slice %arg8[%dma_wait3A_430, %dma_wait3A_435] : memref<1x128xi32, #tpu.memory_space<vmem>> -> memref<1x128xi32, #tpu.memory_space<vmem>>
        %dma_wait3A_437 = tpu.memref_squeeze %dma_wait3A_436 : memref<1x128xi32, #tpu.memory_space<vmem>> -> memref<128xi32, #tpu.memory_space<vmem>>
        %dma_wait3A_438 = arith.constant 0 : i32
        %dma_wait3A_439 = arith.constant 0 : i32
        %dma_wait3A_440 = tpu.memref_slice %arg10[%dma_wait3A_438, %dma_wait3A_439] : memref<10240x128xf32, #tpu.memory_space<vmem_shared>> -> memref<10240x128xf32, #tpu.memory_space<vmem_shared>>
        tpu.wait_indirect_dma semaphore(%arg14 : memref<!tpu.dma_semaphore, #tpu.memory_space<semaphore_mem>>) src(%dma_wait3A_434 : memref<128x128xf32, #tpu.memory_space<vmem>>) dst(%dma_wait3A_440 : memref<10240x128xf32, #tpu.memory_space<vmem_shared>>)
      } else {
      }
      %dma_wait3A_88 = arith.constant 0 : i32
      %dma_wait3A_89 = arith.constant 0 : i32
      %dma_wait3A_90 = tpu.memref_slice %arg3[%arg0, %arg1, %mul3A_85, %dma_wait3A_88, %dma_wait3A_89] : memref<2x16x160x2x128xi32, #tpu.memory_space<hbm>> -> memref<1x1x1x2x128xi32, #tpu.memory_space<hbm>>
      %dma_wait3A_91 = tpu.memref_squeeze %dma_wait3A_90 : memref<1x1x1x2x128xi32, #tpu.memory_space<hbm>> -> memref<1x2x128xi32, #tpu.memory_space<hbm>>
      %dma_wait3A_92 = arith.constant 0 : i32
      %dma_wait3A_93 = arith.constant 0 : i32
      %dma_wait3A_94 = tpu.memref_slice %arg3[%arg0, %arg1, %mul3A_85, %dma_wait3A_92, %dma_wait3A_93] : memref<2x16x160x2x128xi32, #tpu.memory_space<hbm>> -> memref<1x1x1x2x128xi32, #tpu.memory_space<hbm>>
      %dma_wait3A_95 = tpu.memref_squeeze %dma_wait3A_94 : memref<1x1x1x2x128xi32, #tpu.memory_space<hbm>> -> memref<1x2x128xi32, #tpu.memory_space<hbm>>
      tpu.wait_dma2 semaphore(%arg16 : memref<!tpu.dma_semaphore, #tpu.memory_space<semaphore_mem>>) src(%dma_wait3A_95 : memref<1x2x128xi32, #tpu.memory_space<hbm>>) dst(%arg6 : memref<1x2x128xi32, #tpu.memory_space<vmem>>)
      %dma_start3A_96 = arith.constant 0 : i32
      %dma_start3A_97 = arith.constant 0 : i32
      %dma_start3A_98 = arith.constant 1 : i32
      %dma_start3A_99 = arith.constant 0 : i32
      %dma_start3A_100 = arith.constant 0 : i32
      %dma_start3A_101 = tpu.memref_slice %arg9[%dma_start3A_98, %dma_start3A_99, %dma_start3A_100] : memref<2x128x128xf32, #tpu.memory_space<vmem>> -> memref<1x64x128xf32, #tpu.memory_space<vmem>>
      %dma_start3A_102 = tpu.memref_squeeze %dma_start3A_101 : memref<1x64x128xf32, #tpu.memory_space<vmem>> -> memref<64x128xf32, #tpu.memory_space<vmem>>
      %dma_start3A_103 = arith.constant 0 : i32
      %dma_start3A_104 = tpu.memref_slice %arg6[%dma_start3A_96, %dma_start3A_97, %dma_start3A_103] : memref<1x2x128xi32, #tpu.memory_space<vmem>> -> memref<1x1x64xi32, #tpu.memory_space<vmem>>
      %dma_start3A_105 = tpu.memref_squeeze %dma_start3A_104 : memref<1x1x64xi32, #tpu.memory_space<vmem>> -> memref<64xi32, #tpu.memory_space<vmem>>
      %dma_start3A_106 = arith.constant 0 : i32
      %dma_start3A_107 = arith.constant 0 : i32
      %dma_start3A_108 = tpu.memref_slice %arg2[%dma_start3A_106, %dma_start3A_107] : memref<20480x128xf32, #tpu.memory_space<hbm>> -> memref<20480x128xf32, #tpu.memory_space<hbm>>
      tpu.enqueue_indirect_dma source(%dma_start3A_108 : memref<20480x128xf32, #tpu.memory_space<hbm>>) target(%dma_start3A_102 : memref<64x128xf32, #tpu.memory_space<vmem>>) offsets(%dma_start3A_105 : memref<64xi32, #tpu.memory_space<vmem>>) semaphore(%arg12 : memref<!tpu.dma_semaphore, #tpu.memory_space<semaphore_mem>>)
      %dma_start3A_109 = arith.constant 0 : i32
      %dma_start3A_110 = arith.constant 0 : i32
      %dma_start3A_111 = arith.constant 1 : i32
      %dma_start3A_112 = arith.constant 64 : i32
      %dma_start3A_113 = arith.constant 0 : i32
      %dma_start3A_114 = tpu.memref_slice %arg9[%dma_start3A_111, %dma_start3A_112, %dma_start3A_113] : memref<2x128x128xf32, #tpu.memory_space<vmem>> -> memref<1x64x128xf32, #tpu.memory_space<vmem>>
      %dma_start3A_115 = tpu.memref_squeeze %dma_start3A_114 : memref<1x64x128xf32, #tpu.memory_space<vmem>> -> memref<64x128xf32, #tpu.memory_space<vmem>>
      %dma_start3A_116 = arith.constant 64 : i32
      %dma_start3A_117 = tpu.memref_slice %arg6[%dma_start3A_109, %dma_start3A_110, %dma_start3A_116] : memref<1x2x128xi32, #tpu.memory_space<vmem>> -> memref<1x1x64xi32, #tpu.memory_space<vmem>>
      %dma_start3A_118 = tpu.memref_squeeze %dma_start3A_117 : memref<1x1x64xi32, #tpu.memory_space<vmem>> -> memref<64xi32, #tpu.memory_space<vmem>>
      %dma_start3A_119 = arith.constant 0 : i32
      %dma_start3A_120 = arith.constant 0 : i32
      %dma_start3A_121 = tpu.memref_slice %arg2[%dma_start3A_119, %dma_start3A_120] : memref<20480x128xf32, #tpu.memory_space<hbm>> -> memref<20480x128xf32, #tpu.memory_space<hbm>>
      tpu.enqueue_indirect_dma source(%dma_start3A_121 : memref<20480x128xf32, #tpu.memory_space<hbm>>) target(%dma_start3A_115 : memref<64x128xf32, #tpu.memory_space<vmem>>) offsets(%dma_start3A_118 : memref<64xi32, #tpu.memory_space<vmem>>) semaphore(%arg12 : memref<!tpu.dma_semaphore, #tpu.memory_space<semaphore_mem>>)
      %dma_wait3A_122 = arith.constant 0 : i32
      %dma_wait3A_123 = arith.constant 0 : i32
      %dma_wait3A_124 = arith.constant 0 : i32
      %dma_wait3A_125 = arith.constant 0 : i32
      %dma_wait3A_126 = arith.constant 0 : i32
      %dma_wait3A_127 = tpu.memref_slice %arg9[%dma_wait3A_124, %dma_wait3A_125, %dma_wait3A_126] : memref<2x128x128xf32, #tpu.memory_space<vmem>> -> memref<1x64x128xf32, #tpu.memory_space<vmem>>
      %dma_wait3A_128 = tpu.memref_squeeze %dma_wait3A_127 : memref<1x64x128xf32, #tpu.memory_space<vmem>> -> memref<64x128xf32, #tpu.memory_space<vmem>>
      %dma_wait3A_129 = arith.constant 0 : i32
      %dma_wait3A_130 = tpu.memref_slice %arg5[%dma_wait3A_122, %dma_wait3A_123, %dma_wait3A_129] : memref<1x2x128xi32, #tpu.memory_space<vmem>> -> memref<1x1x64xi32, #tpu.memory_space<vmem>>
      %dma_wait3A_131 = tpu.memref_squeeze %dma_wait3A_130 : memref<1x1x64xi32, #tpu.memory_space<vmem>> -> memref<64xi32, #tpu.memory_space<vmem>>
      %dma_wait3A_132 = arith.constant 0 : i32
      %dma_wait3A_133 = arith.constant 0 : i32
      %dma_wait3A_134 = tpu.memref_slice %arg2[%dma_wait3A_132, %dma_wait3A_133] : memref<20480x128xf32, #tpu.memory_space<hbm>> -> memref<20480x128xf32, #tpu.memory_space<hbm>>
      tpu.wait_indirect_dma semaphore(%arg11 : memref<!tpu.dma_semaphore, #tpu.memory_space<semaphore_mem>>) src(%dma_wait3A_134 : memref<20480x128xf32, #tpu.memory_space<hbm>>) dst(%dma_wait3A_128 : memref<64x128xf32, #tpu.memory_space<vmem>>)
      %dma_wait3A_135 = arith.constant 0 : i32
      %dma_wait3A_136 = arith.constant 0 : i32
      %dma_wait3A_137 = arith.constant 0 : i32
      %dma_wait3A_138 = arith.constant 64 : i32
      %dma_wait3A_139 = arith.constant 0 : i32
      %dma_wait3A_140 = tpu.memref_slice %arg9[%dma_wait3A_137, %dma_wait3A_138, %dma_wait3A_139] : memref<2x128x128xf32, #tpu.memory_space<vmem>> -> memref<1x64x128xf32, #tpu.memory_space<vmem>>
      %dma_wait3A_141 = tpu.memref_squeeze %dma_wait3A_140 : memref<1x64x128xf32, #tpu.memory_space<vmem>> -> memref<64x128xf32, #tpu.memory_space<vmem>>
      %dma_wait3A_142 = arith.constant 64 : i32
      %dma_wait3A_143 = tpu.memref_slice %arg5[%dma_wait3A_135, %dma_wait3A_136, %dma_wait3A_142] : memref<1x2x128xi32, #tpu.memory_space<vmem>> -> memref<1x1x64xi32, #tpu.memory_space<vmem>>
      %dma_wait3A_144 = tpu.memref_squeeze %dma_wait3A_143 : memref<1x1x64xi32, #tpu.memory_space<vmem>> -> memref<64xi32, #tpu.memory_space<vmem>>
      %dma_wait3A_145 = arith.constant 0 : i32
      %dma_wait3A_146 = arith.constant 0 : i32
      %dma_wait3A_147 = tpu.memref_slice %arg2[%dma_wait3A_145, %dma_wait3A_146] : memref<20480x128xf32, #tpu.memory_space<hbm>> -> memref<20480x128xf32, #tpu.memory_space<hbm>>
      tpu.wait_indirect_dma semaphore(%arg11 : memref<!tpu.dma_semaphore, #tpu.memory_space<semaphore_mem>>) src(%dma_wait3A_147 : memref<20480x128xf32, #tpu.memory_space<hbm>>) dst(%dma_wait3A_141 : memref<64x128xf32, #tpu.memory_space<vmem>>)
      %get3A = arith.constant 0 : i32
      %get3A_148 = arith.constant 1 : i32
      %get3A_149 = arith.index_cast %get3A : i32 to index
      %get3A_150 = arith.index_cast %get3A_148 : i32 to index
      %get3A_151 = arith.constant 0 : index
      %get3A_152 = tpu.vector_load %arg5[%get3A_149, %get3A_150, %get3A_151] {strides = array<i32>} : memref<1x2x128xi32, #tpu.memory_space<vmem>>, vector<1x1x16xi32>,
      %get3A_153 = vector.shape_cast %get3A_152 : vector<1x1x16xi32> to vector<16xi32>
      %swap3A = arith.constant 0 : i32
      %swap3A_154 = arith.index_cast %swap3A : i32 to index
      %swap3A_155 = arith.constant 0 : index
      %swap3A_156 = tpu.vector_load %arg7[%swap3A_154, %swap3A_155] {strides = array<i32>} : memref<1x128xi32, #tpu.memory_space<vmem>>, vector<1x16xi32>,
      %swap3A_157 = vector.shape_cast %swap3A_156 : vector<1x16xi32> to vector<16xi32>
      %swap3A_158 = vector.shape_cast %get3A_153 : vector<16xi32> to vector<1x16xi32>
      tpu.vector_store %arg7[%swap3A_154, %swap3A_155], %swap3A_158 {strides = array<i32>} : memref<1x128xi32, #tpu.memory_space<vmem>>, vector<1x16xi32>,
      %get3A_159 = arith.constant 0 : i32
      %get3A_160 = arith.constant 1 : i32
      %get3A_161 = arith.index_cast %get3A_159 : i32 to index
      %get3A_162 = arith.index_cast %get3A_160 : i32 to index
      %get3A_163 = arith.constant 16 : index
      %get3A_164 = tpu.vector_load %arg5[%get3A_161, %get3A_162, %get3A_163] {strides = array<i32>} : memref<1x2x128xi32, #tpu.memory_space<vmem>>, vector<1x1x16xi32>,
      %get3A_165 = vector.shape_cast %get3A_164 : vector<1x1x16xi32> to vector<16xi32>
      %swap3A_166 = arith.constant 0 : i32
      %swap3A_167 = arith.index_cast %swap3A_166 : i32 to index
      %swap3A_168 = arith.constant 16 : index
      %swap3A_169 = tpu.vector_load %arg7[%swap3A_167, %swap3A_168] {strides = array<i32>} : memref<1x128xi32, #tpu.memory_space<vmem>>, vector<1x16xi32>,
      %swap3A_170 = vector.shape_cast %swap3A_169 : vector<1x16xi32> to vector<16xi32>
      %swap3A_171 = vector.shape_cast %get3A_165 : vector<16xi32> to vector<1x16xi32>
      tpu.vector_store %arg7[%swap3A_167, %swap3A_168], %swap3A_171 {strides = array<i32>} : memref<1x128xi32, #tpu.memory_space<vmem>>, vector<1x16xi32>,
      %get3A_172 = arith.constant 0 : i32
      %get3A_173 = arith.constant 1 : i32
      %get3A_174 = arith.index_cast %get3A_172 : i32 to index
      %get3A_175 = arith.index_cast %get3A_173 : i32 to index
      %get3A_176 = arith.constant 32 : index
      %get3A_177 = tpu.vector_load %arg5[%get3A_174, %get3A_175, %get3A_176] {strides = array<i32>} : memref<1x2x128xi32, #tpu.memory_space<vmem>>, vector<1x1x16xi32>,
      %get3A_178 = vector.shape_cast %get3A_177 : vector<1x1x16xi32> to vector<16xi32>
      %swap3A_179 = arith.constant 0 : i32
      %swap3A_180 = arith.index_cast %swap3A_179 : i32 to index
      %swap3A_181 = arith.constant 32 : index
      %swap3A_182 = tpu.vector_load %arg7[%swap3A_180, %swap3A_181] {strides = array<i32>} : memref<1x128xi32, #tpu.memory_space<vmem>>, vector<1x16xi32>,
      %swap3A_183 = vector.shape_cast %swap3A_182 : vector<1x16xi32> to vector<16xi32>
      %swap3A_184 = vector.shape_cast %get3A_178 : vector<16xi32> to vector<1x16xi32>
      tpu.vector_store %arg7[%swap3A_180, %swap3A_181], %swap3A_184 {strides = array<i32>} : memref<1x128xi32, #tpu.memory_space<vmem>>, vector<1x16xi32>,
      %get3A_185 = arith.constant 0 : i32
      %get3A_186 = arith.constant 1 : i32
      %get3A_187 = arith.index_cast %get3A_185 : i32 to index
      %get3A_188 = arith.index_cast %get3A_186 : i32 to index
      %get3A_189 = arith.constant 48 : index
      %get3A_190 = tpu.vector_load %arg5[%get3A_187, %get3A_188, %get3A_189] {strides = array<i32>} : memref<1x2x128xi32, #tpu.memory_space<vmem>>, vector<1x1x16xi32>,
      %get3A_191 = vector.shape_cast %get3A_190 : vector<1x1x16xi32> to vector<16xi32>
      %swap3A_192 = arith.constant 0 : i32
      %swap3A_193 = arith.index_cast %swap3A_192 : i32 to index
      %swap3A_194 = arith.constant 48 : index
      %swap3A_195 = tpu.vector_load %arg7[%swap3A_193, %swap3A_194] {strides = array<i32>} : memref<1x128xi32, #tpu.memory_space<vmem>>, vector<1x16xi32>,
      %swap3A_196 = vector.shape_cast %swap3A_195 : vector<1x16xi32> to vector<16xi32>
      %swap3A_197 = vector.shape_cast %get3A_191 : vector<16xi32> to vector<1x16xi32>
      tpu.vector_store %arg7[%swap3A_193, %swap3A_194], %swap3A_197 {strides = array<i32>} : memref<1x128xi32, #tpu.memory_space<vmem>>, vector<1x16xi32>,
      %get3A_198 = arith.constant 0 : i32
      %get3A_199 = arith.constant 1 : i32
      %get3A_200 = arith.index_cast %get3A_198 : i32 to index
      %get3A_201 = arith.index_cast %get3A_199 : i32 to index
      %get3A_202 = arith.constant 64 : index
      %get3A_203 = tpu.vector_load %arg5[%get3A_200, %get3A_201, %get3A_202] {strides = array<i32>} : memref<1x2x128xi32, #tpu.memory_space<vmem>>, vector<1x1x16xi32>,
      %get3A_204 = vector.shape_cast %get3A_203 : vector<1x1x16xi32> to vector<16xi32>
      %swap3A_205 = arith.constant 0 : i32
      %swap3A_206 = arith.index_cast %swap3A_205 : i32 to index
      %swap3A_207 = arith.constant 64 : index
      %swap3A_208 = tpu.vector_load %arg7[%swap3A_206, %swap3A_207] {strides = array<i32>} : memref<1x128xi32, #tpu.memory_space<vmem>>, vector<1x16xi32>,
      %swap3A_209 = vector.shape_cast %swap3A_208 : vector<1x16xi32> to vector<16xi32>
      %swap3A_210 = vector.shape_cast %get3A_204 : vector<16xi32> to vector<1x16xi32>
      tpu.vector_store %arg7[%swap3A_206, %swap3A_207], %swap3A_210 {strides = array<i32>} : memref<1x128xi32, #tpu.memory_space<vmem>>, vector<1x16xi32>,
      %get3A_211 = arith.constant 0 : i32
      %get3A_212 = arith.constant 1 : i32
      %get3A_213 = arith.index_cast %get3A_211 : i32 to index
      %get3A_214 = arith.index_cast %get3A_212 : i32 to index
      %get3A_215 = arith.constant 80 : index
      %get3A_216 = tpu.vector_load %arg5[%get3A_213, %get3A_214, %get3A_215] {strides = array<i32>} : memref<1x2x128xi32, #tpu.memory_space<vmem>>, vector<1x1x16xi32>,
      %get3A_217 = vector.shape_cast %get3A_216 : vector<1x1x16xi32> to vector<16xi32>
      %swap3A_218 = arith.constant 0 : i32
      %swap3A_219 = arith.index_cast %swap3A_218 : i32 to index
      %swap3A_220 = arith.constant 80 : index
      %swap3A_221 = tpu.vector_load %arg7[%swap3A_219, %swap3A_220] {strides = array<i32>} : memref<1x128xi32, #tpu.memory_space<vmem>>, vector<1x16xi32>,
      %swap3A_222 = vector.shape_cast %swap3A_221 : vector<1x16xi32> to vector<16xi32>
      %swap3A_223 = vector.shape_cast %get3A_217 : vector<16xi32> to vector<1x16xi32>
      tpu.vector_store %arg7[%swap3A_219, %swap3A_220], %swap3A_223 {strides = array<i32>} : memref<1x128xi32, #tpu.memory_space<vmem>>, vector<1x16xi32>,
      %get3A_224 = arith.constant 0 : i32
      %get3A_225 = arith.constant 1 : i32
      %get3A_226 = arith.index_cast %get3A_224 : i32 to index
      %get3A_227 = arith.index_cast %get3A_225 : i32 to index
      %get3A_228 = arith.constant 96 : index
      %get3A_229 = tpu.vector_load %arg5[%get3A_226, %get3A_227, %get3A_228] {strides = array<i32>} : memref<1x2x128xi32, #tpu.memory_space<vmem>>, vector<1x1x16xi32>,
      %get3A_230 = vector.shape_cast %get3A_229 : vector<1x1x16xi32> to vector<16xi32>
      %swap3A_231 = arith.constant 0 : i32
      %swap3A_232 = arith.index_cast %swap3A_231 : i32 to index
      %swap3A_233 = arith.constant 96 : index
      %swap3A_234 = tpu.vector_load %arg7[%swap3A_232, %swap3A_233] {strides = array<i32>} : memref<1x128xi32, #tpu.memory_space<vmem>>, vector<1x16xi32>,
      %swap3A_235 = vector.shape_cast %swap3A_234 : vector<1x16xi32> to vector<16xi32>
      %swap3A_236 = vector.shape_cast %get3A_230 : vector<16xi32> to vector<1x16xi32>
      tpu.vector_store %arg7[%swap3A_232, %swap3A_233], %swap3A_236 {strides = array<i32>} : memref<1x128xi32, #tpu.memory_space<vmem>>, vector<1x16xi32>,
      %get3A_237 = arith.constant 0 : i32
      %get3A_238 = arith.constant 1 : i32
      %get3A_239 = arith.index_cast %get3A_237 : i32 to index
      %get3A_240 = arith.index_cast %get3A_238 : i32 to index
      %get3A_241 = arith.constant 112 : index
      %get3A_242 = tpu.vector_load %arg5[%get3A_239, %get3A_240, %get3A_241] {strides = array<i32>} : memref<1x2x128xi32, #tpu.memory_space<vmem>>, vector<1x1x16xi32>,
      %get3A_243 = vector.shape_cast %get3A_242 : vector<1x1x16xi32> to vector<16xi32>
      %swap3A_244 = arith.constant 0 : i32
      %swap3A_245 = arith.index_cast %swap3A_244 : i32 to index
      %swap3A_246 = arith.constant 112 : index
      %swap3A_247 = tpu.vector_load %arg7[%swap3A_245, %swap3A_246] {strides = array<i32>} : memref<1x128xi32, #tpu.memory_space<vmem>>, vector<1x16xi32>,
      %swap3A_248 = vector.shape_cast %swap3A_247 : vector<1x16xi32> to vector<16xi32>
      %swap3A_249 = vector.shape_cast %get3A_243 : vector<16xi32> to vector<1x16xi32>
      tpu.vector_store %arg7[%swap3A_245, %swap3A_246], %swap3A_249 {strides = array<i32>} : memref<1x128xi32, #tpu.memory_space<vmem>>, vector<1x16xi32>,
      %dma_start3A_250 = arith.constant 0 : i32
      %dma_start3A_251 = arith.constant 0 : i32
      %dma_start3A_252 = arith.constant 0 : i32
      %dma_start3A_253 = arith.constant 0 : i32
      %dma_start3A_254 = tpu.memref_slice %arg9[%dma_start3A_250, %dma_start3A_252, %dma_start3A_253] : memref<2x128x128xf32, #tpu.memory_space<vmem>> -> memref<1x128x128xf32, #tpu.memory_space<vmem>>
      %dma_start3A_255 = tpu.memref_squeeze %dma_start3A_254 : memref<1x128x128xf32, #tpu.memory_space<vmem>> -> memref<128x128xf32, #tpu.memory_space<vmem>>
      %dma_start3A_256 = arith.constant 0 : i32
      %dma_start3A_257 = tpu.memref_slice %arg7[%dma_start3A_251, %dma_start3A_256] : memref<1x128xi32, #tpu.memory_space<vmem>> -> memref<1x128xi32, #tpu.memory_space<vmem>>
      %dma_start3A_258 = tpu.memref_squeeze %dma_start3A_257 : memref<1x128xi32, #tpu.memory_space<vmem>> -> memref<128xi32, #tpu.memory_space<vmem>>
      %dma_start3A_259 = arith.constant 0 : i32
      %dma_start3A_260 = arith.constant 0 : i32
      %dma_start3A_261 = tpu.memref_slice %arg10[%dma_start3A_259, %dma_start3A_260] : memref<10240x128xf32, #tpu.memory_space<vmem_shared>> -> memref<10240x128xf32, #tpu.memory_space<vmem_shared>>
      tpu.enqueue_indirect_dma source(%dma_start3A_255 : memref<128x128xf32, #tpu.memory_space<vmem>>) target(%dma_start3A_261 : memref<10240x128xf32, #tpu.memory_space<vmem_shared>>) offsets(%dma_start3A_258 : memref<128xi32, #tpu.memory_space<vmem>>) semaphore(%arg13 : memref<!tpu.dma_semaphore, #tpu.memory_space<semaphore_mem>>) {add = true}
      %add3A_262 = arith.constant 1 : i32
      %add3A_263 = arith.addi %scan3A_75, %add3A_262 : i32
      %lt3A = arith.constant 80 : i32
      %lt3A_264 = arith.cmpi slt, %add3A_263, %lt3A : i32
      %convert_element_type3A_265 = arith.extui %lt3A_264 : i1 to i32
      %cond3A_266 = arith.constant 0 : i32
      %cond3A_267 = arith.cmpi ne, %convert_element_type3A_265, %cond3A_266 : i32
      scf.if %cond3A_267 {
        %add3A_429 = arith.constant 2 : i32
        %add3A_430 = arith.addi %mul3A_79, %add3A_429 : i32
        %dma_start3A_431 = arith.constant 0 : i32
        %dma_start3A_432 = arith.constant 0 : i32
        %dma_start3A_433 = tpu.memref_slice %arg3[%arg0, %arg1, %add3A_430, %dma_start3A_431, %dma_start3A_432] : memref<2x16x160x2x128xi32, #tpu.memory_space<hbm>> -> memref<1x1x1x2x128xi32, #tpu.memory_space<hbm>>
        %dma_start3A_434 = tpu.memref_squeeze %dma_start3A_433 : memref<1x1x1x2x128xi32, #tpu.memory_space<hbm>> -> memref<1x2x128xi32, #tpu.memory_space<hbm>>
        %dma_start3A_435 = arith.constant 0 : i32
        %dma_start3A_436 = arith.constant 0 : i32
        %dma_start3A_437 = tpu.memref_slice %arg3[%arg0, %arg1, %add3A_430, %dma_start3A_435, %dma_start3A_436] : memref<2x16x160x2x128xi32, #tpu.memory_space<hbm>> -> memref<1x1x1x2x128xi32, #tpu.memory_space<hbm>>
        %dma_start3A_438 = tpu.memref_squeeze %dma_start3A_437 : memref<1x1x1x2x128xi32, #tpu.memory_space<hbm>> -> memref<1x2x128xi32, #tpu.memory_space<hbm>>
        tpu.enqueue_dma source(%dma_start3A_438 : memref<1x2x128xi32, #tpu.memory_space<hbm>>) target(%arg5 : memref<1x2x128xi32, #tpu.memory_space<vmem>>) target_semaphore(%arg15 : memref<!tpu.dma_semaphore, #tpu.memory_space<semaphore_mem>>)
      } else {
      }
      %dma_wait3A_268 = arith.constant 0 : i32
      %dma_wait3A_269 = arith.constant 0 : i32
      %dma_wait3A_270 = arith.constant 1 : i32
      %dma_wait3A_271 = arith.constant 0 : i32
      %dma_wait3A_272 = arith.constant 0 : i32
      %dma_wait3A_273 = tpu.memref_slice %arg9[%dma_wait3A_270, %dma_wait3A_271, %dma_wait3A_272] : memref<2x128x128xf32, #tpu.memory_space<vmem>> -> memref<1x64x128xf32, #tpu.memory_space<vmem>>
      %dma_wait3A_274 = tpu.memref_squeeze %dma_wait3A_273 : memref<1x64x128xf32, #tpu.memory_space<vmem>> -> memref<64x128xf32, #tpu.memory_space<vmem>>
      %dma_wait3A_275 = arith.constant 0 : i32
      %dma_wait3A_276 = tpu.memref_slice %arg6[%dma_wait3A_268, %dma_wait3A_269, %dma_wait3A_275] : memref<1x2x128xi32, #tpu.memory_space<vmem>> -> memref<1x1x64xi32, #tpu.memory_space<vmem>>
      %dma_wait3A_277 = tpu.memref_squeeze %dma_wait3A_276 : memref<1x1x64xi32, #tpu.memory_space<vmem>> -> memref<64xi32, #tpu.memory_space<vmem>>
      %dma_wait3A_278 = arith.constant 0 : i32
      %dma_wait3A_279 = arith.constant 0 : i32
      %dma_wait3A_280 = tpu.memref_slice %arg2[%dma_wait3A_278, %dma_wait3A_279] : memref<20480x128xf32, #tpu.memory_space<hbm>> -> memref<20480x128xf32, #tpu.memory_space<hbm>>
      tpu.wait_indirect_dma semaphore(%arg12 : memref<!tpu.dma_semaphore, #tpu.memory_space<semaphore_mem>>) src(%dma_wait3A_280 : memref<20480x128xf32, #tpu.memory_space<hbm>>) dst(%dma_wait3A_274 : memref<64x128xf32, #tpu.memory_space<vmem>>)
      %dma_wait3A_281 = arith.constant 0 : i32
      %dma_wait3A_282 = arith.constant 0 : i32
      %dma_wait3A_283 = arith.constant 1 : i32
      %dma_wait3A_284 = arith.constant 64 : i32
      %dma_wait3A_285 = arith.constant 0 : i32
      %dma_wait3A_286 = tpu.memref_slice %arg9[%dma_wait3A_283, %dma_wait3A_284, %dma_wait3A_285] : memref<2x128x128xf32, #tpu.memory_space<vmem>> -> memref<1x64x128xf32, #tpu.memory_space<vmem>>
      %dma_wait3A_287 = tpu.memref_squeeze %dma_wait3A_286 : memref<1x64x128xf32, #tpu.memory_space<vmem>> -> memref<64x128xf32, #tpu.memory_space<vmem>>
      %dma_wait3A_288 = arith.constant 64 : i32
      %dma_wait3A_289 = tpu.memref_slice %arg6[%dma_wait3A_281, %dma_wait3A_282, %dma_wait3A_288] : memref<1x2x128xi32, #tpu.memory_space<vmem>> -> memref<1x1x64xi32, #tpu.memory_space<vmem>>
      %dma_wait3A_290 = tpu.memref_squeeze %dma_wait3A_289 : memref<1x1x64xi32, #tpu.memory_space<vmem>> -> memref<64xi32, #tpu.memory_space<vmem>>
      %dma_wait3A_291 = arith.constant 0 : i32
      %dma_wait3A_292 = arith.constant 0 : i32
      %dma_wait3A_293 = tpu.memref_slice %arg2[%dma_wait3A_291, %dma_wait3A_292] : memref<20480x128xf32, #tpu.memory_space<hbm>> -> memref<20480x128xf32, #tpu.memory_space<hbm>>
      tpu.wait_indirect_dma semaphore(%arg12 : memref<!tpu.dma_semaphore, #tpu.memory_space<semaphore_mem>>) src(%dma_wait3A_293 : memref<20480x128xf32, #tpu.memory_space<hbm>>) dst(%dma_wait3A_287 : memref<64x128xf32, #tpu.memory_space<vmem>>)
      %get3A_294 = arith.constant 0 : i32
      %get3A_295 = arith.constant 1 : i32
      %get3A_296 = arith.index_cast %get3A_294 : i32 to index
      %get3A_297 = arith.index_cast %get3A_295 : i32 to index
      %get3A_298 = arith.constant 0 : index
      %get3A_299 = tpu.vector_load %arg6[%get3A_296, %get3A_297, %get3A_298] {strides = array<i32>} : memref<1x2x128xi32, #tpu.memory_space<vmem>>, vector<1x1x16xi32>,
      %get3A_300 = vector.shape_cast %get3A_299 : vector<1x1x16xi32> to vector<16xi32>
      %swap3A_301 = arith.constant 0 : i32
      %swap3A_302 = arith.index_cast %swap3A_301 : i32 to index
      %swap3A_303 = arith.constant 0 : index
      %swap3A_304 = tpu.vector_load %arg8[%swap3A_302, %swap3A_303] {strides = array<i32>} : memref<1x128xi32, #tpu.memory_space<vmem>>, vector<1x16xi32>,
      %swap3A_305 = vector.shape_cast %swap3A_304 : vector<1x16xi32> to vector<16xi32>
      %swap3A_306 = vector.shape_cast %get3A_300 : vector<16xi32> to vector<1x16xi32>
      tpu.vector_store %arg8[%swap3A_302, %swap3A_303], %swap3A_306 {strides = array<i32>} : memref<1x128xi32, #tpu.memory_space<vmem>>, vector<1x16xi32>,
      %get3A_307 = arith.constant 0 : i32
      %get3A_308 = arith.constant 1 : i32
      %get3A_309 = arith.index_cast %get3A_307 : i32 to index
      %get3A_310 = arith.index_cast %get3A_308 : i32 to index
      %get3A_311 = arith.constant 16 : index
      %get3A_312 = tpu.vector_load %arg6[%get3A_309, %get3A_310, %get3A_311] {strides = array<i32>} : memref<1x2x128xi32, #tpu.memory_space<vmem>>, vector<1x1x16xi32>,
      %get3A_313 = vector.shape_cast %get3A_312 : vector<1x1x16xi32> to vector<16xi32>
      %swap3A_314 = arith.constant 0 : i32
      %swap3A_315 = arith.index_cast %swap3A_314 : i32 to index
      %swap3A_316 = arith.constant 16 : index
      %swap3A_317 = tpu.vector_load %arg8[%swap3A_315, %swap3A_316] {strides = array<i32>} : memref<1x128xi32, #tpu.memory_space<vmem>>, vector<1x16xi32>,
      %swap3A_318 = vector.shape_cast %swap3A_317 : vector<1x16xi32> to vector<16xi32>
      %swap3A_319 = vector.shape_cast %get3A_313 : vector<16xi32> to vector<1x16xi32>
      tpu.vector_store %arg8[%swap3A_315, %swap3A_316], %swap3A_319 {strides = array<i32>} : memref<1x128xi32, #tpu.memory_space<vmem>>, vector<1x16xi32>,
      %get3A_320 = arith.constant 0 : i32
      %get3A_321 = arith.constant 1 : i32
      %get3A_322 = arith.index_cast %get3A_320 : i32 to index
      %get3A_323 = arith.index_cast %get3A_321 : i32 to index
      %get3A_324 = arith.constant 32 : index
      %get3A_325 = tpu.vector_load %arg6[%get3A_322, %get3A_323, %get3A_324] {strides = array<i32>} : memref<1x2x128xi32, #tpu.memory_space<vmem>>, vector<1x1x16xi32>,
      %get3A_326 = vector.shape_cast %get3A_325 : vector<1x1x16xi32> to vector<16xi32>
      %swap3A_327 = arith.constant 0 : i32
      %swap3A_328 = arith.index_cast %swap3A_327 : i32 to index
      %swap3A_329 = arith.constant 32 : index
      %swap3A_330 = tpu.vector_load %arg8[%swap3A_328, %swap3A_329] {strides = array<i32>} : memref<1x128xi32, #tpu.memory_space<vmem>>, vector<1x16xi32>,
      %swap3A_331 = vector.shape_cast %swap3A_330 : vector<1x16xi32> to vector<16xi32>
      %swap3A_332 = vector.shape_cast %get3A_326 : vector<16xi32> to vector<1x16xi32>
      tpu.vector_store %arg8[%swap3A_328, %swap3A_329], %swap3A_332 {strides = array<i32>} : memref<1x128xi32, #tpu.memory_space<vmem>>, vector<1x16xi32>,
      %get3A_333 = arith.constant 0 : i32
      %get3A_334 = arith.constant 1 : i32
      %get3A_335 = arith.index_cast %get3A_333 : i32 to index
      %get3A_336 = arith.index_cast %get3A_334 : i32 to index
      %get3A_337 = arith.constant 48 : index
      %get3A_338 = tpu.vector_load %arg6[%get3A_335, %get3A_336, %get3A_337] {strides = array<i32>} : memref<1x2x128xi32, #tpu.memory_space<vmem>>, vector<1x1x16xi32>,
      %get3A_339 = vector.shape_cast %get3A_338 : vector<1x1x16xi32> to vector<16xi32>
      %swap3A_340 = arith.constant 0 : i32
      %swap3A_341 = arith.index_cast %swap3A_340 : i32 to index
      %swap3A_342 = arith.constant 48 : index
      %swap3A_343 = tpu.vector_load %arg8[%swap3A_341, %swap3A_342] {strides = array<i32>} : memref<1x128xi32, #tpu.memory_space<vmem>>, vector<1x16xi32>,
      %swap3A_344 = vector.shape_cast %swap3A_343 : vector<1x16xi32> to vector<16xi32>
      %swap3A_345 = vector.shape_cast %get3A_339 : vector<16xi32> to vector<1x16xi32>
      tpu.vector_store %arg8[%swap3A_341, %swap3A_342], %swap3A_345 {strides = array<i32>} : memref<1x128xi32, #tpu.memory_space<vmem>>, vector<1x16xi32>,
      %get3A_346 = arith.constant 0 : i32
      %get3A_347 = arith.constant 1 : i32
      %get3A_348 = arith.index_cast %get3A_346 : i32 to index
      %get3A_349 = arith.index_cast %get3A_347 : i32 to index
      %get3A_350 = arith.constant 64 : index
      %get3A_351 = tpu.vector_load %arg6[%get3A_348, %get3A_349, %get3A_350] {strides = array<i32>} : memref<1x2x128xi32, #tpu.memory_space<vmem>>, vector<1x1x16xi32>,
      %get3A_352 = vector.shape_cast %get3A_351 : vector<1x1x16xi32> to vector<16xi32>
      %swap3A_353 = arith.constant 0 : i32
      %swap3A_354 = arith.index_cast %swap3A_353 : i32 to index
      %swap3A_355 = arith.constant 64 : index
      %swap3A_356 = tpu.vector_load %arg8[%swap3A_354, %swap3A_355] {strides = array<i32>} : memref<1x128xi32, #tpu.memory_space<vmem>>, vector<1x16xi32>,
      %swap3A_357 = vector.shape_cast %swap3A_356 : vector<1x16xi32> to vector<16xi32>
      %swap3A_358 = vector.shape_cast %get3A_352 : vector<16xi32> to vector<1x16xi32>
      tpu.vector_store %arg8[%swap3A_354, %swap3A_355], %swap3A_358 {strides = array<i32>} : memref<1x128xi32, #tpu.memory_space<vmem>>, vector<1x16xi32>,
      %get3A_359 = arith.constant 0 : i32
      %get3A_360 = arith.constant 1 : i32
      %get3A_361 = arith.index_cast %get3A_359 : i32 to index
      %get3A_362 = arith.index_cast %get3A_360 : i32 to index
      %get3A_363 = arith.constant 80 : index
      %get3A_364 = tpu.vector_load %arg6[%get3A_361, %get3A_362, %get3A_363] {strides = array<i32>} : memref<1x2x128xi32, #tpu.memory_space<vmem>>, vector<1x1x16xi32>,
      %get3A_365 = vector.shape_cast %get3A_364 : vector<1x1x16xi32> to vector<16xi32>
      %swap3A_366 = arith.constant 0 : i32
      %swap3A_367 = arith.index_cast %swap3A_366 : i32 to index
      %swap3A_368 = arith.constant 80 : index
      %swap3A_369 = tpu.vector_load %arg8[%swap3A_367, %swap3A_368] {strides = array<i32>} : memref<1x128xi32, #tpu.memory_space<vmem>>, vector<1x16xi32>,
      %swap3A_370 = vector.shape_cast %swap3A_369 : vector<1x16xi32> to vector<16xi32>
      %swap3A_371 = vector.shape_cast %get3A_365 : vector<16xi32> to vector<1x16xi32>
      tpu.vector_store %arg8[%swap3A_367, %swap3A_368], %swap3A_371 {strides = array<i32>} : memref<1x128xi32, #tpu.memory_space<vmem>>, vector<1x16xi32>,
      %get3A_372 = arith.constant 0 : i32
      %get3A_373 = arith.constant 1 : i32
      %get3A_374 = arith.index_cast %get3A_372 : i32 to index
      %get3A_375 = arith.index_cast %get3A_373 : i32 to index
      %get3A_376 = arith.constant 96 : index
      %get3A_377 = tpu.vector_load %arg6[%get3A_374, %get3A_375, %get3A_376] {strides = array<i32>} : memref<1x2x128xi32, #tpu.memory_space<vmem>>, vector<1x1x16xi32>,
      %get3A_378 = vector.shape_cast %get3A_377 : vector<1x1x16xi32> to vector<16xi32>
      %swap3A_379 = arith.constant 0 : i32
      %swap3A_380 = arith.index_cast %swap3A_379 : i32 to index
      %swap3A_381 = arith.constant 96 : index
      %swap3A_382 = tpu.vector_load %arg8[%swap3A_380, %swap3A_381] {strides = array<i32>} : memref<1x128xi32, #tpu.memory_space<vmem>>, vector<1x16xi32>,
      %swap3A_383 = vector.shape_cast %swap3A_382 : vector<1x16xi32> to vector<16xi32>
      %swap3A_384 = vector.shape_cast %get3A_378 : vector<16xi32> to vector<1x16xi32>
      tpu.vector_store %arg8[%swap3A_380, %swap3A_381], %swap3A_384 {strides = array<i32>} : memref<1x128xi32, #tpu.memory_space<vmem>>, vector<1x16xi32>,
      %get3A_385 = arith.constant 0 : i32
      %get3A_386 = arith.constant 1 : i32
      %get3A_387 = arith.index_cast %get3A_385 : i32 to index
      %get3A_388 = arith.index_cast %get3A_386 : i32 to index
      %get3A_389 = arith.constant 112 : index
      %get3A_390 = tpu.vector_load %arg6[%get3A_387, %get3A_388, %get3A_389] {strides = array<i32>} : memref<1x2x128xi32, #tpu.memory_space<vmem>>, vector<1x1x16xi32>,
      %get3A_391 = vector.shape_cast %get3A_390 : vector<1x1x16xi32> to vector<16xi32>
      %swap3A_392 = arith.constant 0 : i32
      %swap3A_393 = arith.index_cast %swap3A_392 : i32 to index
      %swap3A_394 = arith.constant 112 : index
      %swap3A_395 = tpu.vector_load %arg8[%swap3A_393, %swap3A_394] {strides = array<i32>} : memref<1x128xi32, #tpu.memory_space<vmem>>, vector<1x16xi32>,
      %swap3A_396 = vector.shape_cast %swap3A_395 : vector<1x16xi32> to vector<16xi32>
      %swap3A_397 = vector.shape_cast %get3A_391 : vector<16xi32> to vector<1x16xi32>
      tpu.vector_store %arg8[%swap3A_393, %swap3A_394], %swap3A_397 {strides = array<i32>} : memref<1x128xi32, #tpu.memory_space<vmem>>, vector<1x16xi32>,
      %dma_wait3A_398 = arith.constant 0 : i32
      %dma_wait3A_399 = arith.constant 0 : i32
      %dma_wait3A_400 = arith.constant 0 : i32
      %dma_wait3A_401 = arith.constant 0 : i32
      %dma_wait3A_402 = tpu.memref_slice %arg9[%dma_wait3A_398, %dma_wait3A_400, %dma_wait3A_401] : memref<2x128x128xf32, #tpu.memory_space<vmem>> -> memref<1x128x128xf32, #tpu.memory_space<vmem>>
      %dma_wait3A_403 = tpu.memref_squeeze %dma_wait3A_402 : memref<1x128x128xf32, #tpu.memory_space<vmem>> -> memref<128x128xf32, #tpu.memory_space<vmem>>
      %dma_wait3A_404 = arith.constant 0 : i32
      %dma_wait3A_405 = tpu.memref_slice %arg7[%dma_wait3A_399, %dma_wait3A_404] : memref<1x128xi32, #tpu.memory_space<vmem>> -> memref<1x128xi32, #tpu.memory_space<vmem>>
      %dma_wait3A_406 = tpu.memref_squeeze %dma_wait3A_405 : memref<1x128xi32, #tpu.memory_space<vmem>> -> memref<128xi32, #tpu.memory_space<vmem>>
      %dma_wait3A_407 = arith.constant 0 : i32
      %dma_wait3A_408 = arith.constant 0 : i32
      %dma_wait3A_409 = tpu.memref_slice %arg10[%dma_wait3A_407, %dma_wait3A_408] : memref<10240x128xf32, #tpu.memory_space<vmem_shared>> -> memref<10240x128xf32, #tpu.memory_space<vmem_shared>>
      tpu.wait_indirect_dma semaphore(%arg13 : memref<!tpu.dma_semaphore, #tpu.memory_space<semaphore_mem>>) src(%dma_wait3A_403 : memref<128x128xf32, #tpu.memory_space<vmem>>) dst(%dma_wait3A_409 : memref<10240x128xf32, #tpu.memory_space<vmem_shared>>)
      %add3A_410 = arith.constant 1 : i32
      %add3A_411 = arith.addi %scan3A_75, %add3A_410 : i32
      %lt3A_412 = arith.constant 80 : i32
      %lt3A_413 = arith.cmpi slt, %add3A_411, %lt3A_412 : i32
      %convert_element_type3A_414 = arith.extui %lt3A_413 : i1 to i32
      %cond3A_415 = arith.constant 0 : i32
      %cond3A_416 = arith.cmpi ne, %convert_element_type3A_414, %cond3A_415 : i32
      scf.if %cond3A_416 {
        %mul3A_429 = arith.constant 2 : i32
        %mul3A_430 = arith.muli %mul3A_429, %scan3A_75 : i32
        %add3A_431 = arith.constant 2 : i32
        %add3A_432 = arith.addi %mul3A_430, %add3A_431 : i32
        %mul3A_433 = arith.constant 1 : i32
        %mul3A_434 = arith.muli %add3A_432, %mul3A_433 : i32
        %dma_wait3A_435 = arith.constant 0 : i32
        %dma_wait3A_436 = arith.constant 0 : i32
        %dma_wait3A_437 = tpu.memref_slice %arg3[%arg0, %arg1, %mul3A_434, %dma_wait3A_435, %dma_wait3A_436] : memref<2x16x160x2x128xi32, #tpu.memory_space<hbm>> -> memref<1x1x1x2x128xi32, #tpu.memory_space<hbm>>
        %dma_wait3A_438 = tpu.memref_squeeze %dma_wait3A_437 : memref<1x1x1x2x128xi32, #tpu.memory_space<hbm>> -> memref<1x2x128xi32, #tpu.memory_space<hbm>>
        %dma_wait3A_439 = arith.constant 0 : i32
        %dma_wait3A_440 = arith.constant 0 : i32
        %dma_wait3A_441 = tpu.memref_slice %arg3[%arg0, %arg1, %mul3A_434, %dma_wait3A_439, %dma_wait3A_440] : memref<2x16x160x2x128xi32, #tpu.memory_space<hbm>> -> memref<1x1x1x2x128xi32, #tpu.memory_space<hbm>>
        %dma_wait3A_442 = tpu.memref_squeeze %dma_wait3A_441 : memref<1x1x1x2x128xi32, #tpu.memory_space<hbm>> -> memref<1x2x128xi32, #tpu.memory_space<hbm>>
        tpu.wait_dma2 semaphore(%arg15 : memref<!tpu.dma_semaphore, #tpu.memory_space<semaphore_mem>>) src(%dma_wait3A_442 : memref<1x2x128xi32, #tpu.memory_space<hbm>>) dst(%arg5 : memref<1x2x128xi32, #tpu.memory_space<vmem>>)
        %dma_start3A_443 = arith.constant 0 : i32
        %dma_start3A_444 = arith.constant 0 : i32
        %dma_start3A_445 = arith.constant 0 : i32
        %dma_start3A_446 = arith.constant 0 : i32
        %dma_start3A_447 = arith.constant 0 : i32
        %dma_start3A_448 = tpu.memref_slice %arg9[%dma_start3A_445, %dma_start3A_446, %dma_start3A_447] : memref<2x128x128xf32, #tpu.memory_space<vmem>> -> memref<1x64x128xf32, #tpu.memory_space<vmem>>
        %dma_start3A_449 = tpu.memref_squeeze %dma_start3A_448 : memref<1x64x128xf32, #tpu.memory_space<vmem>> -> memref<64x128xf32, #tpu.memory_space<vmem>>
        %dma_start3A_450 = arith.constant 0 : i32
        %dma_start3A_451 = tpu.memref_slice %arg5[%dma_start3A_443, %dma_start3A_444, %dma_start3A_450] : memref<1x2x128xi32, #tpu.memory_space<vmem>> -> memref<1x1x64xi32, #tpu.memory_space<vmem>>
        %dma_start3A_452 = tpu.memref_squeeze %dma_start3A_451 : memref<1x1x64xi32, #tpu.memory_space<vmem>> -> memref<64xi32, #tpu.memory_space<vmem>>
        %dma_start3A_453 = arith.constant 0 : i32
        %dma_start3A_454 = arith.constant 0 : i32
        %dma_start3A_455 = tpu.memref_slice %arg2[%dma_start3A_453, %dma_start3A_454] : memref<20480x128xf32, #tpu.memory_space<hbm>> -> memref<20480x128xf32, #tpu.memory_space<hbm>>
        tpu.enqueue_indirect_dma source(%dma_start3A_455 : memref<20480x128xf32, #tpu.memory_space<hbm>>) target(%dma_start3A_449 : memref<64x128xf32, #tpu.memory_space<vmem>>) offsets(%dma_start3A_452 : memref<64xi32, #tpu.memory_space<vmem>>) semaphore(%arg11 : memref<!tpu.dma_semaphore, #tpu.memory_space<semaphore_mem>>)
        %dma_start3A_456 = arith.constant 0 : i32
        %dma_start3A_457 = arith.constant 0 : i32
        %dma_start3A_458 = arith.constant 0 : i32
        %dma_start3A_459 = arith.constant 64 : i32
        %dma_start3A_460 = arith.constant 0 : i32
        %dma_start3A_461 = tpu.memref_slice %arg9[%dma_start3A_458, %dma_start3A_459, %dma_start3A_460] : memref<2x128x128xf32, #tpu.memory_space<vmem>> -> memref<1x64x128xf32, #tpu.memory_space<vmem>>
        %dma_start3A_462 = tpu.memref_squeeze %dma_start3A_461 : memref<1x64x128xf32, #tpu.memory_space<vmem>> -> memref<64x128xf32, #tpu.memory_space<vmem>>
        %dma_start3A_463 = arith.constant 64 : i32
        %dma_start3A_464 = tpu.memref_slice %arg5[%dma_start3A_456, %dma_start3A_457, %dma_start3A_463] : memref<1x2x128xi32, #tpu.memory_space<vmem>> -> memref<1x1x64xi32, #tpu.memory_space<vmem>>
        %dma_start3A_465 = tpu.memref_squeeze %dma_start3A_464 : memref<1x1x64xi32, #tpu.memory_space<vmem>> -> memref<64xi32, #tpu.memory_space<vmem>>
        %dma_start3A_466 = arith.constant 0 : i32
        %dma_start3A_467 = arith.constant 0 : i32
        %dma_start3A_468 = tpu.memref_slice %arg2[%dma_start3A_466, %dma_start3A_467] : memref<20480x128xf32, #tpu.memory_space<hbm>> -> memref<20480x128xf32, #tpu.memory_space<hbm>>
        tpu.enqueue_indirect_dma source(%dma_start3A_468 : memref<20480x128xf32, #tpu.memory_space<hbm>>) target(%dma_start3A_462 : memref<64x128xf32, #tpu.memory_space<vmem>>) offsets(%dma_start3A_465 : memref<64xi32, #tpu.memory_space<vmem>>) semaphore(%arg11 : memref<!tpu.dma_semaphore, #tpu.memory_space<semaphore_mem>>)
        %mul3A_469 = arith.constant 2 : i32
        %mul3A_470 = arith.muli %mul3A_469, %scan3A_75 : i32
        %add3A_471 = arith.constant 3 : i32
        %add3A_472 = arith.addi %mul3A_470, %add3A_471 : i32
        %mul3A_473 = arith.constant 1 : i32
        %mul3A_474 = arith.muli %add3A_472, %mul3A_473 : i32
        %dma_start3A_475 = arith.constant 0 : i32
        %dma_start3A_476 = arith.constant 0 : i32
        %dma_start3A_477 = tpu.memref_slice %arg3[%arg0, %arg1, %mul3A_474, %dma_start3A_475, %dma_start3A_476] : memref<2x16x160x2x128xi32, #tpu.memory_space<hbm>> -> memref<1x1x1x2x128xi32, #tpu.memory_space<hbm>>
        %dma_start3A_478 = tpu.memref_squeeze %dma_start3A_477 : memref<1x1x1x2x128xi32, #tpu.memory_space<hbm>> -> memref<1x2x128xi32, #tpu.memory_space<hbm>>
        %dma_start3A_479 = arith.constant 0 : i32
        %dma_start3A_480 = arith.constant 0 : i32
        %dma_start3A_481 = tpu.memref_slice %arg3[%arg0, %arg1, %mul3A_474, %dma_start3A_479, %dma_start3A_480] : memref<2x16x160x2x128xi32, #tpu.memory_space<hbm>> -> memref<1x1x1x2x128xi32, #tpu.memory_space<hbm>>
        %dma_start3A_482 = tpu.memref_squeeze %dma_start3A_481 : memref<1x1x1x2x128xi32, #tpu.memory_space<hbm>> -> memref<1x2x128xi32, #tpu.memory_space<hbm>>
        tpu.enqueue_dma source(%dma_start3A_482 : memref<1x2x128xi32, #tpu.memory_space<hbm>>) target(%arg6 : memref<1x2x128xi32, #tpu.memory_space<vmem>>) target_semaphore(%arg16 : memref<!tpu.dma_semaphore, #tpu.memory_space<semaphore_mem>>)
      } else {
      }
      %dma_start3A_417 = arith.constant 1 : i32
      %dma_start3A_418 = arith.constant 0 : i32
      %dma_start3A_419 = arith.constant 0 : i32
      %dma_start3A_420 = arith.constant 0 : i32
      %dma_start3A_421 = tpu.memref_slice %arg9[%dma_start3A_417, %dma_start3A_419, %dma_start3A_420] : memref<2x128x128xf32, #tpu.memory_space<vmem>> -> memref<1x128x128xf32, #tpu.memory_space<vmem>>
      %dma_start3A_422 = tpu.memref_squeeze %dma_start3A_421 : memref<1x128x128xf32, #tpu.memory_space<vmem>> -> memref<128x128xf32, #tpu.memory_space<vmem>>
      %dma_start3A_423 = arith.constant 0 : i32
      %dma_start3A_424 = tpu.memref_slice %arg8[%dma_start3A_418, %dma_start3A_423] : memref<1x128xi32, #tpu.memory_space<vmem>> -> memref<1x128xi32, #tpu.memory_space<vmem>>
      %dma_start3A_425 = tpu.memref_squeeze %dma_start3A_424 : memref<1x128xi32, #tpu.memory_space<vmem>> -> memref<128xi32, #tpu.memory_space<vmem>>
      %dma_start3A_426 = arith.constant 0 : i32
      %dma_start3A_427 = arith.constant 0 : i32
      %dma_start3A_428 = tpu.memref_slice %arg10[%dma_start3A_426, %dma_start3A_427] : memref<10240x128xf32, #tpu.memory_space<vmem_shared>> -> memref<10240x128xf32, #tpu.memory_space<vmem_shared>>
      tpu.enqueue_indirect_dma source(%dma_start3A_422 : memref<128x128xf32, #tpu.memory_space<vmem>>) target(%dma_start3A_428 : memref<10240x128xf32, #tpu.memory_space<vmem_shared>>) offsets(%dma_start3A_425 : memref<128xi32, #tpu.memory_space<vmem>>) semaphore(%arg14 : memref<!tpu.dma_semaphore, #tpu.memory_space<semaphore_mem>>) {add = true}
    }
    %scan3A_61 = arith.constant 80 : i32
    %dma_wait3A_62 = arith.constant 1 : i32
    %dma_wait3A_63 = arith.constant 0 : i32
    %dma_wait3A_64 = arith.constant 0 : i32
    %dma_wait3A_65 = arith.constant 0 : i32
    %dma_wait3A_66 = tpu.memref_slice %arg9[%dma_wait3A_62, %dma_wait3A_64, %dma_wait3A_65] : memref<2x128x128xf32, #tpu.memory_space<vmem>> -> memref<1x128x128xf32, #tpu.memory_space<vmem>>
    %dma_wait3A_67 = tpu.memref_squeeze %dma_wait3A_66 : memref<1x128x128xf32, #tpu.memory_space<vmem>> -> memref<128x128xf32, #tpu.memory_space<vmem>>
    %dma_wait3A_68 = arith.constant 0 : i32
    %dma_wait3A_69 = tpu.memref_slice %arg8[%dma_wait3A_63, %dma_wait3A_68] : memref<1x128xi32, #tpu.memory_space<vmem>> -> memref<1x128xi32, #tpu.memory_space<vmem>>
    %dma_wait3A_70 = tpu.memref_squeeze %dma_wait3A_69 : memref<1x128xi32, #tpu.memory_space<vmem>> -> memref<128xi32, #tpu.memory_space<vmem>>
    %dma_wait3A_71 = arith.constant 0 : i32
    %dma_wait3A_72 = arith.constant 0 : i32
    %dma_wait3A_73 = tpu.memref_slice %arg10[%dma_wait3A_71, %dma_wait3A_72] : memref<10240x128xf32, #tpu.memory_space<vmem_shared>> -> memref<10240x128xf32, #tpu.memory_space<vmem_shared>>
    tpu.wait_indirect_dma semaphore(%arg14 : memref<!tpu.dma_semaphore, #tpu.memory_space<semaphore_mem>>) src(%dma_wait3A_67 : memref<128x128xf32, #tpu.memory_space<vmem>>) dst(%dma_wait3A_73 : memref<10240x128xf32, #tpu.memory_space<vmem_shared>>)
    %barrier3A_74 = arith.constant 0 : index
    tpu.barrier barrier_id(%barrier3A_74)
    "tpu.region"() ({
      %run_scoped3A = tpu.sem_alloc : memref<!tpu.dma_semaphore, #tpu.memory_space<semaphore_mem>>
      %dma_start3A_75 = arith.constant 0 : i32
      %dma_start3A_76 = tpu.memref_slice %arg4[%arg0, %mul3A_0, %dma_start3A_75] : memref<2x10240x128xf32, #tpu.memory_space<hbm>> -> memref<1x640x128xf32, #tpu.memory_space<hbm>>
      %dma_start3A_77 = tpu.memref_squeeze %dma_start3A_76 : memref<1x640x128xf32, #tpu.memory_space<hbm>> -> memref<640x128xf32, #tpu.memory_space<hbm>>
      %dma_start3A_78 = arith.constant 0 : i32
      %dma_start3A_79 = tpu.memref_slice %arg10[%mul3A_0, %dma_start3A_78] : memref<10240x128xf32, #tpu.memory_space<vmem_shared>> -> memref<640x128xf32, #tpu.memory_space<vmem_shared>>
      tpu.enqueue_dma source(%dma_start3A_79 : memref<640x128xf32, #tpu.memory_space<vmem_shared>>) target(%dma_start3A_77 : memref<640x128xf32, #tpu.memory_space<hbm>>) target_semaphore(%run_scoped3A : memref<!tpu.dma_semaphore, #tpu.memory_space<semaphore_mem>>)
      %dma_wait3A_80 = arith.constant 0 : i32
      %dma_wait3A_81 = tpu.memref_slice %arg4[%arg0, %mul3A_0, %dma_wait3A_80] : memref<2x10240x128xf32, #tpu.memory_space<hbm>> -> memref<1x640x128xf32, #tpu.memory_space<hbm>>
      %dma_wait3A_82 = tpu.memref_squeeze %dma_wait3A_81 : memref<1x640x128xf32, #tpu.memory_space<hbm>> -> memref<640x128xf32, #tpu.memory_space<hbm>>
      %dma_wait3A_83 = arith.constant 0 : i32
      %dma_wait3A_84 = tpu.memref_slice %arg10[%mul3A_0, %dma_wait3A_83] : memref<10240x128xf32, #tpu.memory_space<vmem_shared>> -> memref<640x128xf32, #tpu.memory_space<vmem_shared>>
      tpu.wait_dma2 semaphore(%run_scoped3A : memref<!tpu.dma_semaphore, #tpu.memory_space<semaphore_mem>>) src(%dma_wait3A_84 : memref<640x128xf32, #tpu.memory_space<vmem_shared>>) dst(%dma_wait3A_82 : memref<640x128xf32, #tpu.memory_space<hbm>>)
      tpu.yield
    }) : () -> ()
    return
  }
}

#map = affine_map<(d0, d1) -> (0, 0)>
#map1 = affine_map<(d0, d1) -> (0, 0, 0, 0, 0)>
#map2 = affine_map<(d0, d1) -> (0, 0, 0)>
module attributes {stable_mosaic.version = 14 : i64} {
  func.func @_msg_kernel(%arg0: i32, %arg1: i32, %arg2: memref<20480x128xf32, #tpu.memory_space<hbm>>, %arg3: memref<2x16x160x2x128xi32, #tpu.memory_space<hbm>>, %arg4: memref<2x10240x128xf32, #tpu.memory_space<hbm>>, %arg5: memref<1x2x128xi32, #tpu.memory_space<vmem>>, %arg6: memref<1x2x128xi32, #tpu.memory_space<vmem>>, %arg7: memref<1x128xi32, #tpu.memory_space<vmem>>, %arg8: memref<1x128xi32, #tpu.memory_space<vmem>>, %arg9: memref<2x128x128xf32, #tpu.memory_space<vmem>>, %arg10: memref<10240x128xf32, #tpu.memory_space<vmem_shared>>, %arg11: memref<!tpu.dma_semaphore, #tpu.memory_space<semaphore_mem>>, %arg12: memref<!tpu.dma_semaphore, #tpu.memory_space<semaphore_mem>>, %arg13: memref<!tpu.dma_semaphore, #tpu.memory_space<semaphore_mem>>, %arg14: memref<!tpu.dma_semaphore, #tpu.memory_space<semaphore_mem>>, %arg15: memref<!tpu.dma_semaphore, #tpu.memory_space<semaphore_mem>>, %arg16: memref<!tpu.dma_semaphore, #tpu.memory_space<semaphore_mem>>) attributes {dimension_semantics = [#tpu.dimension_semantics<core_parallel>, #tpu.dimension_semantics<subcore_parallel>], iteration_bounds = array<i64: 2, 16>, scalar_prefetch = 0 : i64, scratch_operands = 12 : i64, tpu.core_type = #tpu.core_type<sc_vector_subcore>, window_params = [{transform_indices = #map}, {transform_indices = #map1}, {transform_indices = #map2}]} {
    %mul3A = arith.constant 640 : i32
    %mul3A_0 = arith.muli %arg1, %mul3A : i32
    %dma_start3A = arith.constant 0 : i32
    %dma_start3A_1 = arith.constant 0 : i32
    %dma_start3A_2 = arith.constant 0 : i32
    %dma_start3A_3 = tpu.memref_slice %arg3[%arg0, %arg1, %dma_start3A, %dma_start3A_1, %dma_start3A_2] : memref<2x16x160x2x128xi32, #tpu.memory_space<hbm>> -> memref<1x1x1x2x128xi32, #tpu.memory_space<hbm>>
    %dma_start3A_4 = tpu.memref_squeeze %dma_start3A_3 : memref<1x1x1x2x128xi32, #tpu.memory_space<hbm>> -> memref<1x2x128xi32, #tpu.memory_space<hbm>>
    %dma_start3A_5 = arith.constant 0 : i32
    %dma_start3A_6 = arith.constant 0 : i32
    %dma_start3A_7 = arith.constant 0 : i32
    %dma_start3A_8 = tpu.memref_slice %arg3[%arg0, %arg1, %dma_start3A_5, %dma_start3A_6, %dma_start3A_7] : memref<2x16x160x2x128xi32, #tpu.memory_space<hbm>> -> memref<1x1x1x2x128xi32, #tpu.memory_space<hbm>>
    %dma_start3A_9 = tpu.memref_squeeze %dma_start3A_8 : memref<1x1x1x2x128xi32, #tpu.memory_space<hbm>> -> memref<1x2x128xi32, #tpu.memory_space<hbm>>
    tpu.enqueue_dma source(%dma_start3A_9 : memref<1x2x128xi32, #tpu.memory_space<hbm>>) target(%arg5 : memref<1x2x128xi32, #tpu.memory_space<vmem>>) target_semaphore(%arg15 : memref<!tpu.dma_semaphore, #tpu.memory_space<semaphore_mem>>)
    %mul3A_10 = arith.constant 10240 : i32
    %mul3A_11 = arith.muli %arg0, %mul3A_10 : i32
    %add3A = arith.addi %mul3A_11, %mul3A_0 : i32
    "tpu.region"() ({
      %run_scoped3A = tpu.sem_alloc : memref<!tpu.dma_semaphore, #tpu.memory_space<semaphore_mem>>
      %dma_start3A_75 = arith.constant 0 : i32
      %dma_start3A_76 = tpu.memref_slice %arg10[%mul3A_0, %dma_start3A_75] : memref<10240x128xf32, #tpu.memory_space<vmem_shared>> -> memref<640x128xf32, #tpu.memory_space<vmem_shared>>
      %dma_start3A_77 = arith.constant 0 : i32
      %dma_start3A_78 = tpu.memref_slice %arg2[%add3A, %dma_start3A_77] : memref<20480x128xf32, #tpu.memory_space<hbm>> -> memref<640x128xf32, #tpu.memory_space<hbm>>
      tpu.enqueue_dma source(%dma_start3A_78 : memref<640x128xf32, #tpu.memory_space<hbm>>) target(%dma_start3A_76 : memref<640x128xf32, #tpu.memory_space<vmem_shared>>) target_semaphore(%run_scoped3A : memref<!tpu.dma_semaphore, #tpu.memory_space<semaphore_mem>>)
      %dma_wait3A_79 = arith.constant 0 : i32
      %dma_wait3A_80 = tpu.memref_slice %arg10[%mul3A_0, %dma_wait3A_79] : memref<10240x128xf32, #tpu.memory_space<vmem_shared>> -> memref<640x128xf32, #tpu.memory_space<vmem_shared>>
      %dma_wait3A_81 = arith.constant 0 : i32
      %dma_wait3A_82 = tpu.memref_slice %arg2[%add3A, %dma_wait3A_81] : memref<20480x128xf32, #tpu.memory_space<hbm>> -> memref<640x128xf32, #tpu.memory_space<hbm>>
      tpu.wait_dma2 semaphore(%run_scoped3A : memref<!tpu.dma_semaphore, #tpu.memory_space<semaphore_mem>>) src(%dma_wait3A_82 : memref<640x128xf32, #tpu.memory_space<hbm>>) dst(%dma_wait3A_80 : memref<640x128xf32, #tpu.memory_space<vmem_shared>>)
      tpu.yield
    }) : () -> ()
    %dma_wait3A = arith.constant 0 : i32
    %dma_wait3A_12 = arith.constant 0 : i32
    %dma_wait3A_13 = arith.constant 0 : i32
    %dma_wait3A_14 = tpu.memref_slice %arg3[%arg0, %arg1, %dma_wait3A, %dma_wait3A_12, %dma_wait3A_13] : memref<2x16x160x2x128xi32, #tpu.memory_space<hbm>> -> memref<1x1x1x2x128xi32, #tpu.memory_space<hbm>>
    %dma_wait3A_15 = tpu.memref_squeeze %dma_wait3A_14 : memref<1x1x1x2x128xi32, #tpu.memory_space<hbm>> -> memref<1x2x128xi32, #tpu.memory_space<hbm>>
    %dma_wait3A_16 = arith.constant 0 : i32
    %dma_wait3A_17 = arith.constant 0 : i32
    %dma_wait3A_18 = arith.constant 0 : i32
    %dma_wait3A_19 = tpu.memref_slice %arg3[%arg0, %arg1, %dma_wait3A_16, %dma_wait3A_17, %dma_wait3A_18] : memref<2x16x160x2x128xi32, #tpu.memory_space<hbm>> -> memref<1x1x1x2x128xi32, #tpu.memory_space<hbm>>
    %dma_wait3A_20 = tpu.memref_squeeze %dma_wait3A_19 : memref<1x1x1x2x128xi32, #tpu.memory_space<hbm>> -> memref<1x2x128xi32, #tpu.memory_space<hbm>>
    tpu.wait_dma2 semaphore(%arg15 : memref<!tpu.dma_semaphore, #tpu.memory_space<semaphore_mem>>) src(%dma_wait3A_20 : memref<1x2x128xi32, #tpu.memory_space<hbm>>) dst(%arg5 : memref<1x2x128xi32, #tpu.memory_space<vmem>>)
    %dma_start3A_21 = arith.constant 0 : i32
    %dma_start3A_22 = arith.constant 0 : i32
    %dma_start3A_23 = arith.constant 0 : i32
    %dma_start3A_24 = arith.constant 0 : i32
    %dma_start3A_25 = arith.constant 0 : i32
    %dma_start3A_26 = tpu.memref_slice %arg9[%dma_start3A_23, %dma_start3A_24, %dma_start3A_25] : memref<2x128x128xf32, #tpu.memory_space<vmem>> -> memref<1x64x128xf32, #tpu.memory_space<vmem>>
    %dma_start3A_27 = tpu.memref_squeeze %dma_start3A_26 : memref<1x64x128xf32, #tpu.memory_space<vmem>> -> memref<64x128xf32, #tpu.memory_space<vmem>>
    %dma_start3A_28 = arith.constant 0 : i32
    %dma_start3A_29 = tpu.memref_slice %arg5[%dma_start3A_21, %dma_start3A_22, %dma_start3A_28] : memref<1x2x128xi32, #tpu.memory_space<vmem>> -> memref<1x1x64xi32, #tpu.memory_space<vmem>>
    %dma_start3A_30 = tpu.memref_squeeze %dma_start3A_29 : memref<1x1x64xi32, #tpu.memory_space<vmem>> -> memref<64xi32, #tpu.memory_space<vmem>>
    %dma_start3A_31 = arith.constant 0 : i32
    %dma_start3A_32 = arith.constant 0 : i32
    %dma_start3A_33 = tpu.memref_slice %arg2[%dma_start3A_31, %dma_start3A_32] : memref<20480x128xf32, #tpu.memory_space<hbm>> -> memref<20480x128xf32, #tpu.memory_space<hbm>>
    tpu.enqueue_indirect_dma source(%dma_start3A_33 : memref<20480x128xf32, #tpu.memory_space<hbm>>) target(%dma_start3A_27 : memref<64x128xf32, #tpu.memory_space<vmem>>) offsets(%dma_start3A_30 : memref<64xi32, #tpu.memory_space<vmem>>) semaphore(%arg11 : memref<!tpu.dma_semaphore, #tpu.memory_space<semaphore_mem>>)
    %dma_start3A_34 = arith.constant 0 : i32
    %dma_start3A_35 = arith.constant 0 : i32
    %dma_start3A_36 = arith.constant 0 : i32
    %dma_start3A_37 = arith.constant 64 : i32
    %dma_start3A_38 = arith.constant 0 : i32
    %dma_start3A_39 = tpu.memref_slice %arg9[%dma_start3A_36, %dma_start3A_37, %dma_start3A_38] : memref<2x128x128xf32, #tpu.memory_space<vmem>> -> memref<1x64x128xf32, #tpu.memory_space<vmem>>
    %dma_start3A_40 = tpu.memref_squeeze %dma_start3A_39 : memref<1x64x128xf32, #tpu.memory_space<vmem>> -> memref<64x128xf32, #tpu.memory_space<vmem>>
    %dma_start3A_41 = arith.constant 64 : i32
    %dma_start3A_42 = tpu.memref_slice %arg5[%dma_start3A_34, %dma_start3A_35, %dma_start3A_41] : memref<1x2x128xi32, #tpu.memory_space<vmem>> -> memref<1x1x64xi32, #tpu.memory_space<vmem>>
    %dma_start3A_43 = tpu.memref_squeeze %dma_start3A_42 : memref<1x1x64xi32, #tpu.memory_space<vmem>> -> memref<64xi32, #tpu.memory_space<vmem>>
    %dma_start3A_44 = arith.constant 0 : i32
    %dma_start3A_45 = arith.constant 0 : i32
    %dma_start3A_46 = tpu.memref_slice %arg2[%dma_start3A_44, %dma_start3A_45] : memref<20480x128xf32, #tpu.memory_space<hbm>> -> memref<20480x128xf32, #tpu.memory_space<hbm>>
    tpu.enqueue_indirect_dma source(%dma_start3A_46 : memref<20480x128xf32, #tpu.memory_space<hbm>>) target(%dma_start3A_40 : memref<64x128xf32, #tpu.memory_space<vmem>>) offsets(%dma_start3A_43 : memref<64xi32, #tpu.memory_space<vmem>>) semaphore(%arg11 : memref<!tpu.dma_semaphore, #tpu.memory_space<semaphore_mem>>)
    %dma_start3A_47 = arith.constant 1 : i32
    %dma_start3A_48 = arith.constant 0 : i32
    %dma_start3A_49 = arith.constant 0 : i32
    %dma_start3A_50 = tpu.memref_slice %arg3[%arg0, %arg1, %dma_start3A_47, %dma_start3A_48, %dma_start3A_49] : memref<2x16x160x2x128xi32, #tpu.memory_space<hbm>> -> memref<1x1x1x2x128xi32, #tpu.memory_space<hbm>>
    %dma_start3A_51 = tpu.memref_squeeze %dma_start3A_50 : memref<1x1x1x2x128xi32, #tpu.memory_space<hbm>> -> memref<1x2x128xi32, #tpu.memory_space<hbm>>
    %dma_start3A_52 = arith.constant 1 : i32
    %dma_start3A_53 = arith.constant 0 : i32
    %dma_start3A_54 = arith.constant 0 : i32
    %dma_start3A_55 = tpu.memref_slice %arg3[%arg0, %arg1, %dma_start3A_52, %dma_start3A_53, %dma_start3A_54] : memref<2x16x160x2x128xi32, #tpu.memory_space<hbm>> -> memref<1x1x1x2x128xi32, #tpu.memory_space<hbm>>
    %dma_start3A_56 = tpu.memref_squeeze %dma_start3A_55 : memref<1x1x1x2x128xi32, #tpu.memory_space<hbm>> -> memref<1x2x128xi32, #tpu.memory_space<hbm>>
    tpu.enqueue_dma source(%dma_start3A_56 : memref<1x2x128xi32, #tpu.memory_space<hbm>>) target(%arg6 : memref<1x2x128xi32, #tpu.memory_space<vmem>>) target_semaphore(%arg16 : memref<!tpu.dma_semaphore, #tpu.memory_space<semaphore_mem>>)
    %barrier3A = arith.constant 0 : index
    tpu.barrier barrier_id(%barrier3A)
    %scan3A = arith.constant 0 : i32
    %scan3A_57 = arith.constant 0 : i32
    %scan3A_58 = arith.constant 80 : i32
    %scan3A_59 = arith.addi %scan3A_57, %scan3A_58 : i32
    %scan3A_60 = arith.constant 1 : i32
    scf.for %scan3A_75 = %scan3A_57 to %scan3A_59 step %scan3A_60  : i32 {
      %mul3A_76 = arith.constant 2 : i32
      %mul3A_77 = arith.muli %mul3A_76, %scan3A_75 : i32
      %mul3A_78 = arith.constant 1 : i32
      %mul3A_79 = arith.muli %mul3A_77, %mul3A_78 : i32
      %mul3A_80 = arith.constant 2 : i32
      %mul3A_81 = arith.muli %mul3A_80, %scan3A_75 : i32
      %add3A_82 = arith.constant 1 : i32
      %add3A_83 = arith.addi %mul3A_81, %add3A_82 : i32
      %mul3A_84 = arith.constant 1 : i32
      %mul3A_85 = arith.muli %add3A_83, %mul3A_84 : i32
      %gt3A = arith.constant 0 : i32
      %gt3A_86 = arith.cmpi sgt, %scan3A_75, %gt3A : i32
      %convert_element_type3A = arith.extui %gt3A_86 : i1 to i32
      %cond3A = arith.constant 0 : i32
      %cond3A_87 = arith.cmpi ne, %convert_element_type3A, %cond3A : i32
      scf.if %cond3A_87 {
        %dma_wait3A_429 = arith.constant 1 : i32
        %dma_wait3A_430 = arith.constant 0 : i32
        %dma_wait3A_431 = arith.constant 0 : i32
        %dma_wait3A_432 = arith.constant 0 : i32
        %dma_wait3A_433 = tpu.memref_slice %arg9[%dma_wait3A_429, %dma_wait3A_431, %dma_wait3A_432] : memref<2x128x128xf32, #tpu.memory_space<vmem>> -> memref<1x128x128xf32, #tpu.memory_space<vmem>>
        %dma_wait3A_434 = tpu.memref_squeeze %dma_wait3A_433 : memref<1x128x128xf32, #tpu.memory_space<vmem>> -> memref<128x128xf32, #tpu.memory_space<vmem>>
        %dma_wait3A_435 = arith.constant 0 : i32
        %dma_wait3A_436 = tpu.memref_slice %arg8[%dma_wait3A_430, %dma_wait3A_435] : memref<1x128xi32, #tpu.memory_space<vmem>> -> memref<1x128xi32, #tpu.memory_space<vmem>>
        %dma_wait3A_437 = tpu.memref_squeeze %dma_wait3A_436 : memref<1x128xi32, #tpu.memory_space<vmem>> -> memref<128xi32, #tpu.memory_space<vmem>>
        %dma_wait3A_438 = arith.constant 0 : i32
        %dma_wait3A_439 = arith.constant 0 : i32
        %dma_wait3A_440 = tpu.memref_slice %arg10[%dma_wait3A_438, %dma_wait3A_439] : memref<10240x128xf32, #tpu.memory_space<vmem_shared>> -> memref<10240x128xf32, #tpu.memory_space<vmem_shared>>
        tpu.wait_indirect_dma semaphore(%arg14 : memref<!tpu.dma_semaphore, #tpu.memory_space<semaphore_mem>>) src(%dma_wait3A_434 : memref<128x128xf32, #tpu.memory_space<vmem>>) dst(%dma_wait3A_440 : memref<10240x128xf32, #tpu.memory_space<vmem_shared>>)
      } else {
      }
      %dma_wait3A_88 = arith.constant 0 : i32
      %dma_wait3A_89 = arith.constant 0 : i32
      %dma_wait3A_90 = tpu.memref_slice %arg3[%arg0, %arg1, %mul3A_85, %dma_wait3A_88, %dma_wait3A_89] : memref<2x16x160x2x128xi32, #tpu.memory_space<hbm>> -> memref<1x1x1x2x128xi32, #tpu.memory_space<hbm>>
      %dma_wait3A_91 = tpu.memref_squeeze %dma_wait3A_90 : memref<1x1x1x2x128xi32, #tpu.memory_space<hbm>> -> memref<1x2x128xi32, #tpu.memory_space<hbm>>
      %dma_wait3A_92 = arith.constant 0 : i32
      %dma_wait3A_93 = arith.constant 0 : i32
      %dma_wait3A_94 = tpu.memref_slice %arg3[%arg0, %arg1, %mul3A_85, %dma_wait3A_92, %dma_wait3A_93] : memref<2x16x160x2x128xi32, #tpu.memory_space<hbm>> -> memref<1x1x1x2x128xi32, #tpu.memory_space<hbm>>
      %dma_wait3A_95 = tpu.memref_squeeze %dma_wait3A_94 : memref<1x1x1x2x128xi32, #tpu.memory_space<hbm>> -> memref<1x2x128xi32, #tpu.memory_space<hbm>>
      tpu.wait_dma2 semaphore(%arg16 : memref<!tpu.dma_semaphore, #tpu.memory_space<semaphore_mem>>) src(%dma_wait3A_95 : memref<1x2x128xi32, #tpu.memory_space<hbm>>) dst(%arg6 : memref<1x2x128xi32, #tpu.memory_space<vmem>>)
      %dma_start3A_96 = arith.constant 0 : i32
      %dma_start3A_97 = arith.constant 0 : i32
      %dma_start3A_98 = arith.constant 1 : i32
      %dma_start3A_99 = arith.constant 0 : i32
      %dma_start3A_100 = arith.constant 0 : i32
      %dma_start3A_101 = tpu.memref_slice %arg9[%dma_start3A_98, %dma_start3A_99, %dma_start3A_100] : memref<2x128x128xf32, #tpu.memory_space<vmem>> -> memref<1x64x128xf32, #tpu.memory_space<vmem>>
      %dma_start3A_102 = tpu.memref_squeeze %dma_start3A_101 : memref<1x64x128xf32, #tpu.memory_space<vmem>> -> memref<64x128xf32, #tpu.memory_space<vmem>>
      %dma_start3A_103 = arith.constant 0 : i32
      %dma_start3A_104 = tpu.memref_slice %arg6[%dma_start3A_96, %dma_start3A_97, %dma_start3A_103] : memref<1x2x128xi32, #tpu.memory_space<vmem>> -> memref<1x1x64xi32, #tpu.memory_space<vmem>>
      %dma_start3A_105 = tpu.memref_squeeze %dma_start3A_104 : memref<1x1x64xi32, #tpu.memory_space<vmem>> -> memref<64xi32, #tpu.memory_space<vmem>>
      %dma_start3A_106 = arith.constant 0 : i32
      %dma_start3A_107 = arith.constant 0 : i32
      %dma_start3A_108 = tpu.memref_slice %arg2[%dma_start3A_106, %dma_start3A_107] : memref<20480x128xf32, #tpu.memory_space<hbm>> -> memref<20480x128xf32, #tpu.memory_space<hbm>>
      tpu.enqueue_indirect_dma source(%dma_start3A_108 : memref<20480x128xf32, #tpu.memory_space<hbm>>) target(%dma_start3A_102 : memref<64x128xf32, #tpu.memory_space<vmem>>) offsets(%dma_start3A_105 : memref<64xi32, #tpu.memory_space<vmem>>) semaphore(%arg12 : memref<!tpu.dma_semaphore, #tpu.memory_space<semaphore_mem>>)
      %dma_start3A_109 = arith.constant 0 : i32
      %dma_start3A_110 = arith.constant 0 : i32
      %dma_start3A_111 = arith.constant 1 : i32
      %dma_start3A_112 = arith.constant 64 : i32
      %dma_start3A_113 = arith.constant 0 : i32
      %dma_start3A_114 = tpu.memref_slice %arg9[%dma_start3A_111, %dma_start3A_112, %dma_start3A_113] : memref<2x128x128xf32, #tpu.memory_space<vmem>> -> memref<1x64x128xf32, #tpu.memory_space<vmem>>
      %dma_start3A_115 = tpu.memref_squeeze %dma_start3A_114 : memref<1x64x128xf32, #tpu.memory_space<vmem>> -> memref<64x128xf32, #tpu.memory_space<vmem>>
      %dma_start3A_116 = arith.constant 64 : i32
      %dma_start3A_117 = tpu.memref_slice %arg6[%dma_start3A_109, %dma_start3A_110, %dma_start3A_116] : memref<1x2x128xi32, #tpu.memory_space<vmem>> -> memref<1x1x64xi32, #tpu.memory_space<vmem>>
      %dma_start3A_118 = tpu.memref_squeeze %dma_start3A_117 : memref<1x1x64xi32, #tpu.memory_space<vmem>> -> memref<64xi32, #tpu.memory_space<vmem>>
      %dma_start3A_119 = arith.constant 0 : i32
      %dma_start3A_120 = arith.constant 0 : i32
      %dma_start3A_121 = tpu.memref_slice %arg2[%dma_start3A_119, %dma_start3A_120] : memref<20480x128xf32, #tpu.memory_space<hbm>> -> memref<20480x128xf32, #tpu.memory_space<hbm>>
      tpu.enqueue_indirect_dma source(%dma_start3A_121 : memref<20480x128xf32, #tpu.memory_space<hbm>>) target(%dma_start3A_115 : memref<64x128xf32, #tpu.memory_space<vmem>>) offsets(%dma_start3A_118 : memref<64xi32, #tpu.memory_space<vmem>>) semaphore(%arg12 : memref<!tpu.dma_semaphore, #tpu.memory_space<semaphore_mem>>)
      %dma_wait3A_122 = arith.constant 0 : i32
      %dma_wait3A_123 = arith.constant 0 : i32
      %dma_wait3A_124 = arith.constant 0 : i32
      %dma_wait3A_125 = arith.constant 0 : i32
      %dma_wait3A_126 = arith.constant 0 : i32
      %dma_wait3A_127 = tpu.memref_slice %arg9[%dma_wait3A_124, %dma_wait3A_125, %dma_wait3A_126] : memref<2x128x128xf32, #tpu.memory_space<vmem>> -> memref<1x64x128xf32, #tpu.memory_space<vmem>>
      %dma_wait3A_128 = tpu.memref_squeeze %dma_wait3A_127 : memref<1x64x128xf32, #tpu.memory_space<vmem>> -> memref<64x128xf32, #tpu.memory_space<vmem>>
      %dma_wait3A_129 = arith.constant 0 : i32
      %dma_wait3A_130 = tpu.memref_slice %arg5[%dma_wait3A_122, %dma_wait3A_123, %dma_wait3A_129] : memref<1x2x128xi32, #tpu.memory_space<vmem>> -> memref<1x1x64xi32, #tpu.memory_space<vmem>>
      %dma_wait3A_131 = tpu.memref_squeeze %dma_wait3A_130 : memref<1x1x64xi32, #tpu.memory_space<vmem>> -> memref<64xi32, #tpu.memory_space<vmem>>
      %dma_wait3A_132 = arith.constant 0 : i32
      %dma_wait3A_133 = arith.constant 0 : i32
      %dma_wait3A_134 = tpu.memref_slice %arg2[%dma_wait3A_132, %dma_wait3A_133] : memref<20480x128xf32, #tpu.memory_space<hbm>> -> memref<20480x128xf32, #tpu.memory_space<hbm>>
      tpu.wait_indirect_dma semaphore(%arg11 : memref<!tpu.dma_semaphore, #tpu.memory_space<semaphore_mem>>) src(%dma_wait3A_134 : memref<20480x128xf32, #tpu.memory_space<hbm>>) dst(%dma_wait3A_128 : memref<64x128xf32, #tpu.memory_space<vmem>>)
      %dma_wait3A_135 = arith.constant 0 : i32
      %dma_wait3A_136 = arith.constant 0 : i32
      %dma_wait3A_137 = arith.constant 0 : i32
      %dma_wait3A_138 = arith.constant 64 : i32
      %dma_wait3A_139 = arith.constant 0 : i32
      %dma_wait3A_140 = tpu.memref_slice %arg9[%dma_wait3A_137, %dma_wait3A_138, %dma_wait3A_139] : memref<2x128x128xf32, #tpu.memory_space<vmem>> -> memref<1x64x128xf32, #tpu.memory_space<vmem>>
      %dma_wait3A_141 = tpu.memref_squeeze %dma_wait3A_140 : memref<1x64x128xf32, #tpu.memory_space<vmem>> -> memref<64x128xf32, #tpu.memory_space<vmem>>
      %dma_wait3A_142 = arith.constant 64 : i32
      %dma_wait3A_143 = tpu.memref_slice %arg5[%dma_wait3A_135, %dma_wait3A_136, %dma_wait3A_142] : memref<1x2x128xi32, #tpu.memory_space<vmem>> -> memref<1x1x64xi32, #tpu.memory_space<vmem>>
      %dma_wait3A_144 = tpu.memref_squeeze %dma_wait3A_143 : memref<1x1x64xi32, #tpu.memory_space<vmem>> -> memref<64xi32, #tpu.memory_space<vmem>>
      %dma_wait3A_145 = arith.constant 0 : i32
      %dma_wait3A_146 = arith.constant 0 : i32
      %dma_wait3A_147 = tpu.memref_slice %arg2[%dma_wait3A_145, %dma_wait3A_146] : memref<20480x128xf32, #tpu.memory_space<hbm>> -> memref<20480x128xf32, #tpu.memory_space<hbm>>
      tpu.wait_indirect_dma semaphore(%arg11 : memref<!tpu.dma_semaphore, #tpu.memory_space<semaphore_mem>>) src(%dma_wait3A_147 : memref<20480x128xf32, #tpu.memory_space<hbm>>) dst(%dma_wait3A_141 : memref<64x128xf32, #tpu.memory_space<vmem>>)
      %get3A = arith.constant 0 : i32
      %get3A_148 = arith.constant 1 : i32
      %get3A_149 = arith.index_cast %get3A : i32 to index
      %get3A_150 = arith.index_cast %get3A_148 : i32 to index
      %get3A_151 = arith.constant 0 : index
      %get3A_152 = tpu.vector_load %arg5[%get3A_149, %get3A_150, %get3A_151] {strides = array<i32>} : memref<1x2x128xi32, #tpu.memory_space<vmem>>, vector<1x1x16xi32>,
      %get3A_153 = vector.shape_cast %get3A_152 : vector<1x1x16xi32> to vector<16xi32>
      %swap3A = arith.constant 0 : i32
      %swap3A_154 = arith.index_cast %swap3A : i32 to index
      %swap3A_155 = arith.constant 0 : index
      %swap3A_156 = tpu.vector_load %arg7[%swap3A_154, %swap3A_155] {strides = array<i32>} : memref<1x128xi32, #tpu.memory_space<vmem>>, vector<1x16xi32>,
      %swap3A_157 = vector.shape_cast %swap3A_156 : vector<1x16xi32> to vector<16xi32>
      %swap3A_158 = vector.shape_cast %get3A_153 : vector<16xi32> to vector<1x16xi32>
      tpu.vector_store %arg7[%swap3A_154, %swap3A_155], %swap3A_158 {strides = array<i32>} : memref<1x128xi32, #tpu.memory_space<vmem>>, vector<1x16xi32>,
      %get3A_159 = arith.constant 0 : i32
      %get3A_160 = arith.constant 1 : i32
      %get3A_161 = arith.index_cast %get3A_159 : i32 to index
      %get3A_162 = arith.index_cast %get3A_160 : i32 to index
      %get3A_163 = arith.constant 16 : index
      %get3A_164 = tpu.vector_load %arg5[%get3A_161, %get3A_162, %get3A_163] {strides = array<i32>} : memref<1x2x128xi32, #tpu.memory_space<vmem>>, vector<1x1x16xi32>,
      %get3A_165 = vector.shape_cast %get3A_164 : vector<1x1x16xi32> to vector<16xi32>
      %swap3A_166 = arith.constant 0 : i32
      %swap3A_167 = arith.index_cast %swap3A_166 : i32 to index
      %swap3A_168 = arith.constant 16 : index
      %swap3A_169 = tpu.vector_load %arg7[%swap3A_167, %swap3A_168] {strides = array<i32>} : memref<1x128xi32, #tpu.memory_space<vmem>>, vector<1x16xi32>,
      %swap3A_170 = vector.shape_cast %swap3A_169 : vector<1x16xi32> to vector<16xi32>
      %swap3A_171 = vector.shape_cast %get3A_165 : vector<16xi32> to vector<1x16xi32>
      tpu.vector_store %arg7[%swap3A_167, %swap3A_168], %swap3A_171 {strides = array<i32>} : memref<1x128xi32, #tpu.memory_space<vmem>>, vector<1x16xi32>,
      %get3A_172 = arith.constant 0 : i32
      %get3A_173 = arith.constant 1 : i32
      %get3A_174 = arith.index_cast %get3A_172 : i32 to index
      %get3A_175 = arith.index_cast %get3A_173 : i32 to index
      %get3A_176 = arith.constant 32 : index
      %get3A_177 = tpu.vector_load %arg5[%get3A_174, %get3A_175, %get3A_176] {strides = array<i32>} : memref<1x2x128xi32, #tpu.memory_space<vmem>>, vector<1x1x16xi32>,
      %get3A_178 = vector.shape_cast %get3A_177 : vector<1x1x16xi32> to vector<16xi32>
      %swap3A_179 = arith.constant 0 : i32
      %swap3A_180 = arith.index_cast %swap3A_179 : i32 to index
      %swap3A_181 = arith.constant 32 : index
      %swap3A_182 = tpu.vector_load %arg7[%swap3A_180, %swap3A_181] {strides = array<i32>} : memref<1x128xi32, #tpu.memory_space<vmem>>, vector<1x16xi32>,
      %swap3A_183 = vector.shape_cast %swap3A_182 : vector<1x16xi32> to vector<16xi32>
      %swap3A_184 = vector.shape_cast %get3A_178 : vector<16xi32> to vector<1x16xi32>
      tpu.vector_store %arg7[%swap3A_180, %swap3A_181], %swap3A_184 {strides = array<i32>} : memref<1x128xi32, #tpu.memory_space<vmem>>, vector<1x16xi32>,
      %get3A_185 = arith.constant 0 : i32
      %get3A_186 = arith.constant 1 : i32
      %get3A_187 = arith.index_cast %get3A_185 : i32 to index
      %get3A_188 = arith.index_cast %get3A_186 : i32 to index
      %get3A_189 = arith.constant 48 : index
      %get3A_190 = tpu.vector_load %arg5[%get3A_187, %get3A_188, %get3A_189] {strides = array<i32>} : memref<1x2x128xi32, #tpu.memory_space<vmem>>, vector<1x1x16xi32>,
      %get3A_191 = vector.shape_cast %get3A_190 : vector<1x1x16xi32> to vector<16xi32>
      %swap3A_192 = arith.constant 0 : i32
      %swap3A_193 = arith.index_cast %swap3A_192 : i32 to index
      %swap3A_194 = arith.constant 48 : index
      %swap3A_195 = tpu.vector_load %arg7[%swap3A_193, %swap3A_194] {strides = array<i32>} : memref<1x128xi32, #tpu.memory_space<vmem>>, vector<1x16xi32>,
      %swap3A_196 = vector.shape_cast %swap3A_195 : vector<1x16xi32> to vector<16xi32>
      %swap3A_197 = vector.shape_cast %get3A_191 : vector<16xi32> to vector<1x16xi32>
      tpu.vector_store %arg7[%swap3A_193, %swap3A_194], %swap3A_197 {strides = array<i32>} : memref<1x128xi32, #tpu.memory_space<vmem>>, vector<1x16xi32>,
      %get3A_198 = arith.constant 0 : i32
      %get3A_199 = arith.constant 1 : i32
      %get3A_200 = arith.index_cast %get3A_198 : i32 to index
      %get3A_201 = arith.index_cast %get3A_199 : i32 to index
      %get3A_202 = arith.constant 64 : index
      %get3A_203 = tpu.vector_load %arg5[%get3A_200, %get3A_201, %get3A_202] {strides = array<i32>} : memref<1x2x128xi32, #tpu.memory_space<vmem>>, vector<1x1x16xi32>,
      %get3A_204 = vector.shape_cast %get3A_203 : vector<1x1x16xi32> to vector<16xi32>
      %swap3A_205 = arith.constant 0 : i32
      %swap3A_206 = arith.index_cast %swap3A_205 : i32 to index
      %swap3A_207 = arith.constant 64 : index
      %swap3A_208 = tpu.vector_load %arg7[%swap3A_206, %swap3A_207] {strides = array<i32>} : memref<1x128xi32, #tpu.memory_space<vmem>>, vector<1x16xi32>,
      %swap3A_209 = vector.shape_cast %swap3A_208 : vector<1x16xi32> to vector<16xi32>
      %swap3A_210 = vector.shape_cast %get3A_204 : vector<16xi32> to vector<1x16xi32>
      tpu.vector_store %arg7[%swap3A_206, %swap3A_207], %swap3A_210 {strides = array<i32>} : memref<1x128xi32, #tpu.memory_space<vmem>>, vector<1x16xi32>,
      %get3A_211 = arith.constant 0 : i32
      %get3A_212 = arith.constant 1 : i32
      %get3A_213 = arith.index_cast %get3A_211 : i32 to index
      %get3A_214 = arith.index_cast %get3A_212 : i32 to index
      %get3A_215 = arith.constant 80 : index
      %get3A_216 = tpu.vector_load %arg5[%get3A_213, %get3A_214, %get3A_215] {strides = array<i32>} : memref<1x2x128xi32, #tpu.memory_space<vmem>>, vector<1x1x16xi32>,
      %get3A_217 = vector.shape_cast %get3A_216 : vector<1x1x16xi32> to vector<16xi32>
      %swap3A_218 = arith.constant 0 : i32
      %swap3A_219 = arith.index_cast %swap3A_218 : i32 to index
      %swap3A_220 = arith.constant 80 : index
      %swap3A_221 = tpu.vector_load %arg7[%swap3A_219, %swap3A_220] {strides = array<i32>} : memref<1x128xi32, #tpu.memory_space<vmem>>, vector<1x16xi32>,
      %swap3A_222 = vector.shape_cast %swap3A_221 : vector<1x16xi32> to vector<16xi32>
      %swap3A_223 = vector.shape_cast %get3A_217 : vector<16xi32> to vector<1x16xi32>
      tpu.vector_store %arg7[%swap3A_219, %swap3A_220], %swap3A_223 {strides = array<i32>} : memref<1x128xi32, #tpu.memory_space<vmem>>, vector<1x16xi32>,
      %get3A_224 = arith.constant 0 : i32
      %get3A_225 = arith.constant 1 : i32
      %get3A_226 = arith.index_cast %get3A_224 : i32 to index
      %get3A_227 = arith.index_cast %get3A_225 : i32 to index
      %get3A_228 = arith.constant 96 : index
      %get3A_229 = tpu.vector_load %arg5[%get3A_226, %get3A_227, %get3A_228] {strides = array<i32>} : memref<1x2x128xi32, #tpu.memory_space<vmem>>, vector<1x1x16xi32>,
      %get3A_230 = vector.shape_cast %get3A_229 : vector<1x1x16xi32> to vector<16xi32>
      %swap3A_231 = arith.constant 0 : i32
      %swap3A_232 = arith.index_cast %swap3A_231 : i32 to index
      %swap3A_233 = arith.constant 96 : index
      %swap3A_234 = tpu.vector_load %arg7[%swap3A_232, %swap3A_233] {strides = array<i32>} : memref<1x128xi32, #tpu.memory_space<vmem>>, vector<1x16xi32>,
      %swap3A_235 = vector.shape_cast %swap3A_234 : vector<1x16xi32> to vector<16xi32>
      %swap3A_236 = vector.shape_cast %get3A_230 : vector<16xi32> to vector<1x16xi32>
      tpu.vector_store %arg7[%swap3A_232, %swap3A_233], %swap3A_236 {strides = array<i32>} : memref<1x128xi32, #tpu.memory_space<vmem>>, vector<1x16xi32>,
      %get3A_237 = arith.constant 0 : i32
      %get3A_238 = arith.constant 1 : i32
      %get3A_239 = arith.index_cast %get3A_237 : i32 to index
      %get3A_240 = arith.index_cast %get3A_238 : i32 to index
      %get3A_241 = arith.constant 112 : index
      %get3A_242 = tpu.vector_load %arg5[%get3A_239, %get3A_240, %get3A_241] {strides = array<i32>} : memref<1x2x128xi32, #tpu.memory_space<vmem>>, vector<1x1x16xi32>,
      %get3A_243 = vector.shape_cast %get3A_242 : vector<1x1x16xi32> to vector<16xi32>
      %swap3A_244 = arith.constant 0 : i32
      %swap3A_245 = arith.index_cast %swap3A_244 : i32 to index
      %swap3A_246 = arith.constant 112 : index
      %swap3A_247 = tpu.vector_load %arg7[%swap3A_245, %swap3A_246] {strides = array<i32>} : memref<1x128xi32, #tpu.memory_space<vmem>>, vector<1x16xi32>,
      %swap3A_248 = vector.shape_cast %swap3A_247 : vector<1x16xi32> to vector<16xi32>
      %swap3A_249 = vector.shape_cast %get3A_243 : vector<16xi32> to vector<1x16xi32>
      tpu.vector_store %arg7[%swap3A_245, %swap3A_246], %swap3A_249 {strides = array<i32>} : memref<1x128xi32, #tpu.memory_space<vmem>>, vector<1x16xi32>,
      %dma_start3A_250 = arith.constant 0 : i32
      %dma_start3A_251 = arith.constant 0 : i32
      %dma_start3A_252 = arith.constant 0 : i32
      %dma_start3A_253 = arith.constant 0 : i32
      %dma_start3A_254 = tpu.memref_slice %arg9[%dma_start3A_250, %dma_start3A_252, %dma_start3A_253] : memref<2x128x128xf32, #tpu.memory_space<vmem>> -> memref<1x128x128xf32, #tpu.memory_space<vmem>>
      %dma_start3A_255 = tpu.memref_squeeze %dma_start3A_254 : memref<1x128x128xf32, #tpu.memory_space<vmem>> -> memref<128x128xf32, #tpu.memory_space<vmem>>
      %dma_start3A_256 = arith.constant 0 : i32
      %dma_start3A_257 = tpu.memref_slice %arg7[%dma_start3A_251, %dma_start3A_256] : memref<1x128xi32, #tpu.memory_space<vmem>> -> memref<1x128xi32, #tpu.memory_space<vmem>>
      %dma_start3A_258 = tpu.memref_squeeze %dma_start3A_257 : memref<1x128xi32, #tpu.memory_space<vmem>> -> memref<128xi32, #tpu.memory_space<vmem>>
      %dma_start3A_259 = arith.constant 0 : i32
      %dma_start3A_260 = arith.constant 0 : i32
      %dma_start3A_261 = tpu.memref_slice %arg10[%dma_start3A_259, %dma_start3A_260] : memref<10240x128xf32, #tpu.memory_space<vmem_shared>> -> memref<10240x128xf32, #tpu.memory_space<vmem_shared>>
      tpu.enqueue_indirect_dma source(%dma_start3A_255 : memref<128x128xf32, #tpu.memory_space<vmem>>) target(%dma_start3A_261 : memref<10240x128xf32, #tpu.memory_space<vmem_shared>>) offsets(%dma_start3A_258 : memref<128xi32, #tpu.memory_space<vmem>>) semaphore(%arg13 : memref<!tpu.dma_semaphore, #tpu.memory_space<semaphore_mem>>) {add = true}
      %add3A_262 = arith.constant 1 : i32
      %add3A_263 = arith.addi %scan3A_75, %add3A_262 : i32
      %lt3A = arith.constant 80 : i32
      %lt3A_264 = arith.cmpi slt, %add3A_263, %lt3A : i32
      %convert_element_type3A_265 = arith.extui %lt3A_264 : i1 to i32
      %cond3A_266 = arith.constant 0 : i32
      %cond3A_267 = arith.cmpi ne, %convert_element_type3A_265, %cond3A_266 : i32
      scf.if %cond3A_267 {
        %add3A_429 = arith.constant 2 : i32
        %add3A_430 = arith.addi %mul3A_79, %add3A_429 : i32
        %dma_start3A_431 = arith.constant 0 : i32
        %dma_start3A_432 = arith.constant 0 : i32
        %dma_start3A_433 = tpu.memref_slice %arg3[%arg0, %arg1, %add3A_430, %dma_start3A_431, %dma_start3A_432] : memref<2x16x160x2x128xi32, #tpu.memory_space<hbm>> -> memref<1x1x1x2x128xi32, #tpu.memory_space<hbm>>
        %dma_start3A_434 = tpu.memref_squeeze %dma_start3A_433 : memref<1x1x1x2x128xi32, #tpu.memory_space<hbm>> -> memref<1x2x128xi32, #tpu.memory_space<hbm>>
        %dma_start3A_435 = arith.constant 0 : i32
        %dma_start3A_436 = arith.constant 0 : i32
        %dma_start3A_437 = tpu.memref_slice %arg3[%arg0, %arg1, %add3A_430, %dma_start3A_435, %dma_start3A_436] : memref<2x16x160x2x128xi32, #tpu.memory_space<hbm>> -> memref<1x1x1x2x128xi32, #tpu.memory_space<hbm>>
        %dma_start3A_438 = tpu.memref_squeeze %dma_start3A_437 : memref<1x1x1x2x128xi32, #tpu.memory_space<hbm>> -> memref<1x2x128xi32, #tpu.memory_space<hbm>>
        tpu.enqueue_dma source(%dma_start3A_438 : memref<1x2x128xi32, #tpu.memory_space<hbm>>) target(%arg5 : memref<1x2x128xi32, #tpu.memory_space<vmem>>) target_semaphore(%arg15 : memref<!tpu.dma_semaphore, #tpu.memory_space<semaphore_mem>>)
      } else {
      }
      %dma_wait3A_268 = arith.constant 0 : i32
      %dma_wait3A_269 = arith.constant 0 : i32
      %dma_wait3A_270 = arith.constant 1 : i32
      %dma_wait3A_271 = arith.constant 0 : i32
      %dma_wait3A_272 = arith.constant 0 : i32
      %dma_wait3A_273 = tpu.memref_slice %arg9[%dma_wait3A_270, %dma_wait3A_271, %dma_wait3A_272] : memref<2x128x128xf32, #tpu.memory_space<vmem>> -> memref<1x64x128xf32, #tpu.memory_space<vmem>>
      %dma_wait3A_274 = tpu.memref_squeeze %dma_wait3A_273 : memref<1x64x128xf32, #tpu.memory_space<vmem>> -> memref<64x128xf32, #tpu.memory_space<vmem>>
      %dma_wait3A_275 = arith.constant 0 : i32
      %dma_wait3A_276 = tpu.memref_slice %arg6[%dma_wait3A_268, %dma_wait3A_269, %dma_wait3A_275] : memref<1x2x128xi32, #tpu.memory_space<vmem>> -> memref<1x1x64xi32, #tpu.memory_space<vmem>>
      %dma_wait3A_277 = tpu.memref_squeeze %dma_wait3A_276 : memref<1x1x64xi32, #tpu.memory_space<vmem>> -> memref<64xi32, #tpu.memory_space<vmem>>
      %dma_wait3A_278 = arith.constant 0 : i32
      %dma_wait3A_279 = arith.constant 0 : i32
      %dma_wait3A_280 = tpu.memref_slice %arg2[%dma_wait3A_278, %dma_wait3A_279] : memref<20480x128xf32, #tpu.memory_space<hbm>> -> memref<20480x128xf32, #tpu.memory_space<hbm>>
      tpu.wait_indirect_dma semaphore(%arg12 : memref<!tpu.dma_semaphore, #tpu.memory_space<semaphore_mem>>) src(%dma_wait3A_280 : memref<20480x128xf32, #tpu.memory_space<hbm>>) dst(%dma_wait3A_274 : memref<64x128xf32, #tpu.memory_space<vmem>>)
      %dma_wait3A_281 = arith.constant 0 : i32
      %dma_wait3A_282 = arith.constant 0 : i32
      %dma_wait3A_283 = arith.constant 1 : i32
      %dma_wait3A_284 = arith.constant 64 : i32
      %dma_wait3A_285 = arith.constant 0 : i32
      %dma_wait3A_286 = tpu.memref_slice %arg9[%dma_wait3A_283, %dma_wait3A_284, %dma_wait3A_285] : memref<2x128x128xf32, #tpu.memory_space<vmem>> -> memref<1x64x128xf32, #tpu.memory_space<vmem>>
      %dma_wait3A_287 = tpu.memref_squeeze %dma_wait3A_286 : memref<1x64x128xf32, #tpu.memory_space<vmem>> -> memref<64x128xf32, #tpu.memory_space<vmem>>
      %dma_wait3A_288 = arith.constant 64 : i32
      %dma_wait3A_289 = tpu.memref_slice %arg6[%dma_wait3A_281, %dma_wait3A_282, %dma_wait3A_288] : memref<1x2x128xi32, #tpu.memory_space<vmem>> -> memref<1x1x64xi32, #tpu.memory_space<vmem>>
      %dma_wait3A_290 = tpu.memref_squeeze %dma_wait3A_289 : memref<1x1x64xi32, #tpu.memory_space<vmem>> -> memref<64xi32, #tpu.memory_space<vmem>>
      %dma_wait3A_291 = arith.constant 0 : i32
      %dma_wait3A_292 = arith.constant 0 : i32
      %dma_wait3A_293 = tpu.memref_slice %arg2[%dma_wait3A_291, %dma_wait3A_292] : memref<20480x128xf32, #tpu.memory_space<hbm>> -> memref<20480x128xf32, #tpu.memory_space<hbm>>
      tpu.wait_indirect_dma semaphore(%arg12 : memref<!tpu.dma_semaphore, #tpu.memory_space<semaphore_mem>>) src(%dma_wait3A_293 : memref<20480x128xf32, #tpu.memory_space<hbm>>) dst(%dma_wait3A_287 : memref<64x128xf32, #tpu.memory_space<vmem>>)
      %get3A_294 = arith.constant 0 : i32
      %get3A_295 = arith.constant 1 : i32
      %get3A_296 = arith.index_cast %get3A_294 : i32 to index
      %get3A_297 = arith.index_cast %get3A_295 : i32 to index
      %get3A_298 = arith.constant 0 : index
      %get3A_299 = tpu.vector_load %arg6[%get3A_296, %get3A_297, %get3A_298] {strides = array<i32>} : memref<1x2x128xi32, #tpu.memory_space<vmem>>, vector<1x1x16xi32>,
      %get3A_300 = vector.shape_cast %get3A_299 : vector<1x1x16xi32> to vector<16xi32>
      %swap3A_301 = arith.constant 0 : i32
      %swap3A_302 = arith.index_cast %swap3A_301 : i32 to index
      %swap3A_303 = arith.constant 0 : index
      %swap3A_304 = tpu.vector_load %arg8[%swap3A_302, %swap3A_303] {strides = array<i32>} : memref<1x128xi32, #tpu.memory_space<vmem>>, vector<1x16xi32>,
      %swap3A_305 = vector.shape_cast %swap3A_304 : vector<1x16xi32> to vector<16xi32>
      %swap3A_306 = vector.shape_cast %get3A_300 : vector<16xi32> to vector<1x16xi32>
      tpu.vector_store %arg8[%swap3A_302, %swap3A_303], %swap3A_306 {strides = array<i32>} : memref<1x128xi32, #tpu.memory_space<vmem>>, vector<1x16xi32>,
      %get3A_307 = arith.constant 0 : i32
      %get3A_308 = arith.constant 1 : i32
      %get3A_309 = arith.index_cast %get3A_307 : i32 to index
      %get3A_310 = arith.index_cast %get3A_308 : i32 to index
      %get3A_311 = arith.constant 16 : index
      %get3A_312 = tpu.vector_load %arg6[%get3A_309, %get3A_310, %get3A_311] {strides = array<i32>} : memref<1x2x128xi32, #tpu.memory_space<vmem>>, vector<1x1x16xi32>,
      %get3A_313 = vector.shape_cast %get3A_312 : vector<1x1x16xi32> to vector<16xi32>
      %swap3A_314 = arith.constant 0 : i32
      %swap3A_315 = arith.index_cast %swap3A_314 : i32 to index
      %swap3A_316 = arith.constant 16 : index
      %swap3A_317 = tpu.vector_load %arg8[%swap3A_315, %swap3A_316] {strides = array<i32>} : memref<1x128xi32, #tpu.memory_space<vmem>>, vector<1x16xi32>,
      %swap3A_318 = vector.shape_cast %swap3A_317 : vector<1x16xi32> to vector<16xi32>
      %swap3A_319 = vector.shape_cast %get3A_313 : vector<16xi32> to vector<1x16xi32>
      tpu.vector_store %arg8[%swap3A_315, %swap3A_316], %swap3A_319 {strides = array<i32>} : memref<1x128xi32, #tpu.memory_space<vmem>>, vector<1x16xi32>,
      %get3A_320 = arith.constant 0 : i32
      %get3A_321 = arith.constant 1 : i32
      %get3A_322 = arith.index_cast %get3A_320 : i32 to index
      %get3A_323 = arith.index_cast %get3A_321 : i32 to index
      %get3A_324 = arith.constant 32 : index
      %get3A_325 = tpu.vector_load %arg6[%get3A_322, %get3A_323, %get3A_324] {strides = array<i32>} : memref<1x2x128xi32, #tpu.memory_space<vmem>>, vector<1x1x16xi32>,
      %get3A_326 = vector.shape_cast %get3A_325 : vector<1x1x16xi32> to vector<16xi32>
      %swap3A_327 = arith.constant 0 : i32
      %swap3A_328 = arith.index_cast %swap3A_327 : i32 to index
      %swap3A_329 = arith.constant 32 : index
      %swap3A_330 = tpu.vector_load %arg8[%swap3A_328, %swap3A_329] {strides = array<i32>} : memref<1x128xi32, #tpu.memory_space<vmem>>, vector<1x16xi32>,
      %swap3A_331 = vector.shape_cast %swap3A_330 : vector<1x16xi32> to vector<16xi32>
      %swap3A_332 = vector.shape_cast %get3A_326 : vector<16xi32> to vector<1x16xi32>
      tpu.vector_store %arg8[%swap3A_328, %swap3A_329], %swap3A_332 {strides = array<i32>} : memref<1x128xi32, #tpu.memory_space<vmem>>, vector<1x16xi32>,
      %get3A_333 = arith.constant 0 : i32
      %get3A_334 = arith.constant 1 : i32
      %get3A_335 = arith.index_cast %get3A_333 : i32 to index
      %get3A_336 = arith.index_cast %get3A_334 : i32 to index
      %get3A_337 = arith.constant 48 : index
      %get3A_338 = tpu.vector_load %arg6[%get3A_335, %get3A_336, %get3A_337] {strides = array<i32>} : memref<1x2x128xi32, #tpu.memory_space<vmem>>, vector<1x1x16xi32>,
      %get3A_339 = vector.shape_cast %get3A_338 : vector<1x1x16xi32> to vector<16xi32>
      %swap3A_340 = arith.constant 0 : i32
      %swap3A_341 = arith.index_cast %swap3A_340 : i32 to index
      %swap3A_342 = arith.constant 48 : index
      %swap3A_343 = tpu.vector_load %arg8[%swap3A_341, %swap3A_342] {strides = array<i32>} : memref<1x128xi32, #tpu.memory_space<vmem>>, vector<1x16xi32>,
      %swap3A_344 = vector.shape_cast %swap3A_343 : vector<1x16xi32> to vector<16xi32>
      %swap3A_345 = vector.shape_cast %get3A_339 : vector<16xi32> to vector<1x16xi32>
      tpu.vector_store %arg8[%swap3A_341, %swap3A_342], %swap3A_345 {strides = array<i32>} : memref<1x128xi32, #tpu.memory_space<vmem>>, vector<1x16xi32>,
      %get3A_346 = arith.constant 0 : i32
      %get3A_347 = arith.constant 1 : i32
      %get3A_348 = arith.index_cast %get3A_346 : i32 to index
      %get3A_349 = arith.index_cast %get3A_347 : i32 to index
      %get3A_350 = arith.constant 64 : index
      %get3A_351 = tpu.vector_load %arg6[%get3A_348, %get3A_349, %get3A_350] {strides = array<i32>} : memref<1x2x128xi32, #tpu.memory_space<vmem>>, vector<1x1x16xi32>,
      %get3A_352 = vector.shape_cast %get3A_351 : vector<1x1x16xi32> to vector<16xi32>
      %swap3A_353 = arith.constant 0 : i32
      %swap3A_354 = arith.index_cast %swap3A_353 : i32 to index
      %swap3A_355 = arith.constant 64 : index
      %swap3A_356 = tpu.vector_load %arg8[%swap3A_354, %swap3A_355] {strides = array<i32>} : memref<1x128xi32, #tpu.memory_space<vmem>>, vector<1x16xi32>,
      %swap3A_357 = vector.shape_cast %swap3A_356 : vector<1x16xi32> to vector<16xi32>
      %swap3A_358 = vector.shape_cast %get3A_352 : vector<16xi32> to vector<1x16xi32>
      tpu.vector_store %arg8[%swap3A_354, %swap3A_355], %swap3A_358 {strides = array<i32>} : memref<1x128xi32, #tpu.memory_space<vmem>>, vector<1x16xi32>,
      %get3A_359 = arith.constant 0 : i32
      %get3A_360 = arith.constant 1 : i32
      %get3A_361 = arith.index_cast %get3A_359 : i32 to index
      %get3A_362 = arith.index_cast %get3A_360 : i32 to index
      %get3A_363 = arith.constant 80 : index
      %get3A_364 = tpu.vector_load %arg6[%get3A_361, %get3A_362, %get3A_363] {strides = array<i32>} : memref<1x2x128xi32, #tpu.memory_space<vmem>>, vector<1x1x16xi32>,
      %get3A_365 = vector.shape_cast %get3A_364 : vector<1x1x16xi32> to vector<16xi32>
      %swap3A_366 = arith.constant 0 : i32
      %swap3A_367 = arith.index_cast %swap3A_366 : i32 to index
      %swap3A_368 = arith.constant 80 : index
      %swap3A_369 = tpu.vector_load %arg8[%swap3A_367, %swap3A_368] {strides = array<i32>} : memref<1x128xi32, #tpu.memory_space<vmem>>, vector<1x16xi32>,
      %swap3A_370 = vector.shape_cast %swap3A_369 : vector<1x16xi32> to vector<16xi32>
      %swap3A_371 = vector.shape_cast %get3A_365 : vector<16xi32> to vector<1x16xi32>
      tpu.vector_store %arg8[%swap3A_367, %swap3A_368], %swap3A_371 {strides = array<i32>} : memref<1x128xi32, #tpu.memory_space<vmem>>, vector<1x16xi32>,
      %get3A_372 = arith.constant 0 : i32
      %get3A_373 = arith.constant 1 : i32
      %get3A_374 = arith.index_cast %get3A_372 : i32 to index
      %get3A_375 = arith.index_cast %get3A_373 : i32 to index
      %get3A_376 = arith.constant 96 : index
      %get3A_377 = tpu.vector_load %arg6[%get3A_374, %get3A_375, %get3A_376] {strides = array<i32>} : memref<1x2x128xi32, #tpu.memory_space<vmem>>, vector<1x1x16xi32>,
      %get3A_378 = vector.shape_cast %get3A_377 : vector<1x1x16xi32> to vector<16xi32>
      %swap3A_379 = arith.constant 0 : i32
      %swap3A_380 = arith.index_cast %swap3A_379 : i32 to index
      %swap3A_381 = arith.constant 96 : index
      %swap3A_382 = tpu.vector_load %arg8[%swap3A_380, %swap3A_381] {strides = array<i32>} : memref<1x128xi32, #tpu.memory_space<vmem>>, vector<1x16xi32>,
      %swap3A_383 = vector.shape_cast %swap3A_382 : vector<1x16xi32> to vector<16xi32>
      %swap3A_384 = vector.shape_cast %get3A_378 : vector<16xi32> to vector<1x16xi32>
      tpu.vector_store %arg8[%swap3A_380, %swap3A_381], %swap3A_384 {strides = array<i32>} : memref<1x128xi32, #tpu.memory_space<vmem>>, vector<1x16xi32>,
      %get3A_385 = arith.constant 0 : i32
      %get3A_386 = arith.constant 1 : i32
      %get3A_387 = arith.index_cast %get3A_385 : i32 to index
      %get3A_388 = arith.index_cast %get3A_386 : i32 to index
      %get3A_389 = arith.constant 112 : index
      %get3A_390 = tpu.vector_load %arg6[%get3A_387, %get3A_388, %get3A_389] {strides = array<i32>} : memref<1x2x128xi32, #tpu.memory_space<vmem>>, vector<1x1x16xi32>,
      %get3A_391 = vector.shape_cast %get3A_390 : vector<1x1x16xi32> to vector<16xi32>
      %swap3A_392 = arith.constant 0 : i32
      %swap3A_393 = arith.index_cast %swap3A_392 : i32 to index
      %swap3A_394 = arith.constant 112 : index
      %swap3A_395 = tpu.vector_load %arg8[%swap3A_393, %swap3A_394] {strides = array<i32>} : memref<1x128xi32, #tpu.memory_space<vmem>>, vector<1x16xi32>,
      %swap3A_396 = vector.shape_cast %swap3A_395 : vector<1x16xi32> to vector<16xi32>
      %swap3A_397 = vector.shape_cast %get3A_391 : vector<16xi32> to vector<1x16xi32>
      tpu.vector_store %arg8[%swap3A_393, %swap3A_394], %swap3A_397 {strides = array<i32>} : memref<1x128xi32, #tpu.memory_space<vmem>>, vector<1x16xi32>,
      %dma_wait3A_398 = arith.constant 0 : i32
      %dma_wait3A_399 = arith.constant 0 : i32
      %dma_wait3A_400 = arith.constant 0 : i32
      %dma_wait3A_401 = arith.constant 0 : i32
      %dma_wait3A_402 = tpu.memref_slice %arg9[%dma_wait3A_398, %dma_wait3A_400, %dma_wait3A_401] : memref<2x128x128xf32, #tpu.memory_space<vmem>> -> memref<1x128x128xf32, #tpu.memory_space<vmem>>
      %dma_wait3A_403 = tpu.memref_squeeze %dma_wait3A_402 : memref<1x128x128xf32, #tpu.memory_space<vmem>> -> memref<128x128xf32, #tpu.memory_space<vmem>>
      %dma_wait3A_404 = arith.constant 0 : i32
      %dma_wait3A_405 = tpu.memref_slice %arg7[%dma_wait3A_399, %dma_wait3A_404] : memref<1x128xi32, #tpu.memory_space<vmem>> -> memref<1x128xi32, #tpu.memory_space<vmem>>
      %dma_wait3A_406 = tpu.memref_squeeze %dma_wait3A_405 : memref<1x128xi32, #tpu.memory_space<vmem>> -> memref<128xi32, #tpu.memory_space<vmem>>
      %dma_wait3A_407 = arith.constant 0 : i32
      %dma_wait3A_408 = arith.constant 0 : i32
      %dma_wait3A_409 = tpu.memref_slice %arg10[%dma_wait3A_407, %dma_wait3A_408] : memref<10240x128xf32, #tpu.memory_space<vmem_shared>> -> memref<10240x128xf32, #tpu.memory_space<vmem_shared>>
      tpu.wait_indirect_dma semaphore(%arg13 : memref<!tpu.dma_semaphore, #tpu.memory_space<semaphore_mem>>) src(%dma_wait3A_403 : memref<128x128xf32, #tpu.memory_space<vmem>>) dst(%dma_wait3A_409 : memref<10240x128xf32, #tpu.memory_space<vmem_shared>>)
      %add3A_410 = arith.constant 1 : i32
      %add3A_411 = arith.addi %scan3A_75, %add3A_410 : i32
      %lt3A_412 = arith.constant 80 : i32
      %lt3A_413 = arith.cmpi slt, %add3A_411, %lt3A_412 : i32
      %convert_element_type3A_414 = arith.extui %lt3A_413 : i1 to i32
      %cond3A_415 = arith.constant 0 : i32
      %cond3A_416 = arith.cmpi ne, %convert_element_type3A_414, %cond3A_415 : i32
      scf.if %cond3A_416 {
        %mul3A_429 = arith.constant 2 : i32
        %mul3A_430 = arith.muli %mul3A_429, %scan3A_75 : i32
        %add3A_431 = arith.constant 2 : i32
        %add3A_432 = arith.addi %mul3A_430, %add3A_431 : i32
        %mul3A_433 = arith.constant 1 : i32
        %mul3A_434 = arith.muli %add3A_432, %mul3A_433 : i32
        %dma_wait3A_435 = arith.constant 0 : i32
        %dma_wait3A_436 = arith.constant 0 : i32
        %dma_wait3A_437 = tpu.memref_slice %arg3[%arg0, %arg1, %mul3A_434, %dma_wait3A_435, %dma_wait3A_436] : memref<2x16x160x2x128xi32, #tpu.memory_space<hbm>> -> memref<1x1x1x2x128xi32, #tpu.memory_space<hbm>>
        %dma_wait3A_438 = tpu.memref_squeeze %dma_wait3A_437 : memref<1x1x1x2x128xi32, #tpu.memory_space<hbm>> -> memref<1x2x128xi32, #tpu.memory_space<hbm>>
        %dma_wait3A_439 = arith.constant 0 : i32
        %dma_wait3A_440 = arith.constant 0 : i32
        %dma_wait3A_441 = tpu.memref_slice %arg3[%arg0, %arg1, %mul3A_434, %dma_wait3A_439, %dma_wait3A_440] : memref<2x16x160x2x128xi32, #tpu.memory_space<hbm>> -> memref<1x1x1x2x128xi32, #tpu.memory_space<hbm>>
        %dma_wait3A_442 = tpu.memref_squeeze %dma_wait3A_441 : memref<1x1x1x2x128xi32, #tpu.memory_space<hbm>> -> memref<1x2x128xi32, #tpu.memory_space<hbm>>
        tpu.wait_dma2 semaphore(%arg15 : memref<!tpu.dma_semaphore, #tpu.memory_space<semaphore_mem>>) src(%dma_wait3A_442 : memref<1x2x128xi32, #tpu.memory_space<hbm>>) dst(%arg5 : memref<1x2x128xi32, #tpu.memory_space<vmem>>)
        %dma_start3A_443 = arith.constant 0 : i32
        %dma_start3A_444 = arith.constant 0 : i32
        %dma_start3A_445 = arith.constant 0 : i32
        %dma_start3A_446 = arith.constant 0 : i32
        %dma_start3A_447 = arith.constant 0 : i32
        %dma_start3A_448 = tpu.memref_slice %arg9[%dma_start3A_445, %dma_start3A_446, %dma_start3A_447] : memref<2x128x128xf32, #tpu.memory_space<vmem>> -> memref<1x64x128xf32, #tpu.memory_space<vmem>>
        %dma_start3A_449 = tpu.memref_squeeze %dma_start3A_448 : memref<1x64x128xf32, #tpu.memory_space<vmem>> -> memref<64x128xf32, #tpu.memory_space<vmem>>
        %dma_start3A_450 = arith.constant 0 : i32
        %dma_start3A_451 = tpu.memref_slice %arg5[%dma_start3A_443, %dma_start3A_444, %dma_start3A_450] : memref<1x2x128xi32, #tpu.memory_space<vmem>> -> memref<1x1x64xi32, #tpu.memory_space<vmem>>
        %dma_start3A_452 = tpu.memref_squeeze %dma_start3A_451 : memref<1x1x64xi32, #tpu.memory_space<vmem>> -> memref<64xi32, #tpu.memory_space<vmem>>
        %dma_start3A_453 = arith.constant 0 : i32
        %dma_start3A_454 = arith.constant 0 : i32
        %dma_start3A_455 = tpu.memref_slice %arg2[%dma_start3A_453, %dma_start3A_454] : memref<20480x128xf32, #tpu.memory_space<hbm>> -> memref<20480x128xf32, #tpu.memory_space<hbm>>
        tpu.enqueue_indirect_dma source(%dma_start3A_455 : memref<20480x128xf32, #tpu.memory_space<hbm>>) target(%dma_start3A_449 : memref<64x128xf32, #tpu.memory_space<vmem>>) offsets(%dma_start3A_452 : memref<64xi32, #tpu.memory_space<vmem>>) semaphore(%arg11 : memref<!tpu.dma_semaphore, #tpu.memory_space<semaphore_mem>>)
        %dma_start3A_456 = arith.constant 0 : i32
        %dma_start3A_457 = arith.constant 0 : i32
        %dma_start3A_458 = arith.constant 0 : i32
        %dma_start3A_459 = arith.constant 64 : i32
        %dma_start3A_460 = arith.constant 0 : i32
        %dma_start3A_461 = tpu.memref_slice %arg9[%dma_start3A_458, %dma_start3A_459, %dma_start3A_460] : memref<2x128x128xf32, #tpu.memory_space<vmem>> -> memref<1x64x128xf32, #tpu.memory_space<vmem>>
        %dma_start3A_462 = tpu.memref_squeeze %dma_start3A_461 : memref<1x64x128xf32, #tpu.memory_space<vmem>> -> memref<64x128xf32, #tpu.memory_space<vmem>>
        %dma_start3A_463 = arith.constant 64 : i32
        %dma_start3A_464 = tpu.memref_slice %arg5[%dma_start3A_456, %dma_start3A_457, %dma_start3A_463] : memref<1x2x128xi32, #tpu.memory_space<vmem>> -> memref<1x1x64xi32, #tpu.memory_space<vmem>>
        %dma_start3A_465 = tpu.memref_squeeze %dma_start3A_464 : memref<1x1x64xi32, #tpu.memory_space<vmem>> -> memref<64xi32, #tpu.memory_space<vmem>>
        %dma_start3A_466 = arith.constant 0 : i32
        %dma_start3A_467 = arith.constant 0 : i32
        %dma_start3A_468 = tpu.memref_slice %arg2[%dma_start3A_466, %dma_start3A_467] : memref<20480x128xf32, #tpu.memory_space<hbm>> -> memref<20480x128xf32, #tpu.memory_space<hbm>>
        tpu.enqueue_indirect_dma source(%dma_start3A_468 : memref<20480x128xf32, #tpu.memory_space<hbm>>) target(%dma_start3A_462 : memref<64x128xf32, #tpu.memory_space<vmem>>) offsets(%dma_start3A_465 : memref<64xi32, #tpu.memory_space<vmem>>) semaphore(%arg11 : memref<!tpu.dma_semaphore, #tpu.memory_space<semaphore_mem>>)
        %mul3A_469 = arith.constant 2 : i32
        %mul3A_470 = arith.muli %mul3A_469, %scan3A_75 : i32
        %add3A_471 = arith.constant 3 : i32
        %add3A_472 = arith.addi %mul3A_470, %add3A_471 : i32
        %mul3A_473 = arith.constant 1 : i32
        %mul3A_474 = arith.muli %add3A_472, %mul3A_473 : i32
        %dma_start3A_475 = arith.constant 0 : i32
        %dma_start3A_476 = arith.constant 0 : i32
        %dma_start3A_477 = tpu.memref_slice %arg3[%arg0, %arg1, %mul3A_474, %dma_start3A_475, %dma_start3A_476] : memref<2x16x160x2x128xi32, #tpu.memory_space<hbm>> -> memref<1x1x1x2x128xi32, #tpu.memory_space<hbm>>
        %dma_start3A_478 = tpu.memref_squeeze %dma_start3A_477 : memref<1x1x1x2x128xi32, #tpu.memory_space<hbm>> -> memref<1x2x128xi32, #tpu.memory_space<hbm>>
        %dma_start3A_479 = arith.constant 0 : i32
        %dma_start3A_480 = arith.constant 0 : i32
        %dma_start3A_481 = tpu.memref_slice %arg3[%arg0, %arg1, %mul3A_474, %dma_start3A_479, %dma_start3A_480] : memref<2x16x160x2x128xi32, #tpu.memory_space<hbm>> -> memref<1x1x1x2x128xi32, #tpu.memory_space<hbm>>
        %dma_start3A_482 = tpu.memref_squeeze %dma_start3A_481 : memref<1x1x1x2x128xi32, #tpu.memory_space<hbm>> -> memref<1x2x128xi32, #tpu.memory_space<hbm>>
        tpu.enqueue_dma source(%dma_start3A_482 : memref<1x2x128xi32, #tpu.memory_space<hbm>>) target(%arg6 : memref<1x2x128xi32, #tpu.memory_space<vmem>>) target_semaphore(%arg16 : memref<!tpu.dma_semaphore, #tpu.memory_space<semaphore_mem>>)
      } else {
      }
      %dma_start3A_417 = arith.constant 1 : i32
      %dma_start3A_418 = arith.constant 0 : i32
      %dma_start3A_419 = arith.constant 0 : i32
      %dma_start3A_420 = arith.constant 0 : i32
      %dma_start3A_421 = tpu.memref_slice %arg9[%dma_start3A_417, %dma_start3A_419, %dma_start3A_420] : memref<2x128x128xf32, #tpu.memory_space<vmem>> -> memref<1x128x128xf32, #tpu.memory_space<vmem>>
      %dma_start3A_422 = tpu.memref_squeeze %dma_start3A_421 : memref<1x128x128xf32, #tpu.memory_space<vmem>> -> memref<128x128xf32, #tpu.memory_space<vmem>>
      %dma_start3A_423 = arith.constant 0 : i32
      %dma_start3A_424 = tpu.memref_slice %arg8[%dma_start3A_418, %dma_start3A_423] : memref<1x128xi32, #tpu.memory_space<vmem>> -> memref<1x128xi32, #tpu.memory_space<vmem>>
      %dma_start3A_425 = tpu.memref_squeeze %dma_start3A_424 : memref<1x128xi32, #tpu.memory_space<vmem>> -> memref<128xi32, #tpu.memory_space<vmem>>
      %dma_start3A_426 = arith.constant 0 : i32
      %dma_start3A_427 = arith.constant 0 : i32
      %dma_start3A_428 = tpu.memref_slice %arg10[%dma_start3A_426, %dma_start3A_427] : memref<10240x128xf32, #tpu.memory_space<vmem_shared>> -> memref<10240x128xf32, #tpu.memory_space<vmem_shared>>
      tpu.enqueue_indirect_dma source(%dma_start3A_422 : memref<128x128xf32, #tpu.memory_space<vmem>>) target(%dma_start3A_428 : memref<10240x128xf32, #tpu.memory_space<vmem_shared>>) offsets(%dma_start3A_425 : memref<128xi32, #tpu.memory_space<vmem>>) semaphore(%arg14 : memref<!tpu.dma_semaphore, #tpu.memory_space<semaphore_mem>>) {add = true}
    }
    %scan3A_61 = arith.constant 80 : i32
    %dma_wait3A_62 = arith.constant 1 : i32
    %dma_wait3A_63 = arith.constant 0 : i32
    %dma_wait3A_64 = arith.constant 0 : i32
    %dma_wait3A_65 = arith.constant 0 : i32
    %dma_wait3A_66 = tpu.memref_slice %arg9[%dma_wait3A_62, %dma_wait3A_64, %dma_wait3A_65] : memref<2x128x128xf32, #tpu.memory_space<vmem>> -> memref<1x128x128xf32, #tpu.memory_space<vmem>>
    %dma_wait3A_67 = tpu.memref_squeeze %dma_wait3A_66 : memref<1x128x128xf32, #tpu.memory_space<vmem>> -> memref<128x128xf32, #tpu.memory_space<vmem>>
    %dma_wait3A_68 = arith.constant 0 : i32
    %dma_wait3A_69 = tpu.memref_slice %arg8[%dma_wait3A_63, %dma_wait3A_68] : memref<1x128xi32, #tpu.memory_space<vmem>> -> memref<1x128xi32, #tpu.memory_space<vmem>>
    %dma_wait3A_70 = tpu.memref_squeeze %dma_wait3A_69 : memref<1x128xi32, #tpu.memory_space<vmem>> -> memref<128xi32, #tpu.memory_space<vmem>>
    %dma_wait3A_71 = arith.constant 0 : i32
    %dma_wait3A_72 = arith.constant 0 : i32
    %dma_wait3A_73 = tpu.memref_slice %arg10[%dma_wait3A_71, %dma_wait3A_72] : memref<10240x128xf32, #tpu.memory_space<vmem_shared>> -> memref<10240x128xf32, #tpu.memory_space<vmem_shared>>
    tpu.wait_indirect_dma semaphore(%arg14 : memref<!tpu.dma_semaphore, #tpu.memory_space<semaphore_mem>>) src(%dma_wait3A_67 : memref<128x128xf32, #tpu.memory_space<vmem>>) dst(%dma_wait3A_73 : memref<10240x128xf32, #tpu.memory_space<vmem_shared>>)
    %barrier3A_74 = arith.constant 0 : index
    tpu.barrier barrier_id(%barrier3A_74)
    "tpu.region"() ({
      %run_scoped3A = tpu.sem_alloc : memref<!tpu.dma_semaphore, #tpu.memory_space<semaphore_mem>>
      %dma_start3A_75 = arith.constant 0 : i32
      %dma_start3A_76 = tpu.memref_slice %arg4[%arg0, %mul3A_0, %dma_start3A_75] : memref<2x10240x128xf32, #tpu.memory_space<hbm>> -> memref<1x640x128xf32, #tpu.memory_space<hbm>>
      %dma_start3A_77 = tpu.memref_squeeze %dma_start3A_76 : memref<1x640x128xf32, #tpu.memory_space<hbm>> -> memref<640x128xf32, #tpu.memory_space<hbm>>
      %dma_start3A_78 = arith.constant 0 : i32
      %dma_start3A_79 = tpu.memref_slice %arg10[%mul3A_0, %dma_start3A_78] : memref<10240x128xf32, #tpu.memory_space<vmem_shared>> -> memref<640x128xf32, #tpu.memory_space<vmem_shared>>
      tpu.enqueue_dma source(%dma_start3A_79 : memref<640x128xf32, #tpu.memory_space<vmem_shared>>) target(%dma_start3A_77 : memref<640x128xf32, #tpu.memory_space<hbm>>) target_semaphore(%run_scoped3A : memref<!tpu.dma_semaphore, #tpu.memory_space<semaphore_mem>>)
      %dma_wait3A_80 = arith.constant 0 : i32
      %dma_wait3A_81 = tpu.memref_slice %arg4[%arg0, %mul3A_0, %dma_wait3A_80] : memref<2x10240x128xf32, #tpu.memory_space<hbm>> -> memref<1x640x128xf32, #tpu.memory_space<hbm>>
      %dma_wait3A_82 = tpu.memref_squeeze %dma_wait3A_81 : memref<1x640x128xf32, #tpu.memory_space<hbm>> -> memref<640x128xf32, #tpu.memory_space<hbm>>
      %dma_wait3A_83 = arith.constant 0 : i32
      %dma_wait3A_84 = tpu.memref_slice %arg10[%mul3A_0, %dma_wait3A_83] : memref<10240x128xf32, #tpu.memory_space<vmem_shared>> -> memref<640x128xf32, #tpu.memory_space<vmem_shared>>
      tpu.wait_dma2 semaphore(%run_scoped3A : memref<!tpu.dma_semaphore, #tpu.memory_space<semaphore_mem>>) src(%dma_wait3A_84 : memref<640x128xf32, #tpu.memory_space<vmem_shared>>) dst(%dma_wait3A_82 : memref<640x128xf32, #tpu.memory_space<hbm>>)
      tpu.yield
    }) : () -> ()
    return
  }
}

module attributes {stable_mosaic.version = 14 : i64} {
  func.func @_tc_first_body(%arg0: i32, %arg1: memref<1000x128xf32, #tpu.memory_space<vmem>>, %arg2: memref<1x128xf32, #tpu.memory_space<vmem>>, %arg3: memref<1x128xf32, #tpu.memory_space<vmem>>, %arg4: memref<128x256xf32, #tpu.memory_space<vmem>>, %arg5: memref<2x1000x1xf32, #tpu.memory_space<vmem>>, %arg6: memref<2x1000x128xf32, #tpu.memory_space<vmem>>) attributes {dimension_semantics = [#tpu.dimension_semantics<arbitrary>], iteration_bounds = array<i64: 10>, scalar_prefetch = 0 : i64, scratch_operands = 0 : i64, tpu.core_type = #tpu.core_type<tc>, window_params = [{transform_indices = @transform_0, window_bounds = array<i64: 1000, 128>}, {pipeline_mode = #tpu.pipeline_mode<synchronous>, transform_indices = @transform_1, window_bounds = array<i64: 1, 128>}, {pipeline_mode = #tpu.pipeline_mode<synchronous>, transform_indices = @transform_2, window_bounds = array<i64: 1, 128>}, {pipeline_mode = #tpu.pipeline_mode<synchronous>, transform_indices = @transform_3, window_bounds = array<i64: 128, 256>}, {transform_indices = @transform_4, window_bounds = array<i64: 2, 1000, 1>}, {transform_indices = @transform_5, window_bounds = array<i64: 2, 1000, 128>}]} {
    %get3A = arith.constant 0 : index
    %get3A_0 = arith.constant 0 : index
    %get3A_1 = vector.load %arg1[%get3A, %get3A_0] : memref<1000x128xf32, #tpu.memory_space<vmem>>, vector<1000x128xf32>
    %get3A_2 = arith.constant 0 : index
    %get3A_3 = arith.constant 0 : index
    %get3A_4 = vector.load %arg2[%get3A_2, %get3A_3] : memref<1x128xf32, #tpu.memory_space<vmem>>, vector<1x128xf32>
    %sub3A = vector.broadcast %get3A_4 : vector<1x128xf32> to vector<1000x128xf32>
    %sub3A_5 = arith.subf %get3A_1, %sub3A : vector<1000x128xf32>
    %get3A_6 = arith.constant 0 : index
    %get3A_7 = arith.constant 0 : index
    %get3A_8 = vector.load %arg3[%get3A_6, %get3A_7] : memref<1x128xf32, #tpu.memory_space<vmem>>, vector<1x128xf32>
    %div3A = vector.broadcast %get3A_8 : vector<1x128xf32> to vector<1000x128xf32>
    %div3A_9 = arith.divf %sub3A_5, %div3A : vector<1000x128xf32>
    %get3A_10 = arith.constant 0 : index
    %get3A_11 = arith.constant 0 : index
    %get3A_12 = vector.load %arg4[%get3A_10, %get3A_11] : memref<128x256xf32, #tpu.memory_space<vmem>>, vector<128x256xf32>
    %dot_general3A = arith.constant dense<0.000000e+00> : vector<1000x256xf32>
    %dot_general3A_13 = tpu.matmul %div3A_9, %get3A_12, %dot_general3A {dimension_numbers = #tpu.dot_dimension_numbers<[1], [0], [0], [1], [0, 0, 1, 1], [], []>, transpose_lhs_hint = false} : vector<1000x128xf32>, vector<128x256xf32>, vector<1000x256xf32> -> vector<1000x256xf32>
    %get3A_14 = arith.constant 0 : index
    %get3A_15 = arith.constant 0 : index
    %get3A_16 = arith.constant 0 : index
    %get3A_17 = vector.load %arg5[%get3A_14, %get3A_15, %get3A_16] : memref<2x1000x1xf32, #tpu.memory_space<vmem>>, vector<1x1000x1xf32>
    %get3A_18 = vector.shape_cast %get3A_17 : vector<1x1000x1xf32> to vector<1000x1xf32>
    %get3A_19 = arith.constant 1 : index
    %get3A_20 = arith.constant 0 : index
    %get3A_21 = arith.constant 0 : index
    %get3A_22 = vector.load %arg5[%get3A_19, %get3A_20, %get3A_21] : memref<2x1000x1xf32, #tpu.memory_space<vmem>>, vector<1x1000x1xf32>
    %get3A_23 = vector.shape_cast %get3A_22 : vector<1x1000x1xf32> to vector<1000x1xf32>
    %add3A = arith.addf %get3A_18, %get3A_23 : vector<1000x1xf32>
    %rsqrt3A = math.rsqrt %add3A : vector<1000x1xf32>
    %mul3A = vector.broadcast %rsqrt3A : vector<1000x1xf32> to vector<1000x256xf32>
    %mul3A_24 = arith.mulf %dot_general3A_13, %mul3A : vector<1000x256xf32>
    %slice3A = vector.extract_strided_slice %mul3A_24 {offsets = [0, 0], sizes = [1000, 128], strides = [1, 1]} : vector<1000x256xf32> to vector<1000x128xf32>
    %swap3A = arith.constant 0 : index
    %swap3A_25 = arith.constant 0 : index
    %swap3A_26 = arith.constant 0 : index
    %swap3A_27 = vector.load %arg6[%swap3A, %swap3A_25, %swap3A_26] : memref<2x1000x128xf32, #tpu.memory_space<vmem>>, vector<1x1000x128xf32>
    %swap3A_28 = vector.shape_cast %swap3A_27 : vector<1x1000x128xf32> to vector<1000x128xf32>
    %swap3A_29 = vector.shape_cast %slice3A : vector<1000x128xf32> to vector<1x1000x128xf32>
    tpu.vector_store %arg6[%swap3A, %swap3A_25, %swap3A_26], %swap3A_29 {strides = array<i32>} : memref<2x1000x128xf32, #tpu.memory_space<vmem>>, vector<1x1000x128xf32>,
    %slice3A_30 = vector.extract_strided_slice %mul3A_24 {offsets = [0, 128], sizes = [1000, 128], strides = [1, 1]} : vector<1000x256xf32> to vector<1000x128xf32>
    %swap3A_31 = arith.constant 1 : index
    %swap3A_32 = arith.constant 0 : index
    %swap3A_33 = arith.constant 0 : index
    %swap3A_34 = vector.load %arg6[%swap3A_31, %swap3A_32, %swap3A_33] : memref<2x1000x128xf32, #tpu.memory_space<vmem>>, vector<1x1000x128xf32>
    %swap3A_35 = vector.shape_cast %swap3A_34 : vector<1x1000x128xf32> to vector<1000x128xf32>
    %swap3A_36 = vector.shape_cast %slice3A_30 : vector<1000x128xf32> to vector<1x1000x128xf32>
    tpu.vector_store %arg6[%swap3A_31, %swap3A_32, %swap3A_33], %swap3A_36 {strides = array<i32>} : memref<2x1000x128xf32, #tpu.memory_space<vmem>>, vector<1x1000x128xf32>,
    return
  }
  func.func @transform_0(%arg0: i32) -> (i32, i32) {
    %c0_i32 = arith.constant 0 : i32
    %c0_i32_0 = arith.constant 0 : i32
    return %arg0, %c0_i32 : i32, i32
  }
  func.func @transform_1(%arg0: i32) -> (i32, i32) {
    %c0_i32 = arith.constant 0 : i32
    %c0_i32_0 = arith.constant 0 : i32
    %c0_i32_1 = arith.constant 0 : i32
    return %c0_i32, %c0_i32_0 : i32, i32
  }
  func.func @transform_2(%arg0: i32) -> (i32, i32) {
    %c0_i32 = arith.constant 0 : i32
    %c0_i32_0 = arith.constant 0 : i32
    %c0_i32_1 = arith.constant 0 : i32
    return %c0_i32, %c0_i32_0 : i32, i32
  }
  func.func @transform_3(%arg0: i32) -> (i32, i32) {
    %c0_i32 = arith.constant 0 : i32
    %c0_i32_0 = arith.constant 0 : i32
    %c0_i32_1 = arith.constant 0 : i32
    return %c0_i32, %c0_i32_0 : i32, i32
  }
  func.func @transform_4(%arg0: i32) -> (i32, i32, i32) {
    %c0_i32 = arith.constant 0 : i32
    %c0_i32_0 = arith.constant 0 : i32
    %c0_i32_1 = arith.constant 0 : i32
    return %c0_i32, %arg0, %c0_i32_0 : i32, i32, i32
  }
  func.func @transform_5(%arg0: i32) -> (i32, i32, i32) {
    %c0_i32 = arith.constant 0 : i32
    %c0_i32_0 = arith.constant 0 : i32
    %c0_i32_1 = arith.constant 0 : i32
    return %c0_i32, %arg0, %c0_i32_0 : i32, i32, i32
  }
}

module attributes {stable_mosaic.version = 14 : i64} {
  func.func @_tc_mid_body(%arg0: i32, %arg1: memref<2x1000x128xf32, #tpu.memory_space<vmem>>, %arg2: memref<2x1000x1xf32, #tpu.memory_space<vmem>>, %arg3: memref<1x256xf32, #tpu.memory_space<vmem>>, %arg4: memref<256x256xf32, #tpu.memory_space<vmem>>, %arg5: memref<2x1000x128xf32, #tpu.memory_space<vmem>>) attributes {dimension_semantics = [#tpu.dimension_semantics<arbitrary>], iteration_bounds = array<i64: 10>, scalar_prefetch = 0 : i64, scratch_operands = 0 : i64, tpu.core_type = #tpu.core_type<tc>, window_params = [{transform_indices = @transform_0, window_bounds = array<i64: 2, 1000, 128>}, {transform_indices = @transform_1, window_bounds = array<i64: 2, 1000, 1>}, {pipeline_mode = #tpu.pipeline_mode<synchronous>, transform_indices = @transform_2, window_bounds = array<i64: 1, 256>}, {pipeline_mode = #tpu.pipeline_mode<synchronous>, transform_indices = @transform_3, window_bounds = array<i64: 256, 256>}, {transform_indices = @transform_4, window_bounds = array<i64: 2, 1000, 128>}]} {
    %get3A = arith.constant 0 : index
    %get3A_0 = arith.constant 0 : index
    %get3A_1 = arith.constant 0 : index
    %get3A_2 = vector.load %arg2[%get3A, %get3A_0, %get3A_1] : memref<2x1000x1xf32, #tpu.memory_space<vmem>>, vector<1x1000x1xf32>
    %get3A_3 = vector.shape_cast %get3A_2 : vector<1x1000x1xf32> to vector<1000x1xf32>
    %get3A_4 = arith.constant 1 : index
    %get3A_5 = arith.constant 0 : index
    %get3A_6 = arith.constant 0 : index
    %get3A_7 = vector.load %arg2[%get3A_4, %get3A_5, %get3A_6] : memref<2x1000x1xf32, #tpu.memory_space<vmem>>, vector<1x1000x1xf32>
    %get3A_8 = vector.shape_cast %get3A_7 : vector<1x1000x1xf32> to vector<1000x1xf32>
    %add3A = arith.addf %get3A_3, %get3A_8 : vector<1000x1xf32>
    %rsqrt3A = math.rsqrt %add3A : vector<1000x1xf32>
    %get3A_9 = arith.constant 0 : index
    %get3A_10 = arith.constant 0 : index
    %get3A_11 = arith.constant 0 : index
    %get3A_12 = vector.load %arg1[%get3A_9, %get3A_10, %get3A_11] : memref<2x1000x128xf32, #tpu.memory_space<vmem>>, vector<1x1000x128xf32>
    %get3A_13 = vector.shape_cast %get3A_12 : vector<1x1000x128xf32> to vector<1000x128xf32>
    %get3A_14 = arith.constant 1 : index
    %get3A_15 = arith.constant 0 : index
    %get3A_16 = arith.constant 0 : index
    %get3A_17 = vector.load %arg1[%get3A_14, %get3A_15, %get3A_16] : memref<2x1000x128xf32, #tpu.memory_space<vmem>>, vector<1x1000x128xf32>
    %get3A_18 = vector.shape_cast %get3A_17 : vector<1x1000x128xf32> to vector<1000x128xf32>
    %concatenate3A = tpu.concatenate %get3A_13, %get3A_18 in 1 : vector<1000x128xf32>, vector<1000x128xf32> -> vector<1000x256xf32>
    %mul3A = vector.broadcast %rsqrt3A : vector<1000x1xf32> to vector<1000x256xf32>
    %mul3A_19 = arith.mulf %concatenate3A, %mul3A : vector<1000x256xf32>
    %get3A_20 = arith.constant 0 : index
    %get3A_21 = arith.constant 0 : index
    %get3A_22 = vector.load %arg3[%get3A_20, %get3A_21] : memref<1x256xf32, #tpu.memory_space<vmem>>, vector<1x256xf32>
    %add3A_23 = vector.broadcast %get3A_22 : vector<1x256xf32> to vector<1000x256xf32>
    %add3A_24 = arith.addf %mul3A_19, %add3A_23 : vector<1000x256xf32>
    %max3A = arith.constant 0.000000e+00 : f32
    %max3A_25 = vector.broadcast %max3A : f32 to vector<1000x256xf32>
    %max3A_26 = arith.maximumf %add3A_24, %max3A_25 : vector<1000x256xf32>
    %get3A_27 = arith.constant 0 : index
    %get3A_28 = arith.constant 0 : index
    %get3A_29 = vector.load %arg4[%get3A_27, %get3A_28] : memref<256x256xf32, #tpu.memory_space<vmem>>, vector<256x256xf32>
    %dot_general3A = arith.constant dense<0.000000e+00> : vector<1000x256xf32>
    %dot_general3A_30 = tpu.matmul %max3A_26, %get3A_29, %dot_general3A {dimension_numbers = #tpu.dot_dimension_numbers<[1], [0], [0], [1], [0, 0, 1, 1], [], []>, transpose_lhs_hint = false} : vector<1000x256xf32>, vector<256x256xf32>, vector<1000x256xf32> -> vector<1000x256xf32>
    %mul3A_31 = vector.broadcast %rsqrt3A : vector<1000x1xf32> to vector<1000x256xf32>
    %mul3A_32 = arith.mulf %dot_general3A_30, %mul3A_31 : vector<1000x256xf32>
    %slice3A = vector.extract_strided_slice %mul3A_32 {offsets = [0, 0], sizes = [1000, 128], strides = [1, 1]} : vector<1000x256xf32> to vector<1000x128xf32>
    %swap3A = arith.constant 0 : index
    %swap3A_33 = arith.constant 0 : index
    %swap3A_34 = arith.constant 0 : index
    %swap3A_35 = vector.load %arg5[%swap3A, %swap3A_33, %swap3A_34] : memref<2x1000x128xf32, #tpu.memory_space<vmem>>, vector<1x1000x128xf32>
    %swap3A_36 = vector.shape_cast %swap3A_35 : vector<1x1000x128xf32> to vector<1000x128xf32>
    %swap3A_37 = vector.shape_cast %slice3A : vector<1000x128xf32> to vector<1x1000x128xf32>
    tpu.vector_store %arg5[%swap3A, %swap3A_33, %swap3A_34], %swap3A_37 {strides = array<i32>} : memref<2x1000x128xf32, #tpu.memory_space<vmem>>, vector<1x1000x128xf32>,
    %slice3A_38 = vector.extract_strided_slice %mul3A_32 {offsets = [0, 128], sizes = [1000, 128], strides = [1, 1]} : vector<1000x256xf32> to vector<1000x128xf32>
    %swap3A_39 = arith.constant 1 : index
    %swap3A_40 = arith.constant 0 : index
    %swap3A_41 = arith.constant 0 : index
    %swap3A_42 = vector.load %arg5[%swap3A_39, %swap3A_40, %swap3A_41] : memref<2x1000x128xf32, #tpu.memory_space<vmem>>, vector<1x1000x128xf32>
    %swap3A_43 = vector.shape_cast %swap3A_42 : vector<1x1000x128xf32> to vector<1000x128xf32>
    %swap3A_44 = vector.shape_cast %slice3A_38 : vector<1000x128xf32> to vector<1x1000x128xf32>
    tpu.vector_store %arg5[%swap3A_39, %swap3A_40, %swap3A_41], %swap3A_44 {strides = array<i32>} : memref<2x1000x128xf32, #tpu.memory_space<vmem>>, vector<1x1000x128xf32>,
    return
  }
  func.func @transform_0(%arg0: i32) -> (i32, i32, i32) {
    %c0_i32 = arith.constant 0 : i32
    %c0_i32_0 = arith.constant 0 : i32
    %c0_i32_1 = arith.constant 0 : i32
    return %c0_i32, %arg0, %c0_i32_0 : i32, i32, i32
  }
  func.func @transform_1(%arg0: i32) -> (i32, i32, i32) {
    %c0_i32 = arith.constant 0 : i32
    %c0_i32_0 = arith.constant 0 : i32
    %c0_i32_1 = arith.constant 0 : i32
    return %c0_i32, %arg0, %c0_i32_0 : i32, i32, i32
  }
  func.func @transform_2(%arg0: i32) -> (i32, i32) {
    %c0_i32 = arith.constant 0 : i32
    %c0_i32_0 = arith.constant 0 : i32
    %c0_i32_1 = arith.constant 0 : i32
    return %c0_i32, %c0_i32_0 : i32, i32
  }
  func.func @transform_3(%arg0: i32) -> (i32, i32) {
    %c0_i32 = arith.constant 0 : i32
    %c0_i32_0 = arith.constant 0 : i32
    %c0_i32_1 = arith.constant 0 : i32
    return %c0_i32, %c0_i32_0 : i32, i32
  }
  func.func @transform_4(%arg0: i32) -> (i32, i32, i32) {
    %c0_i32 = arith.constant 0 : i32
    %c0_i32_0 = arith.constant 0 : i32
    %c0_i32_1 = arith.constant 0 : i32
    return %c0_i32, %arg0, %c0_i32_0 : i32, i32, i32
  }
}

module attributes {stable_mosaic.version = 14 : i64} {
  func.func @_tc_final_body(%arg0: i32, %arg1: memref<2x1000x128xf32, #tpu.memory_space<vmem>>, %arg2: memref<2x1000x1xf32, #tpu.memory_space<vmem>>, %arg3: memref<1x256xf32, #tpu.memory_space<vmem>>, %arg4: memref<256x128xf32, #tpu.memory_space<vmem>>, %arg5: memref<1x128xf32, #tpu.memory_space<vmem>>, %arg6: memref<1x128xf32, #tpu.memory_space<vmem>>, %arg7: memref<1x128xf32, #tpu.memory_space<vmem>>, %arg8: memref<1000x128xi32, #tpu.memory_space<vmem>>, %arg9: memref<1000x128xf32, #tpu.memory_space<vmem>>, %arg10: memref<1000x128xf32, #tpu.memory_space<vmem>>) attributes {dimension_semantics = [#tpu.dimension_semantics<arbitrary>], iteration_bounds = array<i64: 10>, scalar_prefetch = 0 : i64, scratch_operands = 0 : i64, tpu.core_type = #tpu.core_type<tc>, window_params = [{transform_indices = @transform_0, window_bounds = array<i64: 2, 1000, 128>}, {transform_indices = @transform_1, window_bounds = array<i64: 2, 1000, 1>}, {pipeline_mode = #tpu.pipeline_mode<synchronous>, transform_indices = @transform_2, window_bounds = array<i64: 1, 256>}, {pipeline_mode = #tpu.pipeline_mode<synchronous>, transform_indices = @transform_3, window_bounds = array<i64: 256, 128>}, {pipeline_mode = #tpu.pipeline_mode<synchronous>, transform_indices = @transform_4, window_bounds = array<i64: 1, 128>}, {pipeline_mode = #tpu.pipeline_mode<synchronous>, transform_indices = @transform_5, window_bounds = array<i64: 1, 128>}, {pipeline_mode = #tpu.pipeline_mode<synchronous>, transform_indices = @transform_6, window_bounds = array<i64: 1, 128>}, {transform_indices = @transform_7, window_bounds = array<i64: 1000, 128>}, {transform_indices = @transform_8, window_bounds = array<i64: 1000, 128>}, {transform_indices = @transform_9, window_bounds = array<i64: 1000, 128>}]} {
    %get3A = arith.constant 0 : index
    %get3A_0 = arith.constant 0 : index
    %get3A_1 = arith.constant 0 : index
    %get3A_2 = vector.load %arg2[%get3A, %get3A_0, %get3A_1] : memref<2x1000x1xf32, #tpu.memory_space<vmem>>, vector<1x1000x1xf32>
    %get3A_3 = vector.shape_cast %get3A_2 : vector<1x1000x1xf32> to vector<1000x1xf32>
    %get3A_4 = arith.constant 1 : index
    %get3A_5 = arith.constant 0 : index
    %get3A_6 = arith.constant 0 : index
    %get3A_7 = vector.load %arg2[%get3A_4, %get3A_5, %get3A_6] : memref<2x1000x1xf32, #tpu.memory_space<vmem>>, vector<1x1000x1xf32>
    %get3A_8 = vector.shape_cast %get3A_7 : vector<1x1000x1xf32> to vector<1000x1xf32>
    %add3A = arith.addf %get3A_3, %get3A_8 : vector<1000x1xf32>
    %rsqrt3A = math.rsqrt %add3A : vector<1000x1xf32>
    %get3A_9 = arith.constant 0 : index
    %get3A_10 = arith.constant 0 : index
    %get3A_11 = arith.constant 0 : index
    %get3A_12 = vector.load %arg1[%get3A_9, %get3A_10, %get3A_11] : memref<2x1000x128xf32, #tpu.memory_space<vmem>>, vector<1x1000x128xf32>
    %get3A_13 = vector.shape_cast %get3A_12 : vector<1x1000x128xf32> to vector<1000x128xf32>
    %get3A_14 = arith.constant 1 : index
    %get3A_15 = arith.constant 0 : index
    %get3A_16 = arith.constant 0 : index
    %get3A_17 = vector.load %arg1[%get3A_14, %get3A_15, %get3A_16] : memref<2x1000x128xf32, #tpu.memory_space<vmem>>, vector<1x1000x128xf32>
    %get3A_18 = vector.shape_cast %get3A_17 : vector<1x1000x128xf32> to vector<1000x128xf32>
    %concatenate3A = tpu.concatenate %get3A_13, %get3A_18 in 1 : vector<1000x128xf32>, vector<1000x128xf32> -> vector<1000x256xf32>
    %mul3A = vector.broadcast %rsqrt3A : vector<1000x1xf32> to vector<1000x256xf32>
    %mul3A_19 = arith.mulf %concatenate3A, %mul3A : vector<1000x256xf32>
    %get3A_20 = arith.constant 0 : index
    %get3A_21 = arith.constant 0 : index
    %get3A_22 = vector.load %arg3[%get3A_20, %get3A_21] : memref<1x256xf32, #tpu.memory_space<vmem>>, vector<1x256xf32>
    %add3A_23 = vector.broadcast %get3A_22 : vector<1x256xf32> to vector<1000x256xf32>
    %add3A_24 = arith.addf %mul3A_19, %add3A_23 : vector<1000x256xf32>
    %get3A_25 = arith.constant 0 : index
    %get3A_26 = arith.constant 0 : index
    %get3A_27 = vector.load %arg4[%get3A_25, %get3A_26] : memref<256x128xf32, #tpu.memory_space<vmem>>, vector<256x128xf32>
    %dot_general3A = arith.constant dense<0.000000e+00> : vector<1000x128xf32>
    %dot_general3A_28 = tpu.matmul %add3A_24, %get3A_27, %dot_general3A {dimension_numbers = #tpu.dot_dimension_numbers<[1], [0], [0], [1], [0, 0, 1, 1], [], []>, transpose_lhs_hint = false} : vector<1000x256xf32>, vector<256x128xf32>, vector<1000x128xf32> -> vector<1000x128xf32>
    %get3A_29 = arith.constant 0 : index
    %get3A_30 = arith.constant 0 : index
    %get3A_31 = vector.load %arg5[%get3A_29, %get3A_30] : memref<1x128xf32, #tpu.memory_space<vmem>>, vector<1x128xf32>
    %add3A_32 = vector.broadcast %get3A_31 : vector<1x128xf32> to vector<1000x128xf32>
    %add3A_33 = arith.addf %dot_general3A_28, %add3A_32 : vector<1000x128xf32>
    %get3A_34 = arith.constant 0 : index
    %get3A_35 = arith.constant 0 : index
    %get3A_36 = vector.load %arg6[%get3A_34, %get3A_35] : memref<1x128xf32, #tpu.memory_space<vmem>>, vector<1x128xf32>
    %mul3A_37 = vector.broadcast %get3A_36 : vector<1x128xf32> to vector<1000x128xf32>
    %mul3A_38 = arith.mulf %add3A_33, %mul3A_37 : vector<1000x128xf32>
    %get3A_39 = arith.constant 0 : index
    %get3A_40 = arith.constant 0 : index
    %get3A_41 = vector.load %arg7[%get3A_39, %get3A_40] : memref<1x128xf32, #tpu.memory_space<vmem>>, vector<1x128xf32>
    %add3A_42 = vector.broadcast %get3A_41 : vector<1x128xf32> to vector<1000x128xf32>
    %add3A_43 = arith.addf %mul3A_38, %add3A_42 : vector<1000x128xf32>
    %get3A_44 = arith.constant 0 : index
    %get3A_45 = arith.constant 0 : index
    %get3A_46 = vector.load %arg8[%get3A_44, %get3A_45] : memref<1000x128xi32, #tpu.memory_space<vmem>>, vector<1000x128xi32>
    %get3A_47 = arith.constant dense<0> : vector<1000x128xi32>
    %get3A_48 = arith.cmpi ne, %get3A_46, %get3A_47 : vector<1000x128xi32>
    %get3A_49 = arith.constant 0 : index
    %get3A_50 = arith.constant 0 : index
    %get3A_51 = vector.load %arg9[%get3A_49, %get3A_50] : memref<1000x128xf32, #tpu.memory_space<vmem>>, vector<1000x128xf32>
    %select_n3A = arith.select %get3A_48, %get3A_51, %add3A_43 : vector<1000x128xi1>, vector<1000x128xf32>
    %swap3A = arith.constant 0 : index
    %swap3A_52 = arith.constant 0 : index
    %swap3A_53 = vector.load %arg10[%swap3A, %swap3A_52] : memref<1000x128xf32, #tpu.memory_space<vmem>>, vector<1000x128xf32>
    tpu.vector_store %arg10[%swap3A, %swap3A_52], %select_n3A {strides = array<i32>} : memref<1000x128xf32, #tpu.memory_space<vmem>>, vector<1000x128xf32>,
    return
  }
  func.func @transform_0(%arg0: i32) -> (i32, i32, i32) {
    %c0_i32 = arith.constant 0 : i32
    %c0_i32_0 = arith.constant 0 : i32
    %c0_i32_1 = arith.constant 0 : i32
    return %c0_i32, %arg0, %c0_i32_0 : i32, i32, i32
  }
  func.func @transform_1(%arg0: i32) -> (i32, i32, i32) {
    %c0_i32 = arith.constant 0 : i32
    %c0_i32_0 = arith.constant 0 : i32
    %c0_i32_1 = arith.constant 0 : i32
    return %c0_i32, %arg0, %c0_i32_0 : i32, i32, i32
  }
  func.func @transform_2(%arg0: i32) -> (i32, i32) {
    %c0_i32 = arith.constant 0 : i32
    %c0_i32_0 = arith.constant 0 : i32
    %c0_i32_1 = arith.constant 0 : i32
    return %c0_i32, %c0_i32_0 : i32, i32
  }
  func.func @transform_3(%arg0: i32) -> (i32, i32) {
    %c0_i32 = arith.constant 0 : i32
    %c0_i32_0 = arith.constant 0 : i32
    %c0_i32_1 = arith.constant 0 : i32
    return %c0_i32, %c0_i32_0 : i32, i32
  }
  func.func @transform_4(%arg0: i32) -> (i32, i32) {
    %c0_i32 = arith.constant 0 : i32
    %c0_i32_0 = arith.constant 0 : i32
    %c0_i32_1 = arith.constant 0 : i32
    return %c0_i32, %c0_i32_0 : i32, i32
  }
  func.func @transform_5(%arg0: i32) -> (i32, i32) {
    %c0_i32 = arith.constant 0 : i32
    %c0_i32_0 = arith.constant 0 : i32
    %c0_i32_1 = arith.constant 0 : i32
    return %c0_i32, %c0_i32_0 : i32, i32
  }
  func.func @transform_6(%arg0: i32) -> (i32, i32) {
    %c0_i32 = arith.constant 0 : i32
    %c0_i32_0 = arith.constant 0 : i32
    %c0_i32_1 = arith.constant 0 : i32
    return %c0_i32, %c0_i32_0 : i32, i32
  }
  func.func @transform_7(%arg0: i32) -> (i32, i32) {
    %c0_i32 = arith.constant 0 : i32
    %c0_i32_0 = arith.constant 0 : i32
    return %arg0, %c0_i32 : i32, i32
  }
  func.func @transform_8(%arg0: i32) -> (i32, i32) {
    %c0_i32 = arith.constant 0 : i32
    %c0_i32_0 = arith.constant 0 : i32
    return %arg0, %c0_i32 : i32, i32
  }
  func.func @transform_9(%arg0: i32) -> (i32, i32) {
    %c0_i32 = arith.constant 0 : i32
    %c0_i32_0 = arith.constant 0 : i32
    return %arg0, %c0_i32 : i32, i32
  }
}

</mosaic_0001>

<sc_bundles>
// kernel: kernel.10.cloned.1.call-start
scs
__scs_entry_jumppad:
0x0: {  	(pc) =	sbr.rel $0x88, $3  }
0x1: {  	(tag) =	ssettag $0x0;
	lr =	simm.s32 $0x1  }
0x2: {  	[smem:$0x3F91] =	sst lr;
	_ =	strace $0xD0000000  }
0x3: {  	_ = 	snop  }
0x4: {  	_ = 	snop  }
0x5: {  	_ = 	snop  }
0x6: {  	_ = 	snop  }
0x7: {  	_ = 	snop  }
__scs_overlays_trampoline_lowered:
0x8: {  	[smem:$0x3FA0] =	sst s0  }
0x9: {  	[smem:$0x3FA1] =	sst s1  }
0xa: {  	[smem:$0x3FA2] =	sst s2  }
0xb: {  	[smem:$0x3FA3] =	sst s3  }
0xc: {  	[smem:$0x3FA4] =	sst s4  }
0xd: {  	[smem:$0x3FA5] =	sst s5  }
0xe: {  	[smem:$0x3FA6] =	sst s6  }
0xf: {  	[smem:$0x3FA7] =	sst s7  }
0x10: {  	[smem:$0x3FA8] =	sst s8  }
0x11: {  	[smem:$0x3FA9] =	sst s9;
	s0 =	simm.s32 @!p0 $0x0  }
0x12: {  	s1 =	sld [smem:$0x3F8F];
	s0 =	simm.s32 @p0 $0x1  }
0x13: {  	[smem:$0x3FAA] =	sst s0;
	s0 =	simm.s32 @!p1 $0x0  }
0x14: {  	s2 =	sld [smem:$0x3F8E];
	s0 =	simm.s32 @p1 $0x1  }
0x15: {  	[smem:$0x3FAB] =	sst s0;
	s0 =	simm.s32 @!p2 $0x0  }
0x16: {  	s3 =	sld [smem:$0x3FDB];
	s0 =	simm.s32 @p2 $0x1  }
0x17: {  	s4 =	simm.s32 $0x1BF5;
	[smem:$0x3FAD] =	sst s0  }
0x18: {  	s0 =	sld [smem:$0x3F90];
	_ =	swait.ge [sflag:s4], $0x0  }
0x19: {  	s7 =	sld [smem:$0x3F91]  }
0x1a: {  	s8 =	sadd.s32 $0xFFFFE003, lr  }
0x1b: {  	s9 =	sadd.s32 $0xFFFFFEF7, lr;
	s5 =	simm.s32 $0xFFFFFFFF;
	p2 =	slt.u32 s8, $0xFFFFF086  }
0x1c: {  	p1 =	slt.u32 s9, $0xF7A;
	s5 =	simm.s32 @!p2 $0x0  }
0x1d: {  	s5 =	simm.s32 @p1 $0x1;
	p0 =	seq.s32 s7, s2  }
0x1e: {  	s7 =	smul.u32 @!p0 $0xF7A, s2;
	p2 =	seq.s32 @!p0 s5, $0x0  }
0x1f: {  	s9 =	smul.u32 $0xF7A, s1;
	s8 =	simm.s32 @!p0 $0x1BF5;
	p2 =	por !p2, p0  }
0x20: {  	[sflag:s8] =	ssyncset.s32 @!p0 $0xFFFFF086;
	s6 =	sadd.s32 @!p0 s3, s7;
	s7 =	simm.s32 @!p0 $0x108  }
0x21: {  	s3 =	sadd.s32 s3, s9;
	s6 =	sadd.s32 @!p0 $0x88, s6;
	s7 =	simm.s32 @p2 $0x1082  }
0x22: {  	[simem:s7], [sflag:s8] =	dma.local @!p0 [hbm:s6], $0xF7A  }
0x23: {  	s9 =	sor.u32 $0xD0000000, s2;
	s6 =	simm.s32 $0x108;
	_ =	swait.ge @!p0 [sflag:s8], $0x0  }
0x24: {  	s3 =	sadd.s32 $0x88, s3;
	s6 =	simm.s32 @!p1 $0x1082;
	[sflag:s4] =	ssyncset.s32 $0xFFFFF086  }
0x25: {  	[simem:s6], [sflag:s4] =	dma.local [hbm:s3], $0xF7A  }
0x26: {  	[smem:$0x3F91] =	sst s1;
	(tag) =	ssettag s2;
	_ =	strace s9  }
0x27: {  	s1 =	sld [smem:$0x3FA1]  }
0x28: {  	s2 =	sld [smem:$0x3FA2]  }
0x29: {  	s4 =	sld [smem:$0x3FA4]  }
0x2a: {  	p0 =	seq.s32 s5, $0x0;
	s5 =	sld [smem:$0x3FA5]  }
0x2b: {  	s6 =	sld [smem:$0x3FA6]  }
0x2c: {  	s7 =	sld [smem:$0x3FA7]  }
0x2d: {  	s3 =	simm.s32 $0x108;
	s8 =	sld [smem:$0x3FA8]  }
0x2e: {  	s3 =	simm.s32 @!p0 $0x1082;
	s9 =	sld [smem:$0x3FA9]  }
0x2f: {  	lr =	sadd.s32 s0, s3;
	s0 =	sld [smem:$0x3FA0]  }
0x30: {  	s3 =	sld [smem:$0x3FA3]  }
0x31: {  	[smem:$0x3FAC] =	sst s10  }
0x32: {  	s10 =	sld [smem:$0x3FAA];
	_ =	sdelay $0x3  }
0x33: {  	p0 =	seq.s32 s10, $0x1;
	s10 =	sld [smem:$0x3FAC];
	_ =	sdelay $0x3  }
0x34: {  	[smem:$0x3FAC] =	sst s10  }
0x35: {  	s10 =	sld [smem:$0x3FAB];
	_ =	sdelay $0x3  }
0x36: {  	p1 =	seq.s32 s10, $0x1;
	s10 =	sld [smem:$0x3FAC];
	_ =	sdelay $0x3  }
0x37: {  	[smem:$0x3FAC] =	sst s10  }
0x38: {  	s10 =	sld [smem:$0x3FAD]  }
0x39: {  	_ = 	snop;
	(pc) =	sbr.ind lr, $3  }
0x3a: {  	_ = 	snop  }
0x3b: {  	_ = 	snop  }
0x3c: {  	p2 =	seq.s32 s10, $0x1;
	s10 =	sld [smem:$0x3FAC]  }
0x3d: {  	_ =	shalt  }
0x3e: {  	_ =	shalt  }
0x3f: {  	_ =	shalt  }
0x40: {  	_ =	shalt  }
0x41: {  	_ =	shalt  }
0x42: {  	_ =	shalt  }
0x43: {  	_ =	shalt  }
0x44: {  	_ =	shalt  }
0x45: {  	_ =	shalt  }
0x46: {  	_ =	shalt  }
0x47: {  	_ =	shalt  }
0x48: {  	_ =	shalt  }
0x49: {  	_ =	shalt  }
0x4a: {  	_ =	shalt  }
0x4b: {  	_ =	shalt  }
0x4c: {  	_ =	shalt  }
0x4d: {  	_ =	shalt  }
0x4e: {  	_ =	shalt  }
0x4f: {  	_ =	shalt  }
0x50: {  	_ =	shalt  }
0x51: {  	_ =	shalt  }
0x52: {  	_ =	shalt  }
0x53: {  	_ =	shalt  }
0x54: {  	_ =	shalt  }
0x55: {  	_ =	shalt  }
0x56: {  	_ =	shalt  }
0x57: {  	_ =	shalt  }
0x58: {  	_ =	shalt  }
0x59: {  	_ =	shalt  }
0x5a: {  	_ =	shalt  }
0x5b: {  	_ =	shalt  }
0x5c: {  	_ =	shalt  }
0x5d: {  	_ =	shalt  }
0x5e: {  	_ =	shalt  }
0x5f: {  	_ =	shalt  }
0x60: {  	_ =	shalt  }
0x61: {  	_ =	shalt  }
0x62: {  	_ =	shalt  }
0x63: {  	_ =	shalt  }
0x64: {  	_ =	shalt  }
0x65: {  	_ =	shalt  }
0x66: {  	_ =	shalt  }
0x67: {  	_ =	shalt  }
0x68: {  	_ =	shalt  }
0x69: {  	_ =	shalt  }
0x6a: {  	_ =	shalt  }
0x6b: {  	_ =	shalt  }
0x6c: {  	_ =	shalt  }
0x6d: {  	_ =	shalt  }
0x6e: {  	_ =	shalt  }
0x6f: {  	_ =	shalt  }
0x70: {  	_ =	shalt  }
0x71: {  	_ =	shalt  }
0x72: {  	_ =	shalt  }
0x73: {  	_ =	shalt  }
0x74: {  	_ =	shalt  }
0x75: {  	_ =	shalt  }
0x76: {  	_ =	shalt  }
0x77: {  	_ =	shalt  }
0x78: {  	_ =	shalt  }
0x79: {  	_ =	shalt  }
0x7a: {  	_ =	shalt  }
0x7b: {  	_ =	shalt  }
0x7c: {  	_ =	shalt  }
0x7d: {  	_ =	shalt  }
0x7e: {  	_ =	shalt  }
0x7f: {  	_ =	shalt  }
0x80: {  	_ =	shalt  }
0x81: {  	_ =	shalt  }
0x82: {  	_ =	shalt  }
0x83: {  	_ =	shalt  }
0x84: {  	_ =	shalt  }
0x85: {  	_ =	shalt  }
0x86: {  	_ =	shalt  }
0x87: {  	_ =	shalt  }
.Lfunc_end0:
.L_simem_size_0:
called_computation_lowered:
.L_overlay_start_0:
0x88: {  	s2 =	sld [smem:$0x3FD9]  }
0x89: {  	s3 =	sld [smem:$0x3FFE];
	_ =	sdelay $0x1  }
0x8a: {  	s1 =	srdreg.scid  }
0x8b: {  	s0 =	sand.u32 $0x1, s1  }
0x8c: {  	s17 =	sshll.u32 s0, $0xA;
	s2 =	sadd.s32 s3, s2  }
0x8d: {  	s2 =	sadd.s32 s2, s17  }
0x8e: {  	[smem:$0x3FB8] =	sst s2  }
0x8f: {  	_ = 	snop  }
0x90: {  	s2 =	sld [smem:$0x3FD0];
	(tm) =	ssettm $0x1  }
0x91: {  	s18 =	sld [smem:$0x3FFB];
	_ =	sdelay $0x3  }
0x92: {  	_ =	strace s18  }
0x93: {  	s3 =	sld [smem:$0x3FFC];
	_ =	sdelay $0x3  }
0x94: {  	_ =	strace s3  }
0x95: {  	s3 =	sld [smem:$0x3FFD];
	_ =	sdelay $0x3  }
0x96: {  	_ =	strace s3  }
0x97: {  	_ =	strace $0x8FFFFFFF  }
0x98: {  	s19 =	sld [smem:$0x3FDB];
	_ =	sdelay $0x1  }
0x99: {  	s4 =	simm.s32 $_scs_section_size  }
0x9a: {  	s5 =	simm.s32 $_size__tile_overlayer_lowered;
	s6 =	simm.s32 $_tile_overlayer_lowered  }
0x9b: {  	s22 =	simm.s32 $0x1BFF;
	s21 =	sshll.u32 s6, $0x1;
	s3 =	sadd.s32 s4, s19  }
0x9c: {  	s7 =	simm.s32 $0x0;
	s20 =	sshll.u32 s5, $0x1;
	s5 =	sadd.s32 s21, s3  }
0x9d: {  	[timem:s7], [sflag:s22] =	dma.local [hbm:s5], s20  }
0x9e: {  	_ =	swait.ge [sflag:s22], s20  }
0x9f: {  	s4 =	ssub.s32 $0x0, s20;
	[sflag:s22] =	ssyncset.done $0x0  }
0xa0: {  	[sflag:s22] =	ssyncadd.s32 s4;
	_ =	sdelay $0x1  }
0xa1: {  	s23 =	simm.s32 $0x1B8B  }
0xa2: {  	_ =	swait.ge [sflag:s23], $0x1  }
0xa3: {  	[sflag:s23] =	ssyncset.done $0x0  }
0xa4: {  	s25 =	simm.s32 $0x1B8E;
	s24 =	sld [smem:$0x3FFE];
	[sflag:s23] =	ssyncadd.s32 $0xFFFFFFFF  }
0xa5: {  	s26 =	simm.s32 $execute0_lowered;
	[smem:$0x3FD2] =	sst s25  }
0xa6: {  	s5 =	sshll.u32 s26, $0x1;
	_ =	strace $0x80000046;
	[dreg:$0x1] =	wrdreg $0xFFFFFFFF  }
0xa7: {  	s28 =	simm.s32 $_size_execute0_lowered;
	s3 =	sadd.s32 s3, s5;
	[dreg:$0x0] =	wrdreg $0x0  }
0xa8: {  	s5 =	sshll.u32 s28, $0x1;
	[dreg:$0x2] =	wrdreg s3  }
0xa9: {  	[dreg:$0x3] =	wrdreg s5  }
0xaa: {  	[dreg:$0x4] =	wrdreg $0xC0  }
0xab: {  	_ =	task [dreg:s7], $0x5FFFF  }
0xac: {  	[dreg:$0x1] =	wrdreg $0xFFFFFFFF  }
0xad: {  	[dreg:$0x0] =	wrdreg $0x60  }
0xae: {  	[dreg:$0x2] =	wrdreg s2  }
0xaf: {  	[dreg:$0x3] =	wrdreg s24  }
0xb0: {  	[dreg:$0x4] =	wrdreg $0x4000  }
0xb1: {  	[dreg:$0x5] =	wrdreg $0x9  }
0xb2: {  	_ =	task.clear_ibuf [dreg:s7], $0x6FFFF;
	_ =	strace $0x90000046  }
0xb3: {  	s29 =	simm.s32 $0x9;
	_ =	strace $0x80000048  }
0xb4: {  	_ =	swait.ge [sflag:s29], $0x1  }
0xb5: {  	[sflag:s29] =	ssyncadd.s32 $0xFFFFFFFF  }
0xb6: {  	_ =	strace $0x90000048  }
0xb7: {  	_ =	sfence  }
0xb8: {  	s30 =	sld [smem:$0x0];
	_ =	sdelay $0x2  }
0xb9: {  	s31 =	sshll.u32 s1, $0xD;
	s1 =	sshrl.u32 s1, $0x2  }
0xba: {  	s3 =	sand.u32 $0x4000, s31;
	s1 =	sadd.s32 s1, s30  }
0xbb: {  	s0 =	sor.u32 s3, s0;
	s1 =	sshll.u32 s1, $0x11  }
0xbc: {  	s0 =	sor.u32 s1, s0  }
0xbd: {  	s0 =	sadd.s32 $0x8F2B, s0  }
0xbe: {  	[sflag:s0] =	ssyncadd.remote.s32 $0x1  }
0xbf: {  	_ =	sfence.sel $0xFFFF  }
0xc0: {  	[dreg:$0x0] =	wrdreg $0xFFFFFFFF;
	(pc) =	sbr.abs _section_cstart, $3  }
0xc1: {  	[dreg:$0x1] =	wrdreg $0xFFFFFFFF  }
0xc2: {  	_ =	task.clear_ibuf [dreg:s7], $0x2FFFF;
	_ =	strace $0x9FFFFFFF  }
0xc3: {  	(tm) =	ssettm $0x7FFFFFFF  }
tec
execute0_lowered:
.L_overlay_start_1:
0x0: {  	(tag) =	ssettag $0x1  }
0x1: {  	s1 =	rddreg [dreg:$0x0]  }
0x2: {  	s6 =	rddreg [dreg:$0x1]  }
0x3: {  	s3 =	rddreg [dreg:$0x2]  }
0x4: {  	s0 =	rddreg [dreg:$0x3]  }
0x5: {  	s4 =	srdreg.scid;
	s2 =	stileid.u32  }
0x6: {  	s12 =	simm.s32 $0x5;
	s13 =	simm.s32 $0x1;
	s14 =	simm.s32 $0x100  }
0x7: {  	s15 =	simm.s32 $0x2;
	s16 =	simm.s32 $0x3;
	s17 =	simm.s32 $0x4  }
0x8: {  	s20 =	simm.s32 $0x20;
	s21 =	simm.s32 $0x10;
	s22 =	simm.s32 $0x0  }
0x9: {  	s7 =	sand.u32 $0x1, s4;
	s5 =	smul.u32 $0x500, s2;
	s8 =	sshll.u32 s2, $0x1  }
0xa: {  	s4 =	simm.s32 $0x0;
	s29 =	smul.u32 $0xA00, s2;
	s18 =	sshll.u32 s2, $0x6  }
0xb: {  	s9 =	sshll.u32 s7, $0x7;
	s8 =	sor.u32 s7, s8;
	[smem:$0x7FF] =	sst s4  }
0xc: {  	s7 =	ssub.s32 $0x2, s7;
	s18 =	sor.u32 $0x1C05, s18;
	s9 =	sor.u32 s9, s5  }
0xd: {  	s5 =	smul.u32 $0x2800, s8;
	_ =	strace $0x80000047;
	s31 =	sshrl.u32 s7, $0x1  }
0xe: {  	s28 =	sshrl.u32 s9, $0x3;
	s9 =	sshrl.u32 s29, $0x2;
	s11 =	ssub.s32 s7, s31  }
0xf: {  	s10 =	sadd.s32 s28, s6;
	s30 =	sshrl.u32 s5, $0x3;
	s8 =	sadd.s32 s9, s3  }
0x10: {  	s6 =	sadd.s32 s1, s30;
	s9 =	sadd.s32 $0x4400, s10;
	s10 =	smax.u32 s11, $0x1  }
0x11: {  	v0 =	vimm.f32 $1.000000000e+00;
	v1 =	vimm.f32 $5.000000000e-01;
	s11 =	simm.s32 $0x80;
	s19 =	sshrl.u32 s8, $0x3;
	s7 =	sadd.s32 $0x10, s6  }
.LBB2_1:
0x12: {  	[tilespmem:$0x100] =	vst v0  }
0x13: {  	[tilespmem:$0x110] =	vst v0  }
0x14: {  	[tilespmem:$0x120] =	vst v0  }
0x15: {  	[tilespmem:$0x130] =	vst v0  }
0x16: {  	[tilespmem:$0x140] =	vst v0  }
0x17: {  	[tilespmem:$0x150] =	vst v0  }
0x18: {  	[tilespmem:$0x160] =	vst v0  }
0x19: {  	[tilespmem:$0x170] =	vst v0  }
0x1a: {  	[tilespmem:$0x180] =	vst v1  }
0x1b: {  	[tilespmem:$0x190] =	vst v1  }
0x1c: {  	[tilespmem:$0x1A0] =	vst v1  }
0x1d: {  	[tilespmem:$0x1B0] =	vst v1  }
0x1e: {  	[tilespmem:$0x1C0] =	vst v1  }
0x1f: {  	[tilespmem:$0x1D0] =	vst v1  }
0x20: {  	[tilespmem:$0x1E0] =	vst v1  }
0x21: {  	[tilespmem:$0x1F0] =	vst v1  }
0x22: {  	[tilespmem:$0x200] =	vst v1  }
0x23: {  	[tilespmem:$0x210] =	vst v1  }
0x24: {  	[tilespmem:$0x220] =	vst v1  }
0x25: {  	[tilespmem:$0x230] =	vst v1  }
0x26: {  	[tilespmem:$0x240] =	vst v1  }
0x27: {  	[tilespmem:$0x250] =	vst v1  }
0x28: {  	[tilespmem:$0x260] =	vst v1  }
0x29: {  	[tilespmem:$0x270] =	vst v1  }
0x2a: {  	[tilespmem:$0x280] =	vst v1  }
0x2b: {  	[tilespmem:$0x290] =	vst v1  }
0x2c: {  	[tilespmem:$0x2A0] =	vst v1  }
0x2d: {  	[tilespmem:$0x2B0] =	vst v1  }
0x2e: {  	[tilespmem:$0x2C0] =	vst v1  }
0x2f: {  	[tilespmem:$0x2D0] =	vst v1  }
0x30: {  	[tilespmem:$0x2E0] =	vst v1  }
0x31: {  	[tilespmem:$0x2F0] =	vst v1  }
0x32: {  	[tilespmem:$0x300] =	vst v1  }
0x33: {  	[tilespmem:$0x310] =	vst v1  }
0x34: {  	[tilespmem:$0x320] =	vst v1  }
0x35: {  	[tilespmem:$0x330] =	vst v1  }
0x36: {  	[tilespmem:$0x340] =	vst v1  }
0x37: {  	[tilespmem:$0x350] =	vst v1  }
0x38: {  	[tilespmem:$0x360] =	vst v1  }
0x39: {  	[tilespmem:$0x370] =	vst v1  }
0x3a: {  	[tilespmem:$0x380] =	vst v1  }
0x3b: {  	[tilespmem:$0x390] =	vst v1  }
0x3c: {  	[tilespmem:$0x3A0] =	vst v1  }
0x3d: {  	[tilespmem:$0x3B0] =	vst v1  }
0x3e: {  	[tilespmem:$0x3C0] =	vst v1  }
0x3f: {  	[tilespmem:$0x3D0] =	vst v1  }
0x40: {  	[tilespmem:$0x3E0] =	vst v1  }
0x41: {  	[tilespmem:$0x3F0] =	vst v1  }
0x42: {  	[tilespmem:s4], [sflag:$0x1] =	stream.linear.gather [hbm4b:s6+s4], $0x80, $0x38;
	[tilespmem:$0x680] =	vst v63  }
0x43: {  	_ = 	snop  }
0x44: {  	[tilespmem:s11], [sflag:$0x2] =	stream.linear.gather [hbm4b:s7+s4], $0x80, $0x38;
	[tilespmem:$0x680] =	vst v63  }
0x45: {  	s23 =	simm.s32 $0x180  }
0x46: {  	[spmem:s8] =	stream.linear.scatter [tilespmem:s23], [sflag:$0x5], $0x280, $0x38;
	[tilespmem:$0x680] =	vst v63  }
0x47: {  	_ =	swait.ge [sflag:s12], $0x280  }
0x48: {  	[sflag:s12] =	ssyncset.done $0x0  }
0x49: {  	[sflag:s12] =	ssyncadd.s32 $0xFFFFFD80  }
0x4a: {  	[bflag:$0x0] =	sbarrier.arrive $0xFFFF  }
0x4b: {  	_ =	swait.ge [sflag:s13], $0x80  }
0x4c: {  	[sflag:s13] =	ssyncset.done $0x0  }
0x4d: {  	[sflag:s13] =	ssyncadd.s32 $0xFFFFFF80  }
0x4e: {  	[spmem:s3] =	stream.indirect.scatter.add.f32 [tilespmem:s14], [sflag:$0x3], $0x1, s4, s11, $0xb8;
	[tilespmem:$0x680] =	vst v63  }
0x4f: {  	s24 =	simm.s32 $0x100;
	_ =	swait.ge [sflag:s15], $0x80  }
0x50: {  	s25 =	sand.u32 $0x7C00, s24;
	[sflag:s15] =	ssyncset.done $0x0  }
0x51: {  	s24 =	sand.u32 $0x300, s24;
	s25 =	sadd.s32 s5, s25;
	[sflag:s15] =	ssyncadd.s32 $0xFFFFFF80  }
0x52: {  	[spmem:s3] =	stream.indirect.scatter.add.f32 [tilespmem:s14], [sflag:$0x4], $0x1, s11, s11, $0xb8;
	[tilespmem:$0x680] =	vst v63  }
0x53: {  	s26 =	sand.u32 $0x380, s23;
	s24 =	sor.u32 s24, s25;
	_ =	swait.ge [sflag:s16], $0x80  }
0x54: {  	s24 =	sshrl.u32 s24, $0x3;
	s23 =	sand.u32 $0x7C00, s23;
	[sflag:s16] =	ssyncset.done $0x0  }
0x55: {  	s24 =	sadd.s32 s1, s24;
	s23 =	sadd.s32 s5, s23;
	[sflag:s16] =	ssyncadd.s32 $0xFFFFFF80  }
0x56: {  	[tilespmem:s4], [sflag:$0x1] =	stream.linear.gather [hbm4b:s24+s4], $0x80, $0x38;
	[tilespmem:$0x680] =	vst v63  }
0x57: {  	s31 =	sor.u32 s26, s23;
	_ =	swait.ge [sflag:s17], $0x80  }
0x58: {  	s23 =	simm.s32 $0x280;
	s24 =	sshrl.u32 s31, $0x3;
	[sflag:s17] =	ssyncset.done $0x0  }
.LBB2_2:
0x59: {  	p0 =	sne.s32 s23, $0x2780;
	[sflag:s17] =	ssyncadd.s32 $0xFFFFFF80;
	s24 =	sadd.s32 s1, s24  }
0x5a: {  	[tilespmem:s11], [sflag:$0x2] =	stream.linear.gather [hbm4b:s24+s4], $0x80, $0x38;
	[tilespmem:$0x680] =	vst v63  }
0x5b: {  	s24 =	smov.u32 s23;
	s23 =	sadd.s32 $0x100, s23;
	_ =	swait.ge [sflag:s13], $0x80  }
0x5c: {  	[sflag:s13] =	ssyncset.done $0x0  }
0x5d: {  	[sflag:s13] =	ssyncadd.s32 $0xFFFFFF80  }
0x5e: {  	[spmem:s3] =	stream.indirect.scatter.add.f32 [tilespmem:s14], [sflag:$0x3], $0x1, s4, s11, $0xb8;
	[tilespmem:$0x680] =	vst v63  }
0x5f: {  	s25 =	sadd.s32 $0xFFFFFF80, s24;
	_ =	swait.ge [sflag:s15], $0x80  }
0x60: {  	s26 =	sand.u32 $0x7C00, s25;
	s25 =	sand.u32 $0x300, s25;
	[sflag:s15] =	ssyncset.done $0x0  }
0x61: {  	s28 =	sand.u32 $0x380, s24;
	s26 =	sadd.s32 s5, s26;
	[sflag:s15] =	ssyncadd.s32 $0xFFFFFF80  }
0x62: {  	[spmem:s3] =	stream.indirect.scatter.add.f32 [tilespmem:s14], [sflag:$0x4], $0x1, s11, s11, $0xb8;
	[tilespmem:$0x680] =	vst v63  }
0x63: {  	s24 =	sand.u32 $0x7C00, s24;
	s25 =	sor.u32 s25, s26;
	_ =	swait.ge [sflag:s16], $0x80  }
.Ltmp0:
0x64: {  	s25 =	sshrl.u32 s25, $0x3;
	[sflag:s16] =	ssyncset.done $0x0;
	(pc) =	sbr.rel @p0 .LBB2_2-.Ltmp0, $4  }
0x65: {  	s24 =	sadd.s32 s5, s24;
	s25 =	sadd.s32 s1, s25;
	[sflag:s16] =	ssyncadd.s32 $0xFFFFFF80  }
0x66: {  	[tilespmem:s4], [sflag:$0x1] =	stream.linear.gather [hbm4b:s25+s4], $0x80, $0x38;
	[tilespmem:$0x680] =	vst v63  }
0x67: {  	s24 =	sor.u32 s28, s24;
	_ =	swait.ge [sflag:s17], $0x80  }
0x68: {  	s24 =	sshrl.u32 s24, $0x3;
	[sflag:s17] =	ssyncset.done $0x0  }
0x69: {  	[sflag:s17] =	ssyncadd.s32 $0xFFFFFF80;
	s23 =	sadd.s32 s1, s24  }
0x6a: {  	[tilespmem:s11], [sflag:$0x2] =	stream.linear.gather [hbm4b:s23+s4], $0x80, $0x38;
	[tilespmem:$0x680] =	vst v63  }
0x6b: {  	_ =	swait.ge [sflag:s13], $0x80  }
0x6c: {  	[sflag:s13] =	ssyncset.done $0x0  }
0x6d: {  	[sflag:s13] =	ssyncadd.s32 $0xFFFFFF80  }
0x6e: {  	[spmem:s3] =	stream.indirect.scatter.add.f32 [tilespmem:s14], [sflag:$0x3], $0x1, s4, s11, $0xb8;
	[tilespmem:$0x680] =	vst v63  }
0x6f: {  	_ =	swait.ge [sflag:s15], $0x80  }
0x70: {  	[sflag:s15] =	ssyncset.done $0x0  }
0x71: {  	[sflag:s15] =	ssyncadd.s32 $0xFFFFFF80  }
0x72: {  	[spmem:s3] =	stream.indirect.scatter.add.f32 [tilespmem:s14], [sflag:$0x4], $0x1, s11, s11, $0xb8;
	[tilespmem:$0x680] =	vst v63  }
0x73: {  	_ =	swait.ge [sflag:s16], $0x80  }
0x74: {  	[sflag:s16] =	ssyncset.done $0x0  }
0x75: {  	[sflag:s16] =	ssyncadd.s32 $0xFFFFFF80  }
0x76: {  	_ =	swait.ge [sflag:s17], $0x80  }
0x77: {  	s22 =	sadd.s32 $0x1, s22;
	[sflag:s17] =	ssyncset.done $0x0  }
0x78: {  	p0 =	sne.s32 s22, s10;
	[sflag:s17] =	ssyncadd.s32 $0xFFFFFF80  }
.Ltmp1:
0x79: {  	[bflag:$0x0] =	sbarrier.arrive $0xFFFF;
	(pc) =	sbr.rel @p0 .LBB2_1-.Ltmp1, $4  }
0x7a: {  	[hbm:s9@s20], [sflag:s18] =	dma.strided [spmem:s19@s21], $0x50, s13, $0x10   }
0x7b: {  	_ =	swait.ge [sflag:s12], $0x50  }
0x7c: {  	[sflag:s12] =	ssyncset.done $0x0  }
0x7d: {  	[sflag:s12] =	ssyncadd.s32 $0xFFFFFFB0  }
0x7e: {  	_ =	sfence.sel $0x180000  }
0x7f: {  	[bflag:$0x0] =	sbarrier.arrive $0xFFFF  }
0x80: {  	p0 =	sne.s32 s2, $0x0;
	_ =	strace $0x90000047  }
0x81: {  	s0 =	sadd.s32 @!p0 $0x100000, s0;
	[bflag:$0x2] =	sbarrier.arrive $0xFFFF  }
0x82: {  	[sflag:s0] =	ssyncadd.tile.s32 @!p0 $0x1;
	_ =	shalt  }
.Lfunc_end2:
_tile_overlayer_lowered:
.L_overlay_start_2:
0x83: {  	(tag) =	ssettag $0x2  }
0x84: {  	s0 =	rddreg [dreg:$0x0];
	s2 =	stileid.u32  }
0x85: {  	s1 =	rddreg [dreg:$0x1];
	p0 =	sne.s32 s2, $0x0  }
0x86: {  	s3 =	rddreg [dreg:$0x2];
	[bflag:$0x3] =	sbarrier.arrive $0xFFFF;
	s2 =	simm.s32 @!p0 $0x1C05  }
0x87: {  	[timem:s3], [sflag:s2] =	dma.local @!p0 [hbm:s0], s1  }
0x88: {  	s0 =	simm.s32 @!p0 $0x5  }
0x89: {  	_ =	swait.ge @!p0 [sflag:s0], s1  }
0x8a: {  	s1 =	ssub.s32 @!p0 $0x0, s1;
	[sflag:s0] =	ssyncset.done @!p0 $0x0  }
0x8b: {  	[sflag:s0] =	ssyncadd.s32 @!p0 s1  }
0x8c: {  	[bflag:$0x3] =	sbarrier.arrive $0xFFFF  }
0x8d: {  	_ =	shalt  }

// kernel: kernel.13.cloned.1.call-start
scs
__scs_entry_jumppad:
0x0: {  	(pc) =	sbr.rel $0x88, $3  }
0x1: {  	(tag) =	ssettag $0x0;
	lr =	simm.s32 $0x1  }
0x2: {  	[smem:$0x3F91] =	sst lr;
	_ =	strace $0xD0000000  }
0x3: {  	_ = 	snop  }
0x4: {  	_ = 	snop  }
0x5: {  	_ = 	snop  }
0x6: {  	_ = 	snop  }
0x7: {  	_ = 	snop  }
__scs_overlays_trampoline_lowered:
0x8: {  	[smem:$0x3FA0] =	sst s0  }
0x9: {  	[smem:$0x3FA1] =	sst s1  }
0xa: {  	[smem:$0x3FA2] =	sst s2  }
0xb: {  	[smem:$0x3FA3] =	sst s3  }
0xc: {  	[smem:$0x3FA4] =	sst s4  }
0xd: {  	[smem:$0x3FA5] =	sst s5  }
0xe: {  	[smem:$0x3FA6] =	sst s6  }
0xf: {  	[smem:$0x3FA7] =	sst s7  }
0x10: {  	[smem:$0x3FA8] =	sst s8  }
0x11: {  	[smem:$0x3FA9] =	sst s9;
	s0 =	simm.s32 @!p0 $0x0  }
0x12: {  	s1 =	sld [smem:$0x3F8F];
	s0 =	simm.s32 @p0 $0x1  }
0x13: {  	[smem:$0x3FAA] =	sst s0;
	s0 =	simm.s32 @!p1 $0x0  }
0x14: {  	s2 =	sld [smem:$0x3F8E];
	s0 =	simm.s32 @p1 $0x1  }
0x15: {  	[smem:$0x3FAB] =	sst s0;
	s0 =	simm.s32 @!p2 $0x0  }
0x16: {  	s3 =	sld [smem:$0x3FDB];
	s0 =	simm.s32 @p2 $0x1  }
0x17: {  	s4 =	simm.s32 $0x1BF5;
	[smem:$0x3FAD] =	sst s0  }
0x18: {  	s0 =	sld [smem:$0x3F90];
	_ =	swait.ge [sflag:s4], $0x0  }
0x19: {  	s7 =	sld [smem:$0x3F91]  }
0x1a: {  	s8 =	sadd.s32 $0xFFFFE003, lr  }
0x1b: {  	s9 =	sadd.s32 $0xFFFFFEF7, lr;
	s5 =	simm.s32 $0xFFFFFFFF;
	p2 =	slt.u32 s8, $0xFFFFF086  }
0x1c: {  	p1 =	slt.u32 s9, $0xF7A;
	s5 =	simm.s32 @!p2 $0x0  }
0x1d: {  	s5 =	simm.s32 @p1 $0x1;
	p0 =	seq.s32 s7, s2  }
0x1e: {  	s7 =	smul.u32 @!p0 $0xF7A, s2;
	p2 =	seq.s32 @!p0 s5, $0x0  }
0x1f: {  	s9 =	smul.u32 $0xF7A, s1;
	s8 =	simm.s32 @!p0 $0x1BF5;
	p2 =	por !p2, p0  }
0x20: {  	[sflag:s8] =	ssyncset.s32 @!p0 $0xFFFFF086;
	s6 =	sadd.s32 @!p0 s3, s7;
	s7 =	simm.s32 @!p0 $0x108  }
0x21: {  	s3 =	sadd.s32 s3, s9;
	s6 =	sadd.s32 @!p0 $0x88, s6;
	s7 =	simm.s32 @p2 $0x1082  }
0x22: {  	[simem:s7], [sflag:s8] =	dma.local @!p0 [hbm:s6], $0xF7A  }
0x23: {  	s9 =	sor.u32 $0xD0000000, s2;
	s6 =	simm.s32 $0x108;
	_ =	swait.ge @!p0 [sflag:s8], $0x0  }
0x24: {  	s3 =	sadd.s32 $0x88, s3;
	s6 =	simm.s32 @!p1 $0x1082;
	[sflag:s4] =	ssyncset.s32 $0xFFFFF086  }
0x25: {  	[simem:s6], [sflag:s4] =	dma.local [hbm:s3], $0xF7A  }
0x26: {  	[smem:$0x3F91] =	sst s1;
	(tag) =	ssettag s2;
	_ =	strace s9  }
0x27: {  	s1 =	sld [smem:$0x3FA1]  }
0x28: {  	s2 =	sld [smem:$0x3FA2]  }
0x29: {  	s4 =	sld [smem:$0x3FA4]  }
0x2a: {  	p0 =	seq.s32 s5, $0x0;
	s5 =	sld [smem:$0x3FA5]  }
0x2b: {  	s6 =	sld [smem:$0x3FA6]  }
0x2c: {  	s7 =	sld [smem:$0x3FA7]  }
0x2d: {  	s3 =	simm.s32 $0x108;
	s8 =	sld [smem:$0x3FA8]  }
0x2e: {  	s3 =	simm.s32 @!p0 $0x1082;
	s9 =	sld [smem:$0x3FA9]  }
0x2f: {  	lr =	sadd.s32 s0, s3;
	s0 =	sld [smem:$0x3FA0]  }
0x30: {  	s3 =	sld [smem:$0x3FA3]  }
0x31: {  	[smem:$0x3FAC] =	sst s10  }
0x32: {  	s10 =	sld [smem:$0x3FAA];
	_ =	sdelay $0x3  }
0x33: {  	p0 =	seq.s32 s10, $0x1;
	s10 =	sld [smem:$0x3FAC];
	_ =	sdelay $0x3  }
0x34: {  	[smem:$0x3FAC] =	sst s10  }
0x35: {  	s10 =	sld [smem:$0x3FAB];
	_ =	sdelay $0x3  }
0x36: {  	p1 =	seq.s32 s10, $0x1;
	s10 =	sld [smem:$0x3FAC];
	_ =	sdelay $0x3  }
0x37: {  	[smem:$0x3FAC] =	sst s10  }
0x38: {  	s10 =	sld [smem:$0x3FAD]  }
0x39: {  	_ = 	snop;
	(pc) =	sbr.ind lr, $3  }
0x3a: {  	_ = 	snop  }
0x3b: {  	_ = 	snop  }
0x3c: {  	p2 =	seq.s32 s10, $0x1;
	s10 =	sld [smem:$0x3FAC]  }
0x3d: {  	_ =	shalt  }
0x3e: {  	_ =	shalt  }
0x3f: {  	_ =	shalt  }
0x40: {  	_ =	shalt  }
0x41: {  	_ =	shalt  }
0x42: {  	_ =	shalt  }
0x43: {  	_ =	shalt  }
0x44: {  	_ =	shalt  }
0x45: {  	_ =	shalt  }
0x46: {  	_ =	shalt  }
0x47: {  	_ =	shalt  }
0x48: {  	_ =	shalt  }
0x49: {  	_ =	shalt  }
0x4a: {  	_ =	shalt  }
0x4b: {  	_ =	shalt  }
0x4c: {  	_ =	shalt  }
0x4d: {  	_ =	shalt  }
0x4e: {  	_ =	shalt  }
0x4f: {  	_ =	shalt  }
0x50: {  	_ =	shalt  }
0x51: {  	_ =	shalt  }
0x52: {  	_ =	shalt  }
0x53: {  	_ =	shalt  }
0x54: {  	_ =	shalt  }
0x55: {  	_ =	shalt  }
0x56: {  	_ =	shalt  }
0x57: {  	_ =	shalt  }
0x58: {  	_ =	shalt  }
0x59: {  	_ =	shalt  }
0x5a: {  	_ =	shalt  }
0x5b: {  	_ =	shalt  }
0x5c: {  	_ =	shalt  }
0x5d: {  	_ =	shalt  }
0x5e: {  	_ =	shalt  }
0x5f: {  	_ =	shalt  }
0x60: {  	_ =	shalt  }
0x61: {  	_ =	shalt  }
0x62: {  	_ =	shalt  }
0x63: {  	_ =	shalt  }
0x64: {  	_ =	shalt  }
0x65: {  	_ =	shalt  }
0x66: {  	_ =	shalt  }
0x67: {  	_ =	shalt  }
0x68: {  	_ =	shalt  }
0x69: {  	_ =	shalt  }
0x6a: {  	_ =	shalt  }
0x6b: {  	_ =	shalt  }
0x6c: {  	_ =	shalt  }
0x6d: {  	_ =	shalt  }
0x6e: {  	_ =	shalt  }
0x6f: {  	_ =	shalt  }
0x70: {  	_ =	shalt  }
0x71: {  	_ =	shalt  }
0x72: {  	_ =	shalt  }
0x73: {  	_ =	shalt  }
0x74: {  	_ =	shalt  }
0x75: {  	_ =	shalt  }
0x76: {  	_ =	shalt  }
0x77: {  	_ =	shalt  }
0x78: {  	_ =	shalt  }
0x79: {  	_ =	shalt  }
0x7a: {  	_ =	shalt  }
0x7b: {  	_ =	shalt  }
0x7c: {  	_ =	shalt  }
0x7d: {  	_ =	shalt  }
0x7e: {  	_ =	shalt  }
0x7f: {  	_ =	shalt  }
0x80: {  	_ =	shalt  }
0x81: {  	_ =	shalt  }
0x82: {  	_ =	shalt  }
0x83: {  	_ =	shalt  }
0x84: {  	_ =	shalt  }
0x85: {  	_ =	shalt  }
0x86: {  	_ =	shalt  }
0x87: {  	_ =	shalt  }
.Lfunc_end0:
.L_simem_size_0:
called_computation.1_lowered:
.L_overlay_start_0:
0x88: {  	s2 =	sld [smem:$0x3FD9]  }
0x89: {  	s3 =	sld [smem:$0x3FFE];
	_ =	sdelay $0x1  }
0x8a: {  	s1 =	srdreg.scid  }
0x8b: {  	s0 =	sand.u32 $0x1, s1  }
0x8c: {  	s16 =	sshll.u32 s0, $0xA;
	s2 =	sadd.s32 s3, s2  }
0x8d: {  	s2 =	sadd.s32 s2, s16  }
0x8e: {  	[smem:$0x3FB8] =	sst s2  }
0x8f: {  	_ = 	snop  }
0x90: {  	(tm) =	ssettm $0x1  }
0x91: {  	s17 =	sld [smem:$0x3FFB];
	_ =	sdelay $0x3  }
0x92: {  	_ =	strace s17  }
0x93: {  	s2 =	sld [smem:$0x3FFC];
	_ =	sdelay $0x3  }
0x94: {  	_ =	strace s2  }
0x95: {  	s2 =	sld [smem:$0x3FFD];
	_ =	sdelay $0x3  }
0x96: {  	_ =	strace s2  }
0x97: {  	_ =	strace $0x8FFFFFFF  }
0x98: {  	s18 =	sld [smem:$0x3FDB];
	_ =	sdelay $0x1  }
0x99: {  	s19 =	simm.s32 $_scs_section_size  }
0x9a: {  	s4 =	simm.s32 $_size__tile_overlayer_lowered;
	s5 =	simm.s32 $_tile_overlayer_lowered  }
0x9b: {  	s22 =	simm.s32 $0x1BFF;
	s21 =	sshll.u32 s5, $0x1;
	s2 =	sadd.s32 s19, s18  }
0x9c: {  	s6 =	simm.s32 $0x0;
	s20 =	sshll.u32 s4, $0x1;
	s4 =	sadd.s32 s21, s2  }
0x9d: {  	[timem:s6], [sflag:s22] =	dma.local [hbm:s4], s20  }
0x9e: {  	_ =	swait.ge [sflag:s22], s20  }
0x9f: {  	s3 =	ssub.s32 $0x0, s20;
	[sflag:s22] =	ssyncset.done $0x0  }
0xa0: {  	[sflag:s22] =	ssyncadd.s32 s3;
	_ =	sdelay $0x1  }
0xa1: {  	s23 =	simm.s32 $0x1B8B  }
0xa2: {  	_ =	swait.ge [sflag:s23], $0x1  }
0xa3: {  	[sflag:s23] =	ssyncset.done $0x0  }
0xa4: {  	s25 =	simm.s32 $0x1B8E;
	s24 =	sld [smem:$0x3FFE];
	[sflag:s23] =	ssyncadd.s32 $0xFFFFFFFF  }
0xa5: {  	s26 =	simm.s32 $execute0_lowered;
	[smem:$0x3FD2] =	sst s25  }
0xa6: {  	s4 =	sshll.u32 s26, $0x1;
	_ =	strace $0x80000049;
	[dreg:$0x1] =	wrdreg $0xFFFFFFFF  }
0xa7: {  	s28 =	simm.s32 $_size_execute0_lowered;
	s2 =	sadd.s32 s2, s4;
	[dreg:$0x0] =	wrdreg $0x0  }
0xa8: {  	s4 =	sshll.u32 s28, $0x1;
	[dreg:$0x2] =	wrdreg s2  }
0xa9: {  	[dreg:$0x3] =	wrdreg s4  }
0xaa: {  	[dreg:$0x4] =	wrdreg $0xC0  }
0xab: {  	_ =	task [dreg:s6], $0x5FFFF  }
0xac: {  	[dreg:$0x1] =	wrdreg $0xFFFFFFFF  }
0xad: {  	[dreg:$0x0] =	wrdreg $0x60  }
0xae: {  	[dreg:$0x2] =	wrdreg s24  }
0xaf: {  	[dreg:$0x3] =	wrdreg $0x83000  }
0xb0: {  	[dreg:$0x4] =	wrdreg $0x9  }
0xb1: {  	_ =	task.clear_ibuf [dreg:s6], $0x5FFFF;
	_ =	strace $0x90000049  }
0xb2: {  	s29 =	simm.s32 $0x9;
	_ =	strace $0x8000004B  }
0xb3: {  	_ =	swait.ge [sflag:s29], $0x1  }
0xb4: {  	[sflag:s29] =	ssyncadd.s32 $0xFFFFFFFF  }
0xb5: {  	_ =	strace $0x9000004B  }
0xb6: {  	_ =	sfence  }
0xb7: {  	s30 =	sld [smem:$0x0];
	_ =	sdelay $0x2  }
0xb8: {  	s31 =	sshll.u32 s1, $0xD;
	s1 =	sshrl.u32 s1, $0x2  }
0xb9: {  	s3 =	sand.u32 $0x4000, s31;
	s1 =	sadd.s32 s1, s30  }
0xba: {  	s0 =	sor.u32 s3, s0;
	s1 =	sshll.u32 s1, $0x11  }
0xbb: {  	s0 =	sor.u32 s1, s0  }
0xbc: {  	s0 =	sadd.s32 $0x8F2B, s0  }
0xbd: {  	[sflag:s0] =	ssyncadd.remote.s32 $0x1  }
0xbe: {  	_ =	sfence.sel $0xFFFF  }
0xbf: {  	[dreg:$0x0] =	wrdreg $0xFFFFFFFF;
	(pc) =	sbr.abs _section_cstart, $3  }
0xc0: {  	[dreg:$0x1] =	wrdreg $0xFFFFFFFF  }
0xc1: {  	_ =	task.clear_ibuf [dreg:s6], $0x2FFFF;
	_ =	strace $0x9FFFFFFF  }
0xc2: {  	(tm) =	ssettm $0x7FFFFFFF  }
0xc3: {  	_ =	shalt  }
tec
execute0_lowered:
.L_overlay_start_1:
0x0: {  	(tag) =	ssettag $0x1  }
0x1: {  	s0 =	rddreg [dreg:$0x0];
	s1 =	srdreg.scid  }
0x2: {  	s2 =	rddreg [dreg:$0x1];
	s14 =	stileid.u32  }
0x3: {  	s3 =	simm.s32 $0x0;
	s15 =	simm.s32 $0x5;
	s16 =	simm.s32 $0x40  }
0x4: {  	s17 =	simm.s32 $0x300;
	s18 =	simm.s32 $0x2300;
	s5 =	smul.u32 $0x14000, s14  }
0x5: {  	s28 =	simm.s32 $0x2;
	s29 =	simm.s32 $0x3;
	s7 =	smul.u32 $0xA000, s14  }
0x6: {  	s30 =	simm.s32 $0x280;
	s31 =	simm.s32 $0x4;
	s8 =	smul.u32 $0x50000, s14  }
0x7: {  	s1 =	sand.u32 $0x1, s1;
	[smem:$0x7FF] =	sst s3;
	s9 =	smul.u32 $0x2800, s14  }
0x8: {  	s12 =	sadd.s32 $0x4E00, s0;
	s23 =	sshll.u32 s14, $0x6;
	s4 =	smul.u32 $0x140000, s1  }
0x9: {  	s14 =	simm.s32 $0x7;
	s6 =	smul.u32 $0xA0000, s1;
	s19 =	ssub.s32 $0x2, s1  }
0xa: {  	_ =	strace $0x8000004A;
	s1 =	smul.u32 $0x28000, s1;
	s20 =	sshrl.u32 s19, $0x1  }
0xb: {  	s22 =	sshrl.u32 s8, $0x2;
	s5 =	sadd.s32 s5, s4;
	s4 =	sadd.s32 $0x7CE00, s0  }
0xc: {  	s10 =	sadd.s32 s7, s6;
	s11 =	ssub.s32 s19, s20;
	s13 =	sadd.s32 s22, s2  }
0xd: {  	s1 =	sadd.s32 s9, s1;
	s19 =	simm.s32 $0x100;
	s20 =	simm.s32 $0x6  }
0xe: {  	s22 =	simm.s32 $0x140;
	s5 =	sshrl.u32 s5, $0x3;
	s7 =	sshrl.u32 s10, $0x3  }
0xf: {  	s1 =	sadd.s32 s4, s1;
	s25 =	sor.u32 $0x300, s10;
	s26 =	sor.u32 $0x200, s10  }
0x10: {  	s10 =	smax.u32 s11, $0x1;
	s13 =	sshrl.u32 s13, $0x3;
	s0 =	sadd.s32 s5, s0  }
0x11: {  	s21 =	sadd.s32 s12, s7;
	[dreg:$0x3] =	wrdreg s1;
	s7 =	sor.u32 $0x1C07, s23  }
.Ltmp0:
0x12: {  	s1 =	sshrl.u32 s26, $0x3;
	s23 =	simm.s32 $0x6300;
	(pc) =	sbr.rel .LBB2_1-.Ltmp0, $4  }
0x13: {  	s26 =	simm.s32 $0x200;
	s8 =	smov.u32 s21;
	s24 =	sadd.s32 $0x20, s21  }
0x14: {  	s9 =	sadd.s32 $0xCCE00, s0;
	s0 =	sshrl.u32 s25, $0x3;
	s21 =	simm.s32 $0x4300  }
0x15: {  	s25 =	simm.s32 $0x80;
	[dreg:$0x4] =	wrdreg s24;
	s11 =	sadd.s32 s0, s12  }
0x16: {  	s12 =	sadd.s32 s1, s12;
	s24 =	simm.s32 $0x1;
	s0 =	simm.s32 $0x0  }
.LBB2_3:
0x17: {  	[spmem:s2] =	stream.indirect.scatter.add.f32 [tilespmem:s21], [sflag:$0x4], $0x80, s30, s25, $0xb8;
	[tilespmem:$0x1C300] =	vst v63  }
.LBB2_5:
0x18: {  	_ =	swait.ge [sflag:s31], $0x4000  }
0x19: {  	s0 =	sadd.s32 $0x1, s0;
	[sflag:s31] =	ssyncset.done $0x0  }
0x1a: {  	p0 =	sne.s32 s0, s10;
	[sflag:s31] =	ssyncadd.s32 $0xFFFFC000  }
.Ltmp1:
0x1b: {  	[bflag:$0x0] =	sbarrier.arrive $0xFFFF;
	(pc) =	sbr.rel @!p0 .LBB2_6-.Ltmp1, $4  }
0x1c: {  	[hbm:s9], [sflag:s7] =	dma.local [spmem:s13], $0x2800  }
0x1d: {  	_ =	swait.ge [sflag:s14], $0x2800  }
0x1e: {  	[sflag:s14] =	ssyncset.done $0x0  }
0x1f: {  	[sflag:s14] =	ssyncadd.s32 $0xFFFFD800  }
.LBB2_1:
0x20: {  	[tilespmem:s3], [sflag:$0x5] =	stream.linear.gather [hbm4b:s8+s3], $0x100, $0x38;
	[tilespmem:$0x1C300] =	vst v63  }
0x21: {  	s1 =	rddreg [dreg:$0x3]  }
0x22: {  	[spmem:s13], [sflag:s7] =	dma.local [hbm:s1], $0x2800  }
0x23: {  	_ =	swait.ge [sflag:s14], $0x2800  }
0x24: {  	[sflag:s14] =	ssyncset.done $0x0  }
0x25: {  	[sflag:s14] =	ssyncadd.s32 $0xFFFFD800  }
0x26: {  	_ =	swait.ge [sflag:s15], $0x100  }
0x27: {  	[sflag:s15] =	ssyncset.done $0x0  }
0x28: {  	[sflag:s15] =	ssyncadd.s32 $0xFFFFFF00  }
0x29: {  	[tilespmem:s17], [sflag:$0x1] =	stream.indirect.gather [hbm4b:s4+s16], $0x80, s3, s16, $0xb8;
	[tilespmem:$0x1C300] =	vst v63  }
0x2a: {  	_ = 	snop  }
0x2b: {  	[tilespmem:s18], [sflag:$0x1] =	stream.indirect.gather [hbm4b:s4+s16], $0x80, s16, s16, $0xb8;
	[tilespmem:$0x1C300] =	vst v63  }
0x2c: {  	s6 =	rddreg [dreg:$0x4]  }
0x2d: {  	[tilespmem:s19], [sflag:$0x6] =	stream.linear.gather [hbm4b:s6+s3], $0x100, $0x38;
	[tilespmem:$0x1C300] =	vst v63  }
0x2e: {  	s1 =	simm.s32 $0x0;
	[bflag:$0x0] =	sbarrier.arrive $0xFFFF  }
.LBB2_2:
0x2f: {  	p0 =	seq.s32 s1, $0x0  }
0x30: {  	s5 =	simm.s32 @!p0 $0x4  }
0x31: {  	_ =	swait.ge @!p0 [sflag:s5], $0x4000  }
0x32: {  	[sflag:s5] =	ssyncset.done @!p0 $0x0  }
0x33: {  	[sflag:s5] =	ssyncadd.s32 @!p0 $0xFFFFC000  }
0x34: {  	_ =	swait.ge [sflag:s20], $0x100  }
0x35: {  	[sflag:s20] =	ssyncset.done $0x0  }
0x36: {  	[sflag:s20] =	ssyncadd.s32 $0xFFFFFF00  }
0x37: {  	[tilespmem:s21], [sflag:$0x2] =	stream.indirect.gather [hbm4b:s4+s16], $0x80, s19, s16, $0xb8;
	[tilespmem:$0x1C300] =	vst v63  }
0x38: {  	_ = 	snop  }
0x39: {  	[tilespmem:s23], [sflag:$0x2] =	stream.indirect.gather [hbm4b:s4+s16], $0x80, s22, s16, $0xb8;
	[tilespmem:$0x1C300] =	vst v63  }
0x3a: {  	_ =	swait.ge [sflag:s24], $0x2000  }
0x3b: {  	[sflag:s24] =	ssyncset.done $0x0  }
0x3c: {  	[sflag:s24] =	ssyncadd.s32 $0xFFFFE000  }
0x3d: {  	_ =	swait.ge [sflag:s24], $0x2000  }
0x3e: {  	[sflag:s24] =	ssyncset.done $0x0  }
0x3f: {  	[sflag:s24] =	ssyncadd.s32 $0xFFFFE000  }
0x40: {  	v0 =	vld [tilespmem:$0x80]  }
0x41: {  	v1 =	vld [tilespmem:$0x90]  }
0x42: {  	v2 =	vld [tilespmem:$0xA0]  }
0x43: {  	v3 =	vld [tilespmem:$0xB0]  }
0x44: {  	v4 =	vld [tilespmem:$0xC0]  }
0x45: {  	v53 =	vld [tilespmem:$0xD0];
	[tilespmem:$0x200] =	vst v0  }
0x46: {  	v54 =	vld [tilespmem:$0xE0];
	[tilespmem:$0x210] =	vst v1  }
0x47: {  	v55 =	vld [tilespmem:$0xF0];
	[tilespmem:$0x220] =	vst v2  }
0x48: {  	[tilespmem:$0x230] =	vst v3  }
0x49: {  	[tilespmem:$0x240] =	vst v4  }
0x4a: {  	[tilespmem:$0x250] =	vst v53  }
0x4b: {  	[tilespmem:$0x260] =	vst v54  }
0x4c: {  	p0 =	seq.s32 s1, $0x13C0;
	[tilespmem:$0x270] =	vst v55  }
0x4d: {  	[spmem:s2] =	stream.indirect.scatter.add.f32 [tilespmem:s17], [sflag:$0x3], $0x80, s26, s25, $0xb8;
	[tilespmem:$0x1C300] =	vst v63  }
0x4e: {  	s5 =	sadd.s32 @!p0 s1, s12;
	s6 =	simm.s32 @!p0 $0x0  }
0x4f: {  	[tilespmem:s6], [sflag:$0x5] =	stream.linear.gather @!p0 [hbm4b:s5+s6], $0x100, $0x38;
	[tilespmem:$0x1C300] =	vst v63  }
0x50: {  	_ =	swait.ge [sflag:s28], $0x2000  }
0x51: {  	[sflag:s28] =	ssyncset.done $0x0  }
0x52: {  	[sflag:s28] =	ssyncadd.s32 $0xFFFFE000  }
0x53: {  	_ =	swait.ge [sflag:s28], $0x2000  }
0x54: {  	[sflag:s28] =	ssyncset.done $0x0  }
0x55: {  	[sflag:s28] =	ssyncadd.s32 $0xFFFFE000  }
0x56: {  	v56 =	vld [tilespmem:$0x180]  }
0x57: {  	v57 =	vld [tilespmem:$0x190]  }
0x58: {  	v58 =	vld [tilespmem:$0x1A0]  }
0x59: {  	v59 =	vld [tilespmem:$0x1B0]  }
0x5a: {  	v60 =	vld [tilespmem:$0x1C0]  }
0x5b: {  	v61 =	vld [tilespmem:$0x1D0];
	[tilespmem:$0x280] =	vst v56  }
0x5c: {  	v62 =	vld [tilespmem:$0x1E0];
	[tilespmem:$0x290] =	vst v57  }
0x5d: {  	v63 =	vld [tilespmem:$0x1F0];
	[tilespmem:$0x2A0] =	vst v58  }
0x5e: {  	[tilespmem:$0x2B0] =	vst v59  }
0x5f: {  	[tilespmem:$0x2C0] =	vst v60  }
0x60: {  	p0 =	sne.s32 s1, $0x13C0;
	[tilespmem:$0x2D0] =	vst v61  }
.Ltmp2:
0x61: {  	[tilespmem:$0x2E0] =	vst v62;
	(pc) =	sbr.rel @!p0 .LBB2_3-.Ltmp2, $4  }
0x62: {  	[tilespmem:$0x2F0] =	vst v63  }
0x63: {  	_ =	swait.ge [sflag:s29], $0x4000  }
0x64: {  	[sflag:s29] =	ssyncset.done $0x0  }
0x65: {  	[sflag:s29] =	ssyncadd.s32 $0xFFFFC000  }
0x66: {  	_ =	swait.ge [sflag:s15], $0x100  }
0x67: {  	[sflag:s15] =	ssyncset.done $0x0  }
0x68: {  	s5 =	sadd.s32 s1, s11;
	s1 =	sadd.s32 $0x40, s1;
	[sflag:s15] =	ssyncadd.s32 $0xFFFFFF00  }
0x69: {  	[tilespmem:s17], [sflag:$0x1] =	stream.indirect.gather [hbm4b:s4+s16], $0x80, s3, s16, $0xb8;
	[tilespmem:$0x1C300] =	vst v63  }
0x6a: {  	p0 =	sne.s32 s1, $0x1400  }
0x6b: {  	[tilespmem:s18], [sflag:$0x1] =	stream.indirect.gather [hbm4b:s4+s16], $0x80, s16, s16, $0xb8;
	[tilespmem:$0x1C300] =	vst v63  }
.Ltmp3:
0x6c: {  	_ = 	snop;
	(pc) =	sbr.rel @p0 .LBB2_2-.Ltmp3, $4  }
.Ltmp4:
0x6d: {  	_ = 	snop;
	(pc) =	sbr.rel @!p0 .LBB2_5-.Ltmp4, $4  }
0x6e: {  	[tilespmem:s19], [sflag:$0x6] =	stream.linear.gather [hbm4b:s5+s3], $0x100, $0x38;
	[tilespmem:$0x1C300] =	vst v63  }
0x6f: {  	_ = 	snop  }
0x70: {  	[spmem:s2] =	stream.indirect.scatter.add.f32 [tilespmem:s21], [sflag:$0x4], $0x80, s30, s25, $0xb8;
	[tilespmem:$0x1C300] =	vst v63  }
0x71: {  	_ = 	snop  }
.LBB2_6:
0x72: {  	_ =	sfence.sel $0x180000  }
0x73: {  	[bflag:$0x0] =	sbarrier.arrive $0xFFFF  }
0x74: {  	_ =	strace $0x9000004A  }
0x75: {  	s0 =	stileid.u32;
	[bflag:$0x2] =	sbarrier.arrive $0xFFFF  }
0x76: {  	p0 =	sne.s32 s0, $0x0;
	s0 =	rddreg [dreg:$0x2]  }
0x77: {  	s0 =	sadd.s32 @!p0 $0x100000, s0  }
0x78: {  	[sflag:s0] =	ssyncadd.tile.s32 @!p0 $0x1;
	_ =	shalt  }
.Lfunc_end2:
_tile_overlayer_lowered:
.L_overlay_start_2:
0x79: {  	(tag) =	ssettag $0x2  }
0x7a: {  	s0 =	rddreg [dreg:$0x0];
	s2 =	stileid.u32  }
0x7b: {  	s1 =	rddreg [dreg:$0x1];
	p0 =	sne.s32 s2, $0x0  }
0x7c: {  	s3 =	rddreg [dreg:$0x2];
	[bflag:$0x3] =	sbarrier.arrive $0xFFFF;
	s2 =	simm.s32 @!p0 $0x1C07  }
0x7d: {  	[timem:s3], [sflag:s2] =	dma.local @!p0 [hbm:s0], s1  }
0x7e: {  	s0 =	simm.s32 @!p0 $0x7  }
0x7f: {  	_ =	swait.ge @!p0 [sflag:s0], s1  }
0x80: {  	s1 =	ssub.s32 @!p0 $0x0, s1;
	[sflag:s0] =	ssyncset.done @!p0 $0x0  }
0x81: {  	[sflag:s0] =	ssyncadd.s32 @!p0 s1  }
0x82: {  	[bflag:$0x3] =	sbarrier.arrive $0xFFFF  }
0x83: {  	_ =	shalt  }

// kernel: kernel.16.cloned.1.call-start
scs
__scs_entry_jumppad:
0x0: {  	(pc) =	sbr.rel $0x88, $3  }
0x1: {  	(tag) =	ssettag $0x0;
	lr =	simm.s32 $0x1  }
0x2: {  	[smem:$0x3F91] =	sst lr;
	_ =	strace $0xD0000000  }
0x3: {  	_ = 	snop  }
0x4: {  	_ = 	snop  }
0x5: {  	_ = 	snop  }
0x6: {  	_ = 	snop  }
0x7: {  	_ = 	snop  }
__scs_overlays_trampoline_lowered:
0x8: {  	[smem:$0x3FA0] =	sst s0  }
0x9: {  	[smem:$0x3FA1] =	sst s1  }
0xa: {  	[smem:$0x3FA2] =	sst s2  }
0xb: {  	[smem:$0x3FA3] =	sst s3  }
0xc: {  	[smem:$0x3FA4] =	sst s4  }
0xd: {  	[smem:$0x3FA5] =	sst s5  }
0xe: {  	[smem:$0x3FA6] =	sst s6  }
0xf: {  	[smem:$0x3FA7] =	sst s7  }
0x10: {  	[smem:$0x3FA8] =	sst s8  }
0x11: {  	[smem:$0x3FA9] =	sst s9;
	s0 =	simm.s32 @!p0 $0x0  }
0x12: {  	s1 =	sld [smem:$0x3F8F];
	s0 =	simm.s32 @p0 $0x1  }
0x13: {  	[smem:$0x3FAA] =	sst s0;
	s0 =	simm.s32 @!p1 $0x0  }
0x14: {  	s2 =	sld [smem:$0x3F8E];
	s0 =	simm.s32 @p1 $0x1  }
0x15: {  	[smem:$0x3FAB] =	sst s0;
	s0 =	simm.s32 @!p2 $0x0  }
0x16: {  	s3 =	sld [smem:$0x3FDB];
	s0 =	simm.s32 @p2 $0x1  }
0x17: {  	s4 =	simm.s32 $0x1BF5;
	[smem:$0x3FAD] =	sst s0  }
0x18: {  	s0 =	sld [smem:$0x3F90];
	_ =	swait.ge [sflag:s4], $0x0  }
0x19: {  	s7 =	sld [smem:$0x3F91]  }
0x1a: {  	s8 =	sadd.s32 $0xFFFFE003, lr  }
0x1b: {  	s9 =	sadd.s32 $0xFFFFFEF7, lr;
	s5 =	simm.s32 $0xFFFFFFFF;
	p2 =	slt.u32 s8, $0xFFFFF086  }
0x1c: {  	p1 =	slt.u32 s9, $0xF7A;
	s5 =	simm.s32 @!p2 $0x0  }
0x1d: {  	s5 =	simm.s32 @p1 $0x1;
	p0 =	seq.s32 s7, s2  }
0x1e: {  	s7 =	smul.u32 @!p0 $0xF7A, s2;
	p2 =	seq.s32 @!p0 s5, $0x0  }
0x1f: {  	s9 =	smul.u32 $0xF7A, s1;
	s8 =	simm.s32 @!p0 $0x1BF5;
	p2 =	por !p2, p0  }
0x20: {  	[sflag:s8] =	ssyncset.s32 @!p0 $0xFFFFF086;
	s6 =	sadd.s32 @!p0 s3, s7;
	s7 =	simm.s32 @!p0 $0x108  }
0x21: {  	s3 =	sadd.s32 s3, s9;
	s6 =	sadd.s32 @!p0 $0x88, s6;
	s7 =	simm.s32 @p2 $0x1082  }
0x22: {  	[simem:s7], [sflag:s8] =	dma.local @!p0 [hbm:s6], $0xF7A  }
0x23: {  	s9 =	sor.u32 $0xD0000000, s2;
	s6 =	simm.s32 $0x108;
	_ =	swait.ge @!p0 [sflag:s8], $0x0  }
0x24: {  	s3 =	sadd.s32 $0x88, s3;
	s6 =	simm.s32 @!p1 $0x1082;
	[sflag:s4] =	ssyncset.s32 $0xFFFFF086  }
0x25: {  	[simem:s6], [sflag:s4] =	dma.local [hbm:s3], $0xF7A  }
0x26: {  	[smem:$0x3F91] =	sst s1;
	(tag) =	ssettag s2;
	_ =	strace s9  }
0x27: {  	s1 =	sld [smem:$0x3FA1]  }
0x28: {  	s2 =	sld [smem:$0x3FA2]  }
0x29: {  	s4 =	sld [smem:$0x3FA4]  }
0x2a: {  	p0 =	seq.s32 s5, $0x0;
	s5 =	sld [smem:$0x3FA5]  }
0x2b: {  	s6 =	sld [smem:$0x3FA6]  }
0x2c: {  	s7 =	sld [smem:$0x3FA7]  }
0x2d: {  	s3 =	simm.s32 $0x108;
	s8 =	sld [smem:$0x3FA8]  }
0x2e: {  	s3 =	simm.s32 @!p0 $0x1082;
	s9 =	sld [smem:$0x3FA9]  }
0x2f: {  	lr =	sadd.s32 s0, s3;
	s0 =	sld [smem:$0x3FA0]  }
0x30: {  	s3 =	sld [smem:$0x3FA3]  }
0x31: {  	[smem:$0x3FAC] =	sst s10  }
0x32: {  	s10 =	sld [smem:$0x3FAA];
	_ =	sdelay $0x3  }
0x33: {  	p0 =	seq.s32 s10, $0x1;
	s10 =	sld [smem:$0x3FAC];
	_ =	sdelay $0x3  }
0x34: {  	[smem:$0x3FAC] =	sst s10  }
0x35: {  	s10 =	sld [smem:$0x3FAB];
	_ =	sdelay $0x3  }
0x36: {  	p1 =	seq.s32 s10, $0x1;
	s10 =	sld [smem:$0x3FAC];
	_ =	sdelay $0x3  }
0x37: {  	[smem:$0x3FAC] =	sst s10  }
0x38: {  	s10 =	sld [smem:$0x3FAD]  }
0x39: {  	_ = 	snop;
	(pc) =	sbr.ind lr, $3  }
0x3a: {  	_ = 	snop  }
0x3b: {  	_ = 	snop  }
0x3c: {  	p2 =	seq.s32 s10, $0x1;
	s10 =	sld [smem:$0x3FAC]  }
0x3d: {  	_ =	shalt  }
0x3e: {  	_ =	shalt  }
0x3f: {  	_ =	shalt  }
0x40: {  	_ =	shalt  }
0x41: {  	_ =	shalt  }
0x42: {  	_ =	shalt  }
0x43: {  	_ =	shalt  }
0x44: {  	_ =	shalt  }
0x45: {  	_ =	shalt  }
0x46: {  	_ =	shalt  }
0x47: {  	_ =	shalt  }
0x48: {  	_ =	shalt  }
0x49: {  	_ =	shalt  }
0x4a: {  	_ =	shalt  }
0x4b: {  	_ =	shalt  }
0x4c: {  	_ =	shalt  }
0x4d: {  	_ =	shalt  }
0x4e: {  	_ =	shalt  }
0x4f: {  	_ =	shalt  }
0x50: {  	_ =	shalt  }
0x51: {  	_ =	shalt  }
0x52: {  	_ =	shalt  }
0x53: {  	_ =	shalt  }
0x54: {  	_ =	shalt  }
0x55: {  	_ =	shalt  }
0x56: {  	_ =	shalt  }
0x57: {  	_ =	shalt  }
0x58: {  	_ =	shalt  }
0x59: {  	_ =	shalt  }
0x5a: {  	_ =	shalt  }
0x5b: {  	_ =	shalt  }
0x5c: {  	_ =	shalt  }
0x5d: {  	_ =	shalt  }
0x5e: {  	_ =	shalt  }
0x5f: {  	_ =	shalt  }
0x60: {  	_ =	shalt  }
0x61: {  	_ =	shalt  }
0x62: {  	_ =	shalt  }
0x63: {  	_ =	shalt  }
0x64: {  	_ =	shalt  }
0x65: {  	_ =	shalt  }
0x66: {  	_ =	shalt  }
0x67: {  	_ =	shalt  }
0x68: {  	_ =	shalt  }
0x69: {  	_ =	shalt  }
0x6a: {  	_ =	shalt  }
0x6b: {  	_ =	shalt  }
0x6c: {  	_ =	shalt  }
0x6d: {  	_ =	shalt  }
0x6e: {  	_ =	shalt  }
0x6f: {  	_ =	shalt  }
0x70: {  	_ =	shalt  }
0x71: {  	_ =	shalt  }
0x72: {  	_ =	shalt  }
0x73: {  	_ =	shalt  }
0x74: {  	_ =	shalt  }
0x75: {  	_ =	shalt  }
0x76: {  	_ =	shalt  }
0x77: {  	_ =	shalt  }
0x78: {  	_ =	shalt  }
0x79: {  	_ =	shalt  }
0x7a: {  	_ =	shalt  }
0x7b: {  	_ =	shalt  }
0x7c: {  	_ =	shalt  }
0x7d: {  	_ =	shalt  }
0x7e: {  	_ =	shalt  }
0x7f: {  	_ =	shalt  }
0x80: {  	_ =	shalt  }
0x81: {  	_ =	shalt  }
0x82: {  	_ =	shalt  }
0x83: {  	_ =	shalt  }
0x84: {  	_ =	shalt  }
0x85: {  	_ =	shalt  }
0x86: {  	_ =	shalt  }
0x87: {  	_ =	shalt  }
.Lfunc_end0:
.L_simem_size_0:
called_computation.2_lowered:
.L_overlay_start_0:
0x88: {  	s2 =	sld [smem:$0x3FD9]  }
0x89: {  	s3 =	sld [smem:$0x3FFE];
	_ =	sdelay $0x1  }
0x8a: {  	s1 =	srdreg.scid  }
0x8b: {  	s0 =	sand.u32 $0x1, s1  }
0x8c: {  	s16 =	sshll.u32 s0, $0xA;
	s2 =	sadd.s32 s3, s2  }
0x8d: {  	s2 =	sadd.s32 s2, s16  }
0x8e: {  	[smem:$0x3FB8] =	sst s2  }
0x8f: {  	_ = 	snop  }
0x90: {  	(tm) =	ssettm $0x1  }
0x91: {  	s17 =	sld [smem:$0x3FFB];
	_ =	sdelay $0x3  }
0x92: {  	_ =	strace s17  }
0x93: {  	s2 =	sld [smem:$0x3FFC];
	_ =	sdelay $0x3  }
0x94: {  	_ =	strace s2  }
0x95: {  	s2 =	sld [smem:$0x3FFD];
	_ =	sdelay $0x3  }
0x96: {  	_ =	strace s2  }
0x97: {  	_ =	strace $0x8FFFFFFF  }
0x98: {  	s18 =	sld [smem:$0x3FDB];
	_ =	sdelay $0x1  }
0x99: {  	s19 =	simm.s32 $_scs_section_size  }
0x9a: {  	s4 =	simm.s32 $_size__tile_overlayer_lowered;
	s5 =	simm.s32 $_tile_overlayer_lowered  }
0x9b: {  	s22 =	simm.s32 $0x1BFF;
	s21 =	sshll.u32 s5, $0x1;
	s2 =	sadd.s32 s19, s18  }
0x9c: {  	s6 =	simm.s32 $0x0;
	s20 =	sshll.u32 s4, $0x1;
	s4 =	sadd.s32 s21, s2  }
0x9d: {  	[timem:s6], [sflag:s22] =	dma.local [hbm:s4], s20  }
0x9e: {  	_ =	swait.ge [sflag:s22], s20  }
0x9f: {  	s3 =	ssub.s32 $0x0, s20;
	[sflag:s22] =	ssyncset.done $0x0  }
0xa0: {  	[sflag:s22] =	ssyncadd.s32 s3;
	_ =	sdelay $0x1  }
0xa1: {  	s23 =	simm.s32 $0x1B8B  }
0xa2: {  	_ =	swait.ge [sflag:s23], $0x1  }
0xa3: {  	[sflag:s23] =	ssyncset.done $0x0  }
0xa4: {  	s25 =	simm.s32 $0x1B8E;
	s24 =	sld [smem:$0x3FFE];
	[sflag:s23] =	ssyncadd.s32 $0xFFFFFFFF  }
0xa5: {  	s26 =	simm.s32 $execute0_lowered;
	[smem:$0x3FD2] =	sst s25  }
0xa6: {  	s4 =	sshll.u32 s26, $0x1;
	_ =	strace $0x8000004C;
	[dreg:$0x1] =	wrdreg $0xFFFFFFFF  }
0xa7: {  	s28 =	simm.s32 $_size_execute0_lowered;
	s2 =	sadd.s32 s2, s4;
	[dreg:$0x0] =	wrdreg $0x0  }
0xa8: {  	s4 =	sshll.u32 s28, $0x1;
	[dreg:$0x2] =	wrdreg s2  }
0xa9: {  	[dreg:$0x3] =	wrdreg s4  }
0xaa: {  	[dreg:$0x4] =	wrdreg $0xC0  }
0xab: {  	_ =	task [dreg:s6], $0x5FFFF  }
0xac: {  	[dreg:$0x1] =	wrdreg $0xFFFFFFFF  }
0xad: {  	[dreg:$0x0] =	wrdreg $0x60  }
0xae: {  	[dreg:$0x2] =	wrdreg s24  }
0xaf: {  	[dreg:$0x3] =	wrdreg $0x83000  }
0xb0: {  	[dreg:$0x4] =	wrdreg $0x9  }
0xb1: {  	_ =	task.clear_ibuf [dreg:s6], $0x5FFFF;
	_ =	strace $0x9000004C  }
0xb2: {  	s29 =	simm.s32 $0x9;
	_ =	strace $0x8000004E  }
0xb3: {  	_ =	swait.ge [sflag:s29], $0x1  }
0xb4: {  	[sflag:s29] =	ssyncadd.s32 $0xFFFFFFFF  }
0xb5: {  	_ =	strace $0x9000004E  }
0xb6: {  	_ =	sfence  }
0xb7: {  	s30 =	sld [smem:$0x0];
	_ =	sdelay $0x2  }
0xb8: {  	s31 =	sshll.u32 s1, $0xD;
	s1 =	sshrl.u32 s1, $0x2  }
0xb9: {  	s3 =	sand.u32 $0x4000, s31;
	s1 =	sadd.s32 s1, s30  }
0xba: {  	s0 =	sor.u32 s3, s0;
	s1 =	sshll.u32 s1, $0x11  }
0xbb: {  	s0 =	sor.u32 s1, s0  }
0xbc: {  	s0 =	sadd.s32 $0x8F2B, s0  }
0xbd: {  	[sflag:s0] =	ssyncadd.remote.s32 $0x1  }
0xbe: {  	_ =	sfence.sel $0xFFFF  }
0xbf: {  	[dreg:$0x0] =	wrdreg $0xFFFFFFFF;
	(pc) =	sbr.abs _section_cstart, $3  }
0xc0: {  	[dreg:$0x1] =	wrdreg $0xFFFFFFFF  }
0xc1: {  	_ =	task.clear_ibuf [dreg:s6], $0x2FFFF;
	_ =	strace $0x9FFFFFFF  }
0xc2: {  	(tm) =	ssettm $0x7FFFFFFF  }
0xc3: {  	_ =	shalt  }
tec
execute0_lowered:
.L_overlay_start_1:
0x0: {  	(tag) =	ssettag $0x1  }
0x1: {  	s0 =	rddreg [dreg:$0x0];
	s1 =	srdreg.scid  }
0x2: {  	s2 =	rddreg [dreg:$0x1];
	s14 =	stileid.u32  }
0x3: {  	s3 =	simm.s32 $0x0;
	s15 =	simm.s32 $0x5;
	s16 =	simm.s32 $0x40  }
0x4: {  	s17 =	simm.s32 $0x300;
	s18 =	simm.s32 $0x2300;
	s5 =	smul.u32 $0x14000, s14  }
0x5: {  	s28 =	simm.s32 $0x2;
	s29 =	simm.s32 $0x3;
	s7 =	smul.u32 $0xA000, s14  }
0x6: {  	s30 =	simm.s32 $0x280;
	s31 =	simm.s32 $0x4;
	s8 =	smul.u32 $0x50000, s14  }
0x7: {  	s1 =	sand.u32 $0x1, s1;
	[smem:$0x7FF] =	sst s3;
	s9 =	smul.u32 $0x2800, s14  }
0x8: {  	s12 =	sadd.s32 $0x4E00, s0;
	s23 =	sshll.u32 s14, $0x6;
	s4 =	smul.u32 $0x140000, s1  }
0x9: {  	s14 =	simm.s32 $0x7;
	s6 =	smul.u32 $0xA0000, s1;
	s19 =	ssub.s32 $0x2, s1  }
0xa: {  	_ =	strace $0x8000004D;
	s1 =	smul.u32 $0x28000, s1;
	s20 =	sshrl.u32 s19, $0x1  }
0xb: {  	s22 =	sshrl.u32 s8, $0x2;
	s5 =	sadd.s32 s5, s4;
	s4 =	sadd.s32 $0x7CE00, s0  }
0xc: {  	s10 =	sadd.s32 s7, s6;
	s11 =	ssub.s32 s19, s20;
	s13 =	sadd.s32 s22, s2  }
0xd: {  	s1 =	sadd.s32 s9, s1;
	s19 =	simm.s32 $0x100;
	s20 =	simm.s32 $0x6  }
0xe: {  	s22 =	simm.s32 $0x140;
	s5 =	sshrl.u32 s5, $0x3;
	s7 =	sshrl.u32 s10, $0x3  }
0xf: {  	s1 =	sadd.s32 s4, s1;
	s25 =	sor.u32 $0x300, s10;
	s26 =	sor.u32 $0x200, s10  }
0x10: {  	s10 =	smax.u32 s11, $0x1;
	s13 =	sshrl.u32 s13, $0x3;
	s0 =	sadd.s32 s5, s0  }
0x11: {  	s21 =	sadd.s32 s12, s7;
	[dreg:$0x3] =	wrdreg s1;
	s7 =	sor.u32 $0x1C07, s23  }
.Ltmp0:
0x12: {  	s1 =	sshrl.u32 s26, $0x3;
	s23 =	simm.s32 $0x6300;
	(pc) =	sbr.rel .LBB2_1-.Ltmp0, $4  }
0x13: {  	s26 =	simm.s32 $0x200;
	s8 =	smov.u32 s21;
	s24 =	sadd.s32 $0x20, s21  }
0x14: {  	s9 =	sadd.s32 $0xCCE00, s0;
	s0 =	sshrl.u32 s25, $0x3;
	s21 =	simm.s32 $0x4300  }
0x15: {  	s25 =	simm.s32 $0x80;
	[dreg:$0x4] =	wrdreg s24;
	s11 =	sadd.s32 s0, s12  }
0x16: {  	s12 =	sadd.s32 s1, s12;
	s24 =	simm.s32 $0x1;
	s0 =	simm.s32 $0x0  }
.LBB2_3:
0x17: {  	[spmem:s2] =	stream.indirect.scatter.add.f32 [tilespmem:s21], [sflag:$0x4], $0x80, s30, s25, $0xb8;
	[tilespmem:$0x1C300] =	vst v63  }
.LBB2_5:
0x18: {  	_ =	swait.ge [sflag:s31], $0x4000  }
0x19: {  	s0 =	sadd.s32 $0x1, s0;
	[sflag:s31] =	ssyncset.done $0x0  }
0x1a: {  	p0 =	sne.s32 s0, s10;
	[sflag:s31] =	ssyncadd.s32 $0xFFFFC000  }
.Ltmp1:
0x1b: {  	[bflag:$0x0] =	sbarrier.arrive $0xFFFF;
	(pc) =	sbr.rel @!p0 .LBB2_6-.Ltmp1, $4  }
0x1c: {  	[hbm:s9], [sflag:s7] =	dma.local [spmem:s13], $0x2800  }
0x1d: {  	_ =	swait.ge [sflag:s14], $0x2800  }
0x1e: {  	[sflag:s14] =	ssyncset.done $0x0  }
0x1f: {  	[sflag:s14] =	ssyncadd.s32 $0xFFFFD800  }
.LBB2_1:
0x20: {  	[tilespmem:s3], [sflag:$0x5] =	stream.linear.gather [hbm4b:s8+s3], $0x100, $0x38;
	[tilespmem:$0x1C300] =	vst v63  }
0x21: {  	s1 =	rddreg [dreg:$0x3]  }
0x22: {  	[spmem:s13], [sflag:s7] =	dma.local [hbm:s1], $0x2800  }
0x23: {  	_ =	swait.ge [sflag:s14], $0x2800  }
0x24: {  	[sflag:s14] =	ssyncset.done $0x0  }
0x25: {  	[sflag:s14] =	ssyncadd.s32 $0xFFFFD800  }
0x26: {  	_ =	swait.ge [sflag:s15], $0x100  }
0x27: {  	[sflag:s15] =	ssyncset.done $0x0  }
0x28: {  	[sflag:s15] =	ssyncadd.s32 $0xFFFFFF00  }
0x29: {  	[tilespmem:s17], [sflag:$0x1] =	stream.indirect.gather [hbm4b:s4+s16], $0x80, s3, s16, $0xb8;
	[tilespmem:$0x1C300] =	vst v63  }
0x2a: {  	_ = 	snop  }
0x2b: {  	[tilespmem:s18], [sflag:$0x1] =	stream.indirect.gather [hbm4b:s4+s16], $0x80, s16, s16, $0xb8;
	[tilespmem:$0x1C300] =	vst v63  }
0x2c: {  	s6 =	rddreg [dreg:$0x4]  }
0x2d: {  	[tilespmem:s19], [sflag:$0x6] =	stream.linear.gather [hbm4b:s6+s3], $0x100, $0x38;
	[tilespmem:$0x1C300] =	vst v63  }
0x2e: {  	s1 =	simm.s32 $0x0;
	[bflag:$0x0] =	sbarrier.arrive $0xFFFF  }
.LBB2_2:
0x2f: {  	p0 =	seq.s32 s1, $0x0  }
0x30: {  	s5 =	simm.s32 @!p0 $0x4  }
0x31: {  	_ =	swait.ge @!p0 [sflag:s5], $0x4000  }
0x32: {  	[sflag:s5] =	ssyncset.done @!p0 $0x0  }
0x33: {  	[sflag:s5] =	ssyncadd.s32 @!p0 $0xFFFFC000  }
0x34: {  	_ =	swait.ge [sflag:s20], $0x100  }
0x35: {  	[sflag:s20] =	ssyncset.done $0x0  }
0x36: {  	[sflag:s20] =	ssyncadd.s32 $0xFFFFFF00  }
0x37: {  	[tilespmem:s21], [sflag:$0x2] =	stream.indirect.gather [hbm4b:s4+s16], $0x80, s19, s16, $0xb8;
	[tilespmem:$0x1C300] =	vst v63  }
0x38: {  	_ = 	snop  }
0x39: {  	[tilespmem:s23], [sflag:$0x2] =	stream.indirect.gather [hbm4b:s4+s16], $0x80, s22, s16, $0xb8;
	[tilespmem:$0x1C300] =	vst v63  }
0x3a: {  	_ =	swait.ge [sflag:s24], $0x2000  }
0x3b: {  	[sflag:s24] =	ssyncset.done $0x0  }
0x3c: {  	[sflag:s24] =	ssyncadd.s32 $0xFFFFE000  }
0x3d: {  	_ =	swait.ge [sflag:s24], $0x2000  }
0x3e: {  	[sflag:s24] =	ssyncset.done $0x0  }
0x3f: {  	[sflag:s24] =	ssyncadd.s32 $0xFFFFE000  }
0x40: {  	v0 =	vld [tilespmem:$0x80]  }
0x41: {  	v1 =	vld [tilespmem:$0x90]  }
0x42: {  	v2 =	vld [tilespmem:$0xA0]  }
0x43: {  	v3 =	vld [tilespmem:$0xB0]  }
0x44: {  	v4 =	vld [tilespmem:$0xC0]  }
0x45: {  	v53 =	vld [tilespmem:$0xD0];
	[tilespmem:$0x200] =	vst v0  }
0x46: {  	v54 =	vld [tilespmem:$0xE0];
	[tilespmem:$0x210] =	vst v1  }
0x47: {  	v55 =	vld [tilespmem:$0xF0];
	[tilespmem:$0x220] =	vst v2  }
0x48: {  	[tilespmem:$0x230] =	vst v3  }
0x49: {  	[tilespmem:$0x240] =	vst v4  }
0x4a: {  	[tilespmem:$0x250] =	vst v53  }
0x4b: {  	[tilespmem:$0x260] =	vst v54  }
0x4c: {  	p0 =	seq.s32 s1, $0x13C0;
	[tilespmem:$0x270] =	vst v55  }
0x4d: {  	[spmem:s2] =	stream.indirect.scatter.add.f32 [tilespmem:s17], [sflag:$0x3], $0x80, s26, s25, $0xb8;
	[tilespmem:$0x1C300] =	vst v63  }
0x4e: {  	s5 =	sadd.s32 @!p0 s1, s12;
	s6 =	simm.s32 @!p0 $0x0  }
0x4f: {  	[tilespmem:s6], [sflag:$0x5] =	stream.linear.gather @!p0 [hbm4b:s5+s6], $0x100, $0x38;
	[tilespmem:$0x1C300] =	vst v63  }
0x50: {  	_ =	swait.ge [sflag:s28], $0x2000  }
0x51: {  	[sflag:s28] =	ssyncset.done $0x0  }
0x52: {  	[sflag:s28] =	ssyncadd.s32 $0xFFFFE000  }
0x53: {  	_ =	swait.ge [sflag:s28], $0x2000  }
0x54: {  	[sflag:s28] =	ssyncset.done $0x0  }
0x55: {  	[sflag:s28] =	ssyncadd.s32 $0xFFFFE000  }
0x56: {  	v56 =	vld [tilespmem:$0x180]  }
0x57: {  	v57 =	vld [tilespmem:$0x190]  }
0x58: {  	v58 =	vld [tilespmem:$0x1A0]  }
0x59: {  	v59 =	vld [tilespmem:$0x1B0]  }
0x5a: {  	v60 =	vld [tilespmem:$0x1C0]  }
0x5b: {  	v61 =	vld [tilespmem:$0x1D0];
	[tilespmem:$0x280] =	vst v56  }
0x5c: {  	v62 =	vld [tilespmem:$0x1E0];
	[tilespmem:$0x290] =	vst v57  }
0x5d: {  	v63 =	vld [tilespmem:$0x1F0];
	[tilespmem:$0x2A0] =	vst v58  }
0x5e: {  	[tilespmem:$0x2B0] =	vst v59  }
0x5f: {  	[tilespmem:$0x2C0] =	vst v60  }
0x60: {  	p0 =	sne.s32 s1, $0x13C0;
	[tilespmem:$0x2D0] =	vst v61  }
.Ltmp2:
0x61: {  	[tilespmem:$0x2E0] =	vst v62;
	(pc) =	sbr.rel @!p0 .LBB2_3-.Ltmp2, $4  }
0x62: {  	[tilespmem:$0x2F0] =	vst v63  }
0x63: {  	_ =	swait.ge [sflag:s29], $0x4000  }
0x64: {  	[sflag:s29] =	ssyncset.done $0x0  }
0x65: {  	[sflag:s29] =	ssyncadd.s32 $0xFFFFC000  }
0x66: {  	_ =	swait.ge [sflag:s15], $0x100  }
0x67: {  	[sflag:s15] =	ssyncset.done $0x0  }
0x68: {  	s5 =	sadd.s32 s1, s11;
	s1 =	sadd.s32 $0x40, s1;
	[sflag:s15] =	ssyncadd.s32 $0xFFFFFF00  }
0x69: {  	[tilespmem:s17], [sflag:$0x1] =	stream.indirect.gather [hbm4b:s4+s16], $0x80, s3, s16, $0xb8;
	[tilespmem:$0x1C300] =	vst v63  }
0x6a: {  	p0 =	sne.s32 s1, $0x1400  }
0x6b: {  	[tilespmem:s18], [sflag:$0x1] =	stream.indirect.gather [hbm4b:s4+s16], $0x80, s16, s16, $0xb8;
	[tilespmem:$0x1C300] =	vst v63  }
.Ltmp3:
0x6c: {  	_ = 	snop;
	(pc) =	sbr.rel @p0 .LBB2_2-.Ltmp3, $4  }
.Ltmp4:
0x6d: {  	_ = 	snop;
	(pc) =	sbr.rel @!p0 .LBB2_5-.Ltmp4, $4  }
0x6e: {  	[tilespmem:s19], [sflag:$0x6] =	stream.linear.gather [hbm4b:s5+s3], $0x100, $0x38;
	[tilespmem:$0x1C300] =	vst v63  }
0x6f: {  	_ = 	snop  }
0x70: {  	[spmem:s2] =	stream.indirect.scatter.add.f32 [tilespmem:s21], [sflag:$0x4], $0x80, s30, s25, $0xb8;
	[tilespmem:$0x1C300] =	vst v63  }
0x71: {  	_ = 	snop  }
.LBB2_6:
0x72: {  	_ =	sfence.sel $0x180000  }
0x73: {  	[bflag:$0x0] =	sbarrier.arrive $0xFFFF  }
0x74: {  	_ =	strace $0x9000004D  }
0x75: {  	s0 =	stileid.u32;
	[bflag:$0x2] =	sbarrier.arrive $0xFFFF  }
0x76: {  	p0 =	sne.s32 s0, $0x0;
	s0 =	rddreg [dreg:$0x2]  }
0x77: {  	s0 =	sadd.s32 @!p0 $0x100000, s0  }
0x78: {  	[sflag:s0] =	ssyncadd.tile.s32 @!p0 $0x1;
	_ =	shalt  }
.Lfunc_end2:
_tile_overlayer_lowered:
.L_overlay_start_2:
0x79: {  	(tag) =	ssettag $0x2  }
0x7a: {  	s0 =	rddreg [dreg:$0x0];
	s2 =	stileid.u32  }
0x7b: {  	s1 =	rddreg [dreg:$0x1];
	p0 =	sne.s32 s2, $0x0  }
0x7c: {  	s3 =	rddreg [dreg:$0x2];
	[bflag:$0x3] =	sbarrier.arrive $0xFFFF;
	s2 =	simm.s32 @!p0 $0x1C07  }
0x7d: {  	[timem:s3], [sflag:s2] =	dma.local @!p0 [hbm:s0], s1  }
0x7e: {  	s0 =	simm.s32 @!p0 $0x7  }
0x7f: {  	_ =	swait.ge @!p0 [sflag:s0], s1  }
0x80: {  	s1 =	ssub.s32 @!p0 $0x0, s1;
	[sflag:s0] =	ssyncset.done @!p0 $0x0  }
0x81: {  	[sflag:s0] =	ssyncadd.s32 @!p0 s1  }
0x82: {  	[bflag:$0x3] =	sbarrier.arrive $0xFFFF  }
0x83: {  	_ =	shalt  }

// kernel: kernel.19.cloned.1.call-start
scs
__scs_entry_jumppad:
0x0: {  	(pc) =	sbr.rel $0x88, $3  }
0x1: {  	(tag) =	ssettag $0x0;
	lr =	simm.s32 $0x1  }
0x2: {  	[smem:$0x3F91] =	sst lr;
	_ =	strace $0xD0000000  }
0x3: {  	_ = 	snop  }
0x4: {  	_ = 	snop  }
0x5: {  	_ = 	snop  }
0x6: {  	_ = 	snop  }
0x7: {  	_ = 	snop  }
__scs_overlays_trampoline_lowered:
0x8: {  	[smem:$0x3FA0] =	sst s0  }
0x9: {  	[smem:$0x3FA1] =	sst s1  }
0xa: {  	[smem:$0x3FA2] =	sst s2  }
0xb: {  	[smem:$0x3FA3] =	sst s3  }
0xc: {  	[smem:$0x3FA4] =	sst s4  }
0xd: {  	[smem:$0x3FA5] =	sst s5  }
0xe: {  	[smem:$0x3FA6] =	sst s6  }
0xf: {  	[smem:$0x3FA7] =	sst s7  }
0x10: {  	[smem:$0x3FA8] =	sst s8  }
0x11: {  	[smem:$0x3FA9] =	sst s9;
	s0 =	simm.s32 @!p0 $0x0  }
0x12: {  	s1 =	sld [smem:$0x3F8F];
	s0 =	simm.s32 @p0 $0x1  }
0x13: {  	[smem:$0x3FAA] =	sst s0;
	s0 =	simm.s32 @!p1 $0x0  }
0x14: {  	s2 =	sld [smem:$0x3F8E];
	s0 =	simm.s32 @p1 $0x1  }
0x15: {  	[smem:$0x3FAB] =	sst s0;
	s0 =	simm.s32 @!p2 $0x0  }
0x16: {  	s3 =	sld [smem:$0x3FDB];
	s0 =	simm.s32 @p2 $0x1  }
0x17: {  	s4 =	simm.s32 $0x1BF5;
	[smem:$0x3FAD] =	sst s0  }
0x18: {  	s0 =	sld [smem:$0x3F90];
	_ =	swait.ge [sflag:s4], $0x0  }
0x19: {  	s7 =	sld [smem:$0x3F91]  }
0x1a: {  	s8 =	sadd.s32 $0xFFFFE003, lr  }
0x1b: {  	s9 =	sadd.s32 $0xFFFFFEF7, lr;
	s5 =	simm.s32 $0xFFFFFFFF;
	p2 =	slt.u32 s8, $0xFFFFF086  }
0x1c: {  	p1 =	slt.u32 s9, $0xF7A;
	s5 =	simm.s32 @!p2 $0x0  }
0x1d: {  	s5 =	simm.s32 @p1 $0x1;
	p0 =	seq.s32 s7, s2  }
0x1e: {  	s7 =	smul.u32 @!p0 $0xF7A, s2;
	p2 =	seq.s32 @!p0 s5, $0x0  }
0x1f: {  	s9 =	smul.u32 $0xF7A, s1;
	s8 =	simm.s32 @!p0 $0x1BF5;
	p2 =	por !p2, p0  }
0x20: {  	[sflag:s8] =	ssyncset.s32 @!p0 $0xFFFFF086;
	s6 =	sadd.s32 @!p0 s3, s7;
	s7 =	simm.s32 @!p0 $0x108  }
0x21: {  	s3 =	sadd.s32 s3, s9;
	s6 =	sadd.s32 @!p0 $0x88, s6;
	s7 =	simm.s32 @p2 $0x1082  }
0x22: {  	[simem:s7], [sflag:s8] =	dma.local @!p0 [hbm:s6], $0xF7A  }
0x23: {  	s9 =	sor.u32 $0xD0000000, s2;
	s6 =	simm.s32 $0x108;
	_ =	swait.ge @!p0 [sflag:s8], $0x0  }
0x24: {  	s3 =	sadd.s32 $0x88, s3;
	s6 =	simm.s32 @!p1 $0x1082;
	[sflag:s4] =	ssyncset.s32 $0xFFFFF086  }
0x25: {  	[simem:s6], [sflag:s4] =	dma.local [hbm:s3], $0xF7A  }
0x26: {  	[smem:$0x3F91] =	sst s1;
	(tag) =	ssettag s2;
	_ =	strace s9  }
0x27: {  	s1 =	sld [smem:$0x3FA1]  }
0x28: {  	s2 =	sld [smem:$0x3FA2]  }
0x29: {  	s4 =	sld [smem:$0x3FA4]  }
0x2a: {  	p0 =	seq.s32 s5, $0x0;
	s5 =	sld [smem:$0x3FA5]  }
0x2b: {  	s6 =	sld [smem:$0x3FA6]  }
0x2c: {  	s7 =	sld [smem:$0x3FA7]  }
0x2d: {  	s3 =	simm.s32 $0x108;
	s8 =	sld [smem:$0x3FA8]  }
0x2e: {  	s3 =	simm.s32 @!p0 $0x1082;
	s9 =	sld [smem:$0x3FA9]  }
0x2f: {  	lr =	sadd.s32 s0, s3;
	s0 =	sld [smem:$0x3FA0]  }
0x30: {  	s3 =	sld [smem:$0x3FA3]  }
0x31: {  	[smem:$0x3FAC] =	sst s10  }
0x32: {  	s10 =	sld [smem:$0x3FAA];
	_ =	sdelay $0x3  }
0x33: {  	p0 =	seq.s32 s10, $0x1;
	s10 =	sld [smem:$0x3FAC];
	_ =	sdelay $0x3  }
0x34: {  	[smem:$0x3FAC] =	sst s10  }
0x35: {  	s10 =	sld [smem:$0x3FAB];
	_ =	sdelay $0x3  }
0x36: {  	p1 =	seq.s32 s10, $0x1;
	s10 =	sld [smem:$0x3FAC];
	_ =	sdelay $0x3  }
0x37: {  	[smem:$0x3FAC] =	sst s10  }
0x38: {  	s10 =	sld [smem:$0x3FAD]  }
0x39: {  	_ = 	snop;
	(pc) =	sbr.ind lr, $3  }
0x3a: {  	_ = 	snop  }
0x3b: {  	_ = 	snop  }
0x3c: {  	p2 =	seq.s32 s10, $0x1;
	s10 =	sld [smem:$0x3FAC]  }
0x3d: {  	_ =	shalt  }
0x3e: {  	_ =	shalt  }
0x3f: {  	_ =	shalt  }
0x40: {  	_ =	shalt  }
0x41: {  	_ =	shalt  }
0x42: {  	_ =	shalt  }
0x43: {  	_ =	shalt  }
0x44: {  	_ =	shalt  }
0x45: {  	_ =	shalt  }
0x46: {  	_ =	shalt  }
0x47: {  	_ =	shalt  }
0x48: {  	_ =	shalt  }
0x49: {  	_ =	shalt  }
0x4a: {  	_ =	shalt  }
0x4b: {  	_ =	shalt  }
0x4c: {  	_ =	shalt  }
0x4d: {  	_ =	shalt  }
0x4e: {  	_ =	shalt  }
0x4f: {  	_ =	shalt  }
0x50: {  	_ =	shalt  }
0x51: {  	_ =	shalt  }
0x52: {  	_ =	shalt  }
0x53: {  	_ =	shalt  }
0x54: {  	_ =	shalt  }
0x55: {  	_ =	shalt  }
0x56: {  	_ =	shalt  }
0x57: {  	_ =	shalt  }
0x58: {  	_ =	shalt  }
0x59: {  	_ =	shalt  }
0x5a: {  	_ =	shalt  }
0x5b: {  	_ =	shalt  }
0x5c: {  	_ =	shalt  }
0x5d: {  	_ =	shalt  }
0x5e: {  	_ =	shalt  }
0x5f: {  	_ =	shalt  }
0x60: {  	_ =	shalt  }
0x61: {  	_ =	shalt  }
0x62: {  	_ =	shalt  }
0x63: {  	_ =	shalt  }
0x64: {  	_ =	shalt  }
0x65: {  	_ =	shalt  }
0x66: {  	_ =	shalt  }
0x67: {  	_ =	shalt  }
0x68: {  	_ =	shalt  }
0x69: {  	_ =	shalt  }
0x6a: {  	_ =	shalt  }
0x6b: {  	_ =	shalt  }
0x6c: {  	_ =	shalt  }
0x6d: {  	_ =	shalt  }
0x6e: {  	_ =	shalt  }
0x6f: {  	_ =	shalt  }
0x70: {  	_ =	shalt  }
0x71: {  	_ =	shalt  }
0x72: {  	_ =	shalt  }
0x73: {  	_ =	shalt  }
0x74: {  	_ =	shalt  }
0x75: {  	_ =	shalt  }
0x76: {  	_ =	shalt  }
0x77: {  	_ =	shalt  }
0x78: {  	_ =	shalt  }
0x79: {  	_ =	shalt  }
0x7a: {  	_ =	shalt  }
0x7b: {  	_ =	shalt  }
0x7c: {  	_ =	shalt  }
0x7d: {  	_ =	shalt  }
0x7e: {  	_ =	shalt  }
0x7f: {  	_ =	shalt  }
0x80: {  	_ =	shalt  }
0x81: {  	_ =	shalt  }
0x82: {  	_ =	shalt  }
0x83: {  	_ =	shalt  }
0x84: {  	_ =	shalt  }
0x85: {  	_ =	shalt  }
0x86: {  	_ =	shalt  }
0x87: {  	_ =	shalt  }
.Lfunc_end0:
.L_simem_size_0:
called_computation.3_lowered:
.L_overlay_start_0:
0x88: {  	s2 =	sld [smem:$0x3FD9]  }
0x89: {  	s3 =	sld [smem:$0x3FFE];
	_ =	sdelay $0x1  }
0x8a: {  	s1 =	srdreg.scid  }
0x8b: {  	s0 =	sand.u32 $0x1, s1  }
0x8c: {  	s16 =	sshll.u32 s0, $0xA;
	s2 =	sadd.s32 s3, s2  }
0x8d: {  	s2 =	sadd.s32 s2, s16  }
0x8e: {  	[smem:$0x3FB8] =	sst s2  }
0x8f: {  	_ = 	snop  }
0x90: {  	(tm) =	ssettm $0x1  }
0x91: {  	s17 =	sld [smem:$0x3FFB];
	_ =	sdelay $0x3  }
0x92: {  	_ =	strace s17  }
0x93: {  	s2 =	sld [smem:$0x3FFC];
	_ =	sdelay $0x3  }
0x94: {  	_ =	strace s2  }
0x95: {  	s2 =	sld [smem:$0x3FFD];
	_ =	sdelay $0x3  }
0x96: {  	_ =	strace s2  }
0x97: {  	_ =	strace $0x8FFFFFFF  }
0x98: {  	s18 =	sld [smem:$0x3FDB];
	_ =	sdelay $0x1  }
0x99: {  	s19 =	simm.s32 $_scs_section_size  }
0x9a: {  	s4 =	simm.s32 $_size__tile_overlayer_lowered;
	s5 =	simm.s32 $_tile_overlayer_lowered  }
0x9b: {  	s22 =	simm.s32 $0x1BFF;
	s21 =	sshll.u32 s5, $0x1;
	s2 =	sadd.s32 s19, s18  }
0x9c: {  	s6 =	simm.s32 $0x0;
	s20 =	sshll.u32 s4, $0x1;
	s4 =	sadd.s32 s21, s2  }
0x9d: {  	[timem:s6], [sflag:s22] =	dma.local [hbm:s4], s20  }
0x9e: {  	_ =	swait.ge [sflag:s22], s20  }
0x9f: {  	s3 =	ssub.s32 $0x0, s20;
	[sflag:s22] =	ssyncset.done $0x0  }
0xa0: {  	[sflag:s22] =	ssyncadd.s32 s3;
	_ =	sdelay $0x1  }
0xa1: {  	s23 =	simm.s32 $0x1B8B  }
0xa2: {  	_ =	swait.ge [sflag:s23], $0x1  }
0xa3: {  	[sflag:s23] =	ssyncset.done $0x0  }
0xa4: {  	s25 =	simm.s32 $0x1B8E;
	s24 =	sld [smem:$0x3FFE];
	[sflag:s23] =	ssyncadd.s32 $0xFFFFFFFF  }
0xa5: {  	s26 =	simm.s32 $execute0_lowered;
	[smem:$0x3FD2] =	sst s25  }
0xa6: {  	s4 =	sshll.u32 s26, $0x1;
	_ =	strace $0x8000004F;
	[dreg:$0x1] =	wrdreg $0xFFFFFFFF  }
0xa7: {  	s28 =	simm.s32 $_size_execute0_lowered;
	s2 =	sadd.s32 s2, s4;
	[dreg:$0x0] =	wrdreg $0x0  }
0xa8: {  	s4 =	sshll.u32 s28, $0x1;
	[dreg:$0x2] =	wrdreg s2  }
0xa9: {  	[dreg:$0x3] =	wrdreg s4  }
0xaa: {  	[dreg:$0x4] =	wrdreg $0xC0  }
0xab: {  	_ =	task [dreg:s6], $0x5FFFF  }
0xac: {  	[dreg:$0x1] =	wrdreg $0xFFFFFFFF  }
0xad: {  	[dreg:$0x0] =	wrdreg $0x60  }
0xae: {  	[dreg:$0x2] =	wrdreg s24  }
0xaf: {  	[dreg:$0x3] =	wrdreg $0x83000  }
0xb0: {  	[dreg:$0x4] =	wrdreg $0x9  }
0xb1: {  	_ =	task.clear_ibuf [dreg:s6], $0x5FFFF;
	_ =	strace $0x9000004F  }
0xb2: {  	s29 =	simm.s32 $0x9;
	_ =	strace $0x80000051  }
0xb3: {  	_ =	swait.ge [sflag:s29], $0x1  }
0xb4: {  	[sflag:s29] =	ssyncadd.s32 $0xFFFFFFFF  }
0xb5: {  	_ =	strace $0x90000051  }
0xb6: {  	_ =	sfence  }
0xb7: {  	s30 =	sld [smem:$0x0];
	_ =	sdelay $0x2  }
0xb8: {  	s31 =	sshll.u32 s1, $0xD;
	s1 =	sshrl.u32 s1, $0x2  }
0xb9: {  	s3 =	sand.u32 $0x4000, s31;
	s1 =	sadd.s32 s1, s30  }
0xba: {  	s0 =	sor.u32 s3, s0;
	s1 =	sshll.u32 s1, $0x11  }
0xbb: {  	s0 =	sor.u32 s1, s0  }
0xbc: {  	s0 =	sadd.s32 $0x8F2B, s0  }
0xbd: {  	[sflag:s0] =	ssyncadd.remote.s32 $0x1  }
0xbe: {  	_ =	sfence.sel $0xFFFF  }
0xbf: {  	[dreg:$0x0] =	wrdreg $0xFFFFFFFF;
	(pc) =	sbr.abs _section_cstart, $3  }
0xc0: {  	[dreg:$0x1] =	wrdreg $0xFFFFFFFF  }
0xc1: {  	_ =	task.clear_ibuf [dreg:s6], $0x2FFFF;
	_ =	strace $0x9FFFFFFF  }
0xc2: {  	(tm) =	ssettm $0x7FFFFFFF  }
0xc3: {  	_ =	shalt  }
tec
execute0_lowered:
.L_overlay_start_1:
0x0: {  	(tag) =	ssettag $0x1  }
0x1: {  	s0 =	rddreg [dreg:$0x0];
	s1 =	srdreg.scid  }
0x2: {  	s2 =	rddreg [dreg:$0x1];
	s14 =	stileid.u32  }
0x3: {  	s3 =	simm.s32 $0x0;
	s15 =	simm.s32 $0x5;
	s16 =	simm.s32 $0x40  }
0x4: {  	s17 =	simm.s32 $0x300;
	s18 =	simm.s32 $0x2300;
	s5 =	smul.u32 $0x14000, s14  }
0x5: {  	s28 =	simm.s32 $0x2;
	s29 =	simm.s32 $0x3;
	s7 =	smul.u32 $0xA000, s14  }
0x6: {  	s30 =	simm.s32 $0x280;
	s31 =	simm.s32 $0x4;
	s8 =	smul.u32 $0x50000, s14  }
0x7: {  	s1 =	sand.u32 $0x1, s1;
	[smem:$0x7FF] =	sst s3;
	s9 =	smul.u32 $0x2800, s14  }
0x8: {  	s12 =	sadd.s32 $0x4E00, s0;
	s23 =	sshll.u32 s14, $0x6;
	s4 =	smul.u32 $0x140000, s1  }
0x9: {  	s14 =	simm.s32 $0x7;
	s6 =	smul.u32 $0xA0000, s1;
	s19 =	ssub.s32 $0x2, s1  }
0xa: {  	_ =	strace $0x80000050;
	s1 =	smul.u32 $0x28000, s1;
	s20 =	sshrl.u32 s19, $0x1  }
0xb: {  	s22 =	sshrl.u32 s8, $0x2;
	s5 =	sadd.s32 s5, s4;
	s4 =	sadd.s32 $0x7CE00, s0  }
0xc: {  	s10 =	sadd.s32 s7, s6;
	s11 =	ssub.s32 s19, s20;
	s13 =	sadd.s32 s22, s2  }
0xd: {  	s1 =	sadd.s32 s9, s1;
	s19 =	simm.s32 $0x100;
	s20 =	simm.s32 $0x6  }
0xe: {  	s22 =	simm.s32 $0x140;
	s5 =	sshrl.u32 s5, $0x3;
	s7 =	sshrl.u32 s10, $0x3  }
0xf: {  	s1 =	sadd.s32 s4, s1;
	s25 =	sor.u32 $0x300, s10;
	s26 =	sor.u32 $0x200, s10  }
0x10: {  	s10 =	smax.u32 s11, $0x1;
	s13 =	sshrl.u32 s13, $0x3;
	s0 =	sadd.s32 s5, s0  }
0x11: {  	s21 =	sadd.s32 s12, s7;
	[dreg:$0x3] =	wrdreg s1;
	s7 =	sor.u32 $0x1C07, s23  }
.Ltmp0:
0x12: {  	s1 =	sshrl.u32 s26, $0x3;
	s23 =	simm.s32 $0x6300;
	(pc) =	sbr.rel .LBB2_1-.Ltmp0, $4  }
0x13: {  	s26 =	simm.s32 $0x200;
	s8 =	smov.u32 s21;
	s24 =	sadd.s32 $0x20, s21  }
0x14: {  	s9 =	sadd.s32 $0xCCE00, s0;
	s0 =	sshrl.u32 s25, $0x3;
	s21 =	simm.s32 $0x4300  }
0x15: {  	s25 =	simm.s32 $0x80;
	[dreg:$0x4] =	wrdreg s24;
	s11 =	sadd.s32 s0, s12  }
0x16: {  	s12 =	sadd.s32 s1, s12;
	s24 =	simm.s32 $0x1;
	s0 =	simm.s32 $0x0  }
.LBB2_3:
0x17: {  	[spmem:s2] =	stream.indirect.scatter.add.f32 [tilespmem:s21], [sflag:$0x4], $0x80, s30, s25, $0xb8;
	[tilespmem:$0x1C300] =	vst v63  }
.LBB2_5:
0x18: {  	_ =	swait.ge [sflag:s31], $0x4000  }
0x19: {  	s0 =	sadd.s32 $0x1, s0;
	[sflag:s31] =	ssyncset.done $0x0  }
0x1a: {  	p0 =	sne.s32 s0, s10;
	[sflag:s31] =	ssyncadd.s32 $0xFFFFC000  }
.Ltmp1:
0x1b: {  	[bflag:$0x0] =	sbarrier.arrive $0xFFFF;
	(pc) =	sbr.rel @!p0 .LBB2_6-.Ltmp1, $4  }
0x1c: {  	[hbm:s9], [sflag:s7] =	dma.local [spmem:s13], $0x2800  }
0x1d: {  	_ =	swait.ge [sflag:s14], $0x2800  }
0x1e: {  	[sflag:s14] =	ssyncset.done $0x0  }
0x1f: {  	[sflag:s14] =	ssyncadd.s32 $0xFFFFD800  }
.LBB2_1:
0x20: {  	[tilespmem:s3], [sflag:$0x5] =	stream.linear.gather [hbm4b:s8+s3], $0x100, $0x38;
	[tilespmem:$0x1C300] =	vst v63  }
0x21: {  	s1 =	rddreg [dreg:$0x3]  }
0x22: {  	[spmem:s13], [sflag:s7] =	dma.local [hbm:s1], $0x2800  }
0x23: {  	_ =	swait.ge [sflag:s14], $0x2800  }
0x24: {  	[sflag:s14] =	ssyncset.done $0x0  }
0x25: {  	[sflag:s14] =	ssyncadd.s32 $0xFFFFD800  }
0x26: {  	_ =	swait.ge [sflag:s15], $0x100  }
0x27: {  	[sflag:s15] =	ssyncset.done $0x0  }
0x28: {  	[sflag:s15] =	ssyncadd.s32 $0xFFFFFF00  }
0x29: {  	[tilespmem:s17], [sflag:$0x1] =	stream.indirect.gather [hbm4b:s4+s16], $0x80, s3, s16, $0xb8;
	[tilespmem:$0x1C300] =	vst v63  }
0x2a: {  	_ = 	snop  }
0x2b: {  	[tilespmem:s18], [sflag:$0x1] =	stream.indirect.gather [hbm4b:s4+s16], $0x80, s16, s16, $0xb8;
	[tilespmem:$0x1C300] =	vst v63  }
0x2c: {  	s6 =	rddreg [dreg:$0x4]  }
0x2d: {  	[tilespmem:s19], [sflag:$0x6] =	stream.linear.gather [hbm4b:s6+s3], $0x100, $0x38;
	[tilespmem:$0x1C300] =	vst v63  }
0x2e: {  	s1 =	simm.s32 $0x0;
	[bflag:$0x0] =	sbarrier.arrive $0xFFFF  }
.LBB2_2:
0x2f: {  	p0 =	seq.s32 s1, $0x0  }
0x30: {  	s5 =	simm.s32 @!p0 $0x4  }
0x31: {  	_ =	swait.ge @!p0 [sflag:s5], $0x4000  }
0x32: {  	[sflag:s5] =	ssyncset.done @!p0 $0x0  }
0x33: {  	[sflag:s5] =	ssyncadd.s32 @!p0 $0xFFFFC000  }
0x34: {  	_ =	swait.ge [sflag:s20], $0x100  }
0x35: {  	[sflag:s20] =	ssyncset.done $0x0  }
0x36: {  	[sflag:s20] =	ssyncadd.s32 $0xFFFFFF00  }
0x37: {  	[tilespmem:s21], [sflag:$0x2] =	stream.indirect.gather [hbm4b:s4+s16], $0x80, s19, s16, $0xb8;
	[tilespmem:$0x1C300] =	vst v63  }
0x38: {  	_ = 	snop  }
0x39: {  	[tilespmem:s23], [sflag:$0x2] =	stream.indirect.gather [hbm4b:s4+s16], $0x80, s22, s16, $0xb8;
	[tilespmem:$0x1C300] =	vst v63  }
0x3a: {  	_ =	swait.ge [sflag:s24], $0x2000  }
0x3b: {  	[sflag:s24] =	ssyncset.done $0x0  }
0x3c: {  	[sflag:s24] =	ssyncadd.s32 $0xFFFFE000  }
0x3d: {  	_ =	swait.ge [sflag:s24], $0x2000  }
0x3e: {  	[sflag:s24] =	ssyncset.done $0x0  }
0x3f: {  	[sflag:s24] =	ssyncadd.s32 $0xFFFFE000  }
0x40: {  	v0 =	vld [tilespmem:$0x80]  }
0x41: {  	v1 =	vld [tilespmem:$0x90]  }
0x42: {  	v2 =	vld [tilespmem:$0xA0]  }
0x43: {  	v3 =	vld [tilespmem:$0xB0]  }
0x44: {  	v4 =	vld [tilespmem:$0xC0]  }
0x45: {  	v53 =	vld [tilespmem:$0xD0];
	[tilespmem:$0x200] =	vst v0  }
0x46: {  	v54 =	vld [tilespmem:$0xE0];
	[tilespmem:$0x210] =	vst v1  }
0x47: {  	v55 =	vld [tilespmem:$0xF0];
	[tilespmem:$0x220] =	vst v2  }
0x48: {  	[tilespmem:$0x230] =	vst v3  }
0x49: {  	[tilespmem:$0x240] =	vst v4  }
0x4a: {  	[tilespmem:$0x250] =	vst v53  }
0x4b: {  	[tilespmem:$0x260] =	vst v54  }
0x4c: {  	p0 =	seq.s32 s1, $0x13C0;
	[tilespmem:$0x270] =	vst v55  }
0x4d: {  	[spmem:s2] =	stream.indirect.scatter.add.f32 [tilespmem:s17], [sflag:$0x3], $0x80, s26, s25, $0xb8;
	[tilespmem:$0x1C300] =	vst v63  }
0x4e: {  	s5 =	sadd.s32 @!p0 s1, s12;
	s6 =	simm.s32 @!p0 $0x0  }
0x4f: {  	[tilespmem:s6], [sflag:$0x5] =	stream.linear.gather @!p0 [hbm4b:s5+s6], $0x100, $0x38;
	[tilespmem:$0x1C300] =	vst v63  }
0x50: {  	_ =	swait.ge [sflag:s28], $0x2000  }
0x51: {  	[sflag:s28] =	ssyncset.done $0x0  }
0x52: {  	[sflag:s28] =	ssyncadd.s32 $0xFFFFE000  }
0x53: {  	_ =	swait.ge [sflag:s28], $0x2000  }
0x54: {  	[sflag:s28] =	ssyncset.done $0x0  }
0x55: {  	[sflag:s28] =	ssyncadd.s32 $0xFFFFE000  }
0x56: {  	v56 =	vld [tilespmem:$0x180]  }
0x57: {  	v57 =	vld [tilespmem:$0x190]  }
0x58: {  	v58 =	vld [tilespmem:$0x1A0]  }
0x59: {  	v59 =	vld [tilespmem:$0x1B0]  }
0x5a: {  	v60 =	vld [tilespmem:$0x1C0]  }
0x5b: {  	v61 =	vld [tilespmem:$0x1D0];
	[tilespmem:$0x280] =	vst v56  }
0x5c: {  	v62 =	vld [tilespmem:$0x1E0];
	[tilespmem:$0x290] =	vst v57  }
0x5d: {  	v63 =	vld [tilespmem:$0x1F0];
	[tilespmem:$0x2A0] =	vst v58  }
0x5e: {  	[tilespmem:$0x2B0] =	vst v59  }
0x5f: {  	[tilespmem:$0x2C0] =	vst v60  }
0x60: {  	p0 =	sne.s32 s1, $0x13C0;
	[tilespmem:$0x2D0] =	vst v61  }
.Ltmp2:
0x61: {  	[tilespmem:$0x2E0] =	vst v62;
	(pc) =	sbr.rel @!p0 .LBB2_3-.Ltmp2, $4  }
0x62: {  	[tilespmem:$0x2F0] =	vst v63  }
0x63: {  	_ =	swait.ge [sflag:s29], $0x4000  }
0x64: {  	[sflag:s29] =	ssyncset.done $0x0  }
0x65: {  	[sflag:s29] =	ssyncadd.s32 $0xFFFFC000  }
0x66: {  	_ =	swait.ge [sflag:s15], $0x100  }
0x67: {  	[sflag:s15] =	ssyncset.done $0x0  }
0x68: {  	s5 =	sadd.s32 s1, s11;
	s1 =	sadd.s32 $0x40, s1;
	[sflag:s15] =	ssyncadd.s32 $0xFFFFFF00  }
0x69: {  	[tilespmem:s17], [sflag:$0x1] =	stream.indirect.gather [hbm4b:s4+s16], $0x80, s3, s16, $0xb8;
	[tilespmem:$0x1C300] =	vst v63  }
0x6a: {  	p0 =	sne.s32 s1, $0x1400  }
0x6b: {  	[tilespmem:s18], [sflag:$0x1] =	stream.indirect.gather [hbm4b:s4+s16], $0x80, s16, s16, $0xb8;
	[tilespmem:$0x1C300] =	vst v63  }
.Ltmp3:
0x6c: {  	_ = 	snop;
	(pc) =	sbr.rel @p0 .LBB2_2-.Ltmp3, $4  }
.Ltmp4:
0x6d: {  	_ = 	snop;
	(pc) =	sbr.rel @!p0 .LBB2_5-.Ltmp4, $4  }
0x6e: {  	[tilespmem:s19], [sflag:$0x6] =	stream.linear.gather [hbm4b:s5+s3], $0x100, $0x38;
	[tilespmem:$0x1C300] =	vst v63  }
0x6f: {  	_ = 	snop  }
0x70: {  	[spmem:s2] =	stream.indirect.scatter.add.f32 [tilespmem:s21], [sflag:$0x4], $0x80, s30, s25, $0xb8;
	[tilespmem:$0x1C300] =	vst v63  }
0x71: {  	_ = 	snop  }
.LBB2_6:
0x72: {  	_ =	sfence.sel $0x180000  }
0x73: {  	[bflag:$0x0] =	sbarrier.arrive $0xFFFF  }
0x74: {  	_ =	strace $0x90000050  }
0x75: {  	s0 =	stileid.u32;
	[bflag:$0x2] =	sbarrier.arrive $0xFFFF  }
0x76: {  	p0 =	sne.s32 s0, $0x0;
	s0 =	rddreg [dreg:$0x2]  }
0x77: {  	s0 =	sadd.s32 @!p0 $0x100000, s0  }
0x78: {  	[sflag:s0] =	ssyncadd.tile.s32 @!p0 $0x1;
	_ =	shalt  }
.Lfunc_end2:
_tile_overlayer_lowered:
.L_overlay_start_2:
0x79: {  	(tag) =	ssettag $0x2  }
0x7a: {  	s0 =	rddreg [dreg:$0x0];
	s2 =	stileid.u32  }
0x7b: {  	s1 =	rddreg [dreg:$0x1];
	p0 =	sne.s32 s2, $0x0  }
0x7c: {  	s3 =	rddreg [dreg:$0x2];
	[bflag:$0x3] =	sbarrier.arrive $0xFFFF;
	s2 =	simm.s32 @!p0 $0x1C07  }
0x7d: {  	[timem:s3], [sflag:s2] =	dma.local @!p0 [hbm:s0], s1  }
0x7e: {  	s0 =	simm.s32 @!p0 $0x7  }
0x7f: {  	_ =	swait.ge @!p0 [sflag:s0], s1  }
0x80: {  	s1 =	ssub.s32 @!p0 $0x0, s1;
	[sflag:s0] =	ssyncset.done @!p0 $0x0  }
0x81: {  	[sflag:s0] =	ssyncadd.s32 @!p0 s1  }
0x82: {  	[bflag:$0x3] =	sbarrier.arrive $0xFFFF  }
0x83: {  	_ =	shalt  }

</sc_bundles>
